<compile_context>
chip_gen: v7x
topology: tpu7x:2x2x1
jax: 0.10.2.dev20260603
libtpu: 0.0.44.dev20260713+nightly
codegen_flags: <defaults>
</compile_context>

<pallas_src>
import functools

import jax
import jax.numpy as jnp
from jax import lax
from jax.experimental import pallas as pl
from jax.experimental.pallas import tpu as pltpu
from jax.experimental.pallas import tpu_sc as plsc

_N = 10000
_E = 320000
_D = 128
_C = 40
_CP = 64
_NPD = 10240
_NC = 2
_NS = 16
_NW = _NC * _NS
_K = 128
_NCH = _E // _K
_CPW = _NCH // _NW
_XTRA = _NCH - _CPW * _NW
_STRIP = _N // _NS
_RB = 2000

_MESH = dict(core_axis_name="c", subcore_axis_name="s",
             num_cores=_NC, num_subcores=_NS)


def _zero_fill_2d(ref, nrows, dim):
    zeros32 = jnp.zeros((32,), jnp.bfloat16)
    per_row = dim // 32

    def body(i, carry):
        ref[i // per_row, pl.ds((i % per_row) * 32, 32)] = zeros32
        return carry

    lax.fori_loop(0, nrows * per_row, body, 0)


def _zero_fill_1d(ref, n):
    zeros16 = jnp.zeros((16,), jnp.float32)

    def body(i, carry):
        ref[pl.ds(i * 16, 16)] = zeros16
        return carry

    lax.fori_loop(0, n // 16, body, 0)


def _zero_acc_strip(zsrc, acc, strip, dim):
    nz = _STRIP // _K
    for z in range(nz):
        pltpu.sync_copy(zsrc, acc.at[pl.ds(strip + z * _K, _K), :])
    rem = _STRIP % _K
    if rem:
        pltpu.sync_copy(zsrc.at[pl.ds(0, rem), :],
                        acc.at[pl.ds(strip + nz * _K, rem), :])


def _write_out_strip(acc, out_hbm, c, strip, stage, dim):
    nz = _STRIP // _K
    for z in range(nz):
        r0 = strip + z * _K
        pltpu.sync_copy(acc.at[pl.ds(r0, _K), :], stage)
        pltpu.sync_copy(stage, out_hbm.at[c, pl.ds(r0, _K), :])
    rem = _STRIP % _K
    if rem:
        r0 = strip + nz * _K
        pltpu.sync_copy(acc.at[pl.ds(r0, rem), :],
                        stage.at[pl.ds(0, rem), :])
        pltpu.sync_copy(stage.at[pl.ds(0, rem), :],
                        out_hbm.at[c, pl.ds(r0, rem), :])


def _make_edge_scatter_full(dim, nslot):
    assert _CPW % nslot == 0
    mesh = plsc.VectorSubcoreMesh(**_MESH)

    @functools.partial(
        pl.kernel,
        out_type=jax.ShapeDtypeStruct((_NC, _N, dim), jnp.bfloat16),
        mesh=mesh,
        scratch_types=[
            pltpu.VMEM((_CPW + 1, _K), jnp.int32),
            pltpu.VMEM((_CPW + 1, _K), jnp.int32),
            [pltpu.VMEM((_K, dim), jnp.bfloat16) for _ in range(nslot)],
            pltpu.VMEM_SHARED((_N, dim), jnp.bfloat16),
            [pltpu.SemaphoreType.DMA for _ in range(nslot)],
            [pltpu.SemaphoreType.DMA for _ in range(nslot)],
        ],
        compiler_params=pltpu.CompilerParams(use_tc_tiling_on_sc=False),
    )
    def scatter_kernel(p_hbm, edge_hbm, out_hbm,
                       row_v, col_v, bufs, acc, gsems, ssems):
        c = lax.axis_index("c")
        s = lax.axis_index("s")
        wid = c * _NS + s
        strip = s * _STRIP
        cbase = wid * _CPW

        pltpu.sync_copy(edge_hbm.at[0, pl.ds(cbase, _CPW), :],
                        row_v.at[pl.ds(0, _CPW), :])
        pltpu.sync_copy(edge_hbm.at[1, pl.ds(cbase, _CPW), :],
                        col_v.at[pl.ds(0, _CPW), :])
        _zero_fill_2d(bufs[0], _K, dim)
        _zero_acc_strip(bufs[0], acc, strip, dim)
        plsc.subcore_barrier()

        for b in range(nslot):
            pltpu.async_copy(p_hbm.at[row_v.at[b]], bufs[b], gsems[b])

        def body(r, carry):
            handles = []
            for b in range(nslot):
                j = r * nslot + b
                pltpu.make_async_copy(p_hbm.at[row_v.at[j]], bufs[b],
                                      gsems[b]).wait()
                handles.append(pltpu.async_copy(
                    bufs[b], acc.at[col_v.at[j]], ssems[b], add=True))
            for b in range(nslot):
                handles[b].wait()
                j2 = r * nslot + b + nslot

                @pl.when(j2 < _CPW)
                def _():
                    pltpu.async_copy(p_hbm.at[row_v.at[j2]], bufs[b],
                                     gsems[b])
            return carry

        lax.fori_loop(0, _CPW // nslot, body, 0)

        @pl.when(wid < _XTRA)
        def _():
            cid = _NW * _CPW + wid
            pltpu.sync_copy(edge_hbm.at[0, cid, :], row_v.at[_CPW])
            pltpu.sync_copy(edge_hbm.at[1, cid, :], col_v.at[_CPW])
            pltpu.async_copy(p_hbm.at[row_v.at[_CPW]], bufs[0],
                             gsems[0]).wait()
            pltpu.sync_copy(bufs[0], acc.at[col_v.at[_CPW]], add=True)

        plsc.subcore_barrier()
        _write_out_strip(acc, out_hbm, c, strip, bufs[0], dim)

    return scatter_kernel


def _make_degree():
    mesh = plsc.VectorSubcoreMesh(**_MESH)
    fire = 6

    @functools.partial(
        pl.kernel,
        out_type=jax.ShapeDtypeStruct((_NC * _NPD,), jnp.float32),
        mesh=mesh,
        scratch_types=[
            pltpu.VMEM((_CPW + 1, _K), jnp.int32),
            pltpu.VMEM((_K,), jnp.float32),
            pltpu.VMEM((_NPD // _NS,), jnp.float32),
            pltpu.VMEM_SHARED((_NPD,), jnp.float32),
            pltpu.SemaphoreType.DMA,
        ],
        compiler_params=pltpu.CompilerParams(use_tc_tiling_on_sc=False),
    )
    def degree_kernel(edge_hbm, out_hbm, col_v, ones_v, stage_v, acc, sem):
        c = lax.axis_index("c")
        s = lax.axis_index("s")
        wid = c * _NS + s
        dstrip = _NPD // _NS
        strip = s * dstrip

        ones16 = jnp.ones((16,), jnp.float32)
        for i in range(_K // 16):
            ones_v[pl.ds(i * 16, 16)] = ones16
        pltpu.sync_copy(edge_hbm.at[1, pl.ds(wid * _CPW, _CPW), :],
                        col_v.at[pl.ds(0, _CPW), :])
        _zero_fill_1d(stage_v, dstrip)
        pltpu.sync_copy(stage_v, acc.at[pl.ds(strip, dstrip)])
        plsc.subcore_barrier()

        def body(r, carry):
            handles = [
                pltpu.async_copy(ones_v, acc.at[col_v.at[r * fire + b]],
                                 sem, add=True)
                for b in range(fire)
            ]
            for h in handles:
                h.wait()
            return carry

        lax.fori_loop(0, _CPW // fire, body, 0)

        @pl.when(wid < _XTRA)
        def _():
            cid = _NW * _CPW + wid
            pltpu.sync_copy(edge_hbm.at[1, cid, :], col_v.at[_CPW])
            pltpu.sync_copy(ones_v, acc.at[col_v.at[_CPW]], add=True)

        plsc.subcore_barrier()
        pltpu.sync_copy(acc.at[pl.ds(strip, dstrip)], stage_v)
        pltpu.sync_copy(stage_v, out_hbm.at[pl.ds(c * _NPD + strip, dstrip)])

    return degree_kernel


_edge_scatter_d = _make_edge_scatter_full(_D, 6)
_edge_scatter_c = _make_edge_scatter_full(_CP, 13)
_degree = _make_degree()



def _p1_body(x_ref, w1_ref, deg_ref, p1_ref, p1h_ref, dinv_ref):
    di = lax.rsqrt(deg_ref[...])
    p1 = di * jnp.dot(x_ref[...], w1_ref[...],
                      preferred_element_type=jnp.float32)
    p1_ref[...] = p1
    p1h_ref[...] = p1.astype(jnp.bfloat16)
    dinv_ref[...] = di


def _tc_p1(x, w1, deg_col):
    grid = _N // _RB
    return pl.pallas_call(
        _p1_body,
        grid=(grid,),
        in_specs=[
            pl.BlockSpec((_RB, _D), lambda i: (i, 0)),
            pl.BlockSpec((_D, _D), lambda i: (0, 0)),
            pl.BlockSpec((_RB, 1), lambda i: (i, 0)),
        ],
        out_specs=[
            pl.BlockSpec((_RB, _D), lambda i: (i, 0)),
            pl.BlockSpec((_RB, _D), lambda i: (i, 0)),
            pl.BlockSpec((_RB, 1), lambda i: (i, 0)),
        ],
        out_shape=[
            jax.ShapeDtypeStruct((_N, _D), jnp.float32),
            jax.ShapeDtypeStruct((_N, _D), jnp.bfloat16),
            jax.ShapeDtypeStruct((_N, 1), jnp.float32),
        ],
    )(x, w1, deg_col)


def _p2_body(s1_ref, p1_ref, dinv_ref, b1_ref, w2_ref, p2_ref, p2h_ref):
    di = dinv_ref[...]
    s1 = s1_ref[0] + s1_ref[1]
    h = di * (s1 + p1_ref[...]) + b1_ref[...]
    h = jnp.maximum(h, 0.0)
    p2 = di * jnp.dot(h, w2_ref[...], preferred_element_type=jnp.float32)
    p2_ref[...] = p2
    p2h_ref[...] = p2.astype(jnp.bfloat16)


def _tc_p2(s1, p1, dinv, b1_row, w2p):
    grid = _N // _RB
    return pl.pallas_call(
        _p2_body,
        grid=(grid,),
        in_specs=[
            pl.BlockSpec((2, _RB, _D), lambda i: (0, i, 0)),
            pl.BlockSpec((_RB, _D), lambda i: (i, 0)),
            pl.BlockSpec((_RB, 1), lambda i: (i, 0)),
            pl.BlockSpec((1, _D), lambda i: (0, 0)),
            pl.BlockSpec((_D, _CP), lambda i: (0, 0)),
        ],
        out_specs=[
            pl.BlockSpec((_RB, _CP), lambda i: (i, 0)),
            pl.BlockSpec((_RB, _CP), lambda i: (i, 0)),
        ],
        out_shape=[
            jax.ShapeDtypeStruct((_N, _CP), jnp.float32),
            jax.ShapeDtypeStruct((_N, _CP), jnp.bfloat16),
        ],
    )(s1, p1, dinv, b1_row, w2p)


def _final_body(s2_ref, p2_ref, dinv_ref, b2_ref, logp_ref, logits_ref):
    di = dinv_ref[...]
    s2 = s2_ref[0] + s2_ref[1]
    lg = di * (s2 + p2_ref[...]) + b2_ref[...]
    icol = lax.broadcasted_iota(jnp.int32, (_RB, _CP), 1)
    neg = jnp.float32(-jnp.inf)
    lm = jnp.where(icol < _C, lg, neg)
    m = jnp.max(lm, axis=1, keepdims=True)
    e = jnp.where(icol < _C, jnp.exp(lm - m), 0.0)
    lse = m + jnp.log(jnp.sum(e, axis=1, keepdims=True))
    logp_ref[...] = (lg - lse)[:, :_C]
    logits_ref[...] = lg[:, :_C]


def _tc_final(s2, p2, dinv, b2_row):
    grid = _N // _RB
    return pl.pallas_call(
        _final_body,
        grid=(grid,),
        in_specs=[
            pl.BlockSpec((2, _RB, _CP), lambda i: (0, i, 0)),
            pl.BlockSpec((_RB, _CP), lambda i: (i, 0)),
            pl.BlockSpec((_RB, 1), lambda i: (i, 0)),
            pl.BlockSpec((1, _CP), lambda i: (0, 0)),
        ],
        out_specs=[
            pl.BlockSpec((_RB, _C), lambda i: (i, 0)),
            pl.BlockSpec((_RB, _C), lambda i: (i, 0)),
        ],
        out_shape=[
            jax.ShapeDtypeStruct((_N, _C), jnp.float32),
            jax.ShapeDtypeStruct((_N, _C), jnp.float32),
        ],
    )(s2, p2, dinv, b2_row)


def kernel(x, edge_index, W1, b1, W2, b2):
    edges = edge_index.astype(jnp.int32).reshape(2, _NCH, _K)

    degp = _degree(edges)
    deg_col = (degp[:_N] + degp[_NPD:_NPD + _N] + 1.0).reshape(_N, 1)

    p1, p1h, dinv = _tc_p1(x, W1, deg_col)

    s1 = _edge_scatter_d(p1h, edges).astype(jnp.float32)

    b1_row = b1.reshape(1, _D)
    w2p = jnp.pad(W2, ((0, 0), (0, _CP - _C)))
    p2, p2h = _tc_p2(s1, p1, dinv, b1_row, w2p)

    s2 = _edge_scatter_c(p2h, edges).astype(jnp.float32)

    b2_row = jnp.pad(b2, (0, _CP - _C)).reshape(1, _CP)
    logp, logits = _tc_final(s2, p2, dinv, b2_row)

    return (logp, logits)

# --- scband reference (transcript-rebuilt; emitter-appended) ---
"""Pipeline reference for scband-gcn-8409545965927 (READ-ONLY COPY).

The authoritative reference and input builder live on the scoring server;
editing this copy changes nothing except your own understanding.
"""

import jax, jax.numpy as jnp
import numpy as np

N_NODES = 10000
N_EDGES = 320000
D_FEAT = 128
HIDDEN = 128
N_CLASSES = 40


def setup_inputs(seed: int = 0) -> dict:
    key = jax.random.key(seed)
    k1, k2, k3, k4 = jax.random.split(key, 4)
    x = jax.random.normal(k1, (N_NODES, D_FEAT), dtype=jnp.float32)
    edge_index = jax.random.randint(k2, (2, N_EDGES), 0, N_NODES, dtype=jnp.int64)
    # Glorot-initialized weights for the two GCNConv layers
    s1 = float(np.sqrt(6.0 / (D_FEAT + HIDDEN)))
    W1 = jax.random.uniform(k3, (D_FEAT, HIDDEN), dtype=jnp.float32, minval=-s1, maxval=s1)
    b1 = jnp.zeros((HIDDEN,), dtype=jnp.float32)
    s2 = float(np.sqrt(6.0 / (HIDDEN + N_CLASSES)))
    W2 = jax.random.uniform(k4, (HIDDEN, N_CLASSES), dtype=jnp.float32, minval=-s2, maxval=s2)
    b2 = jnp.zeros((N_CLASSES,), dtype=jnp.float32)
    return {"x": x, "edge_index": edge_index, "W1": W1, "b1": b1, "W2": W2, "b2": b2}


def gcn_conv(x, edge_index, W, b):
    # PyG-style GCNConv: x' = D^{-1/2} (A + I) D^{-1/2} (x W) + b
    N = x.shape[0]
    h = x @ W
    row = edge_index[0]
    col = edge_index[1]
    # add self loops
    loop = jnp.arange(N, dtype=edge_index.dtype)
    row = jnp.concatenate([row, loop])
    col = jnp.concatenate([col, loop])
    # symmetric normalization based on in-degree (with self loops)
    deg = jnp.zeros((N,), dtype=h.dtype).at[col].add(1.0)
    deg_inv_sqrt = jnp.where(deg > 0, jax.lax.rsqrt(jnp.maximum(deg, 1e-12)), 0.0)
    norm = deg_inv_sqrt[row] * deg_inv_sqrt[col]
    # gather source features, scale, scatter-add to destination
    msg = h[row] * norm[:, None]
    out = jax.ops.segment_sum(msg, col, num_segments=N)
    return out + b


def reference(x, edge_index, W1, b1, W2, b2):
    h = jax.nn.relu(gcn_conv(x, edge_index, W1, b1))
    # dropout p = 0.0 -> identity
    logits = gcn_conv(h, edge_index, W2, b2)
    return (jax.nn.log_softmax(logits, axis=1), logits)

if __name__ == "__main__":
    import jax
    _d = setup_inputs()
    print(jax.jit(kernel)(*tuple(_d.values())))

</pallas_src>

<mosaic_0001>
#map = affine_map<(d0, d1) -> (0, 0)>
#map1 = affine_map<(d0, d1) -> (0, 0, 0)>
module attributes {stable_mosaic.version = 14 : i64} {
  func.func @scatter_kernel(%arg0: i32, %arg1: i32, %arg2: memref<10000x128xbf16, #tpu.memory_space<hbm>>, %arg3: memref<2x2500x128xi32, #tpu.memory_space<hbm>>, %arg4: memref<2x10000x128xbf16, #tpu.memory_space<hbm>>, %arg5: memref<79x128xi32, #tpu.memory_space<vmem>>, %arg6: memref<79x128xi32, #tpu.memory_space<vmem>>, %arg7: memref<128x128xbf16, #tpu.memory_space<vmem>>, %arg8: memref<128x128xbf16, #tpu.memory_space<vmem>>, %arg9: memref<128x128xbf16, #tpu.memory_space<vmem>>, %arg10: memref<128x128xbf16, #tpu.memory_space<vmem>>, %arg11: memref<128x128xbf16, #tpu.memory_space<vmem>>, %arg12: memref<128x128xbf16, #tpu.memory_space<vmem>>, %arg13: memref<10000x128xbf16, #tpu.memory_space<vmem_shared>>, %arg14: memref<!tpu.dma_semaphore, #tpu.memory_space<semaphore_mem>>, %arg15: memref<!tpu.dma_semaphore, #tpu.memory_space<semaphore_mem>>, %arg16: memref<!tpu.dma_semaphore, #tpu.memory_space<semaphore_mem>>, %arg17: memref<!tpu.dma_semaphore, #tpu.memory_space<semaphore_mem>>, %arg18: memref<!tpu.dma_semaphore, #tpu.memory_space<semaphore_mem>>, %arg19: memref<!tpu.dma_semaphore, #tpu.memory_space<semaphore_mem>>, %arg20: memref<!tpu.dma_semaphore, #tpu.memory_space<semaphore_mem>>, %arg21: memref<!tpu.dma_semaphore, #tpu.memory_space<semaphore_mem>>, %arg22: memref<!tpu.dma_semaphore, #tpu.memory_space<semaphore_mem>>, %arg23: memref<!tpu.dma_semaphore, #tpu.memory_space<semaphore_mem>>, %arg24: memref<!tpu.dma_semaphore, #tpu.memory_space<semaphore_mem>>, %arg25: memref<!tpu.dma_semaphore, #tpu.memory_space<semaphore_mem>>) attributes {dimension_semantics = [#tpu.dimension_semantics<core_parallel>, #tpu.dimension_semantics<subcore_parallel>], iteration_bounds = array<i64: 2, 16>, scalar_prefetch = 0 : i64, scratch_operands = 21 : i64, tpu.core_type = #tpu.core_type<sc_vector_subcore>, window_params = [{transform_indices = #map}, {transform_indices = #map1}, {transform_indices = #map1}]} {
    %mul3A = arith.constant 16 : i32
    %mul3A_0 = arith.muli %arg0, %mul3A : i32
    %add3A = arith.addi %mul3A_0, %arg1 : i32
    %mul3A_1 = arith.constant 625 : i32
    %mul3A_2 = arith.muli %arg1, %mul3A_1 : i32
    %mul3A_3 = arith.constant 78 : i32
    %mul3A_4 = arith.muli %add3A, %mul3A_3 : i32
    %run_scoped3A = arith.constant 0 : i32
    "tpu.region"() ({
      %run_scoped3A_82 = tpu.sem_alloc : memref<!tpu.dma_semaphore, #tpu.memory_space<semaphore_mem>>
      %dma_start3A_83 = arith.constant 0 : i32
      %dma_start3A_84 = arith.constant 0 : i32
      %dma_start3A_85 = tpu.memref_slice %arg5[%dma_start3A_83, %dma_start3A_84] : memref<79x128xi32, #tpu.memory_space<vmem>> -> memref<78x128xi32, #tpu.memory_space<vmem>>
      %dma_start3A_86 = arith.constant 0 : i32
      %dma_start3A_87 = tpu.memref_slice %arg3[%run_scoped3A, %mul3A_4, %dma_start3A_86] : memref<2x2500x128xi32, #tpu.memory_space<hbm>> -> memref<1x78x128xi32, #tpu.memory_space<hbm>>
      %dma_start3A_88 = tpu.memref_squeeze %dma_start3A_87 : memref<1x78x128xi32, #tpu.memory_space<hbm>> -> memref<78x128xi32, #tpu.memory_space<hbm>>
      %dma_start3A_89 = arith.constant 0 : i32
      %dma_start3A_90 = arith.constant 0 : i32
      %dma_start3A_91 = tpu.memref_slice %arg5[%dma_start3A_89, %dma_start3A_90] : memref<79x128xi32, #tpu.memory_space<vmem>> -> memref<78x128xi32, #tpu.memory_space<vmem>>
      %dma_start3A_92 = arith.constant 0 : i32
      %dma_start3A_93 = tpu.memref_slice %arg3[%run_scoped3A, %mul3A_4, %dma_start3A_92] : memref<2x2500x128xi32, #tpu.memory_space<hbm>> -> memref<1x78x128xi32, #tpu.memory_space<hbm>>
      %dma_start3A_94 = tpu.memref_squeeze %dma_start3A_93 : memref<1x78x128xi32, #tpu.memory_space<hbm>> -> memref<78x128xi32, #tpu.memory_space<hbm>>
      tpu.enqueue_dma source(%dma_start3A_94 : memref<78x128xi32, #tpu.memory_space<hbm>>) target(%dma_start3A_91 : memref<78x128xi32, #tpu.memory_space<vmem>>) target_semaphore(%run_scoped3A_82 : memref<!tpu.dma_semaphore, #tpu.memory_space<semaphore_mem>>)
      %dma_wait3A = arith.constant 0 : i32
      %dma_wait3A_95 = arith.constant 0 : i32
      %dma_wait3A_96 = tpu.memref_slice %arg5[%dma_wait3A, %dma_wait3A_95] : memref<79x128xi32, #tpu.memory_space<vmem>> -> memref<78x128xi32, #tpu.memory_space<vmem>>
      %dma_wait3A_97 = arith.constant 0 : i32
      %dma_wait3A_98 = tpu.memref_slice %arg3[%run_scoped3A, %mul3A_4, %dma_wait3A_97] : memref<2x2500x128xi32, #tpu.memory_space<hbm>> -> memref<1x78x128xi32, #tpu.memory_space<hbm>>
      %dma_wait3A_99 = tpu.memref_squeeze %dma_wait3A_98 : memref<1x78x128xi32, #tpu.memory_space<hbm>> -> memref<78x128xi32, #tpu.memory_space<hbm>>
      %dma_wait3A_100 = arith.constant 0 : i32
      %dma_wait3A_101 = arith.constant 0 : i32
      %dma_wait3A_102 = tpu.memref_slice %arg5[%dma_wait3A_100, %dma_wait3A_101] : memref<79x128xi32, #tpu.memory_space<vmem>> -> memref<78x128xi32, #tpu.memory_space<vmem>>
      %dma_wait3A_103 = arith.constant 0 : i32
      %dma_wait3A_104 = tpu.memref_slice %arg3[%run_scoped3A, %mul3A_4, %dma_wait3A_103] : memref<2x2500x128xi32, #tpu.memory_space<hbm>> -> memref<1x78x128xi32, #tpu.memory_space<hbm>>
      %dma_wait3A_105 = tpu.memref_squeeze %dma_wait3A_104 : memref<1x78x128xi32, #tpu.memory_space<hbm>> -> memref<78x128xi32, #tpu.memory_space<hbm>>
      tpu.wait_dma2 semaphore(%run_scoped3A_82 : memref<!tpu.dma_semaphore, #tpu.memory_space<semaphore_mem>>) src(%dma_wait3A_105 : memref<78x128xi32, #tpu.memory_space<hbm>>) dst(%dma_wait3A_102 : memref<78x128xi32, #tpu.memory_space<vmem>>)
      tpu.yield
    }) : () -> ()
    %run_scoped3A_5 = arith.constant 1 : i32
    "tpu.region"() ({
      %run_scoped3A_82 = tpu.sem_alloc : memref<!tpu.dma_semaphore, #tpu.memory_space<semaphore_mem>>
      %dma_start3A_83 = arith.constant 0 : i32
      %dma_start3A_84 = arith.constant 0 : i32
      %dma_start3A_85 = tpu.memref_slice %arg6[%dma_start3A_83, %dma_start3A_84] : memref<79x128xi32, #tpu.memory_space<vmem>> -> memref<78x128xi32, #tpu.memory_space<vmem>>
      %dma_start3A_86 = arith.constant 0 : i32
      %dma_start3A_87 = tpu.memref_slice %arg3[%run_scoped3A_5, %mul3A_4, %dma_start3A_86] : memref<2x2500x128xi32, #tpu.memory_space<hbm>> -> memref<1x78x128xi32, #tpu.memory_space<hbm>>
      %dma_start3A_88 = tpu.memref_squeeze %dma_start3A_87 : memref<1x78x128xi32, #tpu.memory_space<hbm>> -> memref<78x128xi32, #tpu.memory_space<hbm>>
      %dma_start3A_89 = arith.constant 0 : i32
      %dma_start3A_90 = arith.constant 0 : i32
      %dma_start3A_91 = tpu.memref_slice %arg6[%dma_start3A_89, %dma_start3A_90] : memref<79x128xi32, #tpu.memory_space<vmem>> -> memref<78x128xi32, #tpu.memory_space<vmem>>
      %dma_start3A_92 = arith.constant 0 : i32
      %dma_start3A_93 = tpu.memref_slice %arg3[%run_scoped3A_5, %mul3A_4, %dma_start3A_92] : memref<2x2500x128xi32, #tpu.memory_space<hbm>> -> memref<1x78x128xi32, #tpu.memory_space<hbm>>
      %dma_start3A_94 = tpu.memref_squeeze %dma_start3A_93 : memref<1x78x128xi32, #tpu.memory_space<hbm>> -> memref<78x128xi32, #tpu.memory_space<hbm>>
      tpu.enqueue_dma source(%dma_start3A_94 : memref<78x128xi32, #tpu.memory_space<hbm>>) target(%dma_start3A_91 : memref<78x128xi32, #tpu.memory_space<vmem>>) target_semaphore(%run_scoped3A_82 : memref<!tpu.dma_semaphore, #tpu.memory_space<semaphore_mem>>)
      %dma_wait3A = arith.constant 0 : i32
      %dma_wait3A_95 = arith.constant 0 : i32
      %dma_wait3A_96 = tpu.memref_slice %arg6[%dma_wait3A, %dma_wait3A_95] : memref<79x128xi32, #tpu.memory_space<vmem>> -> memref<78x128xi32, #tpu.memory_space<vmem>>
      %dma_wait3A_97 = arith.constant 0 : i32
      %dma_wait3A_98 = tpu.memref_slice %arg3[%run_scoped3A_5, %mul3A_4, %dma_wait3A_97] : memref<2x2500x128xi32, #tpu.memory_space<hbm>> -> memref<1x78x128xi32, #tpu.memory_space<hbm>>
      %dma_wait3A_99 = tpu.memref_squeeze %dma_wait3A_98 : memref<1x78x128xi32, #tpu.memory_space<hbm>> -> memref<78x128xi32, #tpu.memory_space<hbm>>
      %dma_wait3A_100 = arith.constant 0 : i32
      %dma_wait3A_101 = arith.constant 0 : i32
      %dma_wait3A_102 = tpu.memref_slice %arg6[%dma_wait3A_100, %dma_wait3A_101] : memref<79x128xi32, #tpu.memory_space<vmem>> -> memref<78x128xi32, #tpu.memory_space<vmem>>
      %dma_wait3A_103 = arith.constant 0 : i32
      %dma_wait3A_104 = tpu.memref_slice %arg3[%run_scoped3A_5, %mul3A_4, %dma_wait3A_103] : memref<2x2500x128xi32, #tpu.memory_space<hbm>> -> memref<1x78x128xi32, #tpu.memory_space<hbm>>
      %dma_wait3A_105 = tpu.memref_squeeze %dma_wait3A_104 : memref<1x78x128xi32, #tpu.memory_space<hbm>> -> memref<78x128xi32, #tpu.memory_space<hbm>>
      tpu.wait_dma2 semaphore(%run_scoped3A_82 : memref<!tpu.dma_semaphore, #tpu.memory_space<semaphore_mem>>) src(%dma_wait3A_105 : memref<78x128xi32, #tpu.memory_space<hbm>>) dst(%dma_wait3A_102 : memref<78x128xi32, #tpu.memory_space<vmem>>)
      tpu.yield
    }) : () -> ()
    %broadcast_in_dim3A = arith.constant 0.000000e+00 : bf16
    %broadcast_in_dim3A_6 = vector.broadcast %broadcast_in_dim3A : bf16 to vector<32xbf16>
    %scan3A = arith.constant 0 : i32
    %scan3A_7 = arith.constant 0 : i32
    %scan3A_8 = arith.constant 512 : i32
    %scan3A_9 = arith.addi %scan3A_7, %scan3A_8 : i32
    %scan3A_10 = arith.constant 1 : i32
    scf.for %scan3A_82 = %scan3A_7 to %scan3A_9 step %scan3A_10  : i32 {
      %jit3A = arith.constant 4 : i32
      %div3A = arith.divsi %scan3A_82, %jit3A : i32
      %sign3A = arith.constant 0 : i32
      %sign3A_83 = arith.cmpi sgt, %scan3A_82, %sign3A : i32
      %sign3A_84 = arith.extui %sign3A_83 : i1 to i32
      %sign3A_85 = arith.constant 0 : i32
      %sign3A_86 = arith.cmpi slt, %scan3A_82, %sign3A_85 : i32
      %sign3A_87 = arith.extui %sign3A_86 : i1 to i32
      %sign3A_88 = arith.subi %sign3A_84, %sign3A_87 : i32
      %sign3A_89 = arith.constant 0 : i32
      %sign3A_90 = arith.cmpi sgt, %jit3A, %sign3A_89 : i32
      %sign3A_91 = arith.extui %sign3A_90 : i1 to i32
      %sign3A_92 = arith.constant 0 : i32
      %sign3A_93 = arith.cmpi slt, %jit3A, %sign3A_92 : i32
      %sign3A_94 = arith.extui %sign3A_93 : i1 to i32
      %sign3A_95 = arith.subi %sign3A_91, %sign3A_94 : i32
      %ne3A = arith.cmpi ne, %sign3A_88, %sign3A_95 : i32
      %rem3A = arith.remsi %scan3A_82, %jit3A : i32
      %ne3A_96 = arith.constant 0 : i32
      %ne3A_97 = arith.cmpi ne, %rem3A, %ne3A_96 : i32
      %and3A = arith.andi %ne3A, %ne3A_97 : i1
      %sub3A = arith.constant 1 : i32
      %sub3A_98 = arith.subi %div3A, %sub3A : i32
      %select_n3A = arith.select %and3A, %sub3A_98, %div3A : i32
      %jit3A_99 = arith.constant 4 : i32
      %eq3A = arith.constant 0 : i32
      %eq3A_100 = arith.cmpi eq, %jit3A_99, %eq3A : i32
      %jit3A_101 = arith.constant 1 : i32
      %select_n3A_102 = arith.select %eq3A_100, %jit3A_101, %jit3A_99 : i32
      %rem3A_103 = arith.remsi %scan3A_82, %select_n3A_102 : i32
      %ne3A_104 = arith.constant 0 : i32
      %ne3A_105 = arith.cmpi ne, %rem3A_103, %ne3A_104 : i32
      %lt3A_106 = arith.constant 0 : i32
      %lt3A_107 = arith.cmpi slt, %rem3A_103, %lt3A_106 : i32
      %lt3A_108 = arith.constant 0 : i32
      %lt3A_109 = arith.cmpi slt, %select_n3A_102, %lt3A_108 : i32
      %ne3A_110 = arith.xori %lt3A_107, %lt3A_109 : i1
      %and3A_111 = arith.andi %ne3A_110, %ne3A_105 : i1
      %add3A_112 = arith.addi %rem3A_103, %select_n3A_102 : i32
      %select_n3A_113 = arith.select %and3A_111, %add3A_112, %rem3A_103 : i32
      %mul3A_114 = arith.constant 32 : i32
      %mul3A_115 = arith.muli %select_n3A_113, %mul3A_114 : i32
      %swap3A = arith.index_cast %select_n3A : i32 to index
      %swap3A_116 = arith.index_cast %mul3A_115 : i32 to index
      %swap3A_117 = tpu.vector_load %arg7[%swap3A, %swap3A_116] {strides = array<i32>} : memref<128x128xbf16, #tpu.memory_space<vmem>>, vector<1x32xbf16>,
      %swap3A_118 = vector.shape_cast %swap3A_117 : vector<1x32xbf16> to vector<32xbf16>
      %swap3A_119 = vector.shape_cast %broadcast_in_dim3A_6 : vector<32xbf16> to vector<1x32xbf16>
      tpu.vector_store %arg7[%swap3A, %swap3A_116], %swap3A_119 {strides = array<i32>} : memref<128x128xbf16, #tpu.memory_space<vmem>>, vector<1x32xbf16>,
    }
    %scan3A_11 = arith.constant 512 : i32
    %add3A_12 = arith.constant 0 : i32
    %add3A_13 = arith.addi %mul3A_2, %add3A_12 : i32
    "tpu.region"() ({
      %run_scoped3A_82 = tpu.sem_alloc : memref<!tpu.dma_semaphore, #tpu.memory_space<semaphore_mem>>
      %dma_start3A_83 = arith.constant 0 : i32
      %dma_start3A_84 = tpu.memref_slice %arg13[%add3A_13, %dma_start3A_83] : memref<10000x128xbf16, #tpu.memory_space<vmem_shared>> -> memref<128x128xbf16, #tpu.memory_space<vmem_shared>>
      %dma_start3A_85 = arith.constant 0 : i32
      %dma_start3A_86 = tpu.memref_slice %arg13[%add3A_13, %dma_start3A_85] : memref<10000x128xbf16, #tpu.memory_space<vmem_shared>> -> memref<128x128xbf16, #tpu.memory_space<vmem_shared>>
      tpu.enqueue_dma source(%arg7 : memref<128x128xbf16, #tpu.memory_space<vmem>>) target(%dma_start3A_86 : memref<128x128xbf16, #tpu.memory_space<vmem_shared>>) target_semaphore(%run_scoped3A_82 : memref<!tpu.dma_semaphore, #tpu.memory_space<semaphore_mem>>)
      %dma_wait3A = arith.constant 0 : i32
      %dma_wait3A_87 = tpu.memref_slice %arg13[%add3A_13, %dma_wait3A] : memref<10000x128xbf16, #tpu.memory_space<vmem_shared>> -> memref<128x128xbf16, #tpu.memory_space<vmem_shared>>
      %dma_wait3A_88 = arith.constant 0 : i32
      %dma_wait3A_89 = tpu.memref_slice %arg13[%add3A_13, %dma_wait3A_88] : memref<10000x128xbf16, #tpu.memory_space<vmem_shared>> -> memref<128x128xbf16, #tpu.memory_space<vmem_shared>>
      tpu.wait_dma2 semaphore(%run_scoped3A_82 : memref<!tpu.dma_semaphore, #tpu.memory_space<semaphore_mem>>) src(%arg7 : memref<128x128xbf16, #tpu.memory_space<vmem>>) dst(%dma_wait3A_89 : memref<128x128xbf16, #tpu.memory_space<vmem_shared>>)
      tpu.yield
    }) : () -> ()
    %add3A_14 = arith.constant 128 : i32
    %add3A_15 = arith.addi %mul3A_2, %add3A_14 : i32
    "tpu.region"() ({
      %run_scoped3A_82 = tpu.sem_alloc : memref<!tpu.dma_semaphore, #tpu.memory_space<semaphore_mem>>
      %dma_start3A_83 = arith.constant 0 : i32
      %dma_start3A_84 = tpu.memref_slice %arg13[%add3A_15, %dma_start3A_83] : memref<10000x128xbf16, #tpu.memory_space<vmem_shared>> -> memref<128x128xbf16, #tpu.memory_space<vmem_shared>>
      %dma_start3A_85 = arith.constant 0 : i32
      %dma_start3A_86 = tpu.memref_slice %arg13[%add3A_15, %dma_start3A_85] : memref<10000x128xbf16, #tpu.memory_space<vmem_shared>> -> memref<128x128xbf16, #tpu.memory_space<vmem_shared>>
      tpu.enqueue_dma source(%arg7 : memref<128x128xbf16, #tpu.memory_space<vmem>>) target(%dma_start3A_86 : memref<128x128xbf16, #tpu.memory_space<vmem_shared>>) target_semaphore(%run_scoped3A_82 : memref<!tpu.dma_semaphore, #tpu.memory_space<semaphore_mem>>)
      %dma_wait3A = arith.constant 0 : i32
      %dma_wait3A_87 = tpu.memref_slice %arg13[%add3A_15, %dma_wait3A] : memref<10000x128xbf16, #tpu.memory_space<vmem_shared>> -> memref<128x128xbf16, #tpu.memory_space<vmem_shared>>
      %dma_wait3A_88 = arith.constant 0 : i32
      %dma_wait3A_89 = tpu.memref_slice %arg13[%add3A_15, %dma_wait3A_88] : memref<10000x128xbf16, #tpu.memory_space<vmem_shared>> -> memref<128x128xbf16, #tpu.memory_space<vmem_shared>>
      tpu.wait_dma2 semaphore(%run_scoped3A_82 : memref<!tpu.dma_semaphore, #tpu.memory_space<semaphore_mem>>) src(%arg7 : memref<128x128xbf16, #tpu.memory_space<vmem>>) dst(%dma_wait3A_89 : memref<128x128xbf16, #tpu.memory_space<vmem_shared>>)
      tpu.yield
    }) : () -> ()
    %add3A_16 = arith.constant 256 : i32
    %add3A_17 = arith.addi %mul3A_2, %add3A_16 : i32
    "tpu.region"() ({
      %run_scoped3A_82 = tpu.sem_alloc : memref<!tpu.dma_semaphore, #tpu.memory_space<semaphore_mem>>
      %dma_start3A_83 = arith.constant 0 : i32
      %dma_start3A_84 = tpu.memref_slice %arg13[%add3A_17, %dma_start3A_83] : memref<10000x128xbf16, #tpu.memory_space<vmem_shared>> -> memref<128x128xbf16, #tpu.memory_space<vmem_shared>>
      %dma_start3A_85 = arith.constant 0 : i32
      %dma_start3A_86 = tpu.memref_slice %arg13[%add3A_17, %dma_start3A_85] : memref<10000x128xbf16, #tpu.memory_space<vmem_shared>> -> memref<128x128xbf16, #tpu.memory_space<vmem_shared>>
      tpu.enqueue_dma source(%arg7 : memref<128x128xbf16, #tpu.memory_space<vmem>>) target(%dma_start3A_86 : memref<128x128xbf16, #tpu.memory_space<vmem_shared>>) target_semaphore(%run_scoped3A_82 : memref<!tpu.dma_semaphore, #tpu.memory_space<semaphore_mem>>)
      %dma_wait3A = arith.constant 0 : i32
      %dma_wait3A_87 = tpu.memref_slice %arg13[%add3A_17, %dma_wait3A] : memref<10000x128xbf16, #tpu.memory_space<vmem_shared>> -> memref<128x128xbf16, #tpu.memory_space<vmem_shared>>
      %dma_wait3A_88 = arith.constant 0 : i32
      %dma_wait3A_89 = tpu.memref_slice %arg13[%add3A_17, %dma_wait3A_88] : memref<10000x128xbf16, #tpu.memory_space<vmem_shared>> -> memref<128x128xbf16, #tpu.memory_space<vmem_shared>>
      tpu.wait_dma2 semaphore(%run_scoped3A_82 : memref<!tpu.dma_semaphore, #tpu.memory_space<semaphore_mem>>) src(%arg7 : memref<128x128xbf16, #tpu.memory_space<vmem>>) dst(%dma_wait3A_89 : memref<128x128xbf16, #tpu.memory_space<vmem_shared>>)
      tpu.yield
    }) : () -> ()
    %add3A_18 = arith.constant 384 : i32
    %add3A_19 = arith.addi %mul3A_2, %add3A_18 : i32
    "tpu.region"() ({
      %run_scoped3A_82 = tpu.sem_alloc : memref<!tpu.dma_semaphore, #tpu.memory_space<semaphore_mem>>
      %dma_start3A_83 = arith.constant 0 : i32
      %dma_start3A_84 = tpu.memref_slice %arg13[%add3A_19, %dma_start3A_83] : memref<10000x128xbf16, #tpu.memory_space<vmem_shared>> -> memref<128x128xbf16, #tpu.memory_space<vmem_shared>>
      %dma_start3A_85 = arith.constant 0 : i32
      %dma_start3A_86 = tpu.memref_slice %arg13[%add3A_19, %dma_start3A_85] : memref<10000x128xbf16, #tpu.memory_space<vmem_shared>> -> memref<128x128xbf16, #tpu.memory_space<vmem_shared>>
      tpu.enqueue_dma source(%arg7 : memref<128x128xbf16, #tpu.memory_space<vmem>>) target(%dma_start3A_86 : memref<128x128xbf16, #tpu.memory_space<vmem_shared>>) target_semaphore(%run_scoped3A_82 : memref<!tpu.dma_semaphore, #tpu.memory_space<semaphore_mem>>)
      %dma_wait3A = arith.constant 0 : i32
      %dma_wait3A_87 = tpu.memref_slice %arg13[%add3A_19, %dma_wait3A] : memref<10000x128xbf16, #tpu.memory_space<vmem_shared>> -> memref<128x128xbf16, #tpu.memory_space<vmem_shared>>
      %dma_wait3A_88 = arith.constant 0 : i32
      %dma_wait3A_89 = tpu.memref_slice %arg13[%add3A_19, %dma_wait3A_88] : memref<10000x128xbf16, #tpu.memory_space<vmem_shared>> -> memref<128x128xbf16, #tpu.memory_space<vmem_shared>>
      tpu.wait_dma2 semaphore(%run_scoped3A_82 : memref<!tpu.dma_semaphore, #tpu.memory_space<semaphore_mem>>) src(%arg7 : memref<128x128xbf16, #tpu.memory_space<vmem>>) dst(%dma_wait3A_89 : memref<128x128xbf16, #tpu.memory_space<vmem_shared>>)
      tpu.yield
    }) : () -> ()
    %add3A_20 = arith.constant 512 : i32
    %add3A_21 = arith.addi %mul3A_2, %add3A_20 : i32
    "tpu.region"() ({
      %run_scoped3A_82 = tpu.sem_alloc : memref<!tpu.dma_semaphore, #tpu.memory_space<semaphore_mem>>
      %dma_start3A_83 = arith.constant 0 : i32
      %dma_start3A_84 = arith.constant 0 : i32
      %dma_start3A_85 = tpu.memref_slice %arg7[%dma_start3A_83, %dma_start3A_84] : memref<128x128xbf16, #tpu.memory_space<vmem>> -> memref<113x128xbf16, #tpu.memory_space<vmem>>
      %dma_start3A_86 = arith.constant 0 : i32
      %dma_start3A_87 = tpu.memref_slice %arg13[%add3A_21, %dma_start3A_86] : memref<10000x128xbf16, #tpu.memory_space<vmem_shared>> -> memref<113x128xbf16, #tpu.memory_space<vmem_shared>>
      %dma_start3A_88 = arith.constant 0 : i32
      %dma_start3A_89 = tpu.memref_slice %arg13[%add3A_21, %dma_start3A_88] : memref<10000x128xbf16, #tpu.memory_space<vmem_shared>> -> memref<113x128xbf16, #tpu.memory_space<vmem_shared>>
      %dma_start3A_90 = arith.constant 0 : i32
      %dma_start3A_91 = arith.constant 0 : i32
      %dma_start3A_92 = tpu.memref_slice %arg7[%dma_start3A_90, %dma_start3A_91] : memref<128x128xbf16, #tpu.memory_space<vmem>> -> memref<113x128xbf16, #tpu.memory_space<vmem>>
      tpu.enqueue_dma source(%dma_start3A_92 : memref<113x128xbf16, #tpu.memory_space<vmem>>) target(%dma_start3A_89 : memref<113x128xbf16, #tpu.memory_space<vmem_shared>>) target_semaphore(%run_scoped3A_82 : memref<!tpu.dma_semaphore, #tpu.memory_space<semaphore_mem>>)
      %dma_wait3A = arith.constant 0 : i32
      %dma_wait3A_93 = arith.constant 0 : i32
      %dma_wait3A_94 = tpu.memref_slice %arg7[%dma_wait3A, %dma_wait3A_93] : memref<128x128xbf16, #tpu.memory_space<vmem>> -> memref<113x128xbf16, #tpu.memory_space<vmem>>
      %dma_wait3A_95 = arith.constant 0 : i32
      %dma_wait3A_96 = tpu.memref_slice %arg13[%add3A_21, %dma_wait3A_95] : memref<10000x128xbf16, #tpu.memory_space<vmem_shared>> -> memref<113x128xbf16, #tpu.memory_space<vmem_shared>>
      %dma_wait3A_97 = arith.constant 0 : i32
      %dma_wait3A_98 = tpu.memref_slice %arg13[%add3A_21, %dma_wait3A_97] : memref<10000x128xbf16, #tpu.memory_space<vmem_shared>> -> memref<113x128xbf16, #tpu.memory_space<vmem_shared>>
      %dma_wait3A_99 = arith.constant 0 : i32
      %dma_wait3A_100 = arith.constant 0 : i32
      %dma_wait3A_101 = tpu.memref_slice %arg7[%dma_wait3A_99, %dma_wait3A_100] : memref<128x128xbf16, #tpu.memory_space<vmem>> -> memref<113x128xbf16, #tpu.memory_space<vmem>>
      tpu.wait_dma2 semaphore(%run_scoped3A_82 : memref<!tpu.dma_semaphore, #tpu.memory_space<semaphore_mem>>) src(%dma_wait3A_101 : memref<113x128xbf16, #tpu.memory_space<vmem>>) dst(%dma_wait3A_98 : memref<113x128xbf16, #tpu.memory_space<vmem_shared>>)
      tpu.yield
    }) : () -> ()
    %barrier3A = arith.constant 0 : index
    tpu.barrier barrier_id(%barrier3A)
    %dma_start3A = arith.constant 0 : i32
    %dma_start3A_22 = arith.constant 0 : i32
    %dma_start3A_23 = tpu.memref_slice %arg5[%dma_start3A, %dma_start3A_22] : memref<79x128xi32, #tpu.memory_space<vmem>> -> memref<1x128xi32, #tpu.memory_space<vmem>>
    %dma_start3A_24 = tpu.memref_squeeze %dma_start3A_23 : memref<1x128xi32, #tpu.memory_space<vmem>> -> memref<128xi32, #tpu.memory_space<vmem>>
    %dma_start3A_25 = arith.constant 0 : i32
    %dma_start3A_26 = arith.constant 0 : i32
    %dma_start3A_27 = tpu.memref_slice %arg2[%dma_start3A_25, %dma_start3A_26] : memref<10000x128xbf16, #tpu.memory_space<hbm>> -> memref<10000x128xbf16, #tpu.memory_space<hbm>>
    tpu.enqueue_indirect_dma source(%dma_start3A_27 : memref<10000x128xbf16, #tpu.memory_space<hbm>>) target(%arg7 : memref<128x128xbf16, #tpu.memory_space<vmem>>) offsets(%dma_start3A_24 : memref<128xi32, #tpu.memory_space<vmem>>) semaphore(%arg14 : memref<!tpu.dma_semaphore, #tpu.memory_space<semaphore_mem>>)
    %dma_start3A_28 = arith.constant 1 : i32
    %dma_start3A_29 = arith.constant 0 : i32
    %dma_start3A_30 = tpu.memref_slice %arg5[%dma_start3A_28, %dma_start3A_29] : memref<79x128xi32, #tpu.memory_space<vmem>> -> memref<1x128xi32, #tpu.memory_space<vmem>>
    %dma_start3A_31 = tpu.memref_squeeze %dma_start3A_30 : memref<1x128xi32, #tpu.memory_space<vmem>> -> memref<128xi32, #tpu.memory_space<vmem>>
    %dma_start3A_32 = arith.constant 0 : i32
    %dma_start3A_33 = arith.constant 0 : i32
    %dma_start3A_34 = tpu.memref_slice %arg2[%dma_start3A_32, %dma_start3A_33] : memref<10000x128xbf16, #tpu.memory_space<hbm>> -> memref<10000x128xbf16, #tpu.memory_space<hbm>>
    tpu.enqueue_indirect_dma source(%dma_start3A_34 : memref<10000x128xbf16, #tpu.memory_space<hbm>>) target(%arg8 : memref<128x128xbf16, #tpu.memory_space<vmem>>) offsets(%dma_start3A_31 : memref<128xi32, #tpu.memory_space<vmem>>) semaphore(%arg15 : memref<!tpu.dma_semaphore, #tpu.memory_space<semaphore_mem>>)
    %dma_start3A_35 = arith.constant 2 : i32
    %dma_start3A_36 = arith.constant 0 : i32
    %dma_start3A_37 = tpu.memref_slice %arg5[%dma_start3A_35, %dma_start3A_36] : memref<79x128xi32, #tpu.memory_space<vmem>> -> memref<1x128xi32, #tpu.memory_space<vmem>>
    %dma_start3A_38 = tpu.memref_squeeze %dma_start3A_37 : memref<1x128xi32, #tpu.memory_space<vmem>> -> memref<128xi32, #tpu.memory_space<vmem>>
    %dma_start3A_39 = arith.constant 0 : i32
    %dma_start3A_40 = arith.constant 0 : i32
    %dma_start3A_41 = tpu.memref_slice %arg2[%dma_start3A_39, %dma_start3A_40] : memref<10000x128xbf16, #tpu.memory_space<hbm>> -> memref<10000x128xbf16, #tpu.memory_space<hbm>>
    tpu.enqueue_indirect_dma source(%dma_start3A_41 : memref<10000x128xbf16, #tpu.memory_space<hbm>>) target(%arg9 : memref<128x128xbf16, #tpu.memory_space<vmem>>) offsets(%dma_start3A_38 : memref<128xi32, #tpu.memory_space<vmem>>) semaphore(%arg16 : memref<!tpu.dma_semaphore, #tpu.memory_space<semaphore_mem>>)
    %dma_start3A_42 = arith.constant 3 : i32
    %dma_start3A_43 = arith.constant 0 : i32
    %dma_start3A_44 = tpu.memref_slice %arg5[%dma_start3A_42, %dma_start3A_43] : memref<79x128xi32, #tpu.memory_space<vmem>> -> memref<1x128xi32, #tpu.memory_space<vmem>>
    %dma_start3A_45 = tpu.memref_squeeze %dma_start3A_44 : memref<1x128xi32, #tpu.memory_space<vmem>> -> memref<128xi32, #tpu.memory_space<vmem>>
    %dma_start3A_46 = arith.constant 0 : i32
    %dma_start3A_47 = arith.constant 0 : i32
    %dma_start3A_48 = tpu.memref_slice %arg2[%dma_start3A_46, %dma_start3A_47] : memref<10000x128xbf16, #tpu.memory_space<hbm>> -> memref<10000x128xbf16, #tpu.memory_space<hbm>>
    tpu.enqueue_indirect_dma source(%dma_start3A_48 : memref<10000x128xbf16, #tpu.memory_space<hbm>>) target(%arg10 : memref<128x128xbf16, #tpu.memory_space<vmem>>) offsets(%dma_start3A_45 : memref<128xi32, #tpu.memory_space<vmem>>) semaphore(%arg17 : memref<!tpu.dma_semaphore, #tpu.memory_space<semaphore_mem>>)
    %dma_start3A_49 = arith.constant 4 : i32
    %dma_start3A_50 = arith.constant 0 : i32
    %dma_start3A_51 = tpu.memref_slice %arg5[%dma_start3A_49, %dma_start3A_50] : memref<79x128xi32, #tpu.memory_space<vmem>> -> memref<1x128xi32, #tpu.memory_space<vmem>>
    %dma_start3A_52 = tpu.memref_squeeze %dma_start3A_51 : memref<1x128xi32, #tpu.memory_space<vmem>> -> memref<128xi32, #tpu.memory_space<vmem>>
    %dma_start3A_53 = arith.constant 0 : i32
    %dma_start3A_54 = arith.constant 0 : i32
    %dma_start3A_55 = tpu.memref_slice %arg2[%dma_start3A_53, %dma_start3A_54] : memref<10000x128xbf16, #tpu.memory_space<hbm>> -> memref<10000x128xbf16, #tpu.memory_space<hbm>>
    tpu.enqueue_indirect_dma source(%dma_start3A_55 : memref<10000x128xbf16, #tpu.memory_space<hbm>>) target(%arg11 : memref<128x128xbf16, #tpu.memory_space<vmem>>) offsets(%dma_start3A_52 : memref<128xi32, #tpu.memory_space<vmem>>) semaphore(%arg18 : memref<!tpu.dma_semaphore, #tpu.memory_space<semaphore_mem>>)
    %dma_start3A_56 = arith.constant 5 : i32
    %dma_start3A_57 = arith.constant 0 : i32
    %dma_start3A_58 = tpu.memref_slice %arg5[%dma_start3A_56, %dma_start3A_57] : memref<79x128xi32, #tpu.memory_space<vmem>> -> memref<1x128xi32, #tpu.memory_space<vmem>>
    %dma_start3A_59 = tpu.memref_squeeze %dma_start3A_58 : memref<1x128xi32, #tpu.memory_space<vmem>> -> memref<128xi32, #tpu.memory_space<vmem>>
    %dma_start3A_60 = arith.constant 0 : i32
    %dma_start3A_61 = arith.constant 0 : i32
    %dma_start3A_62 = tpu.memref_slice %arg2[%dma_start3A_60, %dma_start3A_61] : memref<10000x128xbf16, #tpu.memory_space<hbm>> -> memref<10000x128xbf16, #tpu.memory_space<hbm>>
    tpu.enqueue_indirect_dma source(%dma_start3A_62 : memref<10000x128xbf16, #tpu.memory_space<hbm>>) target(%arg12 : memref<128x128xbf16, #tpu.memory_space<vmem>>) offsets(%dma_start3A_59 : memref<128xi32, #tpu.memory_space<vmem>>) semaphore(%arg19 : memref<!tpu.dma_semaphore, #tpu.memory_space<semaphore_mem>>)
    %scan3A_63 = arith.constant 0 : i32
    %scan3A_64 = arith.constant 0 : i32
    %scan3A_65 = arith.constant 13 : i32
    %scan3A_66 = arith.addi %scan3A_64, %scan3A_65 : i32
    %scan3A_67 = arith.constant 1 : i32
    scf.for %scan3A_82 = %scan3A_64 to %scan3A_66 step %scan3A_67  : i32 {
      %mul3A_83 = arith.constant 6 : i32
      %mul3A_84 = arith.muli %scan3A_82, %mul3A_83 : i32
      %add3A_85 = arith.constant 0 : i32
      %add3A_86 = arith.addi %mul3A_84, %add3A_85 : i32
      %dma_wait3A = arith.constant 0 : i32
      %dma_wait3A_87 = tpu.memref_slice %arg5[%add3A_86, %dma_wait3A] : memref<79x128xi32, #tpu.memory_space<vmem>> -> memref<1x128xi32, #tpu.memory_space<vmem>>
      %dma_wait3A_88 = tpu.memref_squeeze %dma_wait3A_87 : memref<1x128xi32, #tpu.memory_space<vmem>> -> memref<128xi32, #tpu.memory_space<vmem>>
      %dma_wait3A_89 = arith.constant 0 : i32
      %dma_wait3A_90 = arith.constant 0 : i32
      %dma_wait3A_91 = tpu.memref_slice %arg2[%dma_wait3A_89, %dma_wait3A_90] : memref<10000x128xbf16, #tpu.memory_space<hbm>> -> memref<10000x128xbf16, #tpu.memory_space<hbm>>
      tpu.wait_indirect_dma semaphore(%arg14 : memref<!tpu.dma_semaphore, #tpu.memory_space<semaphore_mem>>) src(%dma_wait3A_91 : memref<10000x128xbf16, #tpu.memory_space<hbm>>) dst(%arg7 : memref<128x128xbf16, #tpu.memory_space<vmem>>)
      %dma_start3A_92 = arith.constant 0 : i32
      %dma_start3A_93 = tpu.memref_slice %arg6[%add3A_86, %dma_start3A_92] : memref<79x128xi32, #tpu.memory_space<vmem>> -> memref<1x128xi32, #tpu.memory_space<vmem>>
      %dma_start3A_94 = tpu.memref_squeeze %dma_start3A_93 : memref<1x128xi32, #tpu.memory_space<vmem>> -> memref<128xi32, #tpu.memory_space<vmem>>
      %dma_start3A_95 = arith.constant 0 : i32
      %dma_start3A_96 = arith.constant 0 : i32
      %dma_start3A_97 = tpu.memref_slice %arg13[%dma_start3A_95, %dma_start3A_96] : memref<10000x128xbf16, #tpu.memory_space<vmem_shared>> -> memref<10000x128xbf16, #tpu.memory_space<vmem_shared>>
      tpu.enqueue_indirect_dma source(%arg7 : memref<128x128xbf16, #tpu.memory_space<vmem>>) target(%dma_start3A_97 : memref<10000x128xbf16, #tpu.memory_space<vmem_shared>>) offsets(%dma_start3A_94 : memref<128xi32, #tpu.memory_space<vmem>>) semaphore(%arg20 : memref<!tpu.dma_semaphore, #tpu.memory_space<semaphore_mem>>) {add = true}
      %mul3A_98 = arith.constant 6 : i32
      %mul3A_99 = arith.muli %scan3A_82, %mul3A_98 : i32
      %add3A_100 = arith.constant 1 : i32
      %add3A_101 = arith.addi %mul3A_99, %add3A_100 : i32
      %dma_wait3A_102 = arith.constant 0 : i32
      %dma_wait3A_103 = tpu.memref_slice %arg5[%add3A_101, %dma_wait3A_102] : memref<79x128xi32, #tpu.memory_space<vmem>> -> memref<1x128xi32, #tpu.memory_space<vmem>>
      %dma_wait3A_104 = tpu.memref_squeeze %dma_wait3A_103 : memref<1x128xi32, #tpu.memory_space<vmem>> -> memref<128xi32, #tpu.memory_space<vmem>>
      %dma_wait3A_105 = arith.constant 0 : i32
      %dma_wait3A_106 = arith.constant 0 : i32
      %dma_wait3A_107 = tpu.memref_slice %arg2[%dma_wait3A_105, %dma_wait3A_106] : memref<10000x128xbf16, #tpu.memory_space<hbm>> -> memref<10000x128xbf16, #tpu.memory_space<hbm>>
      tpu.wait_indirect_dma semaphore(%arg15 : memref<!tpu.dma_semaphore, #tpu.memory_space<semaphore_mem>>) src(%dma_wait3A_107 : memref<10000x128xbf16, #tpu.memory_space<hbm>>) dst(%arg8 : memref<128x128xbf16, #tpu.memory_space<vmem>>)
      %dma_start3A_108 = arith.constant 0 : i32
      %dma_start3A_109 = tpu.memref_slice %arg6[%add3A_101, %dma_start3A_108] : memref<79x128xi32, #tpu.memory_space<vmem>> -> memref<1x128xi32, #tpu.memory_space<vmem>>
      %dma_start3A_110 = tpu.memref_squeeze %dma_start3A_109 : memref<1x128xi32, #tpu.memory_space<vmem>> -> memref<128xi32, #tpu.memory_space<vmem>>
      %dma_start3A_111 = arith.constant 0 : i32
      %dma_start3A_112 = arith.constant 0 : i32
      %dma_start3A_113 = tpu.memref_slice %arg13[%dma_start3A_111, %dma_start3A_112] : memref<10000x128xbf16, #tpu.memory_space<vmem_shared>> -> memref<10000x128xbf16, #tpu.memory_space<vmem_shared>>
      tpu.enqueue_indirect_dma source(%arg8 : memref<128x128xbf16, #tpu.memory_space<vmem>>) target(%dma_start3A_113 : memref<10000x128xbf16, #tpu.memory_space<vmem_shared>>) offsets(%dma_start3A_110 : memref<128xi32, #tpu.memory_space<vmem>>) semaphore(%arg21 : memref<!tpu.dma_semaphore, #tpu.memory_space<semaphore_mem>>) {add = true}
      %mul3A_114 = arith.constant 6 : i32
      %mul3A_115 = arith.muli %scan3A_82, %mul3A_114 : i32
      %add3A_116 = arith.constant 2 : i32
      %add3A_117 = arith.addi %mul3A_115, %add3A_116 : i32
      %dma_wait3A_118 = arith.constant 0 : i32
      %dma_wait3A_119 = tpu.memref_slice %arg5[%add3A_117, %dma_wait3A_118] : memref<79x128xi32, #tpu.memory_space<vmem>> -> memref<1x128xi32, #tpu.memory_space<vmem>>
      %dma_wait3A_120 = tpu.memref_squeeze %dma_wait3A_119 : memref<1x128xi32, #tpu.memory_space<vmem>> -> memref<128xi32, #tpu.memory_space<vmem>>
      %dma_wait3A_121 = arith.constant 0 : i32
      %dma_wait3A_122 = arith.constant 0 : i32
      %dma_wait3A_123 = tpu.memref_slice %arg2[%dma_wait3A_121, %dma_wait3A_122] : memref<10000x128xbf16, #tpu.memory_space<hbm>> -> memref<10000x128xbf16, #tpu.memory_space<hbm>>
      tpu.wait_indirect_dma semaphore(%arg16 : memref<!tpu.dma_semaphore, #tpu.memory_space<semaphore_mem>>) src(%dma_wait3A_123 : memref<10000x128xbf16, #tpu.memory_space<hbm>>) dst(%arg9 : memref<128x128xbf16, #tpu.memory_space<vmem>>)
      %dma_start3A_124 = arith.constant 0 : i32
      %dma_start3A_125 = tpu.memref_slice %arg6[%add3A_117, %dma_start3A_124] : memref<79x128xi32, #tpu.memory_space<vmem>> -> memref<1x128xi32, #tpu.memory_space<vmem>>
      %dma_start3A_126 = tpu.memref_squeeze %dma_start3A_125 : memref<1x128xi32, #tpu.memory_space<vmem>> -> memref<128xi32, #tpu.memory_space<vmem>>
      %dma_start3A_127 = arith.constant 0 : i32
      %dma_start3A_128 = arith.constant 0 : i32
      %dma_start3A_129 = tpu.memref_slice %arg13[%dma_start3A_127, %dma_start3A_128] : memref<10000x128xbf16, #tpu.memory_space<vmem_shared>> -> memref<10000x128xbf16, #tpu.memory_space<vmem_shared>>
      tpu.enqueue_indirect_dma source(%arg9 : memref<128x128xbf16, #tpu.memory_space<vmem>>) target(%dma_start3A_129 : memref<10000x128xbf16, #tpu.memory_space<vmem_shared>>) offsets(%dma_start3A_126 : memref<128xi32, #tpu.memory_space<vmem>>) semaphore(%arg22 : memref<!tpu.dma_semaphore, #tpu.memory_space<semaphore_mem>>) {add = true}
      %mul3A_130 = arith.constant 6 : i32
      %mul3A_131 = arith.muli %scan3A_82, %mul3A_130 : i32
      %add3A_132 = arith.constant 3 : i32
      %add3A_133 = arith.addi %mul3A_131, %add3A_132 : i32
      %dma_wait3A_134 = arith.constant 0 : i32
      %dma_wait3A_135 = tpu.memref_slice %arg5[%add3A_133, %dma_wait3A_134] : memref<79x128xi32, #tpu.memory_space<vmem>> -> memref<1x128xi32, #tpu.memory_space<vmem>>
      %dma_wait3A_136 = tpu.memref_squeeze %dma_wait3A_135 : memref<1x128xi32, #tpu.memory_space<vmem>> -> memref<128xi32, #tpu.memory_space<vmem>>
      %dma_wait3A_137 = arith.constant 0 : i32
      %dma_wait3A_138 = arith.constant 0 : i32
      %dma_wait3A_139 = tpu.memref_slice %arg2[%dma_wait3A_137, %dma_wait3A_138] : memref<10000x128xbf16, #tpu.memory_space<hbm>> -> memref<10000x128xbf16, #tpu.memory_space<hbm>>
      tpu.wait_indirect_dma semaphore(%arg17 : memref<!tpu.dma_semaphore, #tpu.memory_space<semaphore_mem>>) src(%dma_wait3A_139 : memref<10000x128xbf16, #tpu.memory_space<hbm>>) dst(%arg10 : memref<128x128xbf16, #tpu.memory_space<vmem>>)
      %dma_start3A_140 = arith.constant 0 : i32
      %dma_start3A_141 = tpu.memref_slice %arg6[%add3A_133, %dma_start3A_140] : memref<79x128xi32, #tpu.memory_space<vmem>> -> memref<1x128xi32, #tpu.memory_space<vmem>>
      %dma_start3A_142 = tpu.memref_squeeze %dma_start3A_141 : memref<1x128xi32, #tpu.memory_space<vmem>> -> memref<128xi32, #tpu.memory_space<vmem>>
      %dma_start3A_143 = arith.constant 0 : i32
      %dma_start3A_144 = arith.constant 0 : i32
      %dma_start3A_145 = tpu.memref_slice %arg13[%dma_start3A_143, %dma_start3A_144] : memref<10000x128xbf16, #tpu.memory_space<vmem_shared>> -> memref<10000x128xbf16, #tpu.memory_space<vmem_shared>>
      tpu.enqueue_indirect_dma source(%arg10 : memref<128x128xbf16, #tpu.memory_space<vmem>>) target(%dma_start3A_145 : memref<10000x128xbf16, #tpu.memory_space<vmem_shared>>) offsets(%dma_start3A_142 : memref<128xi32, #tpu.memory_space<vmem>>) semaphore(%arg23 : memref<!tpu.dma_semaphore, #tpu.memory_space<semaphore_mem>>) {add = true}
      %mul3A_146 = arith.constant 6 : i32
      %mul3A_147 = arith.muli %scan3A_82, %mul3A_146 : i32
      %add3A_148 = arith.constant 4 : i32
      %add3A_149 = arith.addi %mul3A_147, %add3A_148 : i32
      %dma_wait3A_150 = arith.constant 0 : i32
      %dma_wait3A_151 = tpu.memref_slice %arg5[%add3A_149, %dma_wait3A_150] : memref<79x128xi32, #tpu.memory_space<vmem>> -> memref<1x128xi32, #tpu.memory_space<vmem>>
      %dma_wait3A_152 = tpu.memref_squeeze %dma_wait3A_151 : memref<1x128xi32, #tpu.memory_space<vmem>> -> memref<128xi32, #tpu.memory_space<vmem>>
      %dma_wait3A_153 = arith.constant 0 : i32
      %dma_wait3A_154 = arith.constant 0 : i32
      %dma_wait3A_155 = tpu.memref_slice %arg2[%dma_wait3A_153, %dma_wait3A_154] : memref<10000x128xbf16, #tpu.memory_space<hbm>> -> memref<10000x128xbf16, #tpu.memory_space<hbm>>
      tpu.wait_indirect_dma semaphore(%arg18 : memref<!tpu.dma_semaphore, #tpu.memory_space<semaphore_mem>>) src(%dma_wait3A_155 : memref<10000x128xbf16, #tpu.memory_space<hbm>>) dst(%arg11 : memref<128x128xbf16, #tpu.memory_space<vmem>>)
      %dma_start3A_156 = arith.constant 0 : i32
      %dma_start3A_157 = tpu.memref_slice %arg6[%add3A_149, %dma_start3A_156] : memref<79x128xi32, #tpu.memory_space<vmem>> -> memref<1x128xi32, #tpu.memory_space<vmem>>
      %dma_start3A_158 = tpu.memref_squeeze %dma_start3A_157 : memref<1x128xi32, #tpu.memory_space<vmem>> -> memref<128xi32, #tpu.memory_space<vmem>>
      %dma_start3A_159 = arith.constant 0 : i32
      %dma_start3A_160 = arith.constant 0 : i32
      %dma_start3A_161 = tpu.memref_slice %arg13[%dma_start3A_159, %dma_start3A_160] : memref<10000x128xbf16, #tpu.memory_space<vmem_shared>> -> memref<10000x128xbf16, #tpu.memory_space<vmem_shared>>
      tpu.enqueue_indirect_dma source(%arg11 : memref<128x128xbf16, #tpu.memory_space<vmem>>) target(%dma_start3A_161 : memref<10000x128xbf16, #tpu.memory_space<vmem_shared>>) offsets(%dma_start3A_158 : memref<128xi32, #tpu.memory_space<vmem>>) semaphore(%arg24 : memref<!tpu.dma_semaphore, #tpu.memory_space<semaphore_mem>>) {add = true}
      %mul3A_162 = arith.constant 6 : i32
      %mul3A_163 = arith.muli %scan3A_82, %mul3A_162 : i32
      %add3A_164 = arith.constant 5 : i32
      %add3A_165 = arith.addi %mul3A_163, %add3A_164 : i32
      %dma_wait3A_166 = arith.constant 0 : i32
      %dma_wait3A_167 = tpu.memref_slice %arg5[%add3A_165, %dma_wait3A_166] : memref<79x128xi32, #tpu.memory_space<vmem>> -> memref<1x128xi32, #tpu.memory_space<vmem>>
      %dma_wait3A_168 = tpu.memref_squeeze %dma_wait3A_167 : memref<1x128xi32, #tpu.memory_space<vmem>> -> memref<128xi32, #tpu.memory_space<vmem>>
      %dma_wait3A_169 = arith.constant 0 : i32
      %dma_wait3A_170 = arith.constant 0 : i32
      %dma_wait3A_171 = tpu.memref_slice %arg2[%dma_wait3A_169, %dma_wait3A_170] : memref<10000x128xbf16, #tpu.memory_space<hbm>> -> memref<10000x128xbf16, #tpu.memory_space<hbm>>
      tpu.wait_indirect_dma semaphore(%arg19 : memref<!tpu.dma_semaphore, #tpu.memory_space<semaphore_mem>>) src(%dma_wait3A_171 : memref<10000x128xbf16, #tpu.memory_space<hbm>>) dst(%arg12 : memref<128x128xbf16, #tpu.memory_space<vmem>>)
      %dma_start3A_172 = arith.constant 0 : i32
      %dma_start3A_173 = tpu.memref_slice %arg6[%add3A_165, %dma_start3A_172] : memref<79x128xi32, #tpu.memory_space<vmem>> -> memref<1x128xi32, #tpu.memory_space<vmem>>
      %dma_start3A_174 = tpu.memref_squeeze %dma_start3A_173 : memref<1x128xi32, #tpu.memory_space<vmem>> -> memref<128xi32, #tpu.memory_space<vmem>>
      %dma_start3A_175 = arith.constant 0 : i32
      %dma_start3A_176 = arith.constant 0 : i32
      %dma_start3A_177 = tpu.memref_slice %arg13[%dma_start3A_175, %dma_start3A_176] : memref<10000x128xbf16, #tpu.memory_space<vmem_shared>> -> memref<10000x128xbf16, #tpu.memory_space<vmem_shared>>
      tpu.enqueue_indirect_dma source(%arg12 : memref<128x128xbf16, #tpu.memory_space<vmem>>) target(%dma_start3A_177 : memref<10000x128xbf16, #tpu.memory_space<vmem_shared>>) offsets(%dma_start3A_174 : memref<128xi32, #tpu.memory_space<vmem>>) semaphore(%arg25 : memref<!tpu.dma_semaphore, #tpu.memory_space<semaphore_mem>>) {add = true}
      %dma_wait3A_178 = arith.constant 0 : i32
      %dma_wait3A_179 = tpu.memref_slice %arg6[%add3A_86, %dma_wait3A_178] : memref<79x128xi32, #tpu.memory_space<vmem>> -> memref<1x128xi32, #tpu.memory_space<vmem>>
      %dma_wait3A_180 = tpu.memref_squeeze %dma_wait3A_179 : memref<1x128xi32, #tpu.memory_space<vmem>> -> memref<128xi32, #tpu.memory_space<vmem>>
      %dma_wait3A_181 = arith.constant 0 : i32
      %dma_wait3A_182 = arith.constant 0 : i32
      %dma_wait3A_183 = tpu.memref_slice %arg13[%dma_wait3A_181, %dma_wait3A_182] : memref<10000x128xbf16, #tpu.memory_space<vmem_shared>> -> memref<10000x128xbf16, #tpu.memory_space<vmem_shared>>
      tpu.wait_indirect_dma semaphore(%arg20 : memref<!tpu.dma_semaphore, #tpu.memory_space<semaphore_mem>>) src(%arg7 : memref<128x128xbf16, #tpu.memory_space<vmem>>) dst(%dma_wait3A_183 : memref<10000x128xbf16, #tpu.memory_space<vmem_shared>>)
      %mul3A_184 = arith.constant 6 : i32
      %mul3A_185 = arith.muli %scan3A_82, %mul3A_184 : i32
      %add3A_186 = arith.constant 0 : i32
      %add3A_187 = arith.addi %mul3A_185, %add3A_186 : i32
      %add3A_188 = arith.constant 6 : i32
      %add3A_189 = arith.addi %add3A_187, %add3A_188 : i32
      %lt3A_190 = arith.constant 78 : i32
      %lt3A_191 = arith.cmpi slt, %add3A_189, %lt3A_190 : i32
      %convert_element_type3A_192 = arith.extui %lt3A_191 : i1 to i32
      %cond3A_193 = arith.constant 0 : i32
      %cond3A_194 = arith.cmpi ne, %convert_element_type3A_192, %cond3A_193 : i32
      scf.if %cond3A_194 {
        %dma_start3A_280 = arith.constant 0 : i32
        %dma_start3A_281 = tpu.memref_slice %arg5[%add3A_189, %dma_start3A_280] : memref<79x128xi32, #tpu.memory_space<vmem>> -> memref<1x128xi32, #tpu.memory_space<vmem>>
        %dma_start3A_282 = tpu.memref_squeeze %dma_start3A_281 : memref<1x128xi32, #tpu.memory_space<vmem>> -> memref<128xi32, #tpu.memory_space<vmem>>
        %dma_start3A_283 = arith.constant 0 : i32
        %dma_start3A_284 = arith.constant 0 : i32
        %dma_start3A_285 = tpu.memref_slice %arg2[%dma_start3A_283, %dma_start3A_284] : memref<10000x128xbf16, #tpu.memory_space<hbm>> -> memref<10000x128xbf16, #tpu.memory_space<hbm>>
        tpu.enqueue_indirect_dma source(%dma_start3A_285 : memref<10000x128xbf16, #tpu.memory_space<hbm>>) target(%arg7 : memref<128x128xbf16, #tpu.memory_space<vmem>>) offsets(%dma_start3A_282 : memref<128xi32, #tpu.memory_space<vmem>>) semaphore(%arg14 : memref<!tpu.dma_semaphore, #tpu.memory_space<semaphore_mem>>)
      } else {
      }
      %dma_wait3A_195 = arith.constant 0 : i32
      %dma_wait3A_196 = tpu.memref_slice %arg6[%add3A_101, %dma_wait3A_195] : memref<79x128xi32, #tpu.memory_space<vmem>> -> memref<1x128xi32, #tpu.memory_space<vmem>>
      %dma_wait3A_197 = tpu.memref_squeeze %dma_wait3A_196 : memref<1x128xi32, #tpu.memory_space<vmem>> -> memref<128xi32, #tpu.memory_space<vmem>>
      %dma_wait3A_198 = arith.constant 0 : i32
      %dma_wait3A_199 = arith.constant 0 : i32
      %dma_wait3A_200 = tpu.memref_slice %arg13[%dma_wait3A_198, %dma_wait3A_199] : memref<10000x128xbf16, #tpu.memory_space<vmem_shared>> -> memref<10000x128xbf16, #tpu.memory_space<vmem_shared>>
      tpu.wait_indirect_dma semaphore(%arg21 : memref<!tpu.dma_semaphore, #tpu.memory_space<semaphore_mem>>) src(%arg8 : memref<128x128xbf16, #tpu.memory_space<vmem>>) dst(%dma_wait3A_200 : memref<10000x128xbf16, #tpu.memory_space<vmem_shared>>)
      %mul3A_201 = arith.constant 6 : i32
      %mul3A_202 = arith.muli %scan3A_82, %mul3A_201 : i32
      %add3A_203 = arith.constant 1 : i32
      %add3A_204 = arith.addi %mul3A_202, %add3A_203 : i32
      %add3A_205 = arith.constant 6 : i32
      %add3A_206 = arith.addi %add3A_204, %add3A_205 : i32
      %lt3A_207 = arith.constant 78 : i32
      %lt3A_208 = arith.cmpi slt, %add3A_206, %lt3A_207 : i32
      %convert_element_type3A_209 = arith.extui %lt3A_208 : i1 to i32
      %cond3A_210 = arith.constant 0 : i32
      %cond3A_211 = arith.cmpi ne, %convert_element_type3A_209, %cond3A_210 : i32
      scf.if %cond3A_211 {
        %dma_start3A_280 = arith.constant 0 : i32
        %dma_start3A_281 = tpu.memref_slice %arg5[%add3A_206, %dma_start3A_280] : memref<79x128xi32, #tpu.memory_space<vmem>> -> memref<1x128xi32, #tpu.memory_space<vmem>>
        %dma_start3A_282 = tpu.memref_squeeze %dma_start3A_281 : memref<1x128xi32, #tpu.memory_space<vmem>> -> memref<128xi32, #tpu.memory_space<vmem>>
        %dma_start3A_283 = arith.constant 0 : i32
        %dma_start3A_284 = arith.constant 0 : i32
        %dma_start3A_285 = tpu.memref_slice %arg2[%dma_start3A_283, %dma_start3A_284] : memref<10000x128xbf16, #tpu.memory_space<hbm>> -> memref<10000x128xbf16, #tpu.memory_space<hbm>>
        tpu.enqueue_indirect_dma source(%dma_start3A_285 : memref<10000x128xbf16, #tpu.memory_space<hbm>>) target(%arg8 : memref<128x128xbf16, #tpu.memory_space<vmem>>) offsets(%dma_start3A_282 : memref<128xi32, #tpu.memory_space<vmem>>) semaphore(%arg15 : memref<!tpu.dma_semaphore, #tpu.memory_space<semaphore_mem>>)
      } else {
      }
      %dma_wait3A_212 = arith.constant 0 : i32
      %dma_wait3A_213 = tpu.memref_slice %arg6[%add3A_117, %dma_wait3A_212] : memref<79x128xi32, #tpu.memory_space<vmem>> -> memref<1x128xi32, #tpu.memory_space<vmem>>
      %dma_wait3A_214 = tpu.memref_squeeze %dma_wait3A_213 : memref<1x128xi32, #tpu.memory_space<vmem>> -> memref<128xi32, #tpu.memory_space<vmem>>
      %dma_wait3A_215 = arith.constant 0 : i32
      %dma_wait3A_216 = arith.constant 0 : i32
      %dma_wait3A_217 = tpu.memref_slice %arg13[%dma_wait3A_215, %dma_wait3A_216] : memref<10000x128xbf16, #tpu.memory_space<vmem_shared>> -> memref<10000x128xbf16, #tpu.memory_space<vmem_shared>>
      tpu.wait_indirect_dma semaphore(%arg22 : memref<!tpu.dma_semaphore, #tpu.memory_space<semaphore_mem>>) src(%arg9 : memref<128x128xbf16, #tpu.memory_space<vmem>>) dst(%dma_wait3A_217 : memref<10000x128xbf16, #tpu.memory_space<vmem_shared>>)
      %mul3A_218 = arith.constant 6 : i32
      %mul3A_219 = arith.muli %scan3A_82, %mul3A_218 : i32
      %add3A_220 = arith.constant 2 : i32
      %add3A_221 = arith.addi %mul3A_219, %add3A_220 : i32
      %add3A_222 = arith.constant 6 : i32
      %add3A_223 = arith.addi %add3A_221, %add3A_222 : i32
      %lt3A_224 = arith.constant 78 : i32
      %lt3A_225 = arith.cmpi slt, %add3A_223, %lt3A_224 : i32
      %convert_element_type3A_226 = arith.extui %lt3A_225 : i1 to i32
      %cond3A_227 = arith.constant 0 : i32
      %cond3A_228 = arith.cmpi ne, %convert_element_type3A_226, %cond3A_227 : i32
      scf.if %cond3A_228 {
        %dma_start3A_280 = arith.constant 0 : i32
        %dma_start3A_281 = tpu.memref_slice %arg5[%add3A_223, %dma_start3A_280] : memref<79x128xi32, #tpu.memory_space<vmem>> -> memref<1x128xi32, #tpu.memory_space<vmem>>
        %dma_start3A_282 = tpu.memref_squeeze %dma_start3A_281 : memref<1x128xi32, #tpu.memory_space<vmem>> -> memref<128xi32, #tpu.memory_space<vmem>>
        %dma_start3A_283 = arith.constant 0 : i32
        %dma_start3A_284 = arith.constant 0 : i32
        %dma_start3A_285 = tpu.memref_slice %arg2[%dma_start3A_283, %dma_start3A_284] : memref<10000x128xbf16, #tpu.memory_space<hbm>> -> memref<10000x128xbf16, #tpu.memory_space<hbm>>
        tpu.enqueue_indirect_dma source(%dma_start3A_285 : memref<10000x128xbf16, #tpu.memory_space<hbm>>) target(%arg9 : memref<128x128xbf16, #tpu.memory_space<vmem>>) offsets(%dma_start3A_282 : memref<128xi32, #tpu.memory_space<vmem>>) semaphore(%arg16 : memref<!tpu.dma_semaphore, #tpu.memory_space<semaphore_mem>>)
      } else {
      }
      %dma_wait3A_229 = arith.constant 0 : i32
      %dma_wait3A_230 = tpu.memref_slice %arg6[%add3A_133, %dma_wait3A_229] : memref<79x128xi32, #tpu.memory_space<vmem>> -> memref<1x128xi32, #tpu.memory_space<vmem>>
      %dma_wait3A_231 = tpu.memref_squeeze %dma_wait3A_230 : memref<1x128xi32, #tpu.memory_space<vmem>> -> memref<128xi32, #tpu.memory_space<vmem>>
      %dma_wait3A_232 = arith.constant 0 : i32
      %dma_wait3A_233 = arith.constant 0 : i32
      %dma_wait3A_234 = tpu.memref_slice %arg13[%dma_wait3A_232, %dma_wait3A_233] : memref<10000x128xbf16, #tpu.memory_space<vmem_shared>> -> memref<10000x128xbf16, #tpu.memory_space<vmem_shared>>
      tpu.wait_indirect_dma semaphore(%arg23 : memref<!tpu.dma_semaphore, #tpu.memory_space<semaphore_mem>>) src(%arg10 : memref<128x128xbf16, #tpu.memory_space<vmem>>) dst(%dma_wait3A_234 : memref<10000x128xbf16, #tpu.memory_space<vmem_shared>>)
      %mul3A_235 = arith.constant 6 : i32
      %mul3A_236 = arith.muli %scan3A_82, %mul3A_235 : i32
      %add3A_237 = arith.constant 3 : i32
      %add3A_238 = arith.addi %mul3A_236, %add3A_237 : i32
      %add3A_239 = arith.constant 6 : i32
      %add3A_240 = arith.addi %add3A_238, %add3A_239 : i32
      %lt3A_241 = arith.constant 78 : i32
      %lt3A_242 = arith.cmpi slt, %add3A_240, %lt3A_241 : i32
      %convert_element_type3A_243 = arith.extui %lt3A_242 : i1 to i32
      %cond3A_244 = arith.constant 0 : i32
      %cond3A_245 = arith.cmpi ne, %convert_element_type3A_243, %cond3A_244 : i32
      scf.if %cond3A_245 {
        %dma_start3A_280 = arith.constant 0 : i32
        %dma_start3A_281 = tpu.memref_slice %arg5[%add3A_240, %dma_start3A_280] : memref<79x128xi32, #tpu.memory_space<vmem>> -> memref<1x128xi32, #tpu.memory_space<vmem>>
        %dma_start3A_282 = tpu.memref_squeeze %dma_start3A_281 : memref<1x128xi32, #tpu.memory_space<vmem>> -> memref<128xi32, #tpu.memory_space<vmem>>
        %dma_start3A_283 = arith.constant 0 : i32
        %dma_start3A_284 = arith.constant 0 : i32
        %dma_start3A_285 = tpu.memref_slice %arg2[%dma_start3A_283, %dma_start3A_284] : memref<10000x128xbf16, #tpu.memory_space<hbm>> -> memref<10000x128xbf16, #tpu.memory_space<hbm>>
        tpu.enqueue_indirect_dma source(%dma_start3A_285 : memref<10000x128xbf16, #tpu.memory_space<hbm>>) target(%arg10 : memref<128x128xbf16, #tpu.memory_space<vmem>>) offsets(%dma_start3A_282 : memref<128xi32, #tpu.memory_space<vmem>>) semaphore(%arg17 : memref<!tpu.dma_semaphore, #tpu.memory_space<semaphore_mem>>)
      } else {
      }
      %dma_wait3A_246 = arith.constant 0 : i32
      %dma_wait3A_247 = tpu.memref_slice %arg6[%add3A_149, %dma_wait3A_246] : memref<79x128xi32, #tpu.memory_space<vmem>> -> memref<1x128xi32, #tpu.memory_space<vmem>>
      %dma_wait3A_248 = tpu.memref_squeeze %dma_wait3A_247 : memref<1x128xi32, #tpu.memory_space<vmem>> -> memref<128xi32, #tpu.memory_space<vmem>>
      %dma_wait3A_249 = arith.constant 0 : i32
      %dma_wait3A_250 = arith.constant 0 : i32
      %dma_wait3A_251 = tpu.memref_slice %arg13[%dma_wait3A_249, %dma_wait3A_250] : memref<10000x128xbf16, #tpu.memory_space<vmem_shared>> -> memref<10000x128xbf16, #tpu.memory_space<vmem_shared>>
      tpu.wait_indirect_dma semaphore(%arg24 : memref<!tpu.dma_semaphore, #tpu.memory_space<semaphore_mem>>) src(%arg11 : memref<128x128xbf16, #tpu.memory_space<vmem>>) dst(%dma_wait3A_251 : memref<10000x128xbf16, #tpu.memory_space<vmem_shared>>)
      %mul3A_252 = arith.constant 6 : i32
      %mul3A_253 = arith.muli %scan3A_82, %mul3A_252 : i32
      %add3A_254 = arith.constant 4 : i32
      %add3A_255 = arith.addi %mul3A_253, %add3A_254 : i32
      %add3A_256 = arith.constant 6 : i32
      %add3A_257 = arith.addi %add3A_255, %add3A_256 : i32
      %lt3A_258 = arith.constant 78 : i32
      %lt3A_259 = arith.cmpi slt, %add3A_257, %lt3A_258 : i32
      %convert_element_type3A_260 = arith.extui %lt3A_259 : i1 to i32
      %cond3A_261 = arith.constant 0 : i32
      %cond3A_262 = arith.cmpi ne, %convert_element_type3A_260, %cond3A_261 : i32
      scf.if %cond3A_262 {
        %dma_start3A_280 = arith.constant 0 : i32
        %dma_start3A_281 = tpu.memref_slice %arg5[%add3A_257, %dma_start3A_280] : memref<79x128xi32, #tpu.memory_space<vmem>> -> memref<1x128xi32, #tpu.memory_space<vmem>>
        %dma_start3A_282 = tpu.memref_squeeze %dma_start3A_281 : memref<1x128xi32, #tpu.memory_space<vmem>> -> memref<128xi32, #tpu.memory_space<vmem>>
        %dma_start3A_283 = arith.constant 0 : i32
        %dma_start3A_284 = arith.constant 0 : i32
        %dma_start3A_285 = tpu.memref_slice %arg2[%dma_start3A_283, %dma_start3A_284] : memref<10000x128xbf16, #tpu.memory_space<hbm>> -> memref<10000x128xbf16, #tpu.memory_space<hbm>>
        tpu.enqueue_indirect_dma source(%dma_start3A_285 : memref<10000x128xbf16, #tpu.memory_space<hbm>>) target(%arg11 : memref<128x128xbf16, #tpu.memory_space<vmem>>) offsets(%dma_start3A_282 : memref<128xi32, #tpu.memory_space<vmem>>) semaphore(%arg18 : memref<!tpu.dma_semaphore, #tpu.memory_space<semaphore_mem>>)
      } else {
      }
      %dma_wait3A_263 = arith.constant 0 : i32
      %dma_wait3A_264 = tpu.memref_slice %arg6[%add3A_165, %dma_wait3A_263] : memref<79x128xi32, #tpu.memory_space<vmem>> -> memref<1x128xi32, #tpu.memory_space<vmem>>
      %dma_wait3A_265 = tpu.memref_squeeze %dma_wait3A_264 : memref<1x128xi32, #tpu.memory_space<vmem>> -> memref<128xi32, #tpu.memory_space<vmem>>
      %dma_wait3A_266 = arith.constant 0 : i32
      %dma_wait3A_267 = arith.constant 0 : i32
      %dma_wait3A_268 = tpu.memref_slice %arg13[%dma_wait3A_266, %dma_wait3A_267] : memref<10000x128xbf16, #tpu.memory_space<vmem_shared>> -> memref<10000x128xbf16, #tpu.memory_space<vmem_shared>>
      tpu.wait_indirect_dma semaphore(%arg25 : memref<!tpu.dma_semaphore, #tpu.memory_space<semaphore_mem>>) src(%arg12 : memref<128x128xbf16, #tpu.memory_space<vmem>>) dst(%dma_wait3A_268 : memref<10000x128xbf16, #tpu.memory_space<vmem_shared>>)
      %mul3A_269 = arith.constant 6 : i32
      %mul3A_270 = arith.muli %scan3A_82, %mul3A_269 : i32
      %add3A_271 = arith.constant 5 : i32
      %add3A_272 = arith.addi %mul3A_270, %add3A_271 : i32
      %add3A_273 = arith.constant 6 : i32
      %add3A_274 = arith.addi %add3A_272, %add3A_273 : i32
      %lt3A_275 = arith.constant 78 : i32
      %lt3A_276 = arith.cmpi slt, %add3A_274, %lt3A_275 : i32
      %convert_element_type3A_277 = arith.extui %lt3A_276 : i1 to i32
      %cond3A_278 = arith.constant 0 : i32
      %cond3A_279 = arith.cmpi ne, %convert_element_type3A_277, %cond3A_278 : i32
      scf.if %cond3A_279 {
        %dma_start3A_280 = arith.constant 0 : i32
        %dma_start3A_281 = tpu.memref_slice %arg5[%add3A_274, %dma_start3A_280] : memref<79x128xi32, #tpu.memory_space<vmem>> -> memref<1x128xi32, #tpu.memory_space<vmem>>
        %dma_start3A_282 = tpu.memref_squeeze %dma_start3A_281 : memref<1x128xi32, #tpu.memory_space<vmem>> -> memref<128xi32, #tpu.memory_space<vmem>>
        %dma_start3A_283 = arith.constant 0 : i32
        %dma_start3A_284 = arith.constant 0 : i32
        %dma_start3A_285 = tpu.memref_slice %arg2[%dma_start3A_283, %dma_start3A_284] : memref<10000x128xbf16, #tpu.memory_space<hbm>> -> memref<10000x128xbf16, #tpu.memory_space<hbm>>
        tpu.enqueue_indirect_dma source(%dma_start3A_285 : memref<10000x128xbf16, #tpu.memory_space<hbm>>) target(%arg12 : memref<128x128xbf16, #tpu.memory_space<vmem>>) offsets(%dma_start3A_282 : memref<128xi32, #tpu.memory_space<vmem>>) semaphore(%arg19 : memref<!tpu.dma_semaphore, #tpu.memory_space<semaphore_mem>>)
      } else {
      }
    }
    %scan3A_68 = arith.constant 13 : i32
    %lt3A = arith.constant 4 : i32
    %lt3A_69 = arith.cmpi slt, %add3A, %lt3A : i32
    %convert_element_type3A = arith.extui %lt3A_69 : i1 to i32
    %cond3A = arith.constant 0 : i32
    %cond3A_70 = arith.cmpi ne, %convert_element_type3A, %cond3A : i32
    scf.if %cond3A_70 {
      %add3A_82 = arith.constant 2496 : i32
      %add3A_83 = arith.addi %add3A_82, %add3A : i32
      %run_scoped3A_84 = arith.constant 0 : i32
      %run_scoped3A_85 = arith.constant 78 : i32
      "tpu.region"() ({
        %run_scoped3A_102 = tpu.sem_alloc : memref<!tpu.dma_semaphore, #tpu.memory_space<semaphore_mem>>
        %dma_start3A_103 = arith.constant 0 : i32
        %dma_start3A_104 = tpu.memref_slice %arg5[%run_scoped3A_85, %dma_start3A_103] : memref<79x128xi32, #tpu.memory_space<vmem>> -> memref<1x128xi32, #tpu.memory_space<vmem>>
        %dma_start3A_105 = tpu.memref_squeeze %dma_start3A_104 : memref<1x128xi32, #tpu.memory_space<vmem>> -> memref<128xi32, #tpu.memory_space<vmem>>
        %dma_start3A_106 = arith.constant 0 : i32
        %dma_start3A_107 = tpu.memref_slice %arg3[%run_scoped3A_84, %add3A_83, %dma_start3A_106] : memref<2x2500x128xi32, #tpu.memory_space<hbm>> -> memref<1x1x128xi32, #tpu.memory_space<hbm>>
        %dma_start3A_108 = tpu.memref_squeeze %dma_start3A_107 : memref<1x1x128xi32, #tpu.memory_space<hbm>> -> memref<128xi32, #tpu.memory_space<hbm>>
        %dma_start3A_109 = arith.constant 0 : i32
        %dma_start3A_110 = tpu.memref_slice %arg5[%run_scoped3A_85, %dma_start3A_109] : memref<79x128xi32, #tpu.memory_space<vmem>> -> memref<1x128xi32, #tpu.memory_space<vmem>>
        %dma_start3A_111 = tpu.memref_squeeze %dma_start3A_110 : memref<1x128xi32, #tpu.memory_space<vmem>> -> memref<128xi32, #tpu.memory_space<vmem>>
        %dma_start3A_112 = arith.constant 0 : i32
        %dma_start3A_113 = tpu.memref_slice %arg3[%run_scoped3A_84, %add3A_83, %dma_start3A_112] : memref<2x2500x128xi32, #tpu.memory_space<hbm>> -> memref<1x1x128xi32, #tpu.memory_space<hbm>>
        %dma_start3A_114 = tpu.memref_squeeze %dma_start3A_113 : memref<1x1x128xi32, #tpu.memory_space<hbm>> -> memref<128xi32, #tpu.memory_space<hbm>>
        tpu.enqueue_dma source(%dma_start3A_114 : memref<128xi32, #tpu.memory_space<hbm>>) target(%dma_start3A_111 : memref<128xi32, #tpu.memory_space<vmem>>) target_semaphore(%run_scoped3A_102 : memref<!tpu.dma_semaphore, #tpu.memory_space<semaphore_mem>>)
        %dma_wait3A_115 = arith.constant 0 : i32
        %dma_wait3A_116 = tpu.memref_slice %arg5[%run_scoped3A_85, %dma_wait3A_115] : memref<79x128xi32, #tpu.memory_space<vmem>> -> memref<1x128xi32, #tpu.memory_space<vmem>>
        %dma_wait3A_117 = tpu.memref_squeeze %dma_wait3A_116 : memref<1x128xi32, #tpu.memory_space<vmem>> -> memref<128xi32, #tpu.memory_space<vmem>>
        %dma_wait3A_118 = arith.constant 0 : i32
        %dma_wait3A_119 = tpu.memref_slice %arg3[%run_scoped3A_84, %add3A_83, %dma_wait3A_118] : memref<2x2500x128xi32, #tpu.memory_space<hbm>> -> memref<1x1x128xi32, #tpu.memory_space<hbm>>
        %dma_wait3A_120 = tpu.memref_squeeze %dma_wait3A_119 : memref<1x1x128xi32, #tpu.memory_space<hbm>> -> memref<128xi32, #tpu.memory_space<hbm>>
        %dma_wait3A_121 = arith.constant 0 : i32
        %dma_wait3A_122 = tpu.memref_slice %arg5[%run_scoped3A_85, %dma_wait3A_121] : memref<79x128xi32, #tpu.memory_space<vmem>> -> memref<1x128xi32, #tpu.memory_space<vmem>>
        %dma_wait3A_123 = tpu.memref_squeeze %dma_wait3A_122 : memref<1x128xi32, #tpu.memory_space<vmem>> -> memref<128xi32, #tpu.memory_space<vmem>>
        %dma_wait3A_124 = arith.constant 0 : i32
        %dma_wait3A_125 = tpu.memref_slice %arg3[%run_scoped3A_84, %add3A_83, %dma_wait3A_124] : memref<2x2500x128xi32, #tpu.memory_space<hbm>> -> memref<1x1x128xi32, #tpu.memory_space<hbm>>
        %dma_wait3A_126 = tpu.memref_squeeze %dma_wait3A_125 : memref<1x1x128xi32, #tpu.memory_space<hbm>> -> memref<128xi32, #tpu.memory_space<hbm>>
        tpu.wait_dma2 semaphore(%run_scoped3A_102 : memref<!tpu.dma_semaphore, #tpu.memory_space<semaphore_mem>>) src(%dma_wait3A_126 : memref<128xi32, #tpu.memory_space<hbm>>) dst(%dma_wait3A_123 : memref<128xi32, #tpu.memory_space<vmem>>)
        tpu.yield
      }) : () -> ()
      %run_scoped3A_86 = arith.constant 1 : i32
      %run_scoped3A_87 = arith.constant 78 : i32
      "tpu.region"() ({
        %run_scoped3A_102 = tpu.sem_alloc : memref<!tpu.dma_semaphore, #tpu.memory_space<semaphore_mem>>
        %dma_start3A_103 = arith.constant 0 : i32
        %dma_start3A_104 = tpu.memref_slice %arg6[%run_scoped3A_87, %dma_start3A_103] : memref<79x128xi32, #tpu.memory_space<vmem>> -> memref<1x128xi32, #tpu.memory_space<vmem>>
        %dma_start3A_105 = tpu.memref_squeeze %dma_start3A_104 : memref<1x128xi32, #tpu.memory_space<vmem>> -> memref<128xi32, #tpu.memory_space<vmem>>
        %dma_start3A_106 = arith.constant 0 : i32
        %dma_start3A_107 = tpu.memref_slice %arg3[%run_scoped3A_86, %add3A_83, %dma_start3A_106] : memref<2x2500x128xi32, #tpu.memory_space<hbm>> -> memref<1x1x128xi32, #tpu.memory_space<hbm>>
        %dma_start3A_108 = tpu.memref_squeeze %dma_start3A_107 : memref<1x1x128xi32, #tpu.memory_space<hbm>> -> memref<128xi32, #tpu.memory_space<hbm>>
        %dma_start3A_109 = arith.constant 0 : i32
        %dma_start3A_110 = tpu.memref_slice %arg6[%run_scoped3A_87, %dma_start3A_109] : memref<79x128xi32, #tpu.memory_space<vmem>> -> memref<1x128xi32, #tpu.memory_space<vmem>>
        %dma_start3A_111 = tpu.memref_squeeze %dma_start3A_110 : memref<1x128xi32, #tpu.memory_space<vmem>> -> memref<128xi32, #tpu.memory_space<vmem>>
        %dma_start3A_112 = arith.constant 0 : i32
        %dma_start3A_113 = tpu.memref_slice %arg3[%run_scoped3A_86, %add3A_83, %dma_start3A_112] : memref<2x2500x128xi32, #tpu.memory_space<hbm>> -> memref<1x1x128xi32, #tpu.memory_space<hbm>>
        %dma_start3A_114 = tpu.memref_squeeze %dma_start3A_113 : memref<1x1x128xi32, #tpu.memory_space<hbm>> -> memref<128xi32, #tpu.memory_space<hbm>>
        tpu.enqueue_dma source(%dma_start3A_114 : memref<128xi32, #tpu.memory_space<hbm>>) target(%dma_start3A_111 : memref<128xi32, #tpu.memory_space<vmem>>) target_semaphore(%run_scoped3A_102 : memref<!tpu.dma_semaphore, #tpu.memory_space<semaphore_mem>>)
        %dma_wait3A_115 = arith.constant 0 : i32
        %dma_wait3A_116 = tpu.memref_slice %arg6[%run_scoped3A_87, %dma_wait3A_115] : memref<79x128xi32, #tpu.memory_space<vmem>> -> memref<1x128xi32, #tpu.memory_space<vmem>>
        %dma_wait3A_117 = tpu.memref_squeeze %dma_wait3A_116 : memref<1x128xi32, #tpu.memory_space<vmem>> -> memref<128xi32, #tpu.memory_space<vmem>>
        %dma_wait3A_118 = arith.constant 0 : i32
        %dma_wait3A_119 = tpu.memref_slice %arg3[%run_scoped3A_86, %add3A_83, %dma_wait3A_118] : memref<2x2500x128xi32, #tpu.memory_space<hbm>> -> memref<1x1x128xi32, #tpu.memory_space<hbm>>
        %dma_wait3A_120 = tpu.memref_squeeze %dma_wait3A_119 : memref<1x1x128xi32, #tpu.memory_space<hbm>> -> memref<128xi32, #tpu.memory_space<hbm>>
        %dma_wait3A_121 = arith.constant 0 : i32
        %dma_wait3A_122 = tpu.memref_slice %arg6[%run_scoped3A_87, %dma_wait3A_121] : memref<79x128xi32, #tpu.memory_space<vmem>> -> memref<1x128xi32, #tpu.memory_space<vmem>>
        %dma_wait3A_123 = tpu.memref_squeeze %dma_wait3A_122 : memref<1x128xi32, #tpu.memory_space<vmem>> -> memref<128xi32, #tpu.memory_space<vmem>>
        %dma_wait3A_124 = arith.constant 0 : i32
        %dma_wait3A_125 = tpu.memref_slice %arg3[%run_scoped3A_86, %add3A_83, %dma_wait3A_124] : memref<2x2500x128xi32, #tpu.memory_space<hbm>> -> memref<1x1x128xi32, #tpu.memory_space<hbm>>
        %dma_wait3A_126 = tpu.memref_squeeze %dma_wait3A_125 : memref<1x1x128xi32, #tpu.memory_space<hbm>> -> memref<128xi32, #tpu.memory_space<hbm>>
        tpu.wait_dma2 semaphore(%run_scoped3A_102 : memref<!tpu.dma_semaphore, #tpu.memory_space<semaphore_mem>>) src(%dma_wait3A_126 : memref<128xi32, #tpu.memory_space<hbm>>) dst(%dma_wait3A_123 : memref<128xi32, #tpu.memory_space<vmem>>)
        tpu.yield
      }) : () -> ()
      %dma_start3A_88 = arith.constant 78 : i32
      %dma_start3A_89 = arith.constant 0 : i32
      %dma_start3A_90 = tpu.memref_slice %arg5[%dma_start3A_88, %dma_start3A_89] : memref<79x128xi32, #tpu.memory_space<vmem>> -> memref<1x128xi32, #tpu.memory_space<vmem>>
      %dma_start3A_91 = tpu.memref_squeeze %dma_start3A_90 : memref<1x128xi32, #tpu.memory_space<vmem>> -> memref<128xi32, #tpu.memory_space<vmem>>
      %dma_start3A_92 = arith.constant 0 : i32
      %dma_start3A_93 = arith.constant 0 : i32
      %dma_start3A_94 = tpu.memref_slice %arg2[%dma_start3A_92, %dma_start3A_93] : memref<10000x128xbf16, #tpu.memory_space<hbm>> -> memref<10000x128xbf16, #tpu.memory_space<hbm>>
      tpu.enqueue_indirect_dma source(%dma_start3A_94 : memref<10000x128xbf16, #tpu.memory_space<hbm>>) target(%arg7 : memref<128x128xbf16, #tpu.memory_space<vmem>>) offsets(%dma_start3A_91 : memref<128xi32, #tpu.memory_space<vmem>>) semaphore(%arg14 : memref<!tpu.dma_semaphore, #tpu.memory_space<semaphore_mem>>)
      %dma_wait3A = arith.constant 78 : i32
      %dma_wait3A_95 = arith.constant 0 : i32
      %dma_wait3A_96 = tpu.memref_slice %arg5[%dma_wait3A, %dma_wait3A_95] : memref<79x128xi32, #tpu.memory_space<vmem>> -> memref<1x128xi32, #tpu.memory_space<vmem>>
      %dma_wait3A_97 = tpu.memref_squeeze %dma_wait3A_96 : memref<1x128xi32, #tpu.memory_space<vmem>> -> memref<128xi32, #tpu.memory_space<vmem>>
      %dma_wait3A_98 = arith.constant 0 : i32
      %dma_wait3A_99 = arith.constant 0 : i32
      %dma_wait3A_100 = tpu.memref_slice %arg2[%dma_wait3A_98, %dma_wait3A_99] : memref<10000x128xbf16, #tpu.memory_space<hbm>> -> memref<10000x128xbf16, #tpu.memory_space<hbm>>
      tpu.wait_indirect_dma semaphore(%arg14 : memref<!tpu.dma_semaphore, #tpu.memory_space<semaphore_mem>>) src(%dma_wait3A_100 : memref<10000x128xbf16, #tpu.memory_space<hbm>>) dst(%arg7 : memref<128x128xbf16, #tpu.memory_space<vmem>>)
      %run_scoped3A_101 = arith.constant 78 : i32
      "tpu.region"() ({
        %run_scoped3A_102 = tpu.sem_alloc : memref<!tpu.dma_semaphore, #tpu.memory_space<semaphore_mem>>
        %dma_start3A_103 = arith.constant 0 : i32
        %dma_start3A_104 = tpu.memref_slice %arg6[%run_scoped3A_101, %dma_start3A_103] : memref<79x128xi32, #tpu.memory_space<vmem>> -> memref<1x128xi32, #tpu.memory_space<vmem>>
        %dma_start3A_105 = tpu.memref_squeeze %dma_start3A_104 : memref<1x128xi32, #tpu.memory_space<vmem>> -> memref<128xi32, #tpu.memory_space<vmem>>
        %dma_start3A_106 = arith.constant 0 : i32
        %dma_start3A_107 = arith.constant 0 : i32
        %dma_start3A_108 = tpu.memref_slice %arg13[%dma_start3A_106, %dma_start3A_107] : memref<10000x128xbf16, #tpu.memory_space<vmem_shared>> -> memref<10000x128xbf16, #tpu.memory_space<vmem_shared>>
        tpu.enqueue_indirect_dma source(%arg7 : memref<128x128xbf16, #tpu.memory_space<vmem>>) target(%dma_start3A_108 : memref<10000x128xbf16, #tpu.memory_space<vmem_shared>>) offsets(%dma_start3A_105 : memref<128xi32, #tpu.memory_space<vmem>>) semaphore(%run_scoped3A_102 : memref<!tpu.dma_semaphore, #tpu.memory_space<semaphore_mem>>) {add = true}
        %dma_wait3A_109 = arith.constant 0 : i32
        %dma_wait3A_110 = tpu.memref_slice %arg6[%run_scoped3A_101, %dma_wait3A_109] : memref<79x128xi32, #tpu.memory_space<vmem>> -> memref<1x128xi32, #tpu.memory_space<vmem>>
        %dma_wait3A_111 = tpu.memref_squeeze %dma_wait3A_110 : memref<1x128xi32, #tpu.memory_space<vmem>> -> memref<128xi32, #tpu.memory_space<vmem>>
        %dma_wait3A_112 = arith.constant 0 : i32
        %dma_wait3A_113 = arith.constant 0 : i32
        %dma_wait3A_114 = tpu.memref_slice %arg13[%dma_wait3A_112, %dma_wait3A_113] : memref<10000x128xbf16, #tpu.memory_space<vmem_shared>> -> memref<10000x128xbf16, #tpu.memory_space<vmem_shared>>
        tpu.wait_indirect_dma semaphore(%run_scoped3A_102 : memref<!tpu.dma_semaphore, #tpu.memory_space<semaphore_mem>>) src(%arg7 : memref<128x128xbf16, #tpu.memory_space<vmem>>) dst(%dma_wait3A_114 : memref<10000x128xbf16, #tpu.memory_space<vmem_shared>>)
        tpu.yield
      }) : () -> ()
    } else {
    }
    %barrier3A_71 = arith.constant 0 : index
    tpu.barrier barrier_id(%barrier3A_71)
    %add3A_72 = arith.constant 0 : i32
    %add3A_73 = arith.addi %mul3A_2, %add3A_72 : i32
    "tpu.region"() ({
      %run_scoped3A_82 = tpu.sem_alloc : memref<!tpu.dma_semaphore, #tpu.memory_space<semaphore_mem>>
      %dma_start3A_83 = arith.constant 0 : i32
      %dma_start3A_84 = tpu.memref_slice %arg13[%add3A_73, %dma_start3A_83] : memref<10000x128xbf16, #tpu.memory_space<vmem_shared>> -> memref<128x128xbf16, #tpu.memory_space<vmem_shared>>
      %dma_start3A_85 = arith.constant 0 : i32
      %dma_start3A_86 = tpu.memref_slice %arg13[%add3A_73, %dma_start3A_85] : memref<10000x128xbf16, #tpu.memory_space<vmem_shared>> -> memref<128x128xbf16, #tpu.memory_space<vmem_shared>>
      tpu.enqueue_dma source(%dma_start3A_86 : memref<128x128xbf16, #tpu.memory_space<vmem_shared>>) target(%arg7 : memref<128x128xbf16, #tpu.memory_space<vmem>>) target_semaphore(%run_scoped3A_82 : memref<!tpu.dma_semaphore, #tpu.memory_space<semaphore_mem>>)
      %dma_wait3A = arith.constant 0 : i32
      %dma_wait3A_87 = tpu.memref_slice %arg13[%add3A_73, %dma_wait3A] : memref<10000x128xbf16, #tpu.memory_space<vmem_shared>> -> memref<128x128xbf16, #tpu.memory_space<vmem_shared>>
      %dma_wait3A_88 = arith.constant 0 : i32
      %dma_wait3A_89 = tpu.memref_slice %arg13[%add3A_73, %dma_wait3A_88] : memref<10000x128xbf16, #tpu.memory_space<vmem_shared>> -> memref<128x128xbf16, #tpu.memory_space<vmem_shared>>
      tpu.wait_dma2 semaphore(%run_scoped3A_82 : memref<!tpu.dma_semaphore, #tpu.memory_space<semaphore_mem>>) src(%dma_wait3A_89 : memref<128x128xbf16, #tpu.memory_space<vmem_shared>>) dst(%arg7 : memref<128x128xbf16, #tpu.memory_space<vmem>>)
      tpu.yield
    }) : () -> ()
    "tpu.region"() ({
      %run_scoped3A_82 = tpu.sem_alloc : memref<!tpu.dma_semaphore, #tpu.memory_space<semaphore_mem>>
      %dma_start3A_83 = arith.constant 0 : i32
      %dma_start3A_84 = tpu.memref_slice %arg4[%arg0, %add3A_73, %dma_start3A_83] : memref<2x10000x128xbf16, #tpu.memory_space<hbm>> -> memref<1x128x128xbf16, #tpu.memory_space<hbm>>
      %dma_start3A_85 = tpu.memref_squeeze %dma_start3A_84 : memref<1x128x128xbf16, #tpu.memory_space<hbm>> -> memref<128x128xbf16, #tpu.memory_space<hbm>>
      %dma_start3A_86 = arith.constant 0 : i32
      %dma_start3A_87 = tpu.memref_slice %arg4[%arg0, %add3A_73, %dma_start3A_86] : memref<2x10000x128xbf16, #tpu.memory_space<hbm>> -> memref<1x128x128xbf16, #tpu.memory_space<hbm>>
      %dma_start3A_88 = tpu.memref_squeeze %dma_start3A_87 : memref<1x128x128xbf16, #tpu.memory_space<hbm>> -> memref<128x128xbf16, #tpu.memory_space<hbm>>
      tpu.enqueue_dma source(%arg7 : memref<128x128xbf16, #tpu.memory_space<vmem>>) target(%dma_start3A_88 : memref<128x128xbf16, #tpu.memory_space<hbm>>) target_semaphore(%run_scoped3A_82 : memref<!tpu.dma_semaphore, #tpu.memory_space<semaphore_mem>>)
      %dma_wait3A = arith.constant 0 : i32
      %dma_wait3A_89 = tpu.memref_slice %arg4[%arg0, %add3A_73, %dma_wait3A] : memref<2x10000x128xbf16, #tpu.memory_space<hbm>> -> memref<1x128x128xbf16, #tpu.memory_space<hbm>>
      %dma_wait3A_90 = tpu.memref_squeeze %dma_wait3A_89 : memref<1x128x128xbf16, #tpu.memory_space<hbm>> -> memref<128x128xbf16, #tpu.memory_space<hbm>>
      %dma_wait3A_91 = arith.constant 0 : i32
      %dma_wait3A_92 = tpu.memref_slice %arg4[%arg0, %add3A_73, %dma_wait3A_91] : memref<2x10000x128xbf16, #tpu.memory_space<hbm>> -> memref<1x128x128xbf16, #tpu.memory_space<hbm>>
      %dma_wait3A_93 = tpu.memref_squeeze %dma_wait3A_92 : memref<1x128x128xbf16, #tpu.memory_space<hbm>> -> memref<128x128xbf16, #tpu.memory_space<hbm>>
      tpu.wait_dma2 semaphore(%run_scoped3A_82 : memref<!tpu.dma_semaphore, #tpu.memory_space<semaphore_mem>>) src(%arg7 : memref<128x128xbf16, #tpu.memory_space<vmem>>) dst(%dma_wait3A_93 : memref<128x128xbf16, #tpu.memory_space<hbm>>)
      tpu.yield
    }) : () -> ()
    %add3A_74 = arith.constant 128 : i32
    %add3A_75 = arith.addi %mul3A_2, %add3A_74 : i32
    "tpu.region"() ({
      %run_scoped3A_82 = tpu.sem_alloc : memref<!tpu.dma_semaphore, #tpu.memory_space<semaphore_mem>>
      %dma_start3A_83 = arith.constant 0 : i32
      %dma_start3A_84 = tpu.memref_slice %arg13[%add3A_75, %dma_start3A_83] : memref<10000x128xbf16, #tpu.memory_space<vmem_shared>> -> memref<128x128xbf16, #tpu.memory_space<vmem_shared>>
      %dma_start3A_85 = arith.constant 0 : i32
      %dma_start3A_86 = tpu.memref_slice %arg13[%add3A_75, %dma_start3A_85] : memref<10000x128xbf16, #tpu.memory_space<vmem_shared>> -> memref<128x128xbf16, #tpu.memory_space<vmem_shared>>
      tpu.enqueue_dma source(%dma_start3A_86 : memref<128x128xbf16, #tpu.memory_space<vmem_shared>>) target(%arg7 : memref<128x128xbf16, #tpu.memory_space<vmem>>) target_semaphore(%run_scoped3A_82 : memref<!tpu.dma_semaphore, #tpu.memory_space<semaphore_mem>>)
      %dma_wait3A = arith.constant 0 : i32
      %dma_wait3A_87 = tpu.memref_slice %arg13[%add3A_75, %dma_wait3A] : memref<10000x128xbf16, #tpu.memory_space<vmem_shared>> -> memref<128x128xbf16, #tpu.memory_space<vmem_shared>>
      %dma_wait3A_88 = arith.constant 0 : i32
      %dma_wait3A_89 = tpu.memref_slice %arg13[%add3A_75, %dma_wait3A_88] : memref<10000x128xbf16, #tpu.memory_space<vmem_shared>> -> memref<128x128xbf16, #tpu.memory_space<vmem_shared>>
      tpu.wait_dma2 semaphore(%run_scoped3A_82 : memref<!tpu.dma_semaphore, #tpu.memory_space<semaphore_mem>>) src(%dma_wait3A_89 : memref<128x128xbf16, #tpu.memory_space<vmem_shared>>) dst(%arg7 : memref<128x128xbf16, #tpu.memory_space<vmem>>)
      tpu.yield
    }) : () -> ()
    "tpu.region"() ({
      %run_scoped3A_82 = tpu.sem_alloc : memref<!tpu.dma_semaphore, #tpu.memory_space<semaphore_mem>>
      %dma_start3A_83 = arith.constant 0 : i32
      %dma_start3A_84 = tpu.memref_slice %arg4[%arg0, %add3A_75, %dma_start3A_83] : memref<2x10000x128xbf16, #tpu.memory_space<hbm>> -> memref<1x128x128xbf16, #tpu.memory_space<hbm>>
      %dma_start3A_85 = tpu.memref_squeeze %dma_start3A_84 : memref<1x128x128xbf16, #tpu.memory_space<hbm>> -> memref<128x128xbf16, #tpu.memory_space<hbm>>
      %dma_start3A_86 = arith.constant 0 : i32
      %dma_start3A_87 = tpu.memref_slice %arg4[%arg0, %add3A_75, %dma_start3A_86] : memref<2x10000x128xbf16, #tpu.memory_space<hbm>> -> memref<1x128x128xbf16, #tpu.memory_space<hbm>>
      %dma_start3A_88 = tpu.memref_squeeze %dma_start3A_87 : memref<1x128x128xbf16, #tpu.memory_space<hbm>> -> memref<128x128xbf16, #tpu.memory_space<hbm>>
      tpu.enqueue_dma source(%arg7 : memref<128x128xbf16, #tpu.memory_space<vmem>>) target(%dma_start3A_88 : memref<128x128xbf16, #tpu.memory_space<hbm>>) target_semaphore(%run_scoped3A_82 : memref<!tpu.dma_semaphore, #tpu.memory_space<semaphore_mem>>)
      %dma_wait3A = arith.constant 0 : i32
      %dma_wait3A_89 = tpu.memref_slice %arg4[%arg0, %add3A_75, %dma_wait3A] : memref<2x10000x128xbf16, #tpu.memory_space<hbm>> -> memref<1x128x128xbf16, #tpu.memory_space<hbm>>
      %dma_wait3A_90 = tpu.memref_squeeze %dma_wait3A_89 : memref<1x128x128xbf16, #tpu.memory_space<hbm>> -> memref<128x128xbf16, #tpu.memory_space<hbm>>
      %dma_wait3A_91 = arith.constant 0 : i32
      %dma_wait3A_92 = tpu.memref_slice %arg4[%arg0, %add3A_75, %dma_wait3A_91] : memref<2x10000x128xbf16, #tpu.memory_space<hbm>> -> memref<1x128x128xbf16, #tpu.memory_space<hbm>>
      %dma_wait3A_93 = tpu.memref_squeeze %dma_wait3A_92 : memref<1x128x128xbf16, #tpu.memory_space<hbm>> -> memref<128x128xbf16, #tpu.memory_space<hbm>>
      tpu.wait_dma2 semaphore(%run_scoped3A_82 : memref<!tpu.dma_semaphore, #tpu.memory_space<semaphore_mem>>) src(%arg7 : memref<128x128xbf16, #tpu.memory_space<vmem>>) dst(%dma_wait3A_93 : memref<128x128xbf16, #tpu.memory_space<hbm>>)
      tpu.yield
    }) : () -> ()
    %add3A_76 = arith.constant 256 : i32
    %add3A_77 = arith.addi %mul3A_2, %add3A_76 : i32
    "tpu.region"() ({
      %run_scoped3A_82 = tpu.sem_alloc : memref<!tpu.dma_semaphore, #tpu.memory_space<semaphore_mem>>
      %dma_start3A_83 = arith.constant 0 : i32
      %dma_start3A_84 = tpu.memref_slice %arg13[%add3A_77, %dma_start3A_83] : memref<10000x128xbf16, #tpu.memory_space<vmem_shared>> -> memref<128x128xbf16, #tpu.memory_space<vmem_shared>>
      %dma_start3A_85 = arith.constant 0 : i32
      %dma_start3A_86 = tpu.memref_slice %arg13[%add3A_77, %dma_start3A_85] : memref<10000x128xbf16, #tpu.memory_space<vmem_shared>> -> memref<128x128xbf16, #tpu.memory_space<vmem_shared>>
      tpu.enqueue_dma source(%dma_start3A_86 : memref<128x128xbf16, #tpu.memory_space<vmem_shared>>) target(%arg7 : memref<128x128xbf16, #tpu.memory_space<vmem>>) target_semaphore(%run_scoped3A_82 : memref<!tpu.dma_semaphore, #tpu.memory_space<semaphore_mem>>)
      %dma_wait3A = arith.constant 0 : i32
      %dma_wait3A_87 = tpu.memref_slice %arg13[%add3A_77, %dma_wait3A] : memref<10000x128xbf16, #tpu.memory_space<vmem_shared>> -> memref<128x128xbf16, #tpu.memory_space<vmem_shared>>
      %dma_wait3A_88 = arith.constant 0 : i32
      %dma_wait3A_89 = tpu.memref_slice %arg13[%add3A_77, %dma_wait3A_88] : memref<10000x128xbf16, #tpu.memory_space<vmem_shared>> -> memref<128x128xbf16, #tpu.memory_space<vmem_shared>>
      tpu.wait_dma2 semaphore(%run_scoped3A_82 : memref<!tpu.dma_semaphore, #tpu.memory_space<semaphore_mem>>) src(%dma_wait3A_89 : memref<128x128xbf16, #tpu.memory_space<vmem_shared>>) dst(%arg7 : memref<128x128xbf16, #tpu.memory_space<vmem>>)
      tpu.yield
    }) : () -> ()
    "tpu.region"() ({
      %run_scoped3A_82 = tpu.sem_alloc : memref<!tpu.dma_semaphore, #tpu.memory_space<semaphore_mem>>
      %dma_start3A_83 = arith.constant 0 : i32
      %dma_start3A_84 = tpu.memref_slice %arg4[%arg0, %add3A_77, %dma_start3A_83] : memref<2x10000x128xbf16, #tpu.memory_space<hbm>> -> memref<1x128x128xbf16, #tpu.memory_space<hbm>>
      %dma_start3A_85 = tpu.memref_squeeze %dma_start3A_84 : memref<1x128x128xbf16, #tpu.memory_space<hbm>> -> memref<128x128xbf16, #tpu.memory_space<hbm>>
      %dma_start3A_86 = arith.constant 0 : i32
      %dma_start3A_87 = tpu.memref_slice %arg4[%arg0, %add3A_77, %dma_start3A_86] : memref<2x10000x128xbf16, #tpu.memory_space<hbm>> -> memref<1x128x128xbf16, #tpu.memory_space<hbm>>
      %dma_start3A_88 = tpu.memref_squeeze %dma_start3A_87 : memref<1x128x128xbf16, #tpu.memory_space<hbm>> -> memref<128x128xbf16, #tpu.memory_space<hbm>>
      tpu.enqueue_dma source(%arg7 : memref<128x128xbf16, #tpu.memory_space<vmem>>) target(%dma_start3A_88 : memref<128x128xbf16, #tpu.memory_space<hbm>>) target_semaphore(%run_scoped3A_82 : memref<!tpu.dma_semaphore, #tpu.memory_space<semaphore_mem>>)
      %dma_wait3A = arith.constant 0 : i32
      %dma_wait3A_89 = tpu.memref_slice %arg4[%arg0, %add3A_77, %dma_wait3A] : memref<2x10000x128xbf16, #tpu.memory_space<hbm>> -> memref<1x128x128xbf16, #tpu.memory_space<hbm>>
      %dma_wait3A_90 = tpu.memref_squeeze %dma_wait3A_89 : memref<1x128x128xbf16, #tpu.memory_space<hbm>> -> memref<128x128xbf16, #tpu.memory_space<hbm>>
      %dma_wait3A_91 = arith.constant 0 : i32
      %dma_wait3A_92 = tpu.memref_slice %arg4[%arg0, %add3A_77, %dma_wait3A_91] : memref<2x10000x128xbf16, #tpu.memory_space<hbm>> -> memref<1x128x128xbf16, #tpu.memory_space<hbm>>
      %dma_wait3A_93 = tpu.memref_squeeze %dma_wait3A_92 : memref<1x128x128xbf16, #tpu.memory_space<hbm>> -> memref<128x128xbf16, #tpu.memory_space<hbm>>
      tpu.wait_dma2 semaphore(%run_scoped3A_82 : memref<!tpu.dma_semaphore, #tpu.memory_space<semaphore_mem>>) src(%arg7 : memref<128x128xbf16, #tpu.memory_space<vmem>>) dst(%dma_wait3A_93 : memref<128x128xbf16, #tpu.memory_space<hbm>>)
      tpu.yield
    }) : () -> ()
    %add3A_78 = arith.constant 384 : i32
    %add3A_79 = arith.addi %mul3A_2, %add3A_78 : i32
    "tpu.region"() ({
      %run_scoped3A_82 = tpu.sem_alloc : memref<!tpu.dma_semaphore, #tpu.memory_space<semaphore_mem>>
      %dma_start3A_83 = arith.constant 0 : i32
      %dma_start3A_84 = tpu.memref_slice %arg13[%add3A_79, %dma_start3A_83] : memref<10000x128xbf16, #tpu.memory_space<vmem_shared>> -> memref<128x128xbf16, #tpu.memory_space<vmem_shared>>
      %dma_start3A_85 = arith.constant 0 : i32
      %dma_start3A_86 = tpu.memref_slice %arg13[%add3A_79, %dma_start3A_85] : memref<10000x128xbf16, #tpu.memory_space<vmem_shared>> -> memref<128x128xbf16, #tpu.memory_space<vmem_shared>>
      tpu.enqueue_dma source(%dma_start3A_86 : memref<128x128xbf16, #tpu.memory_space<vmem_shared>>) target(%arg7 : memref<128x128xbf16, #tpu.memory_space<vmem>>) target_semaphore(%run_scoped3A_82 : memref<!tpu.dma_semaphore, #tpu.memory_space<semaphore_mem>>)
      %dma_wait3A = arith.constant 0 : i32
      %dma_wait3A_87 = tpu.memref_slice %arg13[%add3A_79, %dma_wait3A] : memref<10000x128xbf16, #tpu.memory_space<vmem_shared>> -> memref<128x128xbf16, #tpu.memory_space<vmem_shared>>
      %dma_wait3A_88 = arith.constant 0 : i32
      %dma_wait3A_89 = tpu.memref_slice %arg13[%add3A_79, %dma_wait3A_88] : memref<10000x128xbf16, #tpu.memory_space<vmem_shared>> -> memref<128x128xbf16, #tpu.memory_space<vmem_shared>>
      tpu.wait_dma2 semaphore(%run_scoped3A_82 : memref<!tpu.dma_semaphore, #tpu.memory_space<semaphore_mem>>) src(%dma_wait3A_89 : memref<128x128xbf16, #tpu.memory_space<vmem_shared>>) dst(%arg7 : memref<128x128xbf16, #tpu.memory_space<vmem>>)
      tpu.yield
    }) : () -> ()
    "tpu.region"() ({
      %run_scoped3A_82 = tpu.sem_alloc : memref<!tpu.dma_semaphore, #tpu.memory_space<semaphore_mem>>
      %dma_start3A_83 = arith.constant 0 : i32
      %dma_start3A_84 = tpu.memref_slice %arg4[%arg0, %add3A_79, %dma_start3A_83] : memref<2x10000x128xbf16, #tpu.memory_space<hbm>> -> memref<1x128x128xbf16, #tpu.memory_space<hbm>>
      %dma_start3A_85 = tpu.memref_squeeze %dma_start3A_84 : memref<1x128x128xbf16, #tpu.memory_space<hbm>> -> memref<128x128xbf16, #tpu.memory_space<hbm>>
      %dma_start3A_86 = arith.constant 0 : i32
      %dma_start3A_87 = tpu.memref_slice %arg4[%arg0, %add3A_79, %dma_start3A_86] : memref<2x10000x128xbf16, #tpu.memory_space<hbm>> -> memref<1x128x128xbf16, #tpu.memory_space<hbm>>
      %dma_start3A_88 = tpu.memref_squeeze %dma_start3A_87 : memref<1x128x128xbf16, #tpu.memory_space<hbm>> -> memref<128x128xbf16, #tpu.memory_space<hbm>>
      tpu.enqueue_dma source(%arg7 : memref<128x128xbf16, #tpu.memory_space<vmem>>) target(%dma_start3A_88 : memref<128x128xbf16, #tpu.memory_space<hbm>>) target_semaphore(%run_scoped3A_82 : memref<!tpu.dma_semaphore, #tpu.memory_space<semaphore_mem>>)
      %dma_wait3A = arith.constant 0 : i32
      %dma_wait3A_89 = tpu.memref_slice %arg4[%arg0, %add3A_79, %dma_wait3A] : memref<2x10000x128xbf16, #tpu.memory_space<hbm>> -> memref<1x128x128xbf16, #tpu.memory_space<hbm>>
      %dma_wait3A_90 = tpu.memref_squeeze %dma_wait3A_89 : memref<1x128x128xbf16, #tpu.memory_space<hbm>> -> memref<128x128xbf16, #tpu.memory_space<hbm>>
      %dma_wait3A_91 = arith.constant 0 : i32
      %dma_wait3A_92 = tpu.memref_slice %arg4[%arg0, %add3A_79, %dma_wait3A_91] : memref<2x10000x128xbf16, #tpu.memory_space<hbm>> -> memref<1x128x128xbf16, #tpu.memory_space<hbm>>
      %dma_wait3A_93 = tpu.memref_squeeze %dma_wait3A_92 : memref<1x128x128xbf16, #tpu.memory_space<hbm>> -> memref<128x128xbf16, #tpu.memory_space<hbm>>
      tpu.wait_dma2 semaphore(%run_scoped3A_82 : memref<!tpu.dma_semaphore, #tpu.memory_space<semaphore_mem>>) src(%arg7 : memref<128x128xbf16, #tpu.memory_space<vmem>>) dst(%dma_wait3A_93 : memref<128x128xbf16, #tpu.memory_space<hbm>>)
      tpu.yield
    }) : () -> ()
    %add3A_80 = arith.constant 512 : i32
    %add3A_81 = arith.addi %mul3A_2, %add3A_80 : i32
    "tpu.region"() ({
      %run_scoped3A_82 = tpu.sem_alloc : memref<!tpu.dma_semaphore, #tpu.memory_space<semaphore_mem>>
      %dma_start3A_83 = arith.constant 0 : i32
      %dma_start3A_84 = arith.constant 0 : i32
      %dma_start3A_85 = tpu.memref_slice %arg7[%dma_start3A_83, %dma_start3A_84] : memref<128x128xbf16, #tpu.memory_space<vmem>> -> memref<113x128xbf16, #tpu.memory_space<vmem>>
      %dma_start3A_86 = arith.constant 0 : i32
      %dma_start3A_87 = tpu.memref_slice %arg13[%add3A_81, %dma_start3A_86] : memref<10000x128xbf16, #tpu.memory_space<vmem_shared>> -> memref<113x128xbf16, #tpu.memory_space<vmem_shared>>
      %dma_start3A_88 = arith.constant 0 : i32
      %dma_start3A_89 = arith.constant 0 : i32
      %dma_start3A_90 = tpu.memref_slice %arg7[%dma_start3A_88, %dma_start3A_89] : memref<128x128xbf16, #tpu.memory_space<vmem>> -> memref<113x128xbf16, #tpu.memory_space<vmem>>
      %dma_start3A_91 = arith.constant 0 : i32
      %dma_start3A_92 = tpu.memref_slice %arg13[%add3A_81, %dma_start3A_91] : memref<10000x128xbf16, #tpu.memory_space<vmem_shared>> -> memref<113x128xbf16, #tpu.memory_space<vmem_shared>>
      tpu.enqueue_dma source(%dma_start3A_92 : memref<113x128xbf16, #tpu.memory_space<vmem_shared>>) target(%dma_start3A_90 : memref<113x128xbf16, #tpu.memory_space<vmem>>) target_semaphore(%run_scoped3A_82 : memref<!tpu.dma_semaphore, #tpu.memory_space<semaphore_mem>>)
      %dma_wait3A = arith.constant 0 : i32
      %dma_wait3A_93 = arith.constant 0 : i32
      %dma_wait3A_94 = tpu.memref_slice %arg7[%dma_wait3A, %dma_wait3A_93] : memref<128x128xbf16, #tpu.memory_space<vmem>> -> memref<113x128xbf16, #tpu.memory_space<vmem>>
      %dma_wait3A_95 = arith.constant 0 : i32
      %dma_wait3A_96 = tpu.memref_slice %arg13[%add3A_81, %dma_wait3A_95] : memref<10000x128xbf16, #tpu.memory_space<vmem_shared>> -> memref<113x128xbf16, #tpu.memory_space<vmem_shared>>
      %dma_wait3A_97 = arith.constant 0 : i32
      %dma_wait3A_98 = arith.constant 0 : i32
      %dma_wait3A_99 = tpu.memref_slice %arg7[%dma_wait3A_97, %dma_wait3A_98] : memref<128x128xbf16, #tpu.memory_space<vmem>> -> memref<113x128xbf16, #tpu.memory_space<vmem>>
      %dma_wait3A_100 = arith.constant 0 : i32
      %dma_wait3A_101 = tpu.memref_slice %arg13[%add3A_81, %dma_wait3A_100] : memref<10000x128xbf16, #tpu.memory_space<vmem_shared>> -> memref<113x128xbf16, #tpu.memory_space<vmem_shared>>
      tpu.wait_dma2 semaphore(%run_scoped3A_82 : memref<!tpu.dma_semaphore, #tpu.memory_space<semaphore_mem>>) src(%dma_wait3A_101 : memref<113x128xbf16, #tpu.memory_space<vmem_shared>>) dst(%dma_wait3A_99 : memref<113x128xbf16, #tpu.memory_space<vmem>>)
      tpu.yield
    }) : () -> ()
    "tpu.region"() ({
      %run_scoped3A_82 = tpu.sem_alloc : memref<!tpu.dma_semaphore, #tpu.memory_space<semaphore_mem>>
      %dma_start3A_83 = arith.constant 0 : i32
      %dma_start3A_84 = arith.constant 0 : i32
      %dma_start3A_85 = tpu.memref_slice %arg7[%dma_start3A_83, %dma_start3A_84] : memref<128x128xbf16, #tpu.memory_space<vmem>> -> memref<113x128xbf16, #tpu.memory_space<vmem>>
      %dma_start3A_86 = arith.constant 0 : i32
      %dma_start3A_87 = tpu.memref_slice %arg4[%arg0, %add3A_81, %dma_start3A_86] : memref<2x10000x128xbf16, #tpu.memory_space<hbm>> -> memref<1x113x128xbf16, #tpu.memory_space<hbm>>
      %dma_start3A_88 = tpu.memref_squeeze %dma_start3A_87 : memref<1x113x128xbf16, #tpu.memory_space<hbm>> -> memref<113x128xbf16, #tpu.memory_space<hbm>>
      %dma_start3A_89 = arith.constant 0 : i32
      %dma_start3A_90 = tpu.memref_slice %arg4[%arg0, %add3A_81, %dma_start3A_89] : memref<2x10000x128xbf16, #tpu.memory_space<hbm>> -> memref<1x113x128xbf16, #tpu.memory_space<hbm>>
      %dma_start3A_91 = tpu.memref_squeeze %dma_start3A_90 : memref<1x113x128xbf16, #tpu.memory_space<hbm>> -> memref<113x128xbf16, #tpu.memory_space<hbm>>
      %dma_start3A_92 = arith.constant 0 : i32
      %dma_start3A_93 = arith.constant 0 : i32
      %dma_start3A_94 = tpu.memref_slice %arg7[%dma_start3A_92, %dma_start3A_93] : memref<128x128xbf16, #tpu.memory_space<vmem>> -> memref<113x128xbf16, #tpu.memory_space<vmem>>
      tpu.enqueue_dma source(%dma_start3A_94 : memref<113x128xbf16, #tpu.memory_space<vmem>>) target(%dma_start3A_91 : memref<113x128xbf16, #tpu.memory_space<hbm>>) target_semaphore(%run_scoped3A_82 : memref<!tpu.dma_semaphore, #tpu.memory_space<semaphore_mem>>)
      %dma_wait3A = arith.constant 0 : i32
      %dma_wait3A_95 = arith.constant 0 : i32
      %dma_wait3A_96 = tpu.memref_slice %arg7[%dma_wait3A, %dma_wait3A_95] : memref<128x128xbf16, #tpu.memory_space<vmem>> -> memref<113x128xbf16, #tpu.memory_space<vmem>>
      %dma_wait3A_97 = arith.constant 0 : i32
      %dma_wait3A_98 = tpu.memref_slice %arg4[%arg0, %add3A_81, %dma_wait3A_97] : memref<2x10000x128xbf16, #tpu.memory_space<hbm>> -> memref<1x113x128xbf16, #tpu.memory_space<hbm>>
      %dma_wait3A_99 = tpu.memref_squeeze %dma_wait3A_98 : memref<1x113x128xbf16, #tpu.memory_space<hbm>> -> memref<113x128xbf16, #tpu.memory_space<hbm>>
      %dma_wait3A_100 = arith.constant 0 : i32
      %dma_wait3A_101 = tpu.memref_slice %arg4[%arg0, %add3A_81, %dma_wait3A_100] : memref<2x10000x128xbf16, #tpu.memory_space<hbm>> -> memref<1x113x128xbf16, #tpu.memory_space<hbm>>
      %dma_wait3A_102 = tpu.memref_squeeze %dma_wait3A_101 : memref<1x113x128xbf16, #tpu.memory_space<hbm>> -> memref<113x128xbf16, #tpu.memory_space<hbm>>
      %dma_wait3A_103 = arith.constant 0 : i32
      %dma_wait3A_104 = arith.constant 0 : i32
      %dma_wait3A_105 = tpu.memref_slice %arg7[%dma_wait3A_103, %dma_wait3A_104] : memref<128x128xbf16, #tpu.memory_space<vmem>> -> memref<113x128xbf16, #tpu.memory_space<vmem>>
      tpu.wait_dma2 semaphore(%run_scoped3A_82 : memref<!tpu.dma_semaphore, #tpu.memory_space<semaphore_mem>>) src(%dma_wait3A_105 : memref<113x128xbf16, #tpu.memory_space<vmem>>) dst(%dma_wait3A_102 : memref<113x128xbf16, #tpu.memory_space<hbm>>)
      tpu.yield
    }) : () -> ()
    return
  }
}

#map = affine_map<(d0, d1) -> (0, 0, 0)>
#map1 = affine_map<(d0, d1) -> (0)>
module attributes {stable_mosaic.version = 14 : i64} {
  func.func @degree_kernel(%arg0: i32, %arg1: i32, %arg2: memref<2x2500x128xi32, #tpu.memory_space<hbm>>, %arg3: memref<20480xf32, #tpu.memory_space<hbm>>, %arg4: memref<79x128xi32, #tpu.memory_space<vmem>>, %arg5: memref<128xf32, #tpu.memory_space<vmem>>, %arg6: memref<640xf32, #tpu.memory_space<vmem>>, %arg7: memref<10240xf32, #tpu.memory_space<vmem_shared>>, %arg8: memref<!tpu.dma_semaphore, #tpu.memory_space<semaphore_mem>>) attributes {dimension_semantics = [#tpu.dimension_semantics<core_parallel>, #tpu.dimension_semantics<subcore_parallel>], iteration_bounds = array<i64: 2, 16>, scalar_prefetch = 0 : i64, scratch_operands = 5 : i64, tpu.core_type = #tpu.core_type<sc_vector_subcore>, window_params = [{transform_indices = #map}, {transform_indices = #map1}]} {
    %mul3A = arith.constant 16 : i32
    %mul3A_0 = arith.muli %arg0, %mul3A : i32
    %add3A = arith.addi %mul3A_0, %arg1 : i32
    %mul3A_1 = arith.constant 640 : i32
    %mul3A_2 = arith.muli %arg1, %mul3A_1 : i32
    %broadcast_in_dim3A = arith.constant 1.000000e+00 : f32
    %broadcast_in_dim3A_3 = vector.broadcast %broadcast_in_dim3A : f32 to vector<16xf32>
    %swap3A = arith.constant 0 : index
    %swap3A_4 = tpu.vector_load %arg5[%swap3A] {strides = array<i32>} : memref<128xf32, #tpu.memory_space<vmem>>, vector<16xf32>,
    %swap3A_5 = vector.shape_cast %swap3A_4 : vector<16xf32> to vector<16xf32>
    %swap3A_6 = vector.shape_cast %broadcast_in_dim3A_3 : vector<16xf32> to vector<16xf32>
    tpu.vector_store %arg5[%swap3A], %swap3A_6 {strides = array<i32>} : memref<128xf32, #tpu.memory_space<vmem>>, vector<16xf32>,
    %swap3A_7 = arith.constant 16 : index
    %swap3A_8 = tpu.vector_load %arg5[%swap3A_7] {strides = array<i32>} : memref<128xf32, #tpu.memory_space<vmem>>, vector<16xf32>,
    %swap3A_9 = vector.shape_cast %swap3A_8 : vector<16xf32> to vector<16xf32>
    %swap3A_10 = vector.shape_cast %broadcast_in_dim3A_3 : vector<16xf32> to vector<16xf32>
    tpu.vector_store %arg5[%swap3A_7], %swap3A_10 {strides = array<i32>} : memref<128xf32, #tpu.memory_space<vmem>>, vector<16xf32>,
    %swap3A_11 = arith.constant 32 : index
    %swap3A_12 = tpu.vector_load %arg5[%swap3A_11] {strides = array<i32>} : memref<128xf32, #tpu.memory_space<vmem>>, vector<16xf32>,
    %swap3A_13 = vector.shape_cast %swap3A_12 : vector<16xf32> to vector<16xf32>
    %swap3A_14 = vector.shape_cast %broadcast_in_dim3A_3 : vector<16xf32> to vector<16xf32>
    tpu.vector_store %arg5[%swap3A_11], %swap3A_14 {strides = array<i32>} : memref<128xf32, #tpu.memory_space<vmem>>, vector<16xf32>,
    %swap3A_15 = arith.constant 48 : index
    %swap3A_16 = tpu.vector_load %arg5[%swap3A_15] {strides = array<i32>} : memref<128xf32, #tpu.memory_space<vmem>>, vector<16xf32>,
    %swap3A_17 = vector.shape_cast %swap3A_16 : vector<16xf32> to vector<16xf32>
    %swap3A_18 = vector.shape_cast %broadcast_in_dim3A_3 : vector<16xf32> to vector<16xf32>
    tpu.vector_store %arg5[%swap3A_15], %swap3A_18 {strides = array<i32>} : memref<128xf32, #tpu.memory_space<vmem>>, vector<16xf32>,
    %swap3A_19 = arith.constant 64 : index
    %swap3A_20 = tpu.vector_load %arg5[%swap3A_19] {strides = array<i32>} : memref<128xf32, #tpu.memory_space<vmem>>, vector<16xf32>,
    %swap3A_21 = vector.shape_cast %swap3A_20 : vector<16xf32> to vector<16xf32>
    %swap3A_22 = vector.shape_cast %broadcast_in_dim3A_3 : vector<16xf32> to vector<16xf32>
    tpu.vector_store %arg5[%swap3A_19], %swap3A_22 {strides = array<i32>} : memref<128xf32, #tpu.memory_space<vmem>>, vector<16xf32>,
    %swap3A_23 = arith.constant 80 : index
    %swap3A_24 = tpu.vector_load %arg5[%swap3A_23] {strides = array<i32>} : memref<128xf32, #tpu.memory_space<vmem>>, vector<16xf32>,
    %swap3A_25 = vector.shape_cast %swap3A_24 : vector<16xf32> to vector<16xf32>
    %swap3A_26 = vector.shape_cast %broadcast_in_dim3A_3 : vector<16xf32> to vector<16xf32>
    tpu.vector_store %arg5[%swap3A_23], %swap3A_26 {strides = array<i32>} : memref<128xf32, #tpu.memory_space<vmem>>, vector<16xf32>,
    %swap3A_27 = arith.constant 96 : index
    %swap3A_28 = tpu.vector_load %arg5[%swap3A_27] {strides = array<i32>} : memref<128xf32, #tpu.memory_space<vmem>>, vector<16xf32>,
    %swap3A_29 = vector.shape_cast %swap3A_28 : vector<16xf32> to vector<16xf32>
    %swap3A_30 = vector.shape_cast %broadcast_in_dim3A_3 : vector<16xf32> to vector<16xf32>
    tpu.vector_store %arg5[%swap3A_27], %swap3A_30 {strides = array<i32>} : memref<128xf32, #tpu.memory_space<vmem>>, vector<16xf32>,
    %swap3A_31 = arith.constant 112 : index
    %swap3A_32 = tpu.vector_load %arg5[%swap3A_31] {strides = array<i32>} : memref<128xf32, #tpu.memory_space<vmem>>, vector<16xf32>,
    %swap3A_33 = vector.shape_cast %swap3A_32 : vector<16xf32> to vector<16xf32>
    %swap3A_34 = vector.shape_cast %broadcast_in_dim3A_3 : vector<16xf32> to vector<16xf32>
    tpu.vector_store %arg5[%swap3A_31], %swap3A_34 {strides = array<i32>} : memref<128xf32, #tpu.memory_space<vmem>>, vector<16xf32>,
    %mul3A_35 = arith.constant 78 : i32
    %mul3A_36 = arith.muli %add3A, %mul3A_35 : i32
    %run_scoped3A = arith.constant 1 : i32
    "tpu.region"() ({
      %run_scoped3A_56 = tpu.sem_alloc : memref<!tpu.dma_semaphore, #tpu.memory_space<semaphore_mem>>
      %dma_start3A = arith.constant 0 : i32
      %dma_start3A_57 = arith.constant 0 : i32
      %dma_start3A_58 = tpu.memref_slice %arg4[%dma_start3A, %dma_start3A_57] : memref<79x128xi32, #tpu.memory_space<vmem>> -> memref<78x128xi32, #tpu.memory_space<vmem>>
      %dma_start3A_59 = arith.constant 0 : i32
      %dma_start3A_60 = tpu.memref_slice %arg2[%run_scoped3A, %mul3A_36, %dma_start3A_59] : memref<2x2500x128xi32, #tpu.memory_space<hbm>> -> memref<1x78x128xi32, #tpu.memory_space<hbm>>
      %dma_start3A_61 = tpu.memref_squeeze %dma_start3A_60 : memref<1x78x128xi32, #tpu.memory_space<hbm>> -> memref<78x128xi32, #tpu.memory_space<hbm>>
      %dma_start3A_62 = arith.constant 0 : i32
      %dma_start3A_63 = arith.constant 0 : i32
      %dma_start3A_64 = tpu.memref_slice %arg4[%dma_start3A_62, %dma_start3A_63] : memref<79x128xi32, #tpu.memory_space<vmem>> -> memref<78x128xi32, #tpu.memory_space<vmem>>
      %dma_start3A_65 = arith.constant 0 : i32
      %dma_start3A_66 = tpu.memref_slice %arg2[%run_scoped3A, %mul3A_36, %dma_start3A_65] : memref<2x2500x128xi32, #tpu.memory_space<hbm>> -> memref<1x78x128xi32, #tpu.memory_space<hbm>>
      %dma_start3A_67 = tpu.memref_squeeze %dma_start3A_66 : memref<1x78x128xi32, #tpu.memory_space<hbm>> -> memref<78x128xi32, #tpu.memory_space<hbm>>
      tpu.enqueue_dma source(%dma_start3A_67 : memref<78x128xi32, #tpu.memory_space<hbm>>) target(%dma_start3A_64 : memref<78x128xi32, #tpu.memory_space<vmem>>) target_semaphore(%run_scoped3A_56 : memref<!tpu.dma_semaphore, #tpu.memory_space<semaphore_mem>>)
      %dma_wait3A = arith.constant 0 : i32
      %dma_wait3A_68 = arith.constant 0 : i32
      %dma_wait3A_69 = tpu.memref_slice %arg4[%dma_wait3A, %dma_wait3A_68] : memref<79x128xi32, #tpu.memory_space<vmem>> -> memref<78x128xi32, #tpu.memory_space<vmem>>
      %dma_wait3A_70 = arith.constant 0 : i32
      %dma_wait3A_71 = tpu.memref_slice %arg2[%run_scoped3A, %mul3A_36, %dma_wait3A_70] : memref<2x2500x128xi32, #tpu.memory_space<hbm>> -> memref<1x78x128xi32, #tpu.memory_space<hbm>>
      %dma_wait3A_72 = tpu.memref_squeeze %dma_wait3A_71 : memref<1x78x128xi32, #tpu.memory_space<hbm>> -> memref<78x128xi32, #tpu.memory_space<hbm>>
      %dma_wait3A_73 = arith.constant 0 : i32
      %dma_wait3A_74 = arith.constant 0 : i32
      %dma_wait3A_75 = tpu.memref_slice %arg4[%dma_wait3A_73, %dma_wait3A_74] : memref<79x128xi32, #tpu.memory_space<vmem>> -> memref<78x128xi32, #tpu.memory_space<vmem>>
      %dma_wait3A_76 = arith.constant 0 : i32
      %dma_wait3A_77 = tpu.memref_slice %arg2[%run_scoped3A, %mul3A_36, %dma_wait3A_76] : memref<2x2500x128xi32, #tpu.memory_space<hbm>> -> memref<1x78x128xi32, #tpu.memory_space<hbm>>
      %dma_wait3A_78 = tpu.memref_squeeze %dma_wait3A_77 : memref<1x78x128xi32, #tpu.memory_space<hbm>> -> memref<78x128xi32, #tpu.memory_space<hbm>>
      tpu.wait_dma2 semaphore(%run_scoped3A_56 : memref<!tpu.dma_semaphore, #tpu.memory_space<semaphore_mem>>) src(%dma_wait3A_78 : memref<78x128xi32, #tpu.memory_space<hbm>>) dst(%dma_wait3A_75 : memref<78x128xi32, #tpu.memory_space<vmem>>)
      tpu.yield
    }) : () -> ()
    %broadcast_in_dim3A_37 = arith.constant 0.000000e+00 : f32
    %broadcast_in_dim3A_38 = vector.broadcast %broadcast_in_dim3A_37 : f32 to vector<16xf32>
    %scan3A = arith.constant 0 : i32
    %scan3A_39 = arith.constant 0 : i32
    %scan3A_40 = arith.constant 40 : i32
    %scan3A_41 = arith.addi %scan3A_39, %scan3A_40 : i32
    %scan3A_42 = arith.constant 1 : i32
    scf.for %scan3A_56 = %scan3A_39 to %scan3A_41 step %scan3A_42  : i32 {
      %mul3A_57 = arith.constant 16 : i32
      %mul3A_58 = arith.muli %scan3A_56, %mul3A_57 : i32
      %swap3A_59 = arith.index_cast %mul3A_58 : i32 to index
      %swap3A_60 = tpu.vector_load %arg6[%swap3A_59] {strides = array<i32>} : memref<640xf32, #tpu.memory_space<vmem>>, vector<16xf32>,
      %swap3A_61 = vector.shape_cast %swap3A_60 : vector<16xf32> to vector<16xf32>
      %swap3A_62 = vector.shape_cast %broadcast_in_dim3A_38 : vector<16xf32> to vector<16xf32>
      tpu.vector_store %arg6[%swap3A_59], %swap3A_62 {strides = array<i32>} : memref<640xf32, #tpu.memory_space<vmem>>, vector<16xf32>,
    }
    %scan3A_43 = arith.constant 40 : i32
    "tpu.region"() ({
      %run_scoped3A_56 = tpu.sem_alloc : memref<!tpu.dma_semaphore, #tpu.memory_space<semaphore_mem>>
      %dma_start3A = tpu.memref_slice %arg7[%mul3A_2] : memref<10240xf32, #tpu.memory_space<vmem_shared>> -> memref<640xf32, #tpu.memory_space<vmem_shared>>
      %dma_start3A_57 = tpu.memref_slice %arg7[%mul3A_2] : memref<10240xf32, #tpu.memory_space<vmem_shared>> -> memref<640xf32, #tpu.memory_space<vmem_shared>>
      tpu.enqueue_dma source(%arg6 : memref<640xf32, #tpu.memory_space<vmem>>) target(%dma_start3A_57 : memref<640xf32, #tpu.memory_space<vmem_shared>>) target_semaphore(%run_scoped3A_56 : memref<!tpu.dma_semaphore, #tpu.memory_space<semaphore_mem>>)
      %dma_wait3A = tpu.memref_slice %arg7[%mul3A_2] : memref<10240xf32, #tpu.memory_space<vmem_shared>> -> memref<640xf32, #tpu.memory_space<vmem_shared>>
      %dma_wait3A_58 = tpu.memref_slice %arg7[%mul3A_2] : memref<10240xf32, #tpu.memory_space<vmem_shared>> -> memref<640xf32, #tpu.memory_space<vmem_shared>>
      tpu.wait_dma2 semaphore(%run_scoped3A_56 : memref<!tpu.dma_semaphore, #tpu.memory_space<semaphore_mem>>) src(%arg6 : memref<640xf32, #tpu.memory_space<vmem>>) dst(%dma_wait3A_58 : memref<640xf32, #tpu.memory_space<vmem_shared>>)
      tpu.yield
    }) : () -> ()
    %barrier3A = arith.constant 0 : index
    tpu.barrier barrier_id(%barrier3A)
    %scan3A_44 = arith.constant 0 : i32
    %scan3A_45 = arith.constant 0 : i32
    %scan3A_46 = arith.constant 13 : i32
    %scan3A_47 = arith.addi %scan3A_45, %scan3A_46 : i32
    %scan3A_48 = arith.constant 1 : i32
    scf.for %scan3A_56 = %scan3A_45 to %scan3A_47 step %scan3A_48  : i32 {
      %mul3A_57 = arith.constant 6 : i32
      %mul3A_58 = arith.muli %scan3A_56, %mul3A_57 : i32
      %add3A_59 = arith.constant 0 : i32
      %add3A_60 = arith.addi %mul3A_58, %add3A_59 : i32
      %dma_start3A = arith.constant 0 : i32
      %dma_start3A_61 = tpu.memref_slice %arg4[%add3A_60, %dma_start3A] : memref<79x128xi32, #tpu.memory_space<vmem>> -> memref<1x128xi32, #tpu.memory_space<vmem>>
      %dma_start3A_62 = tpu.memref_squeeze %dma_start3A_61 : memref<1x128xi32, #tpu.memory_space<vmem>> -> memref<128xi32, #tpu.memory_space<vmem>>
      %dma_start3A_63 = arith.constant 0 : i32
      %dma_start3A_64 = tpu.memref_slice %arg7[%dma_start3A_63] : memref<10240xf32, #tpu.memory_space<vmem_shared>> -> memref<10240xf32, #tpu.memory_space<vmem_shared>>
      tpu.enqueue_indirect_dma source(%arg5 : memref<128xf32, #tpu.memory_space<vmem>>) target(%dma_start3A_64 : memref<10240xf32, #tpu.memory_space<vmem_shared>>) offsets(%dma_start3A_62 : memref<128xi32, #tpu.memory_space<vmem>>) semaphore(%arg8 : memref<!tpu.dma_semaphore, #tpu.memory_space<semaphore_mem>>) {add = true}
      %mul3A_65 = arith.constant 6 : i32
      %mul3A_66 = arith.muli %scan3A_56, %mul3A_65 : i32
      %add3A_67 = arith.constant 1 : i32
      %add3A_68 = arith.addi %mul3A_66, %add3A_67 : i32
      %dma_start3A_69 = arith.constant 0 : i32
      %dma_start3A_70 = tpu.memref_slice %arg4[%add3A_68, %dma_start3A_69] : memref<79x128xi32, #tpu.memory_space<vmem>> -> memref<1x128xi32, #tpu.memory_space<vmem>>
      %dma_start3A_71 = tpu.memref_squeeze %dma_start3A_70 : memref<1x128xi32, #tpu.memory_space<vmem>> -> memref<128xi32, #tpu.memory_space<vmem>>
      %dma_start3A_72 = arith.constant 0 : i32
      %dma_start3A_73 = tpu.memref_slice %arg7[%dma_start3A_72] : memref<10240xf32, #tpu.memory_space<vmem_shared>> -> memref<10240xf32, #tpu.memory_space<vmem_shared>>
      tpu.enqueue_indirect_dma source(%arg5 : memref<128xf32, #tpu.memory_space<vmem>>) target(%dma_start3A_73 : memref<10240xf32, #tpu.memory_space<vmem_shared>>) offsets(%dma_start3A_71 : memref<128xi32, #tpu.memory_space<vmem>>) semaphore(%arg8 : memref<!tpu.dma_semaphore, #tpu.memory_space<semaphore_mem>>) {add = true}
      %mul3A_74 = arith.constant 6 : i32
      %mul3A_75 = arith.muli %scan3A_56, %mul3A_74 : i32
      %add3A_76 = arith.constant 2 : i32
      %add3A_77 = arith.addi %mul3A_75, %add3A_76 : i32
      %dma_start3A_78 = arith.constant 0 : i32
      %dma_start3A_79 = tpu.memref_slice %arg4[%add3A_77, %dma_start3A_78] : memref<79x128xi32, #tpu.memory_space<vmem>> -> memref<1x128xi32, #tpu.memory_space<vmem>>
      %dma_start3A_80 = tpu.memref_squeeze %dma_start3A_79 : memref<1x128xi32, #tpu.memory_space<vmem>> -> memref<128xi32, #tpu.memory_space<vmem>>
      %dma_start3A_81 = arith.constant 0 : i32
      %dma_start3A_82 = tpu.memref_slice %arg7[%dma_start3A_81] : memref<10240xf32, #tpu.memory_space<vmem_shared>> -> memref<10240xf32, #tpu.memory_space<vmem_shared>>
      tpu.enqueue_indirect_dma source(%arg5 : memref<128xf32, #tpu.memory_space<vmem>>) target(%dma_start3A_82 : memref<10240xf32, #tpu.memory_space<vmem_shared>>) offsets(%dma_start3A_80 : memref<128xi32, #tpu.memory_space<vmem>>) semaphore(%arg8 : memref<!tpu.dma_semaphore, #tpu.memory_space<semaphore_mem>>) {add = true}
      %mul3A_83 = arith.constant 6 : i32
      %mul3A_84 = arith.muli %scan3A_56, %mul3A_83 : i32
      %add3A_85 = arith.constant 3 : i32
      %add3A_86 = arith.addi %mul3A_84, %add3A_85 : i32
      %dma_start3A_87 = arith.constant 0 : i32
      %dma_start3A_88 = tpu.memref_slice %arg4[%add3A_86, %dma_start3A_87] : memref<79x128xi32, #tpu.memory_space<vmem>> -> memref<1x128xi32, #tpu.memory_space<vmem>>
      %dma_start3A_89 = tpu.memref_squeeze %dma_start3A_88 : memref<1x128xi32, #tpu.memory_space<vmem>> -> memref<128xi32, #tpu.memory_space<vmem>>
      %dma_start3A_90 = arith.constant 0 : i32
      %dma_start3A_91 = tpu.memref_slice %arg7[%dma_start3A_90] : memref<10240xf32, #tpu.memory_space<vmem_shared>> -> memref<10240xf32, #tpu.memory_space<vmem_shared>>
      tpu.enqueue_indirect_dma source(%arg5 : memref<128xf32, #tpu.memory_space<vmem>>) target(%dma_start3A_91 : memref<10240xf32, #tpu.memory_space<vmem_shared>>) offsets(%dma_start3A_89 : memref<128xi32, #tpu.memory_space<vmem>>) semaphore(%arg8 : memref<!tpu.dma_semaphore, #tpu.memory_space<semaphore_mem>>) {add = true}
      %mul3A_92 = arith.constant 6 : i32
      %mul3A_93 = arith.muli %scan3A_56, %mul3A_92 : i32
      %add3A_94 = arith.constant 4 : i32
      %add3A_95 = arith.addi %mul3A_93, %add3A_94 : i32
      %dma_start3A_96 = arith.constant 0 : i32
      %dma_start3A_97 = tpu.memref_slice %arg4[%add3A_95, %dma_start3A_96] : memref<79x128xi32, #tpu.memory_space<vmem>> -> memref<1x128xi32, #tpu.memory_space<vmem>>
      %dma_start3A_98 = tpu.memref_squeeze %dma_start3A_97 : memref<1x128xi32, #tpu.memory_space<vmem>> -> memref<128xi32, #tpu.memory_space<vmem>>
      %dma_start3A_99 = arith.constant 0 : i32
      %dma_start3A_100 = tpu.memref_slice %arg7[%dma_start3A_99] : memref<10240xf32, #tpu.memory_space<vmem_shared>> -> memref<10240xf32, #tpu.memory_space<vmem_shared>>
      tpu.enqueue_indirect_dma source(%arg5 : memref<128xf32, #tpu.memory_space<vmem>>) target(%dma_start3A_100 : memref<10240xf32, #tpu.memory_space<vmem_shared>>) offsets(%dma_start3A_98 : memref<128xi32, #tpu.memory_space<vmem>>) semaphore(%arg8 : memref<!tpu.dma_semaphore, #tpu.memory_space<semaphore_mem>>) {add = true}
      %mul3A_101 = arith.constant 6 : i32
      %mul3A_102 = arith.muli %scan3A_56, %mul3A_101 : i32
      %add3A_103 = arith.constant 5 : i32
      %add3A_104 = arith.addi %mul3A_102, %add3A_103 : i32
      %dma_start3A_105 = arith.constant 0 : i32
      %dma_start3A_106 = tpu.memref_slice %arg4[%add3A_104, %dma_start3A_105] : memref<79x128xi32, #tpu.memory_space<vmem>> -> memref<1x128xi32, #tpu.memory_space<vmem>>
      %dma_start3A_107 = tpu.memref_squeeze %dma_start3A_106 : memref<1x128xi32, #tpu.memory_space<vmem>> -> memref<128xi32, #tpu.memory_space<vmem>>
      %dma_start3A_108 = arith.constant 0 : i32
      %dma_start3A_109 = tpu.memref_slice %arg7[%dma_start3A_108] : memref<10240xf32, #tpu.memory_space<vmem_shared>> -> memref<10240xf32, #tpu.memory_space<vmem_shared>>
      tpu.enqueue_indirect_dma source(%arg5 : memref<128xf32, #tpu.memory_space<vmem>>) target(%dma_start3A_109 : memref<10240xf32, #tpu.memory_space<vmem_shared>>) offsets(%dma_start3A_107 : memref<128xi32, #tpu.memory_space<vmem>>) semaphore(%arg8 : memref<!tpu.dma_semaphore, #tpu.memory_space<semaphore_mem>>) {add = true}
      %dma_wait3A = arith.constant 0 : i32
      %dma_wait3A_110 = tpu.memref_slice %arg4[%add3A_60, %dma_wait3A] : memref<79x128xi32, #tpu.memory_space<vmem>> -> memref<1x128xi32, #tpu.memory_space<vmem>>
      %dma_wait3A_111 = tpu.memref_squeeze %dma_wait3A_110 : memref<1x128xi32, #tpu.memory_space<vmem>> -> memref<128xi32, #tpu.memory_space<vmem>>
      %dma_wait3A_112 = arith.constant 0 : i32
      %dma_wait3A_113 = tpu.memref_slice %arg7[%dma_wait3A_112] : memref<10240xf32, #tpu.memory_space<vmem_shared>> -> memref<10240xf32, #tpu.memory_space<vmem_shared>>
      tpu.wait_indirect_dma semaphore(%arg8 : memref<!tpu.dma_semaphore, #tpu.memory_space<semaphore_mem>>) src(%arg5 : memref<128xf32, #tpu.memory_space<vmem>>) dst(%dma_wait3A_113 : memref<10240xf32, #tpu.memory_space<vmem_shared>>)
      %dma_wait3A_114 = arith.constant 0 : i32
      %dma_wait3A_115 = tpu.memref_slice %arg4[%add3A_68, %dma_wait3A_114] : memref<79x128xi32, #tpu.memory_space<vmem>> -> memref<1x128xi32, #tpu.memory_space<vmem>>
      %dma_wait3A_116 = tpu.memref_squeeze %dma_wait3A_115 : memref<1x128xi32, #tpu.memory_space<vmem>> -> memref<128xi32, #tpu.memory_space<vmem>>
      %dma_wait3A_117 = arith.constant 0 : i32
      %dma_wait3A_118 = tpu.memref_slice %arg7[%dma_wait3A_117] : memref<10240xf32, #tpu.memory_space<vmem_shared>> -> memref<10240xf32, #tpu.memory_space<vmem_shared>>
      tpu.wait_indirect_dma semaphore(%arg8 : memref<!tpu.dma_semaphore, #tpu.memory_space<semaphore_mem>>) src(%arg5 : memref<128xf32, #tpu.memory_space<vmem>>) dst(%dma_wait3A_118 : memref<10240xf32, #tpu.memory_space<vmem_shared>>)
      %dma_wait3A_119 = arith.constant 0 : i32
      %dma_wait3A_120 = tpu.memref_slice %arg4[%add3A_77, %dma_wait3A_119] : memref<79x128xi32, #tpu.memory_space<vmem>> -> memref<1x128xi32, #tpu.memory_space<vmem>>
      %dma_wait3A_121 = tpu.memref_squeeze %dma_wait3A_120 : memref<1x128xi32, #tpu.memory_space<vmem>> -> memref<128xi32, #tpu.memory_space<vmem>>
      %dma_wait3A_122 = arith.constant 0 : i32
      %dma_wait3A_123 = tpu.memref_slice %arg7[%dma_wait3A_122] : memref<10240xf32, #tpu.memory_space<vmem_shared>> -> memref<10240xf32, #tpu.memory_space<vmem_shared>>
      tpu.wait_indirect_dma semaphore(%arg8 : memref<!tpu.dma_semaphore, #tpu.memory_space<semaphore_mem>>) src(%arg5 : memref<128xf32, #tpu.memory_space<vmem>>) dst(%dma_wait3A_123 : memref<10240xf32, #tpu.memory_space<vmem_shared>>)
      %dma_wait3A_124 = arith.constant 0 : i32
      %dma_wait3A_125 = tpu.memref_slice %arg4[%add3A_86, %dma_wait3A_124] : memref<79x128xi32, #tpu.memory_space<vmem>> -> memref<1x128xi32, #tpu.memory_space<vmem>>
      %dma_wait3A_126 = tpu.memref_squeeze %dma_wait3A_125 : memref<1x128xi32, #tpu.memory_space<vmem>> -> memref<128xi32, #tpu.memory_space<vmem>>
      %dma_wait3A_127 = arith.constant 0 : i32
      %dma_wait3A_128 = tpu.memref_slice %arg7[%dma_wait3A_127] : memref<10240xf32, #tpu.memory_space<vmem_shared>> -> memref<10240xf32, #tpu.memory_space<vmem_shared>>
      tpu.wait_indirect_dma semaphore(%arg8 : memref<!tpu.dma_semaphore, #tpu.memory_space<semaphore_mem>>) src(%arg5 : memref<128xf32, #tpu.memory_space<vmem>>) dst(%dma_wait3A_128 : memref<10240xf32, #tpu.memory_space<vmem_shared>>)
      %dma_wait3A_129 = arith.constant 0 : i32
      %dma_wait3A_130 = tpu.memref_slice %arg4[%add3A_95, %dma_wait3A_129] : memref<79x128xi32, #tpu.memory_space<vmem>> -> memref<1x128xi32, #tpu.memory_space<vmem>>
      %dma_wait3A_131 = tpu.memref_squeeze %dma_wait3A_130 : memref<1x128xi32, #tpu.memory_space<vmem>> -> memref<128xi32, #tpu.memory_space<vmem>>
      %dma_wait3A_132 = arith.constant 0 : i32
      %dma_wait3A_133 = tpu.memref_slice %arg7[%dma_wait3A_132] : memref<10240xf32, #tpu.memory_space<vmem_shared>> -> memref<10240xf32, #tpu.memory_space<vmem_shared>>
      tpu.wait_indirect_dma semaphore(%arg8 : memref<!tpu.dma_semaphore, #tpu.memory_space<semaphore_mem>>) src(%arg5 : memref<128xf32, #tpu.memory_space<vmem>>) dst(%dma_wait3A_133 : memref<10240xf32, #tpu.memory_space<vmem_shared>>)
      %dma_wait3A_134 = arith.constant 0 : i32
      %dma_wait3A_135 = tpu.memref_slice %arg4[%add3A_104, %dma_wait3A_134] : memref<79x128xi32, #tpu.memory_space<vmem>> -> memref<1x128xi32, #tpu.memory_space<vmem>>
      %dma_wait3A_136 = tpu.memref_squeeze %dma_wait3A_135 : memref<1x128xi32, #tpu.memory_space<vmem>> -> memref<128xi32, #tpu.memory_space<vmem>>
      %dma_wait3A_137 = arith.constant 0 : i32
      %dma_wait3A_138 = tpu.memref_slice %arg7[%dma_wait3A_137] : memref<10240xf32, #tpu.memory_space<vmem_shared>> -> memref<10240xf32, #tpu.memory_space<vmem_shared>>
      tpu.wait_indirect_dma semaphore(%arg8 : memref<!tpu.dma_semaphore, #tpu.memory_space<semaphore_mem>>) src(%arg5 : memref<128xf32, #tpu.memory_space<vmem>>) dst(%dma_wait3A_138 : memref<10240xf32, #tpu.memory_space<vmem_shared>>)
    }
    %scan3A_49 = arith.constant 13 : i32
    %lt3A = arith.constant 4 : i32
    %lt3A_50 = arith.cmpi slt, %add3A, %lt3A : i32
    %convert_element_type3A = arith.extui %lt3A_50 : i1 to i32
    %cond3A = arith.constant 0 : i32
    %cond3A_51 = arith.cmpi ne, %convert_element_type3A, %cond3A : i32
    scf.if %cond3A_51 {
      %add3A_56 = arith.constant 2496 : i32
      %add3A_57 = arith.addi %add3A_56, %add3A : i32
      %run_scoped3A_58 = arith.constant 1 : i32
      %run_scoped3A_59 = arith.constant 78 : i32
      "tpu.region"() ({
        %run_scoped3A_61 = tpu.sem_alloc : memref<!tpu.dma_semaphore, #tpu.memory_space<semaphore_mem>>
        %dma_start3A = arith.constant 0 : i32
        %dma_start3A_62 = tpu.memref_slice %arg4[%run_scoped3A_59, %dma_start3A] : memref<79x128xi32, #tpu.memory_space<vmem>> -> memref<1x128xi32, #tpu.memory_space<vmem>>
        %dma_start3A_63 = tpu.memref_squeeze %dma_start3A_62 : memref<1x128xi32, #tpu.memory_space<vmem>> -> memref<128xi32, #tpu.memory_space<vmem>>
        %dma_start3A_64 = arith.constant 0 : i32
        %dma_start3A_65 = tpu.memref_slice %arg2[%run_scoped3A_58, %add3A_57, %dma_start3A_64] : memref<2x2500x128xi32, #tpu.memory_space<hbm>> -> memref<1x1x128xi32, #tpu.memory_space<hbm>>
        %dma_start3A_66 = tpu.memref_squeeze %dma_start3A_65 : memref<1x1x128xi32, #tpu.memory_space<hbm>> -> memref<128xi32, #tpu.memory_space<hbm>>
        %dma_start3A_67 = arith.constant 0 : i32
        %dma_start3A_68 = tpu.memref_slice %arg4[%run_scoped3A_59, %dma_start3A_67] : memref<79x128xi32, #tpu.memory_space<vmem>> -> memref<1x128xi32, #tpu.memory_space<vmem>>
        %dma_start3A_69 = tpu.memref_squeeze %dma_start3A_68 : memref<1x128xi32, #tpu.memory_space<vmem>> -> memref<128xi32, #tpu.memory_space<vmem>>
        %dma_start3A_70 = arith.constant 0 : i32
        %dma_start3A_71 = tpu.memref_slice %arg2[%run_scoped3A_58, %add3A_57, %dma_start3A_70] : memref<2x2500x128xi32, #tpu.memory_space<hbm>> -> memref<1x1x128xi32, #tpu.memory_space<hbm>>
        %dma_start3A_72 = tpu.memref_squeeze %dma_start3A_71 : memref<1x1x128xi32, #tpu.memory_space<hbm>> -> memref<128xi32, #tpu.memory_space<hbm>>
        tpu.enqueue_dma source(%dma_start3A_72 : memref<128xi32, #tpu.memory_space<hbm>>) target(%dma_start3A_69 : memref<128xi32, #tpu.memory_space<vmem>>) target_semaphore(%run_scoped3A_61 : memref<!tpu.dma_semaphore, #tpu.memory_space<semaphore_mem>>)
        %dma_wait3A = arith.constant 0 : i32
        %dma_wait3A_73 = tpu.memref_slice %arg4[%run_scoped3A_59, %dma_wait3A] : memref<79x128xi32, #tpu.memory_space<vmem>> -> memref<1x128xi32, #tpu.memory_space<vmem>>
        %dma_wait3A_74 = tpu.memref_squeeze %dma_wait3A_73 : memref<1x128xi32, #tpu.memory_space<vmem>> -> memref<128xi32, #tpu.memory_space<vmem>>
        %dma_wait3A_75 = arith.constant 0 : i32
        %dma_wait3A_76 = tpu.memref_slice %arg2[%run_scoped3A_58, %add3A_57, %dma_wait3A_75] : memref<2x2500x128xi32, #tpu.memory_space<hbm>> -> memref<1x1x128xi32, #tpu.memory_space<hbm>>
        %dma_wait3A_77 = tpu.memref_squeeze %dma_wait3A_76 : memref<1x1x128xi32, #tpu.memory_space<hbm>> -> memref<128xi32, #tpu.memory_space<hbm>>
        %dma_wait3A_78 = arith.constant 0 : i32
        %dma_wait3A_79 = tpu.memref_slice %arg4[%run_scoped3A_59, %dma_wait3A_78] : memref<79x128xi32, #tpu.memory_space<vmem>> -> memref<1x128xi32, #tpu.memory_space<vmem>>
        %dma_wait3A_80 = tpu.memref_squeeze %dma_wait3A_79 : memref<1x128xi32, #tpu.memory_space<vmem>> -> memref<128xi32, #tpu.memory_space<vmem>>
        %dma_wait3A_81 = arith.constant 0 : i32
        %dma_wait3A_82 = tpu.memref_slice %arg2[%run_scoped3A_58, %add3A_57, %dma_wait3A_81] : memref<2x2500x128xi32, #tpu.memory_space<hbm>> -> memref<1x1x128xi32, #tpu.memory_space<hbm>>
        %dma_wait3A_83 = tpu.memref_squeeze %dma_wait3A_82 : memref<1x1x128xi32, #tpu.memory_space<hbm>> -> memref<128xi32, #tpu.memory_space<hbm>>
        tpu.wait_dma2 semaphore(%run_scoped3A_61 : memref<!tpu.dma_semaphore, #tpu.memory_space<semaphore_mem>>) src(%dma_wait3A_83 : memref<128xi32, #tpu.memory_space<hbm>>) dst(%dma_wait3A_80 : memref<128xi32, #tpu.memory_space<vmem>>)
        tpu.yield
      }) : () -> ()
      %run_scoped3A_60 = arith.constant 78 : i32
      "tpu.region"() ({
        %run_scoped3A_61 = tpu.sem_alloc : memref<!tpu.dma_semaphore, #tpu.memory_space<semaphore_mem>>
        %dma_start3A = arith.constant 0 : i32
        %dma_start3A_62 = tpu.memref_slice %arg4[%run_scoped3A_60, %dma_start3A] : memref<79x128xi32, #tpu.memory_space<vmem>> -> memref<1x128xi32, #tpu.memory_space<vmem>>
        %dma_start3A_63 = tpu.memref_squeeze %dma_start3A_62 : memref<1x128xi32, #tpu.memory_space<vmem>> -> memref<128xi32, #tpu.memory_space<vmem>>
        %dma_start3A_64 = arith.constant 0 : i32
        %dma_start3A_65 = tpu.memref_slice %arg7[%dma_start3A_64] : memref<10240xf32, #tpu.memory_space<vmem_shared>> -> memref<10240xf32, #tpu.memory_space<vmem_shared>>
        tpu.enqueue_indirect_dma source(%arg5 : memref<128xf32, #tpu.memory_space<vmem>>) target(%dma_start3A_65 : memref<10240xf32, #tpu.memory_space<vmem_shared>>) offsets(%dma_start3A_63 : memref<128xi32, #tpu.memory_space<vmem>>) semaphore(%run_scoped3A_61 : memref<!tpu.dma_semaphore, #tpu.memory_space<semaphore_mem>>) {add = true}
        %dma_wait3A = arith.constant 0 : i32
        %dma_wait3A_66 = tpu.memref_slice %arg4[%run_scoped3A_60, %dma_wait3A] : memref<79x128xi32, #tpu.memory_space<vmem>> -> memref<1x128xi32, #tpu.memory_space<vmem>>
        %dma_wait3A_67 = tpu.memref_squeeze %dma_wait3A_66 : memref<1x128xi32, #tpu.memory_space<vmem>> -> memref<128xi32, #tpu.memory_space<vmem>>
        %dma_wait3A_68 = arith.constant 0 : i32
        %dma_wait3A_69 = tpu.memref_slice %arg7[%dma_wait3A_68] : memref<10240xf32, #tpu.memory_space<vmem_shared>> -> memref<10240xf32, #tpu.memory_space<vmem_shared>>
        tpu.wait_indirect_dma semaphore(%run_scoped3A_61 : memref<!tpu.dma_semaphore, #tpu.memory_space<semaphore_mem>>) src(%arg5 : memref<128xf32, #tpu.memory_space<vmem>>) dst(%dma_wait3A_69 : memref<10240xf32, #tpu.memory_space<vmem_shared>>)
        tpu.yield
      }) : () -> ()
    } else {
    }
    %barrier3A_52 = arith.constant 0 : index
    tpu.barrier barrier_id(%barrier3A_52)
    "tpu.region"() ({
      %run_scoped3A_56 = tpu.sem_alloc : memref<!tpu.dma_semaphore, #tpu.memory_space<semaphore_mem>>
      %dma_start3A = tpu.memref_slice %arg7[%mul3A_2] : memref<10240xf32, #tpu.memory_space<vmem_shared>> -> memref<640xf32, #tpu.memory_space<vmem_shared>>
      %dma_start3A_57 = tpu.memref_slice %arg7[%mul3A_2] : memref<10240xf32, #tpu.memory_space<vmem_shared>> -> memref<640xf32, #tpu.memory_space<vmem_shared>>
      tpu.enqueue_dma source(%dma_start3A_57 : memref<640xf32, #tpu.memory_space<vmem_shared>>) target(%arg6 : memref<640xf32, #tpu.memory_space<vmem>>) target_semaphore(%run_scoped3A_56 : memref<!tpu.dma_semaphore, #tpu.memory_space<semaphore_mem>>)
      %dma_wait3A = tpu.memref_slice %arg7[%mul3A_2] : memref<10240xf32, #tpu.memory_space<vmem_shared>> -> memref<640xf32, #tpu.memory_space<vmem_shared>>
      %dma_wait3A_58 = tpu.memref_slice %arg7[%mul3A_2] : memref<10240xf32, #tpu.memory_space<vmem_shared>> -> memref<640xf32, #tpu.memory_space<vmem_shared>>
      tpu.wait_dma2 semaphore(%run_scoped3A_56 : memref<!tpu.dma_semaphore, #tpu.memory_space<semaphore_mem>>) src(%dma_wait3A_58 : memref<640xf32, #tpu.memory_space<vmem_shared>>) dst(%arg6 : memref<640xf32, #tpu.memory_space<vmem>>)
      tpu.yield
    }) : () -> ()
    %mul3A_53 = arith.constant 10240 : i32
    %mul3A_54 = arith.muli %arg0, %mul3A_53 : i32
    %add3A_55 = arith.addi %mul3A_54, %mul3A_2 : i32
    "tpu.region"() ({
      %run_scoped3A_56 = tpu.sem_alloc : memref<!tpu.dma_semaphore, #tpu.memory_space<semaphore_mem>>
      %dma_start3A = tpu.memref_slice %arg3[%add3A_55] : memref<20480xf32, #tpu.memory_space<hbm>> -> memref<640xf32, #tpu.memory_space<hbm>>
      %dma_start3A_57 = tpu.memref_slice %arg3[%add3A_55] : memref<20480xf32, #tpu.memory_space<hbm>> -> memref<640xf32, #tpu.memory_space<hbm>>
      tpu.enqueue_dma source(%arg6 : memref<640xf32, #tpu.memory_space<vmem>>) target(%dma_start3A_57 : memref<640xf32, #tpu.memory_space<hbm>>) target_semaphore(%run_scoped3A_56 : memref<!tpu.dma_semaphore, #tpu.memory_space<semaphore_mem>>)
      %dma_wait3A = tpu.memref_slice %arg3[%add3A_55] : memref<20480xf32, #tpu.memory_space<hbm>> -> memref<640xf32, #tpu.memory_space<hbm>>
      %dma_wait3A_58 = tpu.memref_slice %arg3[%add3A_55] : memref<20480xf32, #tpu.memory_space<hbm>> -> memref<640xf32, #tpu.memory_space<hbm>>
      tpu.wait_dma2 semaphore(%run_scoped3A_56 : memref<!tpu.dma_semaphore, #tpu.memory_space<semaphore_mem>>) src(%arg6 : memref<640xf32, #tpu.memory_space<vmem>>) dst(%dma_wait3A_58 : memref<640xf32, #tpu.memory_space<hbm>>)
      tpu.yield
    }) : () -> ()
    return
  }
}

#map = affine_map<(d0, d1) -> (0, 0)>
#map1 = affine_map<(d0, d1) -> (0, 0, 0)>
module attributes {stable_mosaic.version = 14 : i64} {
  func.func @scatter_kernel(%arg0: i32, %arg1: i32, %arg2: memref<10000x64xbf16, #tpu.memory_space<hbm>>, %arg3: memref<2x2500x128xi32, #tpu.memory_space<hbm>>, %arg4: memref<2x10000x64xbf16, #tpu.memory_space<hbm>>, %arg5: memref<79x128xi32, #tpu.memory_space<vmem>>, %arg6: memref<79x128xi32, #tpu.memory_space<vmem>>, %arg7: memref<128x64xbf16, #tpu.memory_space<vmem>>, %arg8: memref<128x64xbf16, #tpu.memory_space<vmem>>, %arg9: memref<128x64xbf16, #tpu.memory_space<vmem>>, %arg10: memref<128x64xbf16, #tpu.memory_space<vmem>>, %arg11: memref<128x64xbf16, #tpu.memory_space<vmem>>, %arg12: memref<128x64xbf16, #tpu.memory_space<vmem>>, %arg13: memref<128x64xbf16, #tpu.memory_space<vmem>>, %arg14: memref<128x64xbf16, #tpu.memory_space<vmem>>, %arg15: memref<128x64xbf16, #tpu.memory_space<vmem>>, %arg16: memref<128x64xbf16, #tpu.memory_space<vmem>>, %arg17: memref<128x64xbf16, #tpu.memory_space<vmem>>, %arg18: memref<128x64xbf16, #tpu.memory_space<vmem>>, %arg19: memref<128x64xbf16, #tpu.memory_space<vmem>>, %arg20: memref<10000x64xbf16, #tpu.memory_space<vmem_shared>>, %arg21: memref<!tpu.dma_semaphore, #tpu.memory_space<semaphore_mem>>, %arg22: memref<!tpu.dma_semaphore, #tpu.memory_space<semaphore_mem>>, %arg23: memref<!tpu.dma_semaphore, #tpu.memory_space<semaphore_mem>>, %arg24: memref<!tpu.dma_semaphore, #tpu.memory_space<semaphore_mem>>, %arg25: memref<!tpu.dma_semaphore, #tpu.memory_space<semaphore_mem>>, %arg26: memref<!tpu.dma_semaphore, #tpu.memory_space<semaphore_mem>>, %arg27: memref<!tpu.dma_semaphore, #tpu.memory_space<semaphore_mem>>, %arg28: memref<!tpu.dma_semaphore, #tpu.memory_space<semaphore_mem>>, %arg29: memref<!tpu.dma_semaphore, #tpu.memory_space<semaphore_mem>>, %arg30: memref<!tpu.dma_semaphore, #tpu.memory_space<semaphore_mem>>, %arg31: memref<!tpu.dma_semaphore, #tpu.memory_space<semaphore_mem>>, %arg32: memref<!tpu.dma_semaphore, #tpu.memory_space<semaphore_mem>>, %arg33: memref<!tpu.dma_semaphore, #tpu.memory_space<semaphore_mem>>, %arg34: memref<!tpu.dma_semaphore, #tpu.memory_space<semaphore_mem>>, %arg35: memref<!tpu.dma_semaphore, #tpu.memory_space<semaphore_mem>>, %arg36: memref<!tpu.dma_semaphore, #tpu.memory_space<semaphore_mem>>, %arg37: memref<!tpu.dma_semaphore, #tpu.memory_space<semaphore_mem>>, %arg38: memref<!tpu.dma_semaphore, #tpu.memory_space<semaphore_mem>>, %arg39: memref<!tpu.dma_semaphore, #tpu.memory_space<semaphore_mem>>, %arg40: memref<!tpu.dma_semaphore, #tpu.memory_space<semaphore_mem>>, %arg41: memref<!tpu.dma_semaphore, #tpu.memory_space<semaphore_mem>>, %arg42: memref<!tpu.dma_semaphore, #tpu.memory_space<semaphore_mem>>, %arg43: memref<!tpu.dma_semaphore, #tpu.memory_space<semaphore_mem>>, %arg44: memref<!tpu.dma_semaphore, #tpu.memory_space<semaphore_mem>>, %arg45: memref<!tpu.dma_semaphore, #tpu.memory_space<semaphore_mem>>, %arg46: memref<!tpu.dma_semaphore, #tpu.memory_space<semaphore_mem>>) attributes {dimension_semantics = [#tpu.dimension_semantics<core_parallel>, #tpu.dimension_semantics<subcore_parallel>], iteration_bounds = array<i64: 2, 16>, scalar_prefetch = 0 : i64, scratch_operands = 42 : i64, tpu.core_type = #tpu.core_type<sc_vector_subcore>, window_params = [{transform_indices = #map}, {transform_indices = #map1}, {transform_indices = #map1}]} {
    %mul3A = arith.constant 16 : i32
    %mul3A_0 = arith.muli %arg0, %mul3A : i32
    %add3A = arith.addi %mul3A_0, %arg1 : i32
    %mul3A_1 = arith.constant 625 : i32
    %mul3A_2 = arith.muli %arg1, %mul3A_1 : i32
    %mul3A_3 = arith.constant 78 : i32
    %mul3A_4 = arith.muli %add3A, %mul3A_3 : i32
    %run_scoped3A = arith.constant 0 : i32
    "tpu.region"() ({
      %run_scoped3A_131 = tpu.sem_alloc : memref<!tpu.dma_semaphore, #tpu.memory_space<semaphore_mem>>
      %dma_start3A_132 = arith.constant 0 : i32
      %dma_start3A_133 = arith.constant 0 : i32
      %dma_start3A_134 = tpu.memref_slice %arg5[%dma_start3A_132, %dma_start3A_133] : memref<79x128xi32, #tpu.memory_space<vmem>> -> memref<78x128xi32, #tpu.memory_space<vmem>>
      %dma_start3A_135 = arith.constant 0 : i32
      %dma_start3A_136 = tpu.memref_slice %arg3[%run_scoped3A, %mul3A_4, %dma_start3A_135] : memref<2x2500x128xi32, #tpu.memory_space<hbm>> -> memref<1x78x128xi32, #tpu.memory_space<hbm>>
      %dma_start3A_137 = tpu.memref_squeeze %dma_start3A_136 : memref<1x78x128xi32, #tpu.memory_space<hbm>> -> memref<78x128xi32, #tpu.memory_space<hbm>>
      %dma_start3A_138 = arith.constant 0 : i32
      %dma_start3A_139 = arith.constant 0 : i32
      %dma_start3A_140 = tpu.memref_slice %arg5[%dma_start3A_138, %dma_start3A_139] : memref<79x128xi32, #tpu.memory_space<vmem>> -> memref<78x128xi32, #tpu.memory_space<vmem>>
      %dma_start3A_141 = arith.constant 0 : i32
      %dma_start3A_142 = tpu.memref_slice %arg3[%run_scoped3A, %mul3A_4, %dma_start3A_141] : memref<2x2500x128xi32, #tpu.memory_space<hbm>> -> memref<1x78x128xi32, #tpu.memory_space<hbm>>
      %dma_start3A_143 = tpu.memref_squeeze %dma_start3A_142 : memref<1x78x128xi32, #tpu.memory_space<hbm>> -> memref<78x128xi32, #tpu.memory_space<hbm>>
      tpu.enqueue_dma source(%dma_start3A_143 : memref<78x128xi32, #tpu.memory_space<hbm>>) target(%dma_start3A_140 : memref<78x128xi32, #tpu.memory_space<vmem>>) target_semaphore(%run_scoped3A_131 : memref<!tpu.dma_semaphore, #tpu.memory_space<semaphore_mem>>)
      %dma_wait3A = arith.constant 0 : i32
      %dma_wait3A_144 = arith.constant 0 : i32
      %dma_wait3A_145 = tpu.memref_slice %arg5[%dma_wait3A, %dma_wait3A_144] : memref<79x128xi32, #tpu.memory_space<vmem>> -> memref<78x128xi32, #tpu.memory_space<vmem>>
      %dma_wait3A_146 = arith.constant 0 : i32
      %dma_wait3A_147 = tpu.memref_slice %arg3[%run_scoped3A, %mul3A_4, %dma_wait3A_146] : memref<2x2500x128xi32, #tpu.memory_space<hbm>> -> memref<1x78x128xi32, #tpu.memory_space<hbm>>
      %dma_wait3A_148 = tpu.memref_squeeze %dma_wait3A_147 : memref<1x78x128xi32, #tpu.memory_space<hbm>> -> memref<78x128xi32, #tpu.memory_space<hbm>>
      %dma_wait3A_149 = arith.constant 0 : i32
      %dma_wait3A_150 = arith.constant 0 : i32
      %dma_wait3A_151 = tpu.memref_slice %arg5[%dma_wait3A_149, %dma_wait3A_150] : memref<79x128xi32, #tpu.memory_space<vmem>> -> memref<78x128xi32, #tpu.memory_space<vmem>>
      %dma_wait3A_152 = arith.constant 0 : i32
      %dma_wait3A_153 = tpu.memref_slice %arg3[%run_scoped3A, %mul3A_4, %dma_wait3A_152] : memref<2x2500x128xi32, #tpu.memory_space<hbm>> -> memref<1x78x128xi32, #tpu.memory_space<hbm>>
      %dma_wait3A_154 = tpu.memref_squeeze %dma_wait3A_153 : memref<1x78x128xi32, #tpu.memory_space<hbm>> -> memref<78x128xi32, #tpu.memory_space<hbm>>
      tpu.wait_dma2 semaphore(%run_scoped3A_131 : memref<!tpu.dma_semaphore, #tpu.memory_space<semaphore_mem>>) src(%dma_wait3A_154 : memref<78x128xi32, #tpu.memory_space<hbm>>) dst(%dma_wait3A_151 : memref<78x128xi32, #tpu.memory_space<vmem>>)
      tpu.yield
    }) : () -> ()
    %run_scoped3A_5 = arith.constant 1 : i32
    "tpu.region"() ({
      %run_scoped3A_131 = tpu.sem_alloc : memref<!tpu.dma_semaphore, #tpu.memory_space<semaphore_mem>>
      %dma_start3A_132 = arith.constant 0 : i32
      %dma_start3A_133 = arith.constant 0 : i32
      %dma_start3A_134 = tpu.memref_slice %arg6[%dma_start3A_132, %dma_start3A_133] : memref<79x128xi32, #tpu.memory_space<vmem>> -> memref<78x128xi32, #tpu.memory_space<vmem>>
      %dma_start3A_135 = arith.constant 0 : i32
      %dma_start3A_136 = tpu.memref_slice %arg3[%run_scoped3A_5, %mul3A_4, %dma_start3A_135] : memref<2x2500x128xi32, #tpu.memory_space<hbm>> -> memref<1x78x128xi32, #tpu.memory_space<hbm>>
      %dma_start3A_137 = tpu.memref_squeeze %dma_start3A_136 : memref<1x78x128xi32, #tpu.memory_space<hbm>> -> memref<78x128xi32, #tpu.memory_space<hbm>>
      %dma_start3A_138 = arith.constant 0 : i32
      %dma_start3A_139 = arith.constant 0 : i32
      %dma_start3A_140 = tpu.memref_slice %arg6[%dma_start3A_138, %dma_start3A_139] : memref<79x128xi32, #tpu.memory_space<vmem>> -> memref<78x128xi32, #tpu.memory_space<vmem>>
      %dma_start3A_141 = arith.constant 0 : i32
      %dma_start3A_142 = tpu.memref_slice %arg3[%run_scoped3A_5, %mul3A_4, %dma_start3A_141] : memref<2x2500x128xi32, #tpu.memory_space<hbm>> -> memref<1x78x128xi32, #tpu.memory_space<hbm>>
      %dma_start3A_143 = tpu.memref_squeeze %dma_start3A_142 : memref<1x78x128xi32, #tpu.memory_space<hbm>> -> memref<78x128xi32, #tpu.memory_space<hbm>>
      tpu.enqueue_dma source(%dma_start3A_143 : memref<78x128xi32, #tpu.memory_space<hbm>>) target(%dma_start3A_140 : memref<78x128xi32, #tpu.memory_space<vmem>>) target_semaphore(%run_scoped3A_131 : memref<!tpu.dma_semaphore, #tpu.memory_space<semaphore_mem>>)
      %dma_wait3A = arith.constant 0 : i32
      %dma_wait3A_144 = arith.constant 0 : i32
      %dma_wait3A_145 = tpu.memref_slice %arg6[%dma_wait3A, %dma_wait3A_144] : memref<79x128xi32, #tpu.memory_space<vmem>> -> memref<78x128xi32, #tpu.memory_space<vmem>>
      %dma_wait3A_146 = arith.constant 0 : i32
      %dma_wait3A_147 = tpu.memref_slice %arg3[%run_scoped3A_5, %mul3A_4, %dma_wait3A_146] : memref<2x2500x128xi32, #tpu.memory_space<hbm>> -> memref<1x78x128xi32, #tpu.memory_space<hbm>>
      %dma_wait3A_148 = tpu.memref_squeeze %dma_wait3A_147 : memref<1x78x128xi32, #tpu.memory_space<hbm>> -> memref<78x128xi32, #tpu.memory_space<hbm>>
      %dma_wait3A_149 = arith.constant 0 : i32
      %dma_wait3A_150 = arith.constant 0 : i32
      %dma_wait3A_151 = tpu.memref_slice %arg6[%dma_wait3A_149, %dma_wait3A_150] : memref<79x128xi32, #tpu.memory_space<vmem>> -> memref<78x128xi32, #tpu.memory_space<vmem>>
      %dma_wait3A_152 = arith.constant 0 : i32
      %dma_wait3A_153 = tpu.memref_slice %arg3[%run_scoped3A_5, %mul3A_4, %dma_wait3A_152] : memref<2x2500x128xi32, #tpu.memory_space<hbm>> -> memref<1x78x128xi32, #tpu.memory_space<hbm>>
      %dma_wait3A_154 = tpu.memref_squeeze %dma_wait3A_153 : memref<1x78x128xi32, #tpu.memory_space<hbm>> -> memref<78x128xi32, #tpu.memory_space<hbm>>
      tpu.wait_dma2 semaphore(%run_scoped3A_131 : memref<!tpu.dma_semaphore, #tpu.memory_space<semaphore_mem>>) src(%dma_wait3A_154 : memref<78x128xi32, #tpu.memory_space<hbm>>) dst(%dma_wait3A_151 : memref<78x128xi32, #tpu.memory_space<vmem>>)
      tpu.yield
    }) : () -> ()
    %broadcast_in_dim3A = arith.constant 0.000000e+00 : bf16
    %broadcast_in_dim3A_6 = vector.broadcast %broadcast_in_dim3A : bf16 to vector<32xbf16>
    %scan3A = arith.constant 0 : i32
    %scan3A_7 = arith.constant 0 : i32
    %scan3A_8 = arith.constant 256 : i32
    %scan3A_9 = arith.addi %scan3A_7, %scan3A_8 : i32
    %scan3A_10 = arith.constant 1 : i32
    scf.for %scan3A_131 = %scan3A_7 to %scan3A_9 step %scan3A_10  : i32 {
      %jit3A = arith.constant 2 : i32
      %div3A = arith.divsi %scan3A_131, %jit3A : i32
      %sign3A = arith.constant 0 : i32
      %sign3A_132 = arith.cmpi sgt, %scan3A_131, %sign3A : i32
      %sign3A_133 = arith.extui %sign3A_132 : i1 to i32
      %sign3A_134 = arith.constant 0 : i32
      %sign3A_135 = arith.cmpi slt, %scan3A_131, %sign3A_134 : i32
      %sign3A_136 = arith.extui %sign3A_135 : i1 to i32
      %sign3A_137 = arith.subi %sign3A_133, %sign3A_136 : i32
      %sign3A_138 = arith.constant 0 : i32
      %sign3A_139 = arith.cmpi sgt, %jit3A, %sign3A_138 : i32
      %sign3A_140 = arith.extui %sign3A_139 : i1 to i32
      %sign3A_141 = arith.constant 0 : i32
      %sign3A_142 = arith.cmpi slt, %jit3A, %sign3A_141 : i32
      %sign3A_143 = arith.extui %sign3A_142 : i1 to i32
      %sign3A_144 = arith.subi %sign3A_140, %sign3A_143 : i32
      %ne3A = arith.cmpi ne, %sign3A_137, %sign3A_144 : i32
      %rem3A = arith.remsi %scan3A_131, %jit3A : i32
      %ne3A_145 = arith.constant 0 : i32
      %ne3A_146 = arith.cmpi ne, %rem3A, %ne3A_145 : i32
      %and3A = arith.andi %ne3A, %ne3A_146 : i1
      %sub3A = arith.constant 1 : i32
      %sub3A_147 = arith.subi %div3A, %sub3A : i32
      %select_n3A = arith.select %and3A, %sub3A_147, %div3A : i32
      %jit3A_148 = arith.constant 2 : i32
      %eq3A = arith.constant 0 : i32
      %eq3A_149 = arith.cmpi eq, %jit3A_148, %eq3A : i32
      %jit3A_150 = arith.constant 1 : i32
      %select_n3A_151 = arith.select %eq3A_149, %jit3A_150, %jit3A_148 : i32
      %rem3A_152 = arith.remsi %scan3A_131, %select_n3A_151 : i32
      %ne3A_153 = arith.constant 0 : i32
      %ne3A_154 = arith.cmpi ne, %rem3A_152, %ne3A_153 : i32
      %lt3A_155 = arith.constant 0 : i32
      %lt3A_156 = arith.cmpi slt, %rem3A_152, %lt3A_155 : i32
      %lt3A_157 = arith.constant 0 : i32
      %lt3A_158 = arith.cmpi slt, %select_n3A_151, %lt3A_157 : i32
      %ne3A_159 = arith.xori %lt3A_156, %lt3A_158 : i1
      %and3A_160 = arith.andi %ne3A_159, %ne3A_154 : i1
      %add3A_161 = arith.addi %rem3A_152, %select_n3A_151 : i32
      %select_n3A_162 = arith.select %and3A_160, %add3A_161, %rem3A_152 : i32
      %mul3A_163 = arith.constant 32 : i32
      %mul3A_164 = arith.muli %select_n3A_162, %mul3A_163 : i32
      %swap3A = arith.index_cast %select_n3A : i32 to index
      %swap3A_165 = arith.index_cast %mul3A_164 : i32 to index
      %swap3A_166 = tpu.vector_load %arg7[%swap3A, %swap3A_165] {strides = array<i32>} : memref<128x64xbf16, #tpu.memory_space<vmem>>, vector<1x32xbf16>,
      %swap3A_167 = vector.shape_cast %swap3A_166 : vector<1x32xbf16> to vector<32xbf16>
      %swap3A_168 = vector.shape_cast %broadcast_in_dim3A_6 : vector<32xbf16> to vector<1x32xbf16>
      tpu.vector_store %arg7[%swap3A, %swap3A_165], %swap3A_168 {strides = array<i32>} : memref<128x64xbf16, #tpu.memory_space<vmem>>, vector<1x32xbf16>,
    }
    %scan3A_11 = arith.constant 256 : i32
    %add3A_12 = arith.constant 0 : i32
    %add3A_13 = arith.addi %mul3A_2, %add3A_12 : i32
    "tpu.region"() ({
      %run_scoped3A_131 = tpu.sem_alloc : memref<!tpu.dma_semaphore, #tpu.memory_space<semaphore_mem>>
      %dma_start3A_132 = arith.constant 0 : i32
      %dma_start3A_133 = tpu.memref_slice %arg20[%add3A_13, %dma_start3A_132] : memref<10000x64xbf16, #tpu.memory_space<vmem_shared>> -> memref<128x64xbf16, #tpu.memory_space<vmem_shared>>
      %dma_start3A_134 = arith.constant 0 : i32
      %dma_start3A_135 = tpu.memref_slice %arg20[%add3A_13, %dma_start3A_134] : memref<10000x64xbf16, #tpu.memory_space<vmem_shared>> -> memref<128x64xbf16, #tpu.memory_space<vmem_shared>>
      tpu.enqueue_dma source(%arg7 : memref<128x64xbf16, #tpu.memory_space<vmem>>) target(%dma_start3A_135 : memref<128x64xbf16, #tpu.memory_space<vmem_shared>>) target_semaphore(%run_scoped3A_131 : memref<!tpu.dma_semaphore, #tpu.memory_space<semaphore_mem>>)
      %dma_wait3A = arith.constant 0 : i32
      %dma_wait3A_136 = tpu.memref_slice %arg20[%add3A_13, %dma_wait3A] : memref<10000x64xbf16, #tpu.memory_space<vmem_shared>> -> memref<128x64xbf16, #tpu.memory_space<vmem_shared>>
      %dma_wait3A_137 = arith.constant 0 : i32
      %dma_wait3A_138 = tpu.memref_slice %arg20[%add3A_13, %dma_wait3A_137] : memref<10000x64xbf16, #tpu.memory_space<vmem_shared>> -> memref<128x64xbf16, #tpu.memory_space<vmem_shared>>
      tpu.wait_dma2 semaphore(%run_scoped3A_131 : memref<!tpu.dma_semaphore, #tpu.memory_space<semaphore_mem>>) src(%arg7 : memref<128x64xbf16, #tpu.memory_space<vmem>>) dst(%dma_wait3A_138 : memref<128x64xbf16, #tpu.memory_space<vmem_shared>>)
      tpu.yield
    }) : () -> ()
    %add3A_14 = arith.constant 128 : i32
    %add3A_15 = arith.addi %mul3A_2, %add3A_14 : i32
    "tpu.region"() ({
      %run_scoped3A_131 = tpu.sem_alloc : memref<!tpu.dma_semaphore, #tpu.memory_space<semaphore_mem>>
      %dma_start3A_132 = arith.constant 0 : i32
      %dma_start3A_133 = tpu.memref_slice %arg20[%add3A_15, %dma_start3A_132] : memref<10000x64xbf16, #tpu.memory_space<vmem_shared>> -> memref<128x64xbf16, #tpu.memory_space<vmem_shared>>
      %dma_start3A_134 = arith.constant 0 : i32
      %dma_start3A_135 = tpu.memref_slice %arg20[%add3A_15, %dma_start3A_134] : memref<10000x64xbf16, #tpu.memory_space<vmem_shared>> -> memref<128x64xbf16, #tpu.memory_space<vmem_shared>>
      tpu.enqueue_dma source(%arg7 : memref<128x64xbf16, #tpu.memory_space<vmem>>) target(%dma_start3A_135 : memref<128x64xbf16, #tpu.memory_space<vmem_shared>>) target_semaphore(%run_scoped3A_131 : memref<!tpu.dma_semaphore, #tpu.memory_space<semaphore_mem>>)
      %dma_wait3A = arith.constant 0 : i32
      %dma_wait3A_136 = tpu.memref_slice %arg20[%add3A_15, %dma_wait3A] : memref<10000x64xbf16, #tpu.memory_space<vmem_shared>> -> memref<128x64xbf16, #tpu.memory_space<vmem_shared>>
      %dma_wait3A_137 = arith.constant 0 : i32
      %dma_wait3A_138 = tpu.memref_slice %arg20[%add3A_15, %dma_wait3A_137] : memref<10000x64xbf16, #tpu.memory_space<vmem_shared>> -> memref<128x64xbf16, #tpu.memory_space<vmem_shared>>
      tpu.wait_dma2 semaphore(%run_scoped3A_131 : memref<!tpu.dma_semaphore, #tpu.memory_space<semaphore_mem>>) src(%arg7 : memref<128x64xbf16, #tpu.memory_space<vmem>>) dst(%dma_wait3A_138 : memref<128x64xbf16, #tpu.memory_space<vmem_shared>>)
      tpu.yield
    }) : () -> ()
    %add3A_16 = arith.constant 256 : i32
    %add3A_17 = arith.addi %mul3A_2, %add3A_16 : i32
    "tpu.region"() ({
      %run_scoped3A_131 = tpu.sem_alloc : memref<!tpu.dma_semaphore, #tpu.memory_space<semaphore_mem>>
      %dma_start3A_132 = arith.constant 0 : i32
      %dma_start3A_133 = tpu.memref_slice %arg20[%add3A_17, %dma_start3A_132] : memref<10000x64xbf16, #tpu.memory_space<vmem_shared>> -> memref<128x64xbf16, #tpu.memory_space<vmem_shared>>
      %dma_start3A_134 = arith.constant 0 : i32
      %dma_start3A_135 = tpu.memref_slice %arg20[%add3A_17, %dma_start3A_134] : memref<10000x64xbf16, #tpu.memory_space<vmem_shared>> -> memref<128x64xbf16, #tpu.memory_space<vmem_shared>>
      tpu.enqueue_dma source(%arg7 : memref<128x64xbf16, #tpu.memory_space<vmem>>) target(%dma_start3A_135 : memref<128x64xbf16, #tpu.memory_space<vmem_shared>>) target_semaphore(%run_scoped3A_131 : memref<!tpu.dma_semaphore, #tpu.memory_space<semaphore_mem>>)
      %dma_wait3A = arith.constant 0 : i32
      %dma_wait3A_136 = tpu.memref_slice %arg20[%add3A_17, %dma_wait3A] : memref<10000x64xbf16, #tpu.memory_space<vmem_shared>> -> memref<128x64xbf16, #tpu.memory_space<vmem_shared>>
      %dma_wait3A_137 = arith.constant 0 : i32
      %dma_wait3A_138 = tpu.memref_slice %arg20[%add3A_17, %dma_wait3A_137] : memref<10000x64xbf16, #tpu.memory_space<vmem_shared>> -> memref<128x64xbf16, #tpu.memory_space<vmem_shared>>
      tpu.wait_dma2 semaphore(%run_scoped3A_131 : memref<!tpu.dma_semaphore, #tpu.memory_space<semaphore_mem>>) src(%arg7 : memref<128x64xbf16, #tpu.memory_space<vmem>>) dst(%dma_wait3A_138 : memref<128x64xbf16, #tpu.memory_space<vmem_shared>>)
      tpu.yield
    }) : () -> ()
    %add3A_18 = arith.constant 384 : i32
    %add3A_19 = arith.addi %mul3A_2, %add3A_18 : i32
    "tpu.region"() ({
      %run_scoped3A_131 = tpu.sem_alloc : memref<!tpu.dma_semaphore, #tpu.memory_space<semaphore_mem>>
      %dma_start3A_132 = arith.constant 0 : i32
      %dma_start3A_133 = tpu.memref_slice %arg20[%add3A_19, %dma_start3A_132] : memref<10000x64xbf16, #tpu.memory_space<vmem_shared>> -> memref<128x64xbf16, #tpu.memory_space<vmem_shared>>
      %dma_start3A_134 = arith.constant 0 : i32
      %dma_start3A_135 = tpu.memref_slice %arg20[%add3A_19, %dma_start3A_134] : memref<10000x64xbf16, #tpu.memory_space<vmem_shared>> -> memref<128x64xbf16, #tpu.memory_space<vmem_shared>>
      tpu.enqueue_dma source(%arg7 : memref<128x64xbf16, #tpu.memory_space<vmem>>) target(%dma_start3A_135 : memref<128x64xbf16, #tpu.memory_space<vmem_shared>>) target_semaphore(%run_scoped3A_131 : memref<!tpu.dma_semaphore, #tpu.memory_space<semaphore_mem>>)
      %dma_wait3A = arith.constant 0 : i32
      %dma_wait3A_136 = tpu.memref_slice %arg20[%add3A_19, %dma_wait3A] : memref<10000x64xbf16, #tpu.memory_space<vmem_shared>> -> memref<128x64xbf16, #tpu.memory_space<vmem_shared>>
      %dma_wait3A_137 = arith.constant 0 : i32
      %dma_wait3A_138 = tpu.memref_slice %arg20[%add3A_19, %dma_wait3A_137] : memref<10000x64xbf16, #tpu.memory_space<vmem_shared>> -> memref<128x64xbf16, #tpu.memory_space<vmem_shared>>
      tpu.wait_dma2 semaphore(%run_scoped3A_131 : memref<!tpu.dma_semaphore, #tpu.memory_space<semaphore_mem>>) src(%arg7 : memref<128x64xbf16, #tpu.memory_space<vmem>>) dst(%dma_wait3A_138 : memref<128x64xbf16, #tpu.memory_space<vmem_shared>>)
      tpu.yield
    }) : () -> ()
    %add3A_20 = arith.constant 512 : i32
    %add3A_21 = arith.addi %mul3A_2, %add3A_20 : i32
    "tpu.region"() ({
      %run_scoped3A_131 = tpu.sem_alloc : memref<!tpu.dma_semaphore, #tpu.memory_space<semaphore_mem>>
      %dma_start3A_132 = arith.constant 0 : i32
      %dma_start3A_133 = arith.constant 0 : i32
      %dma_start3A_134 = tpu.memref_slice %arg7[%dma_start3A_132, %dma_start3A_133] : memref<128x64xbf16, #tpu.memory_space<vmem>> -> memref<113x64xbf16, #tpu.memory_space<vmem>>
      %dma_start3A_135 = arith.constant 0 : i32
      %dma_start3A_136 = tpu.memref_slice %arg20[%add3A_21, %dma_start3A_135] : memref<10000x64xbf16, #tpu.memory_space<vmem_shared>> -> memref<113x64xbf16, #tpu.memory_space<vmem_shared>>
      %dma_start3A_137 = arith.constant 0 : i32
      %dma_start3A_138 = tpu.memref_slice %arg20[%add3A_21, %dma_start3A_137] : memref<10000x64xbf16, #tpu.memory_space<vmem_shared>> -> memref<113x64xbf16, #tpu.memory_space<vmem_shared>>
      %dma_start3A_139 = arith.constant 0 : i32
      %dma_start3A_140 = arith.constant 0 : i32
      %dma_start3A_141 = tpu.memref_slice %arg7[%dma_start3A_139, %dma_start3A_140] : memref<128x64xbf16, #tpu.memory_space<vmem>> -> memref<113x64xbf16, #tpu.memory_space<vmem>>
      tpu.enqueue_dma source(%dma_start3A_141 : memref<113x64xbf16, #tpu.memory_space<vmem>>) target(%dma_start3A_138 : memref<113x64xbf16, #tpu.memory_space<vmem_shared>>) target_semaphore(%run_scoped3A_131 : memref<!tpu.dma_semaphore, #tpu.memory_space<semaphore_mem>>)
      %dma_wait3A = arith.constant 0 : i32
      %dma_wait3A_142 = arith.constant 0 : i32
      %dma_wait3A_143 = tpu.memref_slice %arg7[%dma_wait3A, %dma_wait3A_142] : memref<128x64xbf16, #tpu.memory_space<vmem>> -> memref<113x64xbf16, #tpu.memory_space<vmem>>
      %dma_wait3A_144 = arith.constant 0 : i32
      %dma_wait3A_145 = tpu.memref_slice %arg20[%add3A_21, %dma_wait3A_144] : memref<10000x64xbf16, #tpu.memory_space<vmem_shared>> -> memref<113x64xbf16, #tpu.memory_space<vmem_shared>>
      %dma_wait3A_146 = arith.constant 0 : i32
      %dma_wait3A_147 = tpu.memref_slice %arg20[%add3A_21, %dma_wait3A_146] : memref<10000x64xbf16, #tpu.memory_space<vmem_shared>> -> memref<113x64xbf16, #tpu.memory_space<vmem_shared>>
      %dma_wait3A_148 = arith.constant 0 : i32
      %dma_wait3A_149 = arith.constant 0 : i32
      %dma_wait3A_150 = tpu.memref_slice %arg7[%dma_wait3A_148, %dma_wait3A_149] : memref<128x64xbf16, #tpu.memory_space<vmem>> -> memref<113x64xbf16, #tpu.memory_space<vmem>>
      tpu.wait_dma2 semaphore(%run_scoped3A_131 : memref<!tpu.dma_semaphore, #tpu.memory_space<semaphore_mem>>) src(%dma_wait3A_150 : memref<113x64xbf16, #tpu.memory_space<vmem>>) dst(%dma_wait3A_147 : memref<113x64xbf16, #tpu.memory_space<vmem_shared>>)
      tpu.yield
    }) : () -> ()
    %barrier3A = arith.constant 0 : index
    tpu.barrier barrier_id(%barrier3A)
    %dma_start3A = arith.constant 0 : i32
    %dma_start3A_22 = arith.constant 0 : i32
    %dma_start3A_23 = tpu.memref_slice %arg5[%dma_start3A, %dma_start3A_22] : memref<79x128xi32, #tpu.memory_space<vmem>> -> memref<1x128xi32, #tpu.memory_space<vmem>>
    %dma_start3A_24 = tpu.memref_squeeze %dma_start3A_23 : memref<1x128xi32, #tpu.memory_space<vmem>> -> memref<128xi32, #tpu.memory_space<vmem>>
    %dma_start3A_25 = arith.constant 0 : i32
    %dma_start3A_26 = arith.constant 0 : i32
    %dma_start3A_27 = tpu.memref_slice %arg2[%dma_start3A_25, %dma_start3A_26] : memref<10000x64xbf16, #tpu.memory_space<hbm>> -> memref<10000x64xbf16, #tpu.memory_space<hbm>>
    tpu.enqueue_indirect_dma source(%dma_start3A_27 : memref<10000x64xbf16, #tpu.memory_space<hbm>>) target(%arg7 : memref<128x64xbf16, #tpu.memory_space<vmem>>) offsets(%dma_start3A_24 : memref<128xi32, #tpu.memory_space<vmem>>) semaphore(%arg21 : memref<!tpu.dma_semaphore, #tpu.memory_space<semaphore_mem>>)
    %dma_start3A_28 = arith.constant 1 : i32
    %dma_start3A_29 = arith.constant 0 : i32
    %dma_start3A_30 = tpu.memref_slice %arg5[%dma_start3A_28, %dma_start3A_29] : memref<79x128xi32, #tpu.memory_space<vmem>> -> memref<1x128xi32, #tpu.memory_space<vmem>>
    %dma_start3A_31 = tpu.memref_squeeze %dma_start3A_30 : memref<1x128xi32, #tpu.memory_space<vmem>> -> memref<128xi32, #tpu.memory_space<vmem>>
    %dma_start3A_32 = arith.constant 0 : i32
    %dma_start3A_33 = arith.constant 0 : i32
    %dma_start3A_34 = tpu.memref_slice %arg2[%dma_start3A_32, %dma_start3A_33] : memref<10000x64xbf16, #tpu.memory_space<hbm>> -> memref<10000x64xbf16, #tpu.memory_space<hbm>>
    tpu.enqueue_indirect_dma source(%dma_start3A_34 : memref<10000x64xbf16, #tpu.memory_space<hbm>>) target(%arg8 : memref<128x64xbf16, #tpu.memory_space<vmem>>) offsets(%dma_start3A_31 : memref<128xi32, #tpu.memory_space<vmem>>) semaphore(%arg22 : memref<!tpu.dma_semaphore, #tpu.memory_space<semaphore_mem>>)
    %dma_start3A_35 = arith.constant 2 : i32
    %dma_start3A_36 = arith.constant 0 : i32
    %dma_start3A_37 = tpu.memref_slice %arg5[%dma_start3A_35, %dma_start3A_36] : memref<79x128xi32, #tpu.memory_space<vmem>> -> memref<1x128xi32, #tpu.memory_space<vmem>>
    %dma_start3A_38 = tpu.memref_squeeze %dma_start3A_37 : memref<1x128xi32, #tpu.memory_space<vmem>> -> memref<128xi32, #tpu.memory_space<vmem>>
    %dma_start3A_39 = arith.constant 0 : i32
    %dma_start3A_40 = arith.constant 0 : i32
    %dma_start3A_41 = tpu.memref_slice %arg2[%dma_start3A_39, %dma_start3A_40] : memref<10000x64xbf16, #tpu.memory_space<hbm>> -> memref<10000x64xbf16, #tpu.memory_space<hbm>>
    tpu.enqueue_indirect_dma source(%dma_start3A_41 : memref<10000x64xbf16, #tpu.memory_space<hbm>>) target(%arg9 : memref<128x64xbf16, #tpu.memory_space<vmem>>) offsets(%dma_start3A_38 : memref<128xi32, #tpu.memory_space<vmem>>) semaphore(%arg23 : memref<!tpu.dma_semaphore, #tpu.memory_space<semaphore_mem>>)
    %dma_start3A_42 = arith.constant 3 : i32
    %dma_start3A_43 = arith.constant 0 : i32
    %dma_start3A_44 = tpu.memref_slice %arg5[%dma_start3A_42, %dma_start3A_43] : memref<79x128xi32, #tpu.memory_space<vmem>> -> memref<1x128xi32, #tpu.memory_space<vmem>>
    %dma_start3A_45 = tpu.memref_squeeze %dma_start3A_44 : memref<1x128xi32, #tpu.memory_space<vmem>> -> memref<128xi32, #tpu.memory_space<vmem>>
    %dma_start3A_46 = arith.constant 0 : i32
    %dma_start3A_47 = arith.constant 0 : i32
    %dma_start3A_48 = tpu.memref_slice %arg2[%dma_start3A_46, %dma_start3A_47] : memref<10000x64xbf16, #tpu.memory_space<hbm>> -> memref<10000x64xbf16, #tpu.memory_space<hbm>>
    tpu.enqueue_indirect_dma source(%dma_start3A_48 : memref<10000x64xbf16, #tpu.memory_space<hbm>>) target(%arg10 : memref<128x64xbf16, #tpu.memory_space<vmem>>) offsets(%dma_start3A_45 : memref<128xi32, #tpu.memory_space<vmem>>) semaphore(%arg24 : memref<!tpu.dma_semaphore, #tpu.memory_space<semaphore_mem>>)
    %dma_start3A_49 = arith.constant 4 : i32
    %dma_start3A_50 = arith.constant 0 : i32
    %dma_start3A_51 = tpu.memref_slice %arg5[%dma_start3A_49, %dma_start3A_50] : memref<79x128xi32, #tpu.memory_space<vmem>> -> memref<1x128xi32, #tpu.memory_space<vmem>>
    %dma_start3A_52 = tpu.memref_squeeze %dma_start3A_51 : memref<1x128xi32, #tpu.memory_space<vmem>> -> memref<128xi32, #tpu.memory_space<vmem>>
    %dma_start3A_53 = arith.constant 0 : i32
    %dma_start3A_54 = arith.constant 0 : i32
    %dma_start3A_55 = tpu.memref_slice %arg2[%dma_start3A_53, %dma_start3A_54] : memref<10000x64xbf16, #tpu.memory_space<hbm>> -> memref<10000x64xbf16, #tpu.memory_space<hbm>>
    tpu.enqueue_indirect_dma source(%dma_start3A_55 : memref<10000x64xbf16, #tpu.memory_space<hbm>>) target(%arg11 : memref<128x64xbf16, #tpu.memory_space<vmem>>) offsets(%dma_start3A_52 : memref<128xi32, #tpu.memory_space<vmem>>) semaphore(%arg25 : memref<!tpu.dma_semaphore, #tpu.memory_space<semaphore_mem>>)
    %dma_start3A_56 = arith.constant 5 : i32
    %dma_start3A_57 = arith.constant 0 : i32
    %dma_start3A_58 = tpu.memref_slice %arg5[%dma_start3A_56, %dma_start3A_57] : memref<79x128xi32, #tpu.memory_space<vmem>> -> memref<1x128xi32, #tpu.memory_space<vmem>>
    %dma_start3A_59 = tpu.memref_squeeze %dma_start3A_58 : memref<1x128xi32, #tpu.memory_space<vmem>> -> memref<128xi32, #tpu.memory_space<vmem>>
    %dma_start3A_60 = arith.constant 0 : i32
    %dma_start3A_61 = arith.constant 0 : i32
    %dma_start3A_62 = tpu.memref_slice %arg2[%dma_start3A_60, %dma_start3A_61] : memref<10000x64xbf16, #tpu.memory_space<hbm>> -> memref<10000x64xbf16, #tpu.memory_space<hbm>>
    tpu.enqueue_indirect_dma source(%dma_start3A_62 : memref<10000x64xbf16, #tpu.memory_space<hbm>>) target(%arg12 : memref<128x64xbf16, #tpu.memory_space<vmem>>) offsets(%dma_start3A_59 : memref<128xi32, #tpu.memory_space<vmem>>) semaphore(%arg26 : memref<!tpu.dma_semaphore, #tpu.memory_space<semaphore_mem>>)
    %dma_start3A_63 = arith.constant 6 : i32
    %dma_start3A_64 = arith.constant 0 : i32
    %dma_start3A_65 = tpu.memref_slice %arg5[%dma_start3A_63, %dma_start3A_64] : memref<79x128xi32, #tpu.memory_space<vmem>> -> memref<1x128xi32, #tpu.memory_space<vmem>>
    %dma_start3A_66 = tpu.memref_squeeze %dma_start3A_65 : memref<1x128xi32, #tpu.memory_space<vmem>> -> memref<128xi32, #tpu.memory_space<vmem>>
    %dma_start3A_67 = arith.constant 0 : i32
    %dma_start3A_68 = arith.constant 0 : i32
    %dma_start3A_69 = tpu.memref_slice %arg2[%dma_start3A_67, %dma_start3A_68] : memref<10000x64xbf16, #tpu.memory_space<hbm>> -> memref<10000x64xbf16, #tpu.memory_space<hbm>>
    tpu.enqueue_indirect_dma source(%dma_start3A_69 : memref<10000x64xbf16, #tpu.memory_space<hbm>>) target(%arg13 : memref<128x64xbf16, #tpu.memory_space<vmem>>) offsets(%dma_start3A_66 : memref<128xi32, #tpu.memory_space<vmem>>) semaphore(%arg27 : memref<!tpu.dma_semaphore, #tpu.memory_space<semaphore_mem>>)
    %dma_start3A_70 = arith.constant 7 : i32
    %dma_start3A_71 = arith.constant 0 : i32
    %dma_start3A_72 = tpu.memref_slice %arg5[%dma_start3A_70, %dma_start3A_71] : memref<79x128xi32, #tpu.memory_space<vmem>> -> memref<1x128xi32, #tpu.memory_space<vmem>>
    %dma_start3A_73 = tpu.memref_squeeze %dma_start3A_72 : memref<1x128xi32, #tpu.memory_space<vmem>> -> memref<128xi32, #tpu.memory_space<vmem>>
    %dma_start3A_74 = arith.constant 0 : i32
    %dma_start3A_75 = arith.constant 0 : i32
    %dma_start3A_76 = tpu.memref_slice %arg2[%dma_start3A_74, %dma_start3A_75] : memref<10000x64xbf16, #tpu.memory_space<hbm>> -> memref<10000x64xbf16, #tpu.memory_space<hbm>>
    tpu.enqueue_indirect_dma source(%dma_start3A_76 : memref<10000x64xbf16, #tpu.memory_space<hbm>>) target(%arg14 : memref<128x64xbf16, #tpu.memory_space<vmem>>) offsets(%dma_start3A_73 : memref<128xi32, #tpu.memory_space<vmem>>) semaphore(%arg28 : memref<!tpu.dma_semaphore, #tpu.memory_space<semaphore_mem>>)
    %dma_start3A_77 = arith.constant 8 : i32
    %dma_start3A_78 = arith.constant 0 : i32
    %dma_start3A_79 = tpu.memref_slice %arg5[%dma_start3A_77, %dma_start3A_78] : memref<79x128xi32, #tpu.memory_space<vmem>> -> memref<1x128xi32, #tpu.memory_space<vmem>>
    %dma_start3A_80 = tpu.memref_squeeze %dma_start3A_79 : memref<1x128xi32, #tpu.memory_space<vmem>> -> memref<128xi32, #tpu.memory_space<vmem>>
    %dma_start3A_81 = arith.constant 0 : i32
    %dma_start3A_82 = arith.constant 0 : i32
    %dma_start3A_83 = tpu.memref_slice %arg2[%dma_start3A_81, %dma_start3A_82] : memref<10000x64xbf16, #tpu.memory_space<hbm>> -> memref<10000x64xbf16, #tpu.memory_space<hbm>>
    tpu.enqueue_indirect_dma source(%dma_start3A_83 : memref<10000x64xbf16, #tpu.memory_space<hbm>>) target(%arg15 : memref<128x64xbf16, #tpu.memory_space<vmem>>) offsets(%dma_start3A_80 : memref<128xi32, #tpu.memory_space<vmem>>) semaphore(%arg29 : memref<!tpu.dma_semaphore, #tpu.memory_space<semaphore_mem>>)
    %dma_start3A_84 = arith.constant 9 : i32
    %dma_start3A_85 = arith.constant 0 : i32
    %dma_start3A_86 = tpu.memref_slice %arg5[%dma_start3A_84, %dma_start3A_85] : memref<79x128xi32, #tpu.memory_space<vmem>> -> memref<1x128xi32, #tpu.memory_space<vmem>>
    %dma_start3A_87 = tpu.memref_squeeze %dma_start3A_86 : memref<1x128xi32, #tpu.memory_space<vmem>> -> memref<128xi32, #tpu.memory_space<vmem>>
    %dma_start3A_88 = arith.constant 0 : i32
    %dma_start3A_89 = arith.constant 0 : i32
    %dma_start3A_90 = tpu.memref_slice %arg2[%dma_start3A_88, %dma_start3A_89] : memref<10000x64xbf16, #tpu.memory_space<hbm>> -> memref<10000x64xbf16, #tpu.memory_space<hbm>>
    tpu.enqueue_indirect_dma source(%dma_start3A_90 : memref<10000x64xbf16, #tpu.memory_space<hbm>>) target(%arg16 : memref<128x64xbf16, #tpu.memory_space<vmem>>) offsets(%dma_start3A_87 : memref<128xi32, #tpu.memory_space<vmem>>) semaphore(%arg30 : memref<!tpu.dma_semaphore, #tpu.memory_space<semaphore_mem>>)
    %dma_start3A_91 = arith.constant 10 : i32
    %dma_start3A_92 = arith.constant 0 : i32
    %dma_start3A_93 = tpu.memref_slice %arg5[%dma_start3A_91, %dma_start3A_92] : memref<79x128xi32, #tpu.memory_space<vmem>> -> memref<1x128xi32, #tpu.memory_space<vmem>>
    %dma_start3A_94 = tpu.memref_squeeze %dma_start3A_93 : memref<1x128xi32, #tpu.memory_space<vmem>> -> memref<128xi32, #tpu.memory_space<vmem>>
    %dma_start3A_95 = arith.constant 0 : i32
    %dma_start3A_96 = arith.constant 0 : i32
    %dma_start3A_97 = tpu.memref_slice %arg2[%dma_start3A_95, %dma_start3A_96] : memref<10000x64xbf16, #tpu.memory_space<hbm>> -> memref<10000x64xbf16, #tpu.memory_space<hbm>>
    tpu.enqueue_indirect_dma source(%dma_start3A_97 : memref<10000x64xbf16, #tpu.memory_space<hbm>>) target(%arg17 : memref<128x64xbf16, #tpu.memory_space<vmem>>) offsets(%dma_start3A_94 : memref<128xi32, #tpu.memory_space<vmem>>) semaphore(%arg31 : memref<!tpu.dma_semaphore, #tpu.memory_space<semaphore_mem>>)
    %dma_start3A_98 = arith.constant 11 : i32
    %dma_start3A_99 = arith.constant 0 : i32
    %dma_start3A_100 = tpu.memref_slice %arg5[%dma_start3A_98, %dma_start3A_99] : memref<79x128xi32, #tpu.memory_space<vmem>> -> memref<1x128xi32, #tpu.memory_space<vmem>>
    %dma_start3A_101 = tpu.memref_squeeze %dma_start3A_100 : memref<1x128xi32, #tpu.memory_space<vmem>> -> memref<128xi32, #tpu.memory_space<vmem>>
    %dma_start3A_102 = arith.constant 0 : i32
    %dma_start3A_103 = arith.constant 0 : i32
    %dma_start3A_104 = tpu.memref_slice %arg2[%dma_start3A_102, %dma_start3A_103] : memref<10000x64xbf16, #tpu.memory_space<hbm>> -> memref<10000x64xbf16, #tpu.memory_space<hbm>>
    tpu.enqueue_indirect_dma source(%dma_start3A_104 : memref<10000x64xbf16, #tpu.memory_space<hbm>>) target(%arg18 : memref<128x64xbf16, #tpu.memory_space<vmem>>) offsets(%dma_start3A_101 : memref<128xi32, #tpu.memory_space<vmem>>) semaphore(%arg32 : memref<!tpu.dma_semaphore, #tpu.memory_space<semaphore_mem>>)
    %dma_start3A_105 = arith.constant 12 : i32
    %dma_start3A_106 = arith.constant 0 : i32
    %dma_start3A_107 = tpu.memref_slice %arg5[%dma_start3A_105, %dma_start3A_106] : memref<79x128xi32, #tpu.memory_space<vmem>> -> memref<1x128xi32, #tpu.memory_space<vmem>>
    %dma_start3A_108 = tpu.memref_squeeze %dma_start3A_107 : memref<1x128xi32, #tpu.memory_space<vmem>> -> memref<128xi32, #tpu.memory_space<vmem>>
    %dma_start3A_109 = arith.constant 0 : i32
    %dma_start3A_110 = arith.constant 0 : i32
    %dma_start3A_111 = tpu.memref_slice %arg2[%dma_start3A_109, %dma_start3A_110] : memref<10000x64xbf16, #tpu.memory_space<hbm>> -> memref<10000x64xbf16, #tpu.memory_space<hbm>>
    tpu.enqueue_indirect_dma source(%dma_start3A_111 : memref<10000x64xbf16, #tpu.memory_space<hbm>>) target(%arg19 : memref<128x64xbf16, #tpu.memory_space<vmem>>) offsets(%dma_start3A_108 : memref<128xi32, #tpu.memory_space<vmem>>) semaphore(%arg33 : memref<!tpu.dma_semaphore, #tpu.memory_space<semaphore_mem>>)
    %scan3A_112 = arith.constant 0 : i32
    %scan3A_113 = arith.constant 0 : i32
    %scan3A_114 = arith.constant 6 : i32
    %scan3A_115 = arith.addi %scan3A_113, %scan3A_114 : i32
    %scan3A_116 = arith.constant 1 : i32
    scf.for %scan3A_131 = %scan3A_113 to %scan3A_115 step %scan3A_116  : i32 {
      %mul3A_132 = arith.constant 13 : i32
      %mul3A_133 = arith.muli %scan3A_131, %mul3A_132 : i32
      %add3A_134 = arith.constant 0 : i32
      %add3A_135 = arith.addi %mul3A_133, %add3A_134 : i32
      %dma_wait3A = arith.constant 0 : i32
      %dma_wait3A_136 = tpu.memref_slice %arg5[%add3A_135, %dma_wait3A] : memref<79x128xi32, #tpu.memory_space<vmem>> -> memref<1x128xi32, #tpu.memory_space<vmem>>
      %dma_wait3A_137 = tpu.memref_squeeze %dma_wait3A_136 : memref<1x128xi32, #tpu.memory_space<vmem>> -> memref<128xi32, #tpu.memory_space<vmem>>
      %dma_wait3A_138 = arith.constant 0 : i32
      %dma_wait3A_139 = arith.constant 0 : i32
      %dma_wait3A_140 = tpu.memref_slice %arg2[%dma_wait3A_138, %dma_wait3A_139] : memref<10000x64xbf16, #tpu.memory_space<hbm>> -> memref<10000x64xbf16, #tpu.memory_space<hbm>>
      tpu.wait_indirect_dma semaphore(%arg21 : memref<!tpu.dma_semaphore, #tpu.memory_space<semaphore_mem>>) src(%dma_wait3A_140 : memref<10000x64xbf16, #tpu.memory_space<hbm>>) dst(%arg7 : memref<128x64xbf16, #tpu.memory_space<vmem>>)
      %dma_start3A_141 = arith.constant 0 : i32
      %dma_start3A_142 = tpu.memref_slice %arg6[%add3A_135, %dma_start3A_141] : memref<79x128xi32, #tpu.memory_space<vmem>> -> memref<1x128xi32, #tpu.memory_space<vmem>>
      %dma_start3A_143 = tpu.memref_squeeze %dma_start3A_142 : memref<1x128xi32, #tpu.memory_space<vmem>> -> memref<128xi32, #tpu.memory_space<vmem>>
      %dma_start3A_144 = arith.constant 0 : i32
      %dma_start3A_145 = arith.constant 0 : i32
      %dma_start3A_146 = tpu.memref_slice %arg20[%dma_start3A_144, %dma_start3A_145] : memref<10000x64xbf16, #tpu.memory_space<vmem_shared>> -> memref<10000x64xbf16, #tpu.memory_space<vmem_shared>>
      tpu.enqueue_indirect_dma source(%arg7 : memref<128x64xbf16, #tpu.memory_space<vmem>>) target(%dma_start3A_146 : memref<10000x64xbf16, #tpu.memory_space<vmem_shared>>) offsets(%dma_start3A_143 : memref<128xi32, #tpu.memory_space<vmem>>) semaphore(%arg34 : memref<!tpu.dma_semaphore, #tpu.memory_space<semaphore_mem>>) {add = true}
      %mul3A_147 = arith.constant 13 : i32
      %mul3A_148 = arith.muli %scan3A_131, %mul3A_147 : i32
      %add3A_149 = arith.constant 1 : i32
      %add3A_150 = arith.addi %mul3A_148, %add3A_149 : i32
      %dma_wait3A_151 = arith.constant 0 : i32
      %dma_wait3A_152 = tpu.memref_slice %arg5[%add3A_150, %dma_wait3A_151] : memref<79x128xi32, #tpu.memory_space<vmem>> -> memref<1x128xi32, #tpu.memory_space<vmem>>
      %dma_wait3A_153 = tpu.memref_squeeze %dma_wait3A_152 : memref<1x128xi32, #tpu.memory_space<vmem>> -> memref<128xi32, #tpu.memory_space<vmem>>
      %dma_wait3A_154 = arith.constant 0 : i32
      %dma_wait3A_155 = arith.constant 0 : i32
      %dma_wait3A_156 = tpu.memref_slice %arg2[%dma_wait3A_154, %dma_wait3A_155] : memref<10000x64xbf16, #tpu.memory_space<hbm>> -> memref<10000x64xbf16, #tpu.memory_space<hbm>>
      tpu.wait_indirect_dma semaphore(%arg22 : memref<!tpu.dma_semaphore, #tpu.memory_space<semaphore_mem>>) src(%dma_wait3A_156 : memref<10000x64xbf16, #tpu.memory_space<hbm>>) dst(%arg8 : memref<128x64xbf16, #tpu.memory_space<vmem>>)
      %dma_start3A_157 = arith.constant 0 : i32
      %dma_start3A_158 = tpu.memref_slice %arg6[%add3A_150, %dma_start3A_157] : memref<79x128xi32, #tpu.memory_space<vmem>> -> memref<1x128xi32, #tpu.memory_space<vmem>>
      %dma_start3A_159 = tpu.memref_squeeze %dma_start3A_158 : memref<1x128xi32, #tpu.memory_space<vmem>> -> memref<128xi32, #tpu.memory_space<vmem>>
      %dma_start3A_160 = arith.constant 0 : i32
      %dma_start3A_161 = arith.constant 0 : i32
      %dma_start3A_162 = tpu.memref_slice %arg20[%dma_start3A_160, %dma_start3A_161] : memref<10000x64xbf16, #tpu.memory_space<vmem_shared>> -> memref<10000x64xbf16, #tpu.memory_space<vmem_shared>>
      tpu.enqueue_indirect_dma source(%arg8 : memref<128x64xbf16, #tpu.memory_space<vmem>>) target(%dma_start3A_162 : memref<10000x64xbf16, #tpu.memory_space<vmem_shared>>) offsets(%dma_start3A_159 : memref<128xi32, #tpu.memory_space<vmem>>) semaphore(%arg35 : memref<!tpu.dma_semaphore, #tpu.memory_space<semaphore_mem>>) {add = true}
      %mul3A_163 = arith.constant 13 : i32
      %mul3A_164 = arith.muli %scan3A_131, %mul3A_163 : i32
      %add3A_165 = arith.constant 2 : i32
      %add3A_166 = arith.addi %mul3A_164, %add3A_165 : i32
      %dma_wait3A_167 = arith.constant 0 : i32
      %dma_wait3A_168 = tpu.memref_slice %arg5[%add3A_166, %dma_wait3A_167] : memref<79x128xi32, #tpu.memory_space<vmem>> -> memref<1x128xi32, #tpu.memory_space<vmem>>
      %dma_wait3A_169 = tpu.memref_squeeze %dma_wait3A_168 : memref<1x128xi32, #tpu.memory_space<vmem>> -> memref<128xi32, #tpu.memory_space<vmem>>
      %dma_wait3A_170 = arith.constant 0 : i32
      %dma_wait3A_171 = arith.constant 0 : i32
      %dma_wait3A_172 = tpu.memref_slice %arg2[%dma_wait3A_170, %dma_wait3A_171] : memref<10000x64xbf16, #tpu.memory_space<hbm>> -> memref<10000x64xbf16, #tpu.memory_space<hbm>>
      tpu.wait_indirect_dma semaphore(%arg23 : memref<!tpu.dma_semaphore, #tpu.memory_space<semaphore_mem>>) src(%dma_wait3A_172 : memref<10000x64xbf16, #tpu.memory_space<hbm>>) dst(%arg9 : memref<128x64xbf16, #tpu.memory_space<vmem>>)
      %dma_start3A_173 = arith.constant 0 : i32
      %dma_start3A_174 = tpu.memref_slice %arg6[%add3A_166, %dma_start3A_173] : memref<79x128xi32, #tpu.memory_space<vmem>> -> memref<1x128xi32, #tpu.memory_space<vmem>>
      %dma_start3A_175 = tpu.memref_squeeze %dma_start3A_174 : memref<1x128xi32, #tpu.memory_space<vmem>> -> memref<128xi32, #tpu.memory_space<vmem>>
      %dma_start3A_176 = arith.constant 0 : i32
      %dma_start3A_177 = arith.constant 0 : i32
      %dma_start3A_178 = tpu.memref_slice %arg20[%dma_start3A_176, %dma_start3A_177] : memref<10000x64xbf16, #tpu.memory_space<vmem_shared>> -> memref<10000x64xbf16, #tpu.memory_space<vmem_shared>>
      tpu.enqueue_indirect_dma source(%arg9 : memref<128x64xbf16, #tpu.memory_space<vmem>>) target(%dma_start3A_178 : memref<10000x64xbf16, #tpu.memory_space<vmem_shared>>) offsets(%dma_start3A_175 : memref<128xi32, #tpu.memory_space<vmem>>) semaphore(%arg36 : memref<!tpu.dma_semaphore, #tpu.memory_space<semaphore_mem>>) {add = true}
      %mul3A_179 = arith.constant 13 : i32
      %mul3A_180 = arith.muli %scan3A_131, %mul3A_179 : i32
      %add3A_181 = arith.constant 3 : i32
      %add3A_182 = arith.addi %mul3A_180, %add3A_181 : i32
      %dma_wait3A_183 = arith.constant 0 : i32
      %dma_wait3A_184 = tpu.memref_slice %arg5[%add3A_182, %dma_wait3A_183] : memref<79x128xi32, #tpu.memory_space<vmem>> -> memref<1x128xi32, #tpu.memory_space<vmem>>
      %dma_wait3A_185 = tpu.memref_squeeze %dma_wait3A_184 : memref<1x128xi32, #tpu.memory_space<vmem>> -> memref<128xi32, #tpu.memory_space<vmem>>
      %dma_wait3A_186 = arith.constant 0 : i32
      %dma_wait3A_187 = arith.constant 0 : i32
      %dma_wait3A_188 = tpu.memref_slice %arg2[%dma_wait3A_186, %dma_wait3A_187] : memref<10000x64xbf16, #tpu.memory_space<hbm>> -> memref<10000x64xbf16, #tpu.memory_space<hbm>>
      tpu.wait_indirect_dma semaphore(%arg24 : memref<!tpu.dma_semaphore, #tpu.memory_space<semaphore_mem>>) src(%dma_wait3A_188 : memref<10000x64xbf16, #tpu.memory_space<hbm>>) dst(%arg10 : memref<128x64xbf16, #tpu.memory_space<vmem>>)
      %dma_start3A_189 = arith.constant 0 : i32
      %dma_start3A_190 = tpu.memref_slice %arg6[%add3A_182, %dma_start3A_189] : memref<79x128xi32, #tpu.memory_space<vmem>> -> memref<1x128xi32, #tpu.memory_space<vmem>>
      %dma_start3A_191 = tpu.memref_squeeze %dma_start3A_190 : memref<1x128xi32, #tpu.memory_space<vmem>> -> memref<128xi32, #tpu.memory_space<vmem>>
      %dma_start3A_192 = arith.constant 0 : i32
      %dma_start3A_193 = arith.constant 0 : i32
      %dma_start3A_194 = tpu.memref_slice %arg20[%dma_start3A_192, %dma_start3A_193] : memref<10000x64xbf16, #tpu.memory_space<vmem_shared>> -> memref<10000x64xbf16, #tpu.memory_space<vmem_shared>>
      tpu.enqueue_indirect_dma source(%arg10 : memref<128x64xbf16, #tpu.memory_space<vmem>>) target(%dma_start3A_194 : memref<10000x64xbf16, #tpu.memory_space<vmem_shared>>) offsets(%dma_start3A_191 : memref<128xi32, #tpu.memory_space<vmem>>) semaphore(%arg37 : memref<!tpu.dma_semaphore, #tpu.memory_space<semaphore_mem>>) {add = true}
      %mul3A_195 = arith.constant 13 : i32
      %mul3A_196 = arith.muli %scan3A_131, %mul3A_195 : i32
      %add3A_197 = arith.constant 4 : i32
      %add3A_198 = arith.addi %mul3A_196, %add3A_197 : i32
      %dma_wait3A_199 = arith.constant 0 : i32
      %dma_wait3A_200 = tpu.memref_slice %arg5[%add3A_198, %dma_wait3A_199] : memref<79x128xi32, #tpu.memory_space<vmem>> -> memref<1x128xi32, #tpu.memory_space<vmem>>
      %dma_wait3A_201 = tpu.memref_squeeze %dma_wait3A_200 : memref<1x128xi32, #tpu.memory_space<vmem>> -> memref<128xi32, #tpu.memory_space<vmem>>
      %dma_wait3A_202 = arith.constant 0 : i32
      %dma_wait3A_203 = arith.constant 0 : i32
      %dma_wait3A_204 = tpu.memref_slice %arg2[%dma_wait3A_202, %dma_wait3A_203] : memref<10000x64xbf16, #tpu.memory_space<hbm>> -> memref<10000x64xbf16, #tpu.memory_space<hbm>>
      tpu.wait_indirect_dma semaphore(%arg25 : memref<!tpu.dma_semaphore, #tpu.memory_space<semaphore_mem>>) src(%dma_wait3A_204 : memref<10000x64xbf16, #tpu.memory_space<hbm>>) dst(%arg11 : memref<128x64xbf16, #tpu.memory_space<vmem>>)
      %dma_start3A_205 = arith.constant 0 : i32
      %dma_start3A_206 = tpu.memref_slice %arg6[%add3A_198, %dma_start3A_205] : memref<79x128xi32, #tpu.memory_space<vmem>> -> memref<1x128xi32, #tpu.memory_space<vmem>>
      %dma_start3A_207 = tpu.memref_squeeze %dma_start3A_206 : memref<1x128xi32, #tpu.memory_space<vmem>> -> memref<128xi32, #tpu.memory_space<vmem>>
      %dma_start3A_208 = arith.constant 0 : i32
      %dma_start3A_209 = arith.constant 0 : i32
      %dma_start3A_210 = tpu.memref_slice %arg20[%dma_start3A_208, %dma_start3A_209] : memref<10000x64xbf16, #tpu.memory_space<vmem_shared>> -> memref<10000x64xbf16, #tpu.memory_space<vmem_shared>>
      tpu.enqueue_indirect_dma source(%arg11 : memref<128x64xbf16, #tpu.memory_space<vmem>>) target(%dma_start3A_210 : memref<10000x64xbf16, #tpu.memory_space<vmem_shared>>) offsets(%dma_start3A_207 : memref<128xi32, #tpu.memory_space<vmem>>) semaphore(%arg38 : memref<!tpu.dma_semaphore, #tpu.memory_space<semaphore_mem>>) {add = true}
      %mul3A_211 = arith.constant 13 : i32
      %mul3A_212 = arith.muli %scan3A_131, %mul3A_211 : i32
      %add3A_213 = arith.constant 5 : i32
      %add3A_214 = arith.addi %mul3A_212, %add3A_213 : i32
      %dma_wait3A_215 = arith.constant 0 : i32
      %dma_wait3A_216 = tpu.memref_slice %arg5[%add3A_214, %dma_wait3A_215] : memref<79x128xi32, #tpu.memory_space<vmem>> -> memref<1x128xi32, #tpu.memory_space<vmem>>
      %dma_wait3A_217 = tpu.memref_squeeze %dma_wait3A_216 : memref<1x128xi32, #tpu.memory_space<vmem>> -> memref<128xi32, #tpu.memory_space<vmem>>
      %dma_wait3A_218 = arith.constant 0 : i32
      %dma_wait3A_219 = arith.constant 0 : i32
      %dma_wait3A_220 = tpu.memref_slice %arg2[%dma_wait3A_218, %dma_wait3A_219] : memref<10000x64xbf16, #tpu.memory_space<hbm>> -> memref<10000x64xbf16, #tpu.memory_space<hbm>>
      tpu.wait_indirect_dma semaphore(%arg26 : memref<!tpu.dma_semaphore, #tpu.memory_space<semaphore_mem>>) src(%dma_wait3A_220 : memref<10000x64xbf16, #tpu.memory_space<hbm>>) dst(%arg12 : memref<128x64xbf16, #tpu.memory_space<vmem>>)
      %dma_start3A_221 = arith.constant 0 : i32
      %dma_start3A_222 = tpu.memref_slice %arg6[%add3A_214, %dma_start3A_221] : memref<79x128xi32, #tpu.memory_space<vmem>> -> memref<1x128xi32, #tpu.memory_space<vmem>>
      %dma_start3A_223 = tpu.memref_squeeze %dma_start3A_222 : memref<1x128xi32, #tpu.memory_space<vmem>> -> memref<128xi32, #tpu.memory_space<vmem>>
      %dma_start3A_224 = arith.constant 0 : i32
      %dma_start3A_225 = arith.constant 0 : i32
      %dma_start3A_226 = tpu.memref_slice %arg20[%dma_start3A_224, %dma_start3A_225] : memref<10000x64xbf16, #tpu.memory_space<vmem_shared>> -> memref<10000x64xbf16, #tpu.memory_space<vmem_shared>>
      tpu.enqueue_indirect_dma source(%arg12 : memref<128x64xbf16, #tpu.memory_space<vmem>>) target(%dma_start3A_226 : memref<10000x64xbf16, #tpu.memory_space<vmem_shared>>) offsets(%dma_start3A_223 : memref<128xi32, #tpu.memory_space<vmem>>) semaphore(%arg39 : memref<!tpu.dma_semaphore, #tpu.memory_space<semaphore_mem>>) {add = true}
      %mul3A_227 = arith.constant 13 : i32
      %mul3A_228 = arith.muli %scan3A_131, %mul3A_227 : i32
      %add3A_229 = arith.constant 6 : i32
      %add3A_230 = arith.addi %mul3A_228, %add3A_229 : i32
      %dma_wait3A_231 = arith.constant 0 : i32
      %dma_wait3A_232 = tpu.memref_slice %arg5[%add3A_230, %dma_wait3A_231] : memref<79x128xi32, #tpu.memory_space<vmem>> -> memref<1x128xi32, #tpu.memory_space<vmem>>
      %dma_wait3A_233 = tpu.memref_squeeze %dma_wait3A_232 : memref<1x128xi32, #tpu.memory_space<vmem>> -> memref<128xi32, #tpu.memory_space<vmem>>
      %dma_wait3A_234 = arith.constant 0 : i32
      %dma_wait3A_235 = arith.constant 0 : i32
      %dma_wait3A_236 = tpu.memref_slice %arg2[%dma_wait3A_234, %dma_wait3A_235] : memref<10000x64xbf16, #tpu.memory_space<hbm>> -> memref<10000x64xbf16, #tpu.memory_space<hbm>>
      tpu.wait_indirect_dma semaphore(%arg27 : memref<!tpu.dma_semaphore, #tpu.memory_space<semaphore_mem>>) src(%dma_wait3A_236 : memref<10000x64xbf16, #tpu.memory_space<hbm>>) dst(%arg13 : memref<128x64xbf16, #tpu.memory_space<vmem>>)
      %dma_start3A_237 = arith.constant 0 : i32
      %dma_start3A_238 = tpu.memref_slice %arg6[%add3A_230, %dma_start3A_237] : memref<79x128xi32, #tpu.memory_space<vmem>> -> memref<1x128xi32, #tpu.memory_space<vmem>>
      %dma_start3A_239 = tpu.memref_squeeze %dma_start3A_238 : memref<1x128xi32, #tpu.memory_space<vmem>> -> memref<128xi32, #tpu.memory_space<vmem>>
      %dma_start3A_240 = arith.constant 0 : i32
      %dma_start3A_241 = arith.constant 0 : i32
      %dma_start3A_242 = tpu.memref_slice %arg20[%dma_start3A_240, %dma_start3A_241] : memref<10000x64xbf16, #tpu.memory_space<vmem_shared>> -> memref<10000x64xbf16, #tpu.memory_space<vmem_shared>>
      tpu.enqueue_indirect_dma source(%arg13 : memref<128x64xbf16, #tpu.memory_space<vmem>>) target(%dma_start3A_242 : memref<10000x64xbf16, #tpu.memory_space<vmem_shared>>) offsets(%dma_start3A_239 : memref<128xi32, #tpu.memory_space<vmem>>) semaphore(%arg40 : memref<!tpu.dma_semaphore, #tpu.memory_space<semaphore_mem>>) {add = true}
      %mul3A_243 = arith.constant 13 : i32
      %mul3A_244 = arith.muli %scan3A_131, %mul3A_243 : i32
      %add3A_245 = arith.constant 7 : i32
      %add3A_246 = arith.addi %mul3A_244, %add3A_245 : i32
      %dma_wait3A_247 = arith.constant 0 : i32
      %dma_wait3A_248 = tpu.memref_slice %arg5[%add3A_246, %dma_wait3A_247] : memref<79x128xi32, #tpu.memory_space<vmem>> -> memref<1x128xi32, #tpu.memory_space<vmem>>
      %dma_wait3A_249 = tpu.memref_squeeze %dma_wait3A_248 : memref<1x128xi32, #tpu.memory_space<vmem>> -> memref<128xi32, #tpu.memory_space<vmem>>
      %dma_wait3A_250 = arith.constant 0 : i32
      %dma_wait3A_251 = arith.constant 0 : i32
      %dma_wait3A_252 = tpu.memref_slice %arg2[%dma_wait3A_250, %dma_wait3A_251] : memref<10000x64xbf16, #tpu.memory_space<hbm>> -> memref<10000x64xbf16, #tpu.memory_space<hbm>>
      tpu.wait_indirect_dma semaphore(%arg28 : memref<!tpu.dma_semaphore, #tpu.memory_space<semaphore_mem>>) src(%dma_wait3A_252 : memref<10000x64xbf16, #tpu.memory_space<hbm>>) dst(%arg14 : memref<128x64xbf16, #tpu.memory_space<vmem>>)
      %dma_start3A_253 = arith.constant 0 : i32
      %dma_start3A_254 = tpu.memref_slice %arg6[%add3A_246, %dma_start3A_253] : memref<79x128xi32, #tpu.memory_space<vmem>> -> memref<1x128xi32, #tpu.memory_space<vmem>>
      %dma_start3A_255 = tpu.memref_squeeze %dma_start3A_254 : memref<1x128xi32, #tpu.memory_space<vmem>> -> memref<128xi32, #tpu.memory_space<vmem>>
      %dma_start3A_256 = arith.constant 0 : i32
      %dma_start3A_257 = arith.constant 0 : i32
      %dma_start3A_258 = tpu.memref_slice %arg20[%dma_start3A_256, %dma_start3A_257] : memref<10000x64xbf16, #tpu.memory_space<vmem_shared>> -> memref<10000x64xbf16, #tpu.memory_space<vmem_shared>>
      tpu.enqueue_indirect_dma source(%arg14 : memref<128x64xbf16, #tpu.memory_space<vmem>>) target(%dma_start3A_258 : memref<10000x64xbf16, #tpu.memory_space<vmem_shared>>) offsets(%dma_start3A_255 : memref<128xi32, #tpu.memory_space<vmem>>) semaphore(%arg41 : memref<!tpu.dma_semaphore, #tpu.memory_space<semaphore_mem>>) {add = true}
      %mul3A_259 = arith.constant 13 : i32
      %mul3A_260 = arith.muli %scan3A_131, %mul3A_259 : i32
      %add3A_261 = arith.constant 8 : i32
      %add3A_262 = arith.addi %mul3A_260, %add3A_261 : i32
      %dma_wait3A_263 = arith.constant 0 : i32
      %dma_wait3A_264 = tpu.memref_slice %arg5[%add3A_262, %dma_wait3A_263] : memref<79x128xi32, #tpu.memory_space<vmem>> -> memref<1x128xi32, #tpu.memory_space<vmem>>
      %dma_wait3A_265 = tpu.memref_squeeze %dma_wait3A_264 : memref<1x128xi32, #tpu.memory_space<vmem>> -> memref<128xi32, #tpu.memory_space<vmem>>
      %dma_wait3A_266 = arith.constant 0 : i32
      %dma_wait3A_267 = arith.constant 0 : i32
      %dma_wait3A_268 = tpu.memref_slice %arg2[%dma_wait3A_266, %dma_wait3A_267] : memref<10000x64xbf16, #tpu.memory_space<hbm>> -> memref<10000x64xbf16, #tpu.memory_space<hbm>>
      tpu.wait_indirect_dma semaphore(%arg29 : memref<!tpu.dma_semaphore, #tpu.memory_space<semaphore_mem>>) src(%dma_wait3A_268 : memref<10000x64xbf16, #tpu.memory_space<hbm>>) dst(%arg15 : memref<128x64xbf16, #tpu.memory_space<vmem>>)
      %dma_start3A_269 = arith.constant 0 : i32
      %dma_start3A_270 = tpu.memref_slice %arg6[%add3A_262, %dma_start3A_269] : memref<79x128xi32, #tpu.memory_space<vmem>> -> memref<1x128xi32, #tpu.memory_space<vmem>>
      %dma_start3A_271 = tpu.memref_squeeze %dma_start3A_270 : memref<1x128xi32, #tpu.memory_space<vmem>> -> memref<128xi32, #tpu.memory_space<vmem>>
      %dma_start3A_272 = arith.constant 0 : i32
      %dma_start3A_273 = arith.constant 0 : i32
      %dma_start3A_274 = tpu.memref_slice %arg20[%dma_start3A_272, %dma_start3A_273] : memref<10000x64xbf16, #tpu.memory_space<vmem_shared>> -> memref<10000x64xbf16, #tpu.memory_space<vmem_shared>>
      tpu.enqueue_indirect_dma source(%arg15 : memref<128x64xbf16, #tpu.memory_space<vmem>>) target(%dma_start3A_274 : memref<10000x64xbf16, #tpu.memory_space<vmem_shared>>) offsets(%dma_start3A_271 : memref<128xi32, #tpu.memory_space<vmem>>) semaphore(%arg42 : memref<!tpu.dma_semaphore, #tpu.memory_space<semaphore_mem>>) {add = true}
      %mul3A_275 = arith.constant 13 : i32
      %mul3A_276 = arith.muli %scan3A_131, %mul3A_275 : i32
      %add3A_277 = arith.constant 9 : i32
      %add3A_278 = arith.addi %mul3A_276, %add3A_277 : i32
      %dma_wait3A_279 = arith.constant 0 : i32
      %dma_wait3A_280 = tpu.memref_slice %arg5[%add3A_278, %dma_wait3A_279] : memref<79x128xi32, #tpu.memory_space<vmem>> -> memref<1x128xi32, #tpu.memory_space<vmem>>
      %dma_wait3A_281 = tpu.memref_squeeze %dma_wait3A_280 : memref<1x128xi32, #tpu.memory_space<vmem>> -> memref<128xi32, #tpu.memory_space<vmem>>
      %dma_wait3A_282 = arith.constant 0 : i32
      %dma_wait3A_283 = arith.constant 0 : i32
      %dma_wait3A_284 = tpu.memref_slice %arg2[%dma_wait3A_282, %dma_wait3A_283] : memref<10000x64xbf16, #tpu.memory_space<hbm>> -> memref<10000x64xbf16, #tpu.memory_space<hbm>>
      tpu.wait_indirect_dma semaphore(%arg30 : memref<!tpu.dma_semaphore, #tpu.memory_space<semaphore_mem>>) src(%dma_wait3A_284 : memref<10000x64xbf16, #tpu.memory_space<hbm>>) dst(%arg16 : memref<128x64xbf16, #tpu.memory_space<vmem>>)
      %dma_start3A_285 = arith.constant 0 : i32
      %dma_start3A_286 = tpu.memref_slice %arg6[%add3A_278, %dma_start3A_285] : memref<79x128xi32, #tpu.memory_space<vmem>> -> memref<1x128xi32, #tpu.memory_space<vmem>>
      %dma_start3A_287 = tpu.memref_squeeze %dma_start3A_286 : memref<1x128xi32, #tpu.memory_space<vmem>> -> memref<128xi32, #tpu.memory_space<vmem>>
      %dma_start3A_288 = arith.constant 0 : i32
      %dma_start3A_289 = arith.constant 0 : i32
      %dma_start3A_290 = tpu.memref_slice %arg20[%dma_start3A_288, %dma_start3A_289] : memref<10000x64xbf16, #tpu.memory_space<vmem_shared>> -> memref<10000x64xbf16, #tpu.memory_space<vmem_shared>>
      tpu.enqueue_indirect_dma source(%arg16 : memref<128x64xbf16, #tpu.memory_space<vmem>>) target(%dma_start3A_290 : memref<10000x64xbf16, #tpu.memory_space<vmem_shared>>) offsets(%dma_start3A_287 : memref<128xi32, #tpu.memory_space<vmem>>) semaphore(%arg43 : memref<!tpu.dma_semaphore, #tpu.memory_space<semaphore_mem>>) {add = true}
      %mul3A_291 = arith.constant 13 : i32
      %mul3A_292 = arith.muli %scan3A_131, %mul3A_291 : i32
      %add3A_293 = arith.constant 10 : i32
      %add3A_294 = arith.addi %mul3A_292, %add3A_293 : i32
      %dma_wait3A_295 = arith.constant 0 : i32
      %dma_wait3A_296 = tpu.memref_slice %arg5[%add3A_294, %dma_wait3A_295] : memref<79x128xi32, #tpu.memory_space<vmem>> -> memref<1x128xi32, #tpu.memory_space<vmem>>
      %dma_wait3A_297 = tpu.memref_squeeze %dma_wait3A_296 : memref<1x128xi32, #tpu.memory_space<vmem>> -> memref<128xi32, #tpu.memory_space<vmem>>
      %dma_wait3A_298 = arith.constant 0 : i32
      %dma_wait3A_299 = arith.constant 0 : i32
      %dma_wait3A_300 = tpu.memref_slice %arg2[%dma_wait3A_298, %dma_wait3A_299] : memref<10000x64xbf16, #tpu.memory_space<hbm>> -> memref<10000x64xbf16, #tpu.memory_space<hbm>>
      tpu.wait_indirect_dma semaphore(%arg31 : memref<!tpu.dma_semaphore, #tpu.memory_space<semaphore_mem>>) src(%dma_wait3A_300 : memref<10000x64xbf16, #tpu.memory_space<hbm>>) dst(%arg17 : memref<128x64xbf16, #tpu.memory_space<vmem>>)
      %dma_start3A_301 = arith.constant 0 : i32
      %dma_start3A_302 = tpu.memref_slice %arg6[%add3A_294, %dma_start3A_301] : memref<79x128xi32, #tpu.memory_space<vmem>> -> memref<1x128xi32, #tpu.memory_space<vmem>>
      %dma_start3A_303 = tpu.memref_squeeze %dma_start3A_302 : memref<1x128xi32, #tpu.memory_space<vmem>> -> memref<128xi32, #tpu.memory_space<vmem>>
      %dma_start3A_304 = arith.constant 0 : i32
      %dma_start3A_305 = arith.constant 0 : i32
      %dma_start3A_306 = tpu.memref_slice %arg20[%dma_start3A_304, %dma_start3A_305] : memref<10000x64xbf16, #tpu.memory_space<vmem_shared>> -> memref<10000x64xbf16, #tpu.memory_space<vmem_shared>>
      tpu.enqueue_indirect_dma source(%arg17 : memref<128x64xbf16, #tpu.memory_space<vmem>>) target(%dma_start3A_306 : memref<10000x64xbf16, #tpu.memory_space<vmem_shared>>) offsets(%dma_start3A_303 : memref<128xi32, #tpu.memory_space<vmem>>) semaphore(%arg44 : memref<!tpu.dma_semaphore, #tpu.memory_space<semaphore_mem>>) {add = true}
      %mul3A_307 = arith.constant 13 : i32
      %mul3A_308 = arith.muli %scan3A_131, %mul3A_307 : i32
      %add3A_309 = arith.constant 11 : i32
      %add3A_310 = arith.addi %mul3A_308, %add3A_309 : i32
      %dma_wait3A_311 = arith.constant 0 : i32
      %dma_wait3A_312 = tpu.memref_slice %arg5[%add3A_310, %dma_wait3A_311] : memref<79x128xi32, #tpu.memory_space<vmem>> -> memref<1x128xi32, #tpu.memory_space<vmem>>
      %dma_wait3A_313 = tpu.memref_squeeze %dma_wait3A_312 : memref<1x128xi32, #tpu.memory_space<vmem>> -> memref<128xi32, #tpu.memory_space<vmem>>
      %dma_wait3A_314 = arith.constant 0 : i32
      %dma_wait3A_315 = arith.constant 0 : i32
      %dma_wait3A_316 = tpu.memref_slice %arg2[%dma_wait3A_314, %dma_wait3A_315] : memref<10000x64xbf16, #tpu.memory_space<hbm>> -> memref<10000x64xbf16, #tpu.memory_space<hbm>>
      tpu.wait_indirect_dma semaphore(%arg32 : memref<!tpu.dma_semaphore, #tpu.memory_space<semaphore_mem>>) src(%dma_wait3A_316 : memref<10000x64xbf16, #tpu.memory_space<hbm>>) dst(%arg18 : memref<128x64xbf16, #tpu.memory_space<vmem>>)
      %dma_start3A_317 = arith.constant 0 : i32
      %dma_start3A_318 = tpu.memref_slice %arg6[%add3A_310, %dma_start3A_317] : memref<79x128xi32, #tpu.memory_space<vmem>> -> memref<1x128xi32, #tpu.memory_space<vmem>>
      %dma_start3A_319 = tpu.memref_squeeze %dma_start3A_318 : memref<1x128xi32, #tpu.memory_space<vmem>> -> memref<128xi32, #tpu.memory_space<vmem>>
      %dma_start3A_320 = arith.constant 0 : i32
      %dma_start3A_321 = arith.constant 0 : i32
      %dma_start3A_322 = tpu.memref_slice %arg20[%dma_start3A_320, %dma_start3A_321] : memref<10000x64xbf16, #tpu.memory_space<vmem_shared>> -> memref<10000x64xbf16, #tpu.memory_space<vmem_shared>>
      tpu.enqueue_indirect_dma source(%arg18 : memref<128x64xbf16, #tpu.memory_space<vmem>>) target(%dma_start3A_322 : memref<10000x64xbf16, #tpu.memory_space<vmem_shared>>) offsets(%dma_start3A_319 : memref<128xi32, #tpu.memory_space<vmem>>) semaphore(%arg45 : memref<!tpu.dma_semaphore, #tpu.memory_space<semaphore_mem>>) {add = true}
      %mul3A_323 = arith.constant 13 : i32
      %mul3A_324 = arith.muli %scan3A_131, %mul3A_323 : i32
      %add3A_325 = arith.constant 12 : i32
      %add3A_326 = arith.addi %mul3A_324, %add3A_325 : i32
      %dma_wait3A_327 = arith.constant 0 : i32
      %dma_wait3A_328 = tpu.memref_slice %arg5[%add3A_326, %dma_wait3A_327] : memref<79x128xi32, #tpu.memory_space<vmem>> -> memref<1x128xi32, #tpu.memory_space<vmem>>
      %dma_wait3A_329 = tpu.memref_squeeze %dma_wait3A_328 : memref<1x128xi32, #tpu.memory_space<vmem>> -> memref<128xi32, #tpu.memory_space<vmem>>
      %dma_wait3A_330 = arith.constant 0 : i32
      %dma_wait3A_331 = arith.constant 0 : i32
      %dma_wait3A_332 = tpu.memref_slice %arg2[%dma_wait3A_330, %dma_wait3A_331] : memref<10000x64xbf16, #tpu.memory_space<hbm>> -> memref<10000x64xbf16, #tpu.memory_space<hbm>>
      tpu.wait_indirect_dma semaphore(%arg33 : memref<!tpu.dma_semaphore, #tpu.memory_space<semaphore_mem>>) src(%dma_wait3A_332 : memref<10000x64xbf16, #tpu.memory_space<hbm>>) dst(%arg19 : memref<128x64xbf16, #tpu.memory_space<vmem>>)
      %dma_start3A_333 = arith.constant 0 : i32
      %dma_start3A_334 = tpu.memref_slice %arg6[%add3A_326, %dma_start3A_333] : memref<79x128xi32, #tpu.memory_space<vmem>> -> memref<1x128xi32, #tpu.memory_space<vmem>>
      %dma_start3A_335 = tpu.memref_squeeze %dma_start3A_334 : memref<1x128xi32, #tpu.memory_space<vmem>> -> memref<128xi32, #tpu.memory_space<vmem>>
      %dma_start3A_336 = arith.constant 0 : i32
      %dma_start3A_337 = arith.constant 0 : i32
      %dma_start3A_338 = tpu.memref_slice %arg20[%dma_start3A_336, %dma_start3A_337] : memref<10000x64xbf16, #tpu.memory_space<vmem_shared>> -> memref<10000x64xbf16, #tpu.memory_space<vmem_shared>>
      tpu.enqueue_indirect_dma source(%arg19 : memref<128x64xbf16, #tpu.memory_space<vmem>>) target(%dma_start3A_338 : memref<10000x64xbf16, #tpu.memory_space<vmem_shared>>) offsets(%dma_start3A_335 : memref<128xi32, #tpu.memory_space<vmem>>) semaphore(%arg46 : memref<!tpu.dma_semaphore, #tpu.memory_space<semaphore_mem>>) {add = true}
      %dma_wait3A_339 = arith.constant 0 : i32
      %dma_wait3A_340 = tpu.memref_slice %arg6[%add3A_135, %dma_wait3A_339] : memref<79x128xi32, #tpu.memory_space<vmem>> -> memref<1x128xi32, #tpu.memory_space<vmem>>
      %dma_wait3A_341 = tpu.memref_squeeze %dma_wait3A_340 : memref<1x128xi32, #tpu.memory_space<vmem>> -> memref<128xi32, #tpu.memory_space<vmem>>
      %dma_wait3A_342 = arith.constant 0 : i32
      %dma_wait3A_343 = arith.constant 0 : i32
      %dma_wait3A_344 = tpu.memref_slice %arg20[%dma_wait3A_342, %dma_wait3A_343] : memref<10000x64xbf16, #tpu.memory_space<vmem_shared>> -> memref<10000x64xbf16, #tpu.memory_space<vmem_shared>>
      tpu.wait_indirect_dma semaphore(%arg34 : memref<!tpu.dma_semaphore, #tpu.memory_space<semaphore_mem>>) src(%arg7 : memref<128x64xbf16, #tpu.memory_space<vmem>>) dst(%dma_wait3A_344 : memref<10000x64xbf16, #tpu.memory_space<vmem_shared>>)
      %mul3A_345 = arith.constant 13 : i32
      %mul3A_346 = arith.muli %scan3A_131, %mul3A_345 : i32
      %add3A_347 = arith.constant 0 : i32
      %add3A_348 = arith.addi %mul3A_346, %add3A_347 : i32
      %add3A_349 = arith.constant 13 : i32
      %add3A_350 = arith.addi %add3A_348, %add3A_349 : i32
      %lt3A_351 = arith.constant 78 : i32
      %lt3A_352 = arith.cmpi slt, %add3A_350, %lt3A_351 : i32
      %convert_element_type3A_353 = arith.extui %lt3A_352 : i1 to i32
      %cond3A_354 = arith.constant 0 : i32
      %cond3A_355 = arith.cmpi ne, %convert_element_type3A_353, %cond3A_354 : i32
      scf.if %cond3A_355 {
        %dma_start3A_560 = arith.constant 0 : i32
        %dma_start3A_561 = tpu.memref_slice %arg5[%add3A_350, %dma_start3A_560] : memref<79x128xi32, #tpu.memory_space<vmem>> -> memref<1x128xi32, #tpu.memory_space<vmem>>
        %dma_start3A_562 = tpu.memref_squeeze %dma_start3A_561 : memref<1x128xi32, #tpu.memory_space<vmem>> -> memref<128xi32, #tpu.memory_space<vmem>>
        %dma_start3A_563 = arith.constant 0 : i32
        %dma_start3A_564 = arith.constant 0 : i32
        %dma_start3A_565 = tpu.memref_slice %arg2[%dma_start3A_563, %dma_start3A_564] : memref<10000x64xbf16, #tpu.memory_space<hbm>> -> memref<10000x64xbf16, #tpu.memory_space<hbm>>
        tpu.enqueue_indirect_dma source(%dma_start3A_565 : memref<10000x64xbf16, #tpu.memory_space<hbm>>) target(%arg7 : memref<128x64xbf16, #tpu.memory_space<vmem>>) offsets(%dma_start3A_562 : memref<128xi32, #tpu.memory_space<vmem>>) semaphore(%arg21 : memref<!tpu.dma_semaphore, #tpu.memory_space<semaphore_mem>>)
      } else {
      }
      %dma_wait3A_356 = arith.constant 0 : i32
      %dma_wait3A_357 = tpu.memref_slice %arg6[%add3A_150, %dma_wait3A_356] : memref<79x128xi32, #tpu.memory_space<vmem>> -> memref<1x128xi32, #tpu.memory_space<vmem>>
      %dma_wait3A_358 = tpu.memref_squeeze %dma_wait3A_357 : memref<1x128xi32, #tpu.memory_space<vmem>> -> memref<128xi32, #tpu.memory_space<vmem>>
      %dma_wait3A_359 = arith.constant 0 : i32
      %dma_wait3A_360 = arith.constant 0 : i32
      %dma_wait3A_361 = tpu.memref_slice %arg20[%dma_wait3A_359, %dma_wait3A_360] : memref<10000x64xbf16, #tpu.memory_space<vmem_shared>> -> memref<10000x64xbf16, #tpu.memory_space<vmem_shared>>
      tpu.wait_indirect_dma semaphore(%arg35 : memref<!tpu.dma_semaphore, #tpu.memory_space<semaphore_mem>>) src(%arg8 : memref<128x64xbf16, #tpu.memory_space<vmem>>) dst(%dma_wait3A_361 : memref<10000x64xbf16, #tpu.memory_space<vmem_shared>>)
      %mul3A_362 = arith.constant 13 : i32
      %mul3A_363 = arith.muli %scan3A_131, %mul3A_362 : i32
      %add3A_364 = arith.constant 1 : i32
      %add3A_365 = arith.addi %mul3A_363, %add3A_364 : i32
      %add3A_366 = arith.constant 13 : i32
      %add3A_367 = arith.addi %add3A_365, %add3A_366 : i32
      %lt3A_368 = arith.constant 78 : i32
      %lt3A_369 = arith.cmpi slt, %add3A_367, %lt3A_368 : i32
      %convert_element_type3A_370 = arith.extui %lt3A_369 : i1 to i32
      %cond3A_371 = arith.constant 0 : i32
      %cond3A_372 = arith.cmpi ne, %convert_element_type3A_370, %cond3A_371 : i32
      scf.if %cond3A_372 {
        %dma_start3A_560 = arith.constant 0 : i32
        %dma_start3A_561 = tpu.memref_slice %arg5[%add3A_367, %dma_start3A_560] : memref<79x128xi32, #tpu.memory_space<vmem>> -> memref<1x128xi32, #tpu.memory_space<vmem>>
        %dma_start3A_562 = tpu.memref_squeeze %dma_start3A_561 : memref<1x128xi32, #tpu.memory_space<vmem>> -> memref<128xi32, #tpu.memory_space<vmem>>
        %dma_start3A_563 = arith.constant 0 : i32
        %dma_start3A_564 = arith.constant 0 : i32
        %dma_start3A_565 = tpu.memref_slice %arg2[%dma_start3A_563, %dma_start3A_564] : memref<10000x64xbf16, #tpu.memory_space<hbm>> -> memref<10000x64xbf16, #tpu.memory_space<hbm>>
        tpu.enqueue_indirect_dma source(%dma_start3A_565 : memref<10000x64xbf16, #tpu.memory_space<hbm>>) target(%arg8 : memref<128x64xbf16, #tpu.memory_space<vmem>>) offsets(%dma_start3A_562 : memref<128xi32, #tpu.memory_space<vmem>>) semaphore(%arg22 : memref<!tpu.dma_semaphore, #tpu.memory_space<semaphore_mem>>)
      } else {
      }
      %dma_wait3A_373 = arith.constant 0 : i32
      %dma_wait3A_374 = tpu.memref_slice %arg6[%add3A_166, %dma_wait3A_373] : memref<79x128xi32, #tpu.memory_space<vmem>> -> memref<1x128xi32, #tpu.memory_space<vmem>>
      %dma_wait3A_375 = tpu.memref_squeeze %dma_wait3A_374 : memref<1x128xi32, #tpu.memory_space<vmem>> -> memref<128xi32, #tpu.memory_space<vmem>>
      %dma_wait3A_376 = arith.constant 0 : i32
      %dma_wait3A_377 = arith.constant 0 : i32
      %dma_wait3A_378 = tpu.memref_slice %arg20[%dma_wait3A_376, %dma_wait3A_377] : memref<10000x64xbf16, #tpu.memory_space<vmem_shared>> -> memref<10000x64xbf16, #tpu.memory_space<vmem_shared>>
      tpu.wait_indirect_dma semaphore(%arg36 : memref<!tpu.dma_semaphore, #tpu.memory_space<semaphore_mem>>) src(%arg9 : memref<128x64xbf16, #tpu.memory_space<vmem>>) dst(%dma_wait3A_378 : memref<10000x64xbf16, #tpu.memory_space<vmem_shared>>)
      %mul3A_379 = arith.constant 13 : i32
      %mul3A_380 = arith.muli %scan3A_131, %mul3A_379 : i32
      %add3A_381 = arith.constant 2 : i32
      %add3A_382 = arith.addi %mul3A_380, %add3A_381 : i32
      %add3A_383 = arith.constant 13 : i32
      %add3A_384 = arith.addi %add3A_382, %add3A_383 : i32
      %lt3A_385 = arith.constant 78 : i32
      %lt3A_386 = arith.cmpi slt, %add3A_384, %lt3A_385 : i32
      %convert_element_type3A_387 = arith.extui %lt3A_386 : i1 to i32
      %cond3A_388 = arith.constant 0 : i32
      %cond3A_389 = arith.cmpi ne, %convert_element_type3A_387, %cond3A_388 : i32
      scf.if %cond3A_389 {
        %dma_start3A_560 = arith.constant 0 : i32
        %dma_start3A_561 = tpu.memref_slice %arg5[%add3A_384, %dma_start3A_560] : memref<79x128xi32, #tpu.memory_space<vmem>> -> memref<1x128xi32, #tpu.memory_space<vmem>>
        %dma_start3A_562 = tpu.memref_squeeze %dma_start3A_561 : memref<1x128xi32, #tpu.memory_space<vmem>> -> memref<128xi32, #tpu.memory_space<vmem>>
        %dma_start3A_563 = arith.constant 0 : i32
        %dma_start3A_564 = arith.constant 0 : i32
        %dma_start3A_565 = tpu.memref_slice %arg2[%dma_start3A_563, %dma_start3A_564] : memref<10000x64xbf16, #tpu.memory_space<hbm>> -> memref<10000x64xbf16, #tpu.memory_space<hbm>>
        tpu.enqueue_indirect_dma source(%dma_start3A_565 : memref<10000x64xbf16, #tpu.memory_space<hbm>>) target(%arg9 : memref<128x64xbf16, #tpu.memory_space<vmem>>) offsets(%dma_start3A_562 : memref<128xi32, #tpu.memory_space<vmem>>) semaphore(%arg23 : memref<!tpu.dma_semaphore, #tpu.memory_space<semaphore_mem>>)
      } else {
      }
      %dma_wait3A_390 = arith.constant 0 : i32
      %dma_wait3A_391 = tpu.memref_slice %arg6[%add3A_182, %dma_wait3A_390] : memref<79x128xi32, #tpu.memory_space<vmem>> -> memref<1x128xi32, #tpu.memory_space<vmem>>
      %dma_wait3A_392 = tpu.memref_squeeze %dma_wait3A_391 : memref<1x128xi32, #tpu.memory_space<vmem>> -> memref<128xi32, #tpu.memory_space<vmem>>
      %dma_wait3A_393 = arith.constant 0 : i32
      %dma_wait3A_394 = arith.constant 0 : i32
      %dma_wait3A_395 = tpu.memref_slice %arg20[%dma_wait3A_393, %dma_wait3A_394] : memref<10000x64xbf16, #tpu.memory_space<vmem_shared>> -> memref<10000x64xbf16, #tpu.memory_space<vmem_shared>>
      tpu.wait_indirect_dma semaphore(%arg37 : memref<!tpu.dma_semaphore, #tpu.memory_space<semaphore_mem>>) src(%arg10 : memref<128x64xbf16, #tpu.memory_space<vmem>>) dst(%dma_wait3A_395 : memref<10000x64xbf16, #tpu.memory_space<vmem_shared>>)
      %mul3A_396 = arith.constant 13 : i32
      %mul3A_397 = arith.muli %scan3A_131, %mul3A_396 : i32
      %add3A_398 = arith.constant 3 : i32
      %add3A_399 = arith.addi %mul3A_397, %add3A_398 : i32
      %add3A_400 = arith.constant 13 : i32
      %add3A_401 = arith.addi %add3A_399, %add3A_400 : i32
      %lt3A_402 = arith.constant 78 : i32
      %lt3A_403 = arith.cmpi slt, %add3A_401, %lt3A_402 : i32
      %convert_element_type3A_404 = arith.extui %lt3A_403 : i1 to i32
      %cond3A_405 = arith.constant 0 : i32
      %cond3A_406 = arith.cmpi ne, %convert_element_type3A_404, %cond3A_405 : i32
      scf.if %cond3A_406 {
        %dma_start3A_560 = arith.constant 0 : i32
        %dma_start3A_561 = tpu.memref_slice %arg5[%add3A_401, %dma_start3A_560] : memref<79x128xi32, #tpu.memory_space<vmem>> -> memref<1x128xi32, #tpu.memory_space<vmem>>
        %dma_start3A_562 = tpu.memref_squeeze %dma_start3A_561 : memref<1x128xi32, #tpu.memory_space<vmem>> -> memref<128xi32, #tpu.memory_space<vmem>>
        %dma_start3A_563 = arith.constant 0 : i32
        %dma_start3A_564 = arith.constant 0 : i32
        %dma_start3A_565 = tpu.memref_slice %arg2[%dma_start3A_563, %dma_start3A_564] : memref<10000x64xbf16, #tpu.memory_space<hbm>> -> memref<10000x64xbf16, #tpu.memory_space<hbm>>
        tpu.enqueue_indirect_dma source(%dma_start3A_565 : memref<10000x64xbf16, #tpu.memory_space<hbm>>) target(%arg10 : memref<128x64xbf16, #tpu.memory_space<vmem>>) offsets(%dma_start3A_562 : memref<128xi32, #tpu.memory_space<vmem>>) semaphore(%arg24 : memref<!tpu.dma_semaphore, #tpu.memory_space<semaphore_mem>>)
      } else {
      }
      %dma_wait3A_407 = arith.constant 0 : i32
      %dma_wait3A_408 = tpu.memref_slice %arg6[%add3A_198, %dma_wait3A_407] : memref<79x128xi32, #tpu.memory_space<vmem>> -> memref<1x128xi32, #tpu.memory_space<vmem>>
      %dma_wait3A_409 = tpu.memref_squeeze %dma_wait3A_408 : memref<1x128xi32, #tpu.memory_space<vmem>> -> memref<128xi32, #tpu.memory_space<vmem>>
      %dma_wait3A_410 = arith.constant 0 : i32
      %dma_wait3A_411 = arith.constant 0 : i32
      %dma_wait3A_412 = tpu.memref_slice %arg20[%dma_wait3A_410, %dma_wait3A_411] : memref<10000x64xbf16, #tpu.memory_space<vmem_shared>> -> memref<10000x64xbf16, #tpu.memory_space<vmem_shared>>
      tpu.wait_indirect_dma semaphore(%arg38 : memref<!tpu.dma_semaphore, #tpu.memory_space<semaphore_mem>>) src(%arg11 : memref<128x64xbf16, #tpu.memory_space<vmem>>) dst(%dma_wait3A_412 : memref<10000x64xbf16, #tpu.memory_space<vmem_shared>>)
      %mul3A_413 = arith.constant 13 : i32
      %mul3A_414 = arith.muli %scan3A_131, %mul3A_413 : i32
      %add3A_415 = arith.constant 4 : i32
      %add3A_416 = arith.addi %mul3A_414, %add3A_415 : i32
      %add3A_417 = arith.constant 13 : i32
      %add3A_418 = arith.addi %add3A_416, %add3A_417 : i32
      %lt3A_419 = arith.constant 78 : i32
      %lt3A_420 = arith.cmpi slt, %add3A_418, %lt3A_419 : i32
      %convert_element_type3A_421 = arith.extui %lt3A_420 : i1 to i32
      %cond3A_422 = arith.constant 0 : i32
      %cond3A_423 = arith.cmpi ne, %convert_element_type3A_421, %cond3A_422 : i32
      scf.if %cond3A_423 {
        %dma_start3A_560 = arith.constant 0 : i32
        %dma_start3A_561 = tpu.memref_slice %arg5[%add3A_418, %dma_start3A_560] : memref<79x128xi32, #tpu.memory_space<vmem>> -> memref<1x128xi32, #tpu.memory_space<vmem>>
        %dma_start3A_562 = tpu.memref_squeeze %dma_start3A_561 : memref<1x128xi32, #tpu.memory_space<vmem>> -> memref<128xi32, #tpu.memory_space<vmem>>
        %dma_start3A_563 = arith.constant 0 : i32
        %dma_start3A_564 = arith.constant 0 : i32
        %dma_start3A_565 = tpu.memref_slice %arg2[%dma_start3A_563, %dma_start3A_564] : memref<10000x64xbf16, #tpu.memory_space<hbm>> -> memref<10000x64xbf16, #tpu.memory_space<hbm>>
        tpu.enqueue_indirect_dma source(%dma_start3A_565 : memref<10000x64xbf16, #tpu.memory_space<hbm>>) target(%arg11 : memref<128x64xbf16, #tpu.memory_space<vmem>>) offsets(%dma_start3A_562 : memref<128xi32, #tpu.memory_space<vmem>>) semaphore(%arg25 : memref<!tpu.dma_semaphore, #tpu.memory_space<semaphore_mem>>)
      } else {
      }
      %dma_wait3A_424 = arith.constant 0 : i32
      %dma_wait3A_425 = tpu.memref_slice %arg6[%add3A_214, %dma_wait3A_424] : memref<79x128xi32, #tpu.memory_space<vmem>> -> memref<1x128xi32, #tpu.memory_space<vmem>>
      %dma_wait3A_426 = tpu.memref_squeeze %dma_wait3A_425 : memref<1x128xi32, #tpu.memory_space<vmem>> -> memref<128xi32, #tpu.memory_space<vmem>>
      %dma_wait3A_427 = arith.constant 0 : i32
      %dma_wait3A_428 = arith.constant 0 : i32
      %dma_wait3A_429 = tpu.memref_slice %arg20[%dma_wait3A_427, %dma_wait3A_428] : memref<10000x64xbf16, #tpu.memory_space<vmem_shared>> -> memref<10000x64xbf16, #tpu.memory_space<vmem_shared>>
      tpu.wait_indirect_dma semaphore(%arg39 : memref<!tpu.dma_semaphore, #tpu.memory_space<semaphore_mem>>) src(%arg12 : memref<128x64xbf16, #tpu.memory_space<vmem>>) dst(%dma_wait3A_429 : memref<10000x64xbf16, #tpu.memory_space<vmem_shared>>)
      %mul3A_430 = arith.constant 13 : i32
      %mul3A_431 = arith.muli %scan3A_131, %mul3A_430 : i32
      %add3A_432 = arith.constant 5 : i32
      %add3A_433 = arith.addi %mul3A_431, %add3A_432 : i32
      %add3A_434 = arith.constant 13 : i32
      %add3A_435 = arith.addi %add3A_433, %add3A_434 : i32
      %lt3A_436 = arith.constant 78 : i32
      %lt3A_437 = arith.cmpi slt, %add3A_435, %lt3A_436 : i32
      %convert_element_type3A_438 = arith.extui %lt3A_437 : i1 to i32
      %cond3A_439 = arith.constant 0 : i32
      %cond3A_440 = arith.cmpi ne, %convert_element_type3A_438, %cond3A_439 : i32
      scf.if %cond3A_440 {
        %dma_start3A_560 = arith.constant 0 : i32
        %dma_start3A_561 = tpu.memref_slice %arg5[%add3A_435, %dma_start3A_560] : memref<79x128xi32, #tpu.memory_space<vmem>> -> memref<1x128xi32, #tpu.memory_space<vmem>>
        %dma_start3A_562 = tpu.memref_squeeze %dma_start3A_561 : memref<1x128xi32, #tpu.memory_space<vmem>> -> memref<128xi32, #tpu.memory_space<vmem>>
        %dma_start3A_563 = arith.constant 0 : i32
        %dma_start3A_564 = arith.constant 0 : i32
        %dma_start3A_565 = tpu.memref_slice %arg2[%dma_start3A_563, %dma_start3A_564] : memref<10000x64xbf16, #tpu.memory_space<hbm>> -> memref<10000x64xbf16, #tpu.memory_space<hbm>>
        tpu.enqueue_indirect_dma source(%dma_start3A_565 : memref<10000x64xbf16, #tpu.memory_space<hbm>>) target(%arg12 : memref<128x64xbf16, #tpu.memory_space<vmem>>) offsets(%dma_start3A_562 : memref<128xi32, #tpu.memory_space<vmem>>) semaphore(%arg26 : memref<!tpu.dma_semaphore, #tpu.memory_space<semaphore_mem>>)
      } else {
      }
      %dma_wait3A_441 = arith.constant 0 : i32
      %dma_wait3A_442 = tpu.memref_slice %arg6[%add3A_230, %dma_wait3A_441] : memref<79x128xi32, #tpu.memory_space<vmem>> -> memref<1x128xi32, #tpu.memory_space<vmem>>
      %dma_wait3A_443 = tpu.memref_squeeze %dma_wait3A_442 : memref<1x128xi32, #tpu.memory_space<vmem>> -> memref<128xi32, #tpu.memory_space<vmem>>
      %dma_wait3A_444 = arith.constant 0 : i32
      %dma_wait3A_445 = arith.constant 0 : i32
      %dma_wait3A_446 = tpu.memref_slice %arg20[%dma_wait3A_444, %dma_wait3A_445] : memref<10000x64xbf16, #tpu.memory_space<vmem_shared>> -> memref<10000x64xbf16, #tpu.memory_space<vmem_shared>>
      tpu.wait_indirect_dma semaphore(%arg40 : memref<!tpu.dma_semaphore, #tpu.memory_space<semaphore_mem>>) src(%arg13 : memref<128x64xbf16, #tpu.memory_space<vmem>>) dst(%dma_wait3A_446 : memref<10000x64xbf16, #tpu.memory_space<vmem_shared>>)
      %mul3A_447 = arith.constant 13 : i32
      %mul3A_448 = arith.muli %scan3A_131, %mul3A_447 : i32
      %add3A_449 = arith.constant 6 : i32
      %add3A_450 = arith.addi %mul3A_448, %add3A_449 : i32
      %add3A_451 = arith.constant 13 : i32
      %add3A_452 = arith.addi %add3A_450, %add3A_451 : i32
      %lt3A_453 = arith.constant 78 : i32
      %lt3A_454 = arith.cmpi slt, %add3A_452, %lt3A_453 : i32
      %convert_element_type3A_455 = arith.extui %lt3A_454 : i1 to i32
      %cond3A_456 = arith.constant 0 : i32
      %cond3A_457 = arith.cmpi ne, %convert_element_type3A_455, %cond3A_456 : i32
      scf.if %cond3A_457 {
        %dma_start3A_560 = arith.constant 0 : i32
        %dma_start3A_561 = tpu.memref_slice %arg5[%add3A_452, %dma_start3A_560] : memref<79x128xi32, #tpu.memory_space<vmem>> -> memref<1x128xi32, #tpu.memory_space<vmem>>
        %dma_start3A_562 = tpu.memref_squeeze %dma_start3A_561 : memref<1x128xi32, #tpu.memory_space<vmem>> -> memref<128xi32, #tpu.memory_space<vmem>>
        %dma_start3A_563 = arith.constant 0 : i32
        %dma_start3A_564 = arith.constant 0 : i32
        %dma_start3A_565 = tpu.memref_slice %arg2[%dma_start3A_563, %dma_start3A_564] : memref<10000x64xbf16, #tpu.memory_space<hbm>> -> memref<10000x64xbf16, #tpu.memory_space<hbm>>
        tpu.enqueue_indirect_dma source(%dma_start3A_565 : memref<10000x64xbf16, #tpu.memory_space<hbm>>) target(%arg13 : memref<128x64xbf16, #tpu.memory_space<vmem>>) offsets(%dma_start3A_562 : memref<128xi32, #tpu.memory_space<vmem>>) semaphore(%arg27 : memref<!tpu.dma_semaphore, #tpu.memory_space<semaphore_mem>>)
      } else {
      }
      %dma_wait3A_458 = arith.constant 0 : i32
      %dma_wait3A_459 = tpu.memref_slice %arg6[%add3A_246, %dma_wait3A_458] : memref<79x128xi32, #tpu.memory_space<vmem>> -> memref<1x128xi32, #tpu.memory_space<vmem>>
      %dma_wait3A_460 = tpu.memref_squeeze %dma_wait3A_459 : memref<1x128xi32, #tpu.memory_space<vmem>> -> memref<128xi32, #tpu.memory_space<vmem>>
      %dma_wait3A_461 = arith.constant 0 : i32
      %dma_wait3A_462 = arith.constant 0 : i32
      %dma_wait3A_463 = tpu.memref_slice %arg20[%dma_wait3A_461, %dma_wait3A_462] : memref<10000x64xbf16, #tpu.memory_space<vmem_shared>> -> memref<10000x64xbf16, #tpu.memory_space<vmem_shared>>
      tpu.wait_indirect_dma semaphore(%arg41 : memref<!tpu.dma_semaphore, #tpu.memory_space<semaphore_mem>>) src(%arg14 : memref<128x64xbf16, #tpu.memory_space<vmem>>) dst(%dma_wait3A_463 : memref<10000x64xbf16, #tpu.memory_space<vmem_shared>>)
      %mul3A_464 = arith.constant 13 : i32
      %mul3A_465 = arith.muli %scan3A_131, %mul3A_464 : i32
      %add3A_466 = arith.constant 7 : i32
      %add3A_467 = arith.addi %mul3A_465, %add3A_466 : i32
      %add3A_468 = arith.constant 13 : i32
      %add3A_469 = arith.addi %add3A_467, %add3A_468 : i32
      %lt3A_470 = arith.constant 78 : i32
      %lt3A_471 = arith.cmpi slt, %add3A_469, %lt3A_470 : i32
      %convert_element_type3A_472 = arith.extui %lt3A_471 : i1 to i32
      %cond3A_473 = arith.constant 0 : i32
      %cond3A_474 = arith.cmpi ne, %convert_element_type3A_472, %cond3A_473 : i32
      scf.if %cond3A_474 {
        %dma_start3A_560 = arith.constant 0 : i32
        %dma_start3A_561 = tpu.memref_slice %arg5[%add3A_469, %dma_start3A_560] : memref<79x128xi32, #tpu.memory_space<vmem>> -> memref<1x128xi32, #tpu.memory_space<vmem>>
        %dma_start3A_562 = tpu.memref_squeeze %dma_start3A_561 : memref<1x128xi32, #tpu.memory_space<vmem>> -> memref<128xi32, #tpu.memory_space<vmem>>
        %dma_start3A_563 = arith.constant 0 : i32
        %dma_start3A_564 = arith.constant 0 : i32
        %dma_start3A_565 = tpu.memref_slice %arg2[%dma_start3A_563, %dma_start3A_564] : memref<10000x64xbf16, #tpu.memory_space<hbm>> -> memref<10000x64xbf16, #tpu.memory_space<hbm>>
        tpu.enqueue_indirect_dma source(%dma_start3A_565 : memref<10000x64xbf16, #tpu.memory_space<hbm>>) target(%arg14 : memref<128x64xbf16, #tpu.memory_space<vmem>>) offsets(%dma_start3A_562 : memref<128xi32, #tpu.memory_space<vmem>>) semaphore(%arg28 : memref<!tpu.dma_semaphore, #tpu.memory_space<semaphore_mem>>)
      } else {
      }
      %dma_wait3A_475 = arith.constant 0 : i32
      %dma_wait3A_476 = tpu.memref_slice %arg6[%add3A_262, %dma_wait3A_475] : memref<79x128xi32, #tpu.memory_space<vmem>> -> memref<1x128xi32, #tpu.memory_space<vmem>>
      %dma_wait3A_477 = tpu.memref_squeeze %dma_wait3A_476 : memref<1x128xi32, #tpu.memory_space<vmem>> -> memref<128xi32, #tpu.memory_space<vmem>>
      %dma_wait3A_478 = arith.constant 0 : i32
      %dma_wait3A_479 = arith.constant 0 : i32
      %dma_wait3A_480 = tpu.memref_slice %arg20[%dma_wait3A_478, %dma_wait3A_479] : memref<10000x64xbf16, #tpu.memory_space<vmem_shared>> -> memref<10000x64xbf16, #tpu.memory_space<vmem_shared>>
      tpu.wait_indirect_dma semaphore(%arg42 : memref<!tpu.dma_semaphore, #tpu.memory_space<semaphore_mem>>) src(%arg15 : memref<128x64xbf16, #tpu.memory_space<vmem>>) dst(%dma_wait3A_480 : memref<10000x64xbf16, #tpu.memory_space<vmem_shared>>)
      %mul3A_481 = arith.constant 13 : i32
      %mul3A_482 = arith.muli %scan3A_131, %mul3A_481 : i32
      %add3A_483 = arith.constant 8 : i32
      %add3A_484 = arith.addi %mul3A_482, %add3A_483 : i32
      %add3A_485 = arith.constant 13 : i32
      %add3A_486 = arith.addi %add3A_484, %add3A_485 : i32
      %lt3A_487 = arith.constant 78 : i32
      %lt3A_488 = arith.cmpi slt, %add3A_486, %lt3A_487 : i32
      %convert_element_type3A_489 = arith.extui %lt3A_488 : i1 to i32
      %cond3A_490 = arith.constant 0 : i32
      %cond3A_491 = arith.cmpi ne, %convert_element_type3A_489, %cond3A_490 : i32
      scf.if %cond3A_491 {
        %dma_start3A_560 = arith.constant 0 : i32
        %dma_start3A_561 = tpu.memref_slice %arg5[%add3A_486, %dma_start3A_560] : memref<79x128xi32, #tpu.memory_space<vmem>> -> memref<1x128xi32, #tpu.memory_space<vmem>>
        %dma_start3A_562 = tpu.memref_squeeze %dma_start3A_561 : memref<1x128xi32, #tpu.memory_space<vmem>> -> memref<128xi32, #tpu.memory_space<vmem>>
        %dma_start3A_563 = arith.constant 0 : i32
        %dma_start3A_564 = arith.constant 0 : i32
        %dma_start3A_565 = tpu.memref_slice %arg2[%dma_start3A_563, %dma_start3A_564] : memref<10000x64xbf16, #tpu.memory_space<hbm>> -> memref<10000x64xbf16, #tpu.memory_space<hbm>>
        tpu.enqueue_indirect_dma source(%dma_start3A_565 : memref<10000x64xbf16, #tpu.memory_space<hbm>>) target(%arg15 : memref<128x64xbf16, #tpu.memory_space<vmem>>) offsets(%dma_start3A_562 : memref<128xi32, #tpu.memory_space<vmem>>) semaphore(%arg29 : memref<!tpu.dma_semaphore, #tpu.memory_space<semaphore_mem>>)
      } else {
      }
      %dma_wait3A_492 = arith.constant 0 : i32
      %dma_wait3A_493 = tpu.memref_slice %arg6[%add3A_278, %dma_wait3A_492] : memref<79x128xi32, #tpu.memory_space<vmem>> -> memref<1x128xi32, #tpu.memory_space<vmem>>
      %dma_wait3A_494 = tpu.memref_squeeze %dma_wait3A_493 : memref<1x128xi32, #tpu.memory_space<vmem>> -> memref<128xi32, #tpu.memory_space<vmem>>
      %dma_wait3A_495 = arith.constant 0 : i32
      %dma_wait3A_496 = arith.constant 0 : i32
      %dma_wait3A_497 = tpu.memref_slice %arg20[%dma_wait3A_495, %dma_wait3A_496] : memref<10000x64xbf16, #tpu.memory_space<vmem_shared>> -> memref<10000x64xbf16, #tpu.memory_space<vmem_shared>>
      tpu.wait_indirect_dma semaphore(%arg43 : memref<!tpu.dma_semaphore, #tpu.memory_space<semaphore_mem>>) src(%arg16 : memref<128x64xbf16, #tpu.memory_space<vmem>>) dst(%dma_wait3A_497 : memref<10000x64xbf16, #tpu.memory_space<vmem_shared>>)
      %mul3A_498 = arith.constant 13 : i32
      %mul3A_499 = arith.muli %scan3A_131, %mul3A_498 : i32
      %add3A_500 = arith.constant 9 : i32
      %add3A_501 = arith.addi %mul3A_499, %add3A_500 : i32
      %add3A_502 = arith.constant 13 : i32
      %add3A_503 = arith.addi %add3A_501, %add3A_502 : i32
      %lt3A_504 = arith.constant 78 : i32
      %lt3A_505 = arith.cmpi slt, %add3A_503, %lt3A_504 : i32
      %convert_element_type3A_506 = arith.extui %lt3A_505 : i1 to i32
      %cond3A_507 = arith.constant 0 : i32
      %cond3A_508 = arith.cmpi ne, %convert_element_type3A_506, %cond3A_507 : i32
      scf.if %cond3A_508 {
        %dma_start3A_560 = arith.constant 0 : i32
        %dma_start3A_561 = tpu.memref_slice %arg5[%add3A_503, %dma_start3A_560] : memref<79x128xi32, #tpu.memory_space<vmem>> -> memref<1x128xi32, #tpu.memory_space<vmem>>
        %dma_start3A_562 = tpu.memref_squeeze %dma_start3A_561 : memref<1x128xi32, #tpu.memory_space<vmem>> -> memref<128xi32, #tpu.memory_space<vmem>>
        %dma_start3A_563 = arith.constant 0 : i32
        %dma_start3A_564 = arith.constant 0 : i32
        %dma_start3A_565 = tpu.memref_slice %arg2[%dma_start3A_563, %dma_start3A_564] : memref<10000x64xbf16, #tpu.memory_space<hbm>> -> memref<10000x64xbf16, #tpu.memory_space<hbm>>
        tpu.enqueue_indirect_dma source(%dma_start3A_565 : memref<10000x64xbf16, #tpu.memory_space<hbm>>) target(%arg16 : memref<128x64xbf16, #tpu.memory_space<vmem>>) offsets(%dma_start3A_562 : memref<128xi32, #tpu.memory_space<vmem>>) semaphore(%arg30 : memref<!tpu.dma_semaphore, #tpu.memory_space<semaphore_mem>>)
      } else {
      }
      %dma_wait3A_509 = arith.constant 0 : i32
      %dma_wait3A_510 = tpu.memref_slice %arg6[%add3A_294, %dma_wait3A_509] : memref<79x128xi32, #tpu.memory_space<vmem>> -> memref<1x128xi32, #tpu.memory_space<vmem>>
      %dma_wait3A_511 = tpu.memref_squeeze %dma_wait3A_510 : memref<1x128xi32, #tpu.memory_space<vmem>> -> memref<128xi32, #tpu.memory_space<vmem>>
      %dma_wait3A_512 = arith.constant 0 : i32
      %dma_wait3A_513 = arith.constant 0 : i32
      %dma_wait3A_514 = tpu.memref_slice %arg20[%dma_wait3A_512, %dma_wait3A_513] : memref<10000x64xbf16, #tpu.memory_space<vmem_shared>> -> memref<10000x64xbf16, #tpu.memory_space<vmem_shared>>
      tpu.wait_indirect_dma semaphore(%arg44 : memref<!tpu.dma_semaphore, #tpu.memory_space<semaphore_mem>>) src(%arg17 : memref<128x64xbf16, #tpu.memory_space<vmem>>) dst(%dma_wait3A_514 : memref<10000x64xbf16, #tpu.memory_space<vmem_shared>>)
      %mul3A_515 = arith.constant 13 : i32
      %mul3A_516 = arith.muli %scan3A_131, %mul3A_515 : i32
      %add3A_517 = arith.constant 10 : i32
      %add3A_518 = arith.addi %mul3A_516, %add3A_517 : i32
      %add3A_519 = arith.constant 13 : i32
      %add3A_520 = arith.addi %add3A_518, %add3A_519 : i32
      %lt3A_521 = arith.constant 78 : i32
      %lt3A_522 = arith.cmpi slt, %add3A_520, %lt3A_521 : i32
      %convert_element_type3A_523 = arith.extui %lt3A_522 : i1 to i32
      %cond3A_524 = arith.constant 0 : i32
      %cond3A_525 = arith.cmpi ne, %convert_element_type3A_523, %cond3A_524 : i32
      scf.if %cond3A_525 {
        %dma_start3A_560 = arith.constant 0 : i32
        %dma_start3A_561 = tpu.memref_slice %arg5[%add3A_520, %dma_start3A_560] : memref<79x128xi32, #tpu.memory_space<vmem>> -> memref<1x128xi32, #tpu.memory_space<vmem>>
        %dma_start3A_562 = tpu.memref_squeeze %dma_start3A_561 : memref<1x128xi32, #tpu.memory_space<vmem>> -> memref<128xi32, #tpu.memory_space<vmem>>
        %dma_start3A_563 = arith.constant 0 : i32
        %dma_start3A_564 = arith.constant 0 : i32
        %dma_start3A_565 = tpu.memref_slice %arg2[%dma_start3A_563, %dma_start3A_564] : memref<10000x64xbf16, #tpu.memory_space<hbm>> -> memref<10000x64xbf16, #tpu.memory_space<hbm>>
        tpu.enqueue_indirect_dma source(%dma_start3A_565 : memref<10000x64xbf16, #tpu.memory_space<hbm>>) target(%arg17 : memref<128x64xbf16, #tpu.memory_space<vmem>>) offsets(%dma_start3A_562 : memref<128xi32, #tpu.memory_space<vmem>>) semaphore(%arg31 : memref<!tpu.dma_semaphore, #tpu.memory_space<semaphore_mem>>)
      } else {
      }
      %dma_wait3A_526 = arith.constant 0 : i32
      %dma_wait3A_527 = tpu.memref_slice %arg6[%add3A_310, %dma_wait3A_526] : memref<79x128xi32, #tpu.memory_space<vmem>> -> memref<1x128xi32, #tpu.memory_space<vmem>>
      %dma_wait3A_528 = tpu.memref_squeeze %dma_wait3A_527 : memref<1x128xi32, #tpu.memory_space<vmem>> -> memref<128xi32, #tpu.memory_space<vmem>>
      %dma_wait3A_529 = arith.constant 0 : i32
      %dma_wait3A_530 = arith.constant 0 : i32
      %dma_wait3A_531 = tpu.memref_slice %arg20[%dma_wait3A_529, %dma_wait3A_530] : memref<10000x64xbf16, #tpu.memory_space<vmem_shared>> -> memref<10000x64xbf16, #tpu.memory_space<vmem_shared>>
      tpu.wait_indirect_dma semaphore(%arg45 : memref<!tpu.dma_semaphore, #tpu.memory_space<semaphore_mem>>) src(%arg18 : memref<128x64xbf16, #tpu.memory_space<vmem>>) dst(%dma_wait3A_531 : memref<10000x64xbf16, #tpu.memory_space<vmem_shared>>)
      %mul3A_532 = arith.constant 13 : i32
      %mul3A_533 = arith.muli %scan3A_131, %mul3A_532 : i32
      %add3A_534 = arith.constant 11 : i32
      %add3A_535 = arith.addi %mul3A_533, %add3A_534 : i32
      %add3A_536 = arith.constant 13 : i32
      %add3A_537 = arith.addi %add3A_535, %add3A_536 : i32
      %lt3A_538 = arith.constant 78 : i32
      %lt3A_539 = arith.cmpi slt, %add3A_537, %lt3A_538 : i32
      %convert_element_type3A_540 = arith.extui %lt3A_539 : i1 to i32
      %cond3A_541 = arith.constant 0 : i32
      %cond3A_542 = arith.cmpi ne, %convert_element_type3A_540, %cond3A_541 : i32
      scf.if %cond3A_542 {
        %dma_start3A_560 = arith.constant 0 : i32
        %dma_start3A_561 = tpu.memref_slice %arg5[%add3A_537, %dma_start3A_560] : memref<79x128xi32, #tpu.memory_space<vmem>> -> memref<1x128xi32, #tpu.memory_space<vmem>>
        %dma_start3A_562 = tpu.memref_squeeze %dma_start3A_561 : memref<1x128xi32, #tpu.memory_space<vmem>> -> memref<128xi32, #tpu.memory_space<vmem>>
        %dma_start3A_563 = arith.constant 0 : i32
        %dma_start3A_564 = arith.constant 0 : i32
        %dma_start3A_565 = tpu.memref_slice %arg2[%dma_start3A_563, %dma_start3A_564] : memref<10000x64xbf16, #tpu.memory_space<hbm>> -> memref<10000x64xbf16, #tpu.memory_space<hbm>>
        tpu.enqueue_indirect_dma source(%dma_start3A_565 : memref<10000x64xbf16, #tpu.memory_space<hbm>>) target(%arg18 : memref<128x64xbf16, #tpu.memory_space<vmem>>) offsets(%dma_start3A_562 : memref<128xi32, #tpu.memory_space<vmem>>) semaphore(%arg32 : memref<!tpu.dma_semaphore, #tpu.memory_space<semaphore_mem>>)
      } else {
      }
      %dma_wait3A_543 = arith.constant 0 : i32
      %dma_wait3A_544 = tpu.memref_slice %arg6[%add3A_326, %dma_wait3A_543] : memref<79x128xi32, #tpu.memory_space<vmem>> -> memref<1x128xi32, #tpu.memory_space<vmem>>
      %dma_wait3A_545 = tpu.memref_squeeze %dma_wait3A_544 : memref<1x128xi32, #tpu.memory_space<vmem>> -> memref<128xi32, #tpu.memory_space<vmem>>
      %dma_wait3A_546 = arith.constant 0 : i32
      %dma_wait3A_547 = arith.constant 0 : i32
      %dma_wait3A_548 = tpu.memref_slice %arg20[%dma_wait3A_546, %dma_wait3A_547] : memref<10000x64xbf16, #tpu.memory_space<vmem_shared>> -> memref<10000x64xbf16, #tpu.memory_space<vmem_shared>>
      tpu.wait_indirect_dma semaphore(%arg46 : memref<!tpu.dma_semaphore, #tpu.memory_space<semaphore_mem>>) src(%arg19 : memref<128x64xbf16, #tpu.memory_space<vmem>>) dst(%dma_wait3A_548 : memref<10000x64xbf16, #tpu.memory_space<vmem_shared>>)
      %mul3A_549 = arith.constant 13 : i32
      %mul3A_550 = arith.muli %scan3A_131, %mul3A_549 : i32
      %add3A_551 = arith.constant 12 : i32
      %add3A_552 = arith.addi %mul3A_550, %add3A_551 : i32
      %add3A_553 = arith.constant 13 : i32
      %add3A_554 = arith.addi %add3A_552, %add3A_553 : i32
      %lt3A_555 = arith.constant 78 : i32
      %lt3A_556 = arith.cmpi slt, %add3A_554, %lt3A_555 : i32
      %convert_element_type3A_557 = arith.extui %lt3A_556 : i1 to i32
      %cond3A_558 = arith.constant 0 : i32
      %cond3A_559 = arith.cmpi ne, %convert_element_type3A_557, %cond3A_558 : i32
      scf.if %cond3A_559 {
        %dma_start3A_560 = arith.constant 0 : i32
        %dma_start3A_561 = tpu.memref_slice %arg5[%add3A_554, %dma_start3A_560] : memref<79x128xi32, #tpu.memory_space<vmem>> -> memref<1x128xi32, #tpu.memory_space<vmem>>
        %dma_start3A_562 = tpu.memref_squeeze %dma_start3A_561 : memref<1x128xi32, #tpu.memory_space<vmem>> -> memref<128xi32, #tpu.memory_space<vmem>>
        %dma_start3A_563 = arith.constant 0 : i32
        %dma_start3A_564 = arith.constant 0 : i32
        %dma_start3A_565 = tpu.memref_slice %arg2[%dma_start3A_563, %dma_start3A_564] : memref<10000x64xbf16, #tpu.memory_space<hbm>> -> memref<10000x64xbf16, #tpu.memory_space<hbm>>
        tpu.enqueue_indirect_dma source(%dma_start3A_565 : memref<10000x64xbf16, #tpu.memory_space<hbm>>) target(%arg19 : memref<128x64xbf16, #tpu.memory_space<vmem>>) offsets(%dma_start3A_562 : memref<128xi32, #tpu.memory_space<vmem>>) semaphore(%arg33 : memref<!tpu.dma_semaphore, #tpu.memory_space<semaphore_mem>>)
      } else {
      }
    }
    %scan3A_117 = arith.constant 6 : i32
    %lt3A = arith.constant 4 : i32
    %lt3A_118 = arith.cmpi slt, %add3A, %lt3A : i32
    %convert_element_type3A = arith.extui %lt3A_118 : i1 to i32
    %cond3A = arith.constant 0 : i32
    %cond3A_119 = arith.cmpi ne, %convert_element_type3A, %cond3A : i32
    scf.if %cond3A_119 {
      %add3A_131 = arith.constant 2496 : i32
      %add3A_132 = arith.addi %add3A_131, %add3A : i32
      %run_scoped3A_133 = arith.constant 0 : i32
      %run_scoped3A_134 = arith.constant 78 : i32
      "tpu.region"() ({
        %run_scoped3A_151 = tpu.sem_alloc : memref<!tpu.dma_semaphore, #tpu.memory_space<semaphore_mem>>
        %dma_start3A_152 = arith.constant 0 : i32
        %dma_start3A_153 = tpu.memref_slice %arg5[%run_scoped3A_134, %dma_start3A_152] : memref<79x128xi32, #tpu.memory_space<vmem>> -> memref<1x128xi32, #tpu.memory_space<vmem>>
        %dma_start3A_154 = tpu.memref_squeeze %dma_start3A_153 : memref<1x128xi32, #tpu.memory_space<vmem>> -> memref<128xi32, #tpu.memory_space<vmem>>
        %dma_start3A_155 = arith.constant 0 : i32
        %dma_start3A_156 = tpu.memref_slice %arg3[%run_scoped3A_133, %add3A_132, %dma_start3A_155] : memref<2x2500x128xi32, #tpu.memory_space<hbm>> -> memref<1x1x128xi32, #tpu.memory_space<hbm>>
        %dma_start3A_157 = tpu.memref_squeeze %dma_start3A_156 : memref<1x1x128xi32, #tpu.memory_space<hbm>> -> memref<128xi32, #tpu.memory_space<hbm>>
        %dma_start3A_158 = arith.constant 0 : i32
        %dma_start3A_159 = tpu.memref_slice %arg5[%run_scoped3A_134, %dma_start3A_158] : memref<79x128xi32, #tpu.memory_space<vmem>> -> memref<1x128xi32, #tpu.memory_space<vmem>>
        %dma_start3A_160 = tpu.memref_squeeze %dma_start3A_159 : memref<1x128xi32, #tpu.memory_space<vmem>> -> memref<128xi32, #tpu.memory_space<vmem>>
        %dma_start3A_161 = arith.constant 0 : i32
        %dma_start3A_162 = tpu.memref_slice %arg3[%run_scoped3A_133, %add3A_132, %dma_start3A_161] : memref<2x2500x128xi32, #tpu.memory_space<hbm>> -> memref<1x1x128xi32, #tpu.memory_space<hbm>>
        %dma_start3A_163 = tpu.memref_squeeze %dma_start3A_162 : memref<1x1x128xi32, #tpu.memory_space<hbm>> -> memref<128xi32, #tpu.memory_space<hbm>>
        tpu.enqueue_dma source(%dma_start3A_163 : memref<128xi32, #tpu.memory_space<hbm>>) target(%dma_start3A_160 : memref<128xi32, #tpu.memory_space<vmem>>) target_semaphore(%run_scoped3A_151 : memref<!tpu.dma_semaphore, #tpu.memory_space<semaphore_mem>>)
        %dma_wait3A_164 = arith.constant 0 : i32
        %dma_wait3A_165 = tpu.memref_slice %arg5[%run_scoped3A_134, %dma_wait3A_164] : memref<79x128xi32, #tpu.memory_space<vmem>> -> memref<1x128xi32, #tpu.memory_space<vmem>>
        %dma_wait3A_166 = tpu.memref_squeeze %dma_wait3A_165 : memref<1x128xi32, #tpu.memory_space<vmem>> -> memref<128xi32, #tpu.memory_space<vmem>>
        %dma_wait3A_167 = arith.constant 0 : i32
        %dma_wait3A_168 = tpu.memref_slice %arg3[%run_scoped3A_133, %add3A_132, %dma_wait3A_167] : memref<2x2500x128xi32, #tpu.memory_space<hbm>> -> memref<1x1x128xi32, #tpu.memory_space<hbm>>
        %dma_wait3A_169 = tpu.memref_squeeze %dma_wait3A_168 : memref<1x1x128xi32, #tpu.memory_space<hbm>> -> memref<128xi32, #tpu.memory_space<hbm>>
        %dma_wait3A_170 = arith.constant 0 : i32
        %dma_wait3A_171 = tpu.memref_slice %arg5[%run_scoped3A_134, %dma_wait3A_170] : memref<79x128xi32, #tpu.memory_space<vmem>> -> memref<1x128xi32, #tpu.memory_space<vmem>>
        %dma_wait3A_172 = tpu.memref_squeeze %dma_wait3A_171 : memref<1x128xi32, #tpu.memory_space<vmem>> -> memref<128xi32, #tpu.memory_space<vmem>>
        %dma_wait3A_173 = arith.constant 0 : i32
        %dma_wait3A_174 = tpu.memref_slice %arg3[%run_scoped3A_133, %add3A_132, %dma_wait3A_173] : memref<2x2500x128xi32, #tpu.memory_space<hbm>> -> memref<1x1x128xi32, #tpu.memory_space<hbm>>
        %dma_wait3A_175 = tpu.memref_squeeze %dma_wait3A_174 : memref<1x1x128xi32, #tpu.memory_space<hbm>> -> memref<128xi32, #tpu.memory_space<hbm>>
        tpu.wait_dma2 semaphore(%run_scoped3A_151 : memref<!tpu.dma_semaphore, #tpu.memory_space<semaphore_mem>>) src(%dma_wait3A_175 : memref<128xi32, #tpu.memory_space<hbm>>) dst(%dma_wait3A_172 : memref<128xi32, #tpu.memory_space<vmem>>)
        tpu.yield
      }) : () -> ()
      %run_scoped3A_135 = arith.constant 1 : i32
      %run_scoped3A_136 = arith.constant 78 : i32
      "tpu.region"() ({
        %run_scoped3A_151 = tpu.sem_alloc : memref<!tpu.dma_semaphore, #tpu.memory_space<semaphore_mem>>
        %dma_start3A_152 = arith.constant 0 : i32
        %dma_start3A_153 = tpu.memref_slice %arg6[%run_scoped3A_136, %dma_start3A_152] : memref<79x128xi32, #tpu.memory_space<vmem>> -> memref<1x128xi32, #tpu.memory_space<vmem>>
        %dma_start3A_154 = tpu.memref_squeeze %dma_start3A_153 : memref<1x128xi32, #tpu.memory_space<vmem>> -> memref<128xi32, #tpu.memory_space<vmem>>
        %dma_start3A_155 = arith.constant 0 : i32
        %dma_start3A_156 = tpu.memref_slice %arg3[%run_scoped3A_135, %add3A_132, %dma_start3A_155] : memref<2x2500x128xi32, #tpu.memory_space<hbm>> -> memref<1x1x128xi32, #tpu.memory_space<hbm>>
        %dma_start3A_157 = tpu.memref_squeeze %dma_start3A_156 : memref<1x1x128xi32, #tpu.memory_space<hbm>> -> memref<128xi32, #tpu.memory_space<hbm>>
        %dma_start3A_158 = arith.constant 0 : i32
        %dma_start3A_159 = tpu.memref_slice %arg6[%run_scoped3A_136, %dma_start3A_158] : memref<79x128xi32, #tpu.memory_space<vmem>> -> memref<1x128xi32, #tpu.memory_space<vmem>>
        %dma_start3A_160 = tpu.memref_squeeze %dma_start3A_159 : memref<1x128xi32, #tpu.memory_space<vmem>> -> memref<128xi32, #tpu.memory_space<vmem>>
        %dma_start3A_161 = arith.constant 0 : i32
        %dma_start3A_162 = tpu.memref_slice %arg3[%run_scoped3A_135, %add3A_132, %dma_start3A_161] : memref<2x2500x128xi32, #tpu.memory_space<hbm>> -> memref<1x1x128xi32, #tpu.memory_space<hbm>>
        %dma_start3A_163 = tpu.memref_squeeze %dma_start3A_162 : memref<1x1x128xi32, #tpu.memory_space<hbm>> -> memref<128xi32, #tpu.memory_space<hbm>>
        tpu.enqueue_dma source(%dma_start3A_163 : memref<128xi32, #tpu.memory_space<hbm>>) target(%dma_start3A_160 : memref<128xi32, #tpu.memory_space<vmem>>) target_semaphore(%run_scoped3A_151 : memref<!tpu.dma_semaphore, #tpu.memory_space<semaphore_mem>>)
        %dma_wait3A_164 = arith.constant 0 : i32
        %dma_wait3A_165 = tpu.memref_slice %arg6[%run_scoped3A_136, %dma_wait3A_164] : memref<79x128xi32, #tpu.memory_space<vmem>> -> memref<1x128xi32, #tpu.memory_space<vmem>>
        %dma_wait3A_166 = tpu.memref_squeeze %dma_wait3A_165 : memref<1x128xi32, #tpu.memory_space<vmem>> -> memref<128xi32, #tpu.memory_space<vmem>>
        %dma_wait3A_167 = arith.constant 0 : i32
        %dma_wait3A_168 = tpu.memref_slice %arg3[%run_scoped3A_135, %add3A_132, %dma_wait3A_167] : memref<2x2500x128xi32, #tpu.memory_space<hbm>> -> memref<1x1x128xi32, #tpu.memory_space<hbm>>
        %dma_wait3A_169 = tpu.memref_squeeze %dma_wait3A_168 : memref<1x1x128xi32, #tpu.memory_space<hbm>> -> memref<128xi32, #tpu.memory_space<hbm>>
        %dma_wait3A_170 = arith.constant 0 : i32
        %dma_wait3A_171 = tpu.memref_slice %arg6[%run_scoped3A_136, %dma_wait3A_170] : memref<79x128xi32, #tpu.memory_space<vmem>> -> memref<1x128xi32, #tpu.memory_space<vmem>>
        %dma_wait3A_172 = tpu.memref_squeeze %dma_wait3A_171 : memref<1x128xi32, #tpu.memory_space<vmem>> -> memref<128xi32, #tpu.memory_space<vmem>>
        %dma_wait3A_173 = arith.constant 0 : i32
        %dma_wait3A_174 = tpu.memref_slice %arg3[%run_scoped3A_135, %add3A_132, %dma_wait3A_173] : memref<2x2500x128xi32, #tpu.memory_space<hbm>> -> memref<1x1x128xi32, #tpu.memory_space<hbm>>
        %dma_wait3A_175 = tpu.memref_squeeze %dma_wait3A_174 : memref<1x1x128xi32, #tpu.memory_space<hbm>> -> memref<128xi32, #tpu.memory_space<hbm>>
        tpu.wait_dma2 semaphore(%run_scoped3A_151 : memref<!tpu.dma_semaphore, #tpu.memory_space<semaphore_mem>>) src(%dma_wait3A_175 : memref<128xi32, #tpu.memory_space<hbm>>) dst(%dma_wait3A_172 : memref<128xi32, #tpu.memory_space<vmem>>)
        tpu.yield
      }) : () -> ()
      %dma_start3A_137 = arith.constant 78 : i32
      %dma_start3A_138 = arith.constant 0 : i32
      %dma_start3A_139 = tpu.memref_slice %arg5[%dma_start3A_137, %dma_start3A_138] : memref<79x128xi32, #tpu.memory_space<vmem>> -> memref<1x128xi32, #tpu.memory_space<vmem>>
      %dma_start3A_140 = tpu.memref_squeeze %dma_start3A_139 : memref<1x128xi32, #tpu.memory_space<vmem>> -> memref<128xi32, #tpu.memory_space<vmem>>
      %dma_start3A_141 = arith.constant 0 : i32
      %dma_start3A_142 = arith.constant 0 : i32
      %dma_start3A_143 = tpu.memref_slice %arg2[%dma_start3A_141, %dma_start3A_142] : memref<10000x64xbf16, #tpu.memory_space<hbm>> -> memref<10000x64xbf16, #tpu.memory_space<hbm>>
      tpu.enqueue_indirect_dma source(%dma_start3A_143 : memref<10000x64xbf16, #tpu.memory_space<hbm>>) target(%arg7 : memref<128x64xbf16, #tpu.memory_space<vmem>>) offsets(%dma_start3A_140 : memref<128xi32, #tpu.memory_space<vmem>>) semaphore(%arg21 : memref<!tpu.dma_semaphore, #tpu.memory_space<semaphore_mem>>)
      %dma_wait3A = arith.constant 78 : i32
      %dma_wait3A_144 = arith.constant 0 : i32
      %dma_wait3A_145 = tpu.memref_slice %arg5[%dma_wait3A, %dma_wait3A_144] : memref<79x128xi32, #tpu.memory_space<vmem>> -> memref<1x128xi32, #tpu.memory_space<vmem>>
      %dma_wait3A_146 = tpu.memref_squeeze %dma_wait3A_145 : memref<1x128xi32, #tpu.memory_space<vmem>> -> memref<128xi32, #tpu.memory_space<vmem>>
      %dma_wait3A_147 = arith.constant 0 : i32
      %dma_wait3A_148 = arith.constant 0 : i32
      %dma_wait3A_149 = tpu.memref_slice %arg2[%dma_wait3A_147, %dma_wait3A_148] : memref<10000x64xbf16, #tpu.memory_space<hbm>> -> memref<10000x64xbf16, #tpu.memory_space<hbm>>
      tpu.wait_indirect_dma semaphore(%arg21 : memref<!tpu.dma_semaphore, #tpu.memory_space<semaphore_mem>>) src(%dma_wait3A_149 : memref<10000x64xbf16, #tpu.memory_space<hbm>>) dst(%arg7 : memref<128x64xbf16, #tpu.memory_space<vmem>>)
      %run_scoped3A_150 = arith.constant 78 : i32
      "tpu.region"() ({
        %run_scoped3A_151 = tpu.sem_alloc : memref<!tpu.dma_semaphore, #tpu.memory_space<semaphore_mem>>
        %dma_start3A_152 = arith.constant 0 : i32
        %dma_start3A_153 = tpu.memref_slice %arg6[%run_scoped3A_150, %dma_start3A_152] : memref<79x128xi32, #tpu.memory_space<vmem>> -> memref<1x128xi32, #tpu.memory_space<vmem>>
        %dma_start3A_154 = tpu.memref_squeeze %dma_start3A_153 : memref<1x128xi32, #tpu.memory_space<vmem>> -> memref<128xi32, #tpu.memory_space<vmem>>
        %dma_start3A_155 = arith.constant 0 : i32
        %dma_start3A_156 = arith.constant 0 : i32
        %dma_start3A_157 = tpu.memref_slice %arg20[%dma_start3A_155, %dma_start3A_156] : memref<10000x64xbf16, #tpu.memory_space<vmem_shared>> -> memref<10000x64xbf16, #tpu.memory_space<vmem_shared>>
        tpu.enqueue_indirect_dma source(%arg7 : memref<128x64xbf16, #tpu.memory_space<vmem>>) target(%dma_start3A_157 : memref<10000x64xbf16, #tpu.memory_space<vmem_shared>>) offsets(%dma_start3A_154 : memref<128xi32, #tpu.memory_space<vmem>>) semaphore(%run_scoped3A_151 : memref<!tpu.dma_semaphore, #tpu.memory_space<semaphore_mem>>) {add = true}
        %dma_wait3A_158 = arith.constant 0 : i32
        %dma_wait3A_159 = tpu.memref_slice %arg6[%run_scoped3A_150, %dma_wait3A_158] : memref<79x128xi32, #tpu.memory_space<vmem>> -> memref<1x128xi32, #tpu.memory_space<vmem>>
        %dma_wait3A_160 = tpu.memref_squeeze %dma_wait3A_159 : memref<1x128xi32, #tpu.memory_space<vmem>> -> memref<128xi32, #tpu.memory_space<vmem>>
        %dma_wait3A_161 = arith.constant 0 : i32
        %dma_wait3A_162 = arith.constant 0 : i32
        %dma_wait3A_163 = tpu.memref_slice %arg20[%dma_wait3A_161, %dma_wait3A_162] : memref<10000x64xbf16, #tpu.memory_space<vmem_shared>> -> memref<10000x64xbf16, #tpu.memory_space<vmem_shared>>
        tpu.wait_indirect_dma semaphore(%run_scoped3A_151 : memref<!tpu.dma_semaphore, #tpu.memory_space<semaphore_mem>>) src(%arg7 : memref<128x64xbf16, #tpu.memory_space<vmem>>) dst(%dma_wait3A_163 : memref<10000x64xbf16, #tpu.memory_space<vmem_shared>>)
        tpu.yield
      }) : () -> ()
    } else {
    }
    %barrier3A_120 = arith.constant 0 : index
    tpu.barrier barrier_id(%barrier3A_120)
    %add3A_121 = arith.constant 0 : i32
    %add3A_122 = arith.addi %mul3A_2, %add3A_121 : i32
    "tpu.region"() ({
      %run_scoped3A_131 = tpu.sem_alloc : memref<!tpu.dma_semaphore, #tpu.memory_space<semaphore_mem>>
      %dma_start3A_132 = arith.constant 0 : i32
      %dma_start3A_133 = tpu.memref_slice %arg20[%add3A_122, %dma_start3A_132] : memref<10000x64xbf16, #tpu.memory_space<vmem_shared>> -> memref<128x64xbf16, #tpu.memory_space<vmem_shared>>
      %dma_start3A_134 = arith.constant 0 : i32
      %dma_start3A_135 = tpu.memref_slice %arg20[%add3A_122, %dma_start3A_134] : memref<10000x64xbf16, #tpu.memory_space<vmem_shared>> -> memref<128x64xbf16, #tpu.memory_space<vmem_shared>>
      tpu.enqueue_dma source(%dma_start3A_135 : memref<128x64xbf16, #tpu.memory_space<vmem_shared>>) target(%arg7 : memref<128x64xbf16, #tpu.memory_space<vmem>>) target_semaphore(%run_scoped3A_131 : memref<!tpu.dma_semaphore, #tpu.memory_space<semaphore_mem>>)
      %dma_wait3A = arith.constant 0 : i32
      %dma_wait3A_136 = tpu.memref_slice %arg20[%add3A_122, %dma_wait3A] : memref<10000x64xbf16, #tpu.memory_space<vmem_shared>> -> memref<128x64xbf16, #tpu.memory_space<vmem_shared>>
      %dma_wait3A_137 = arith.constant 0 : i32
      %dma_wait3A_138 = tpu.memref_slice %arg20[%add3A_122, %dma_wait3A_137] : memref<10000x64xbf16, #tpu.memory_space<vmem_shared>> -> memref<128x64xbf16, #tpu.memory_space<vmem_shared>>
      tpu.wait_dma2 semaphore(%run_scoped3A_131 : memref<!tpu.dma_semaphore, #tpu.memory_space<semaphore_mem>>) src(%dma_wait3A_138 : memref<128x64xbf16, #tpu.memory_space<vmem_shared>>) dst(%arg7 : memref<128x64xbf16, #tpu.memory_space<vmem>>)
      tpu.yield
    }) : () -> ()
    "tpu.region"() ({
      %run_scoped3A_131 = tpu.sem_alloc : memref<!tpu.dma_semaphore, #tpu.memory_space<semaphore_mem>>
      %dma_start3A_132 = arith.constant 0 : i32
      %dma_start3A_133 = tpu.memref_slice %arg4[%arg0, %add3A_122, %dma_start3A_132] : memref<2x10000x64xbf16, #tpu.memory_space<hbm>> -> memref<1x128x64xbf16, #tpu.memory_space<hbm>>
      %dma_start3A_134 = tpu.memref_squeeze %dma_start3A_133 : memref<1x128x64xbf16, #tpu.memory_space<hbm>> -> memref<128x64xbf16, #tpu.memory_space<hbm>>
      %dma_start3A_135 = arith.constant 0 : i32
      %dma_start3A_136 = tpu.memref_slice %arg4[%arg0, %add3A_122, %dma_start3A_135] : memref<2x10000x64xbf16, #tpu.memory_space<hbm>> -> memref<1x128x64xbf16, #tpu.memory_space<hbm>>
      %dma_start3A_137 = tpu.memref_squeeze %dma_start3A_136 : memref<1x128x64xbf16, #tpu.memory_space<hbm>> -> memref<128x64xbf16, #tpu.memory_space<hbm>>
      tpu.enqueue_dma source(%arg7 : memref<128x64xbf16, #tpu.memory_space<vmem>>) target(%dma_start3A_137 : memref<128x64xbf16, #tpu.memory_space<hbm>>) target_semaphore(%run_scoped3A_131 : memref<!tpu.dma_semaphore, #tpu.memory_space<semaphore_mem>>)
      %dma_wait3A = arith.constant 0 : i32
      %dma_wait3A_138 = tpu.memref_slice %arg4[%arg0, %add3A_122, %dma_wait3A] : memref<2x10000x64xbf16, #tpu.memory_space<hbm>> -> memref<1x128x64xbf16, #tpu.memory_space<hbm>>
      %dma_wait3A_139 = tpu.memref_squeeze %dma_wait3A_138 : memref<1x128x64xbf16, #tpu.memory_space<hbm>> -> memref<128x64xbf16, #tpu.memory_space<hbm>>
      %dma_wait3A_140 = arith.constant 0 : i32
      %dma_wait3A_141 = tpu.memref_slice %arg4[%arg0, %add3A_122, %dma_wait3A_140] : memref<2x10000x64xbf16, #tpu.memory_space<hbm>> -> memref<1x128x64xbf16, #tpu.memory_space<hbm>>
      %dma_wait3A_142 = tpu.memref_squeeze %dma_wait3A_141 : memref<1x128x64xbf16, #tpu.memory_space<hbm>> -> memref<128x64xbf16, #tpu.memory_space<hbm>>
      tpu.wait_dma2 semaphore(%run_scoped3A_131 : memref<!tpu.dma_semaphore, #tpu.memory_space<semaphore_mem>>) src(%arg7 : memref<128x64xbf16, #tpu.memory_space<vmem>>) dst(%dma_wait3A_142 : memref<128x64xbf16, #tpu.memory_space<hbm>>)
      tpu.yield
    }) : () -> ()
    %add3A_123 = arith.constant 128 : i32
    %add3A_124 = arith.addi %mul3A_2, %add3A_123 : i32
    "tpu.region"() ({
      %run_scoped3A_131 = tpu.sem_alloc : memref<!tpu.dma_semaphore, #tpu.memory_space<semaphore_mem>>
      %dma_start3A_132 = arith.constant 0 : i32
      %dma_start3A_133 = tpu.memref_slice %arg20[%add3A_124, %dma_start3A_132] : memref<10000x64xbf16, #tpu.memory_space<vmem_shared>> -> memref<128x64xbf16, #tpu.memory_space<vmem_shared>>
      %dma_start3A_134 = arith.constant 0 : i32
      %dma_start3A_135 = tpu.memref_slice %arg20[%add3A_124, %dma_start3A_134] : memref<10000x64xbf16, #tpu.memory_space<vmem_shared>> -> memref<128x64xbf16, #tpu.memory_space<vmem_shared>>
      tpu.enqueue_dma source(%dma_start3A_135 : memref<128x64xbf16, #tpu.memory_space<vmem_shared>>) target(%arg7 : memref<128x64xbf16, #tpu.memory_space<vmem>>) target_semaphore(%run_scoped3A_131 : memref<!tpu.dma_semaphore, #tpu.memory_space<semaphore_mem>>)
      %dma_wait3A = arith.constant 0 : i32
      %dma_wait3A_136 = tpu.memref_slice %arg20[%add3A_124, %dma_wait3A] : memref<10000x64xbf16, #tpu.memory_space<vmem_shared>> -> memref<128x64xbf16, #tpu.memory_space<vmem_shared>>
      %dma_wait3A_137 = arith.constant 0 : i32
      %dma_wait3A_138 = tpu.memref_slice %arg20[%add3A_124, %dma_wait3A_137] : memref<10000x64xbf16, #tpu.memory_space<vmem_shared>> -> memref<128x64xbf16, #tpu.memory_space<vmem_shared>>
      tpu.wait_dma2 semaphore(%run_scoped3A_131 : memref<!tpu.dma_semaphore, #tpu.memory_space<semaphore_mem>>) src(%dma_wait3A_138 : memref<128x64xbf16, #tpu.memory_space<vmem_shared>>) dst(%arg7 : memref<128x64xbf16, #tpu.memory_space<vmem>>)
      tpu.yield
    }) : () -> ()
    "tpu.region"() ({
      %run_scoped3A_131 = tpu.sem_alloc : memref<!tpu.dma_semaphore, #tpu.memory_space<semaphore_mem>>
      %dma_start3A_132 = arith.constant 0 : i32
      %dma_start3A_133 = tpu.memref_slice %arg4[%arg0, %add3A_124, %dma_start3A_132] : memref<2x10000x64xbf16, #tpu.memory_space<hbm>> -> memref<1x128x64xbf16, #tpu.memory_space<hbm>>
      %dma_start3A_134 = tpu.memref_squeeze %dma_start3A_133 : memref<1x128x64xbf16, #tpu.memory_space<hbm>> -> memref<128x64xbf16, #tpu.memory_space<hbm>>
      %dma_start3A_135 = arith.constant 0 : i32
      %dma_start3A_136 = tpu.memref_slice %arg4[%arg0, %add3A_124, %dma_start3A_135] : memref<2x10000x64xbf16, #tpu.memory_space<hbm>> -> memref<1x128x64xbf16, #tpu.memory_space<hbm>>
      %dma_start3A_137 = tpu.memref_squeeze %dma_start3A_136 : memref<1x128x64xbf16, #tpu.memory_space<hbm>> -> memref<128x64xbf16, #tpu.memory_space<hbm>>
      tpu.enqueue_dma source(%arg7 : memref<128x64xbf16, #tpu.memory_space<vmem>>) target(%dma_start3A_137 : memref<128x64xbf16, #tpu.memory_space<hbm>>) target_semaphore(%run_scoped3A_131 : memref<!tpu.dma_semaphore, #tpu.memory_space<semaphore_mem>>)
      %dma_wait3A = arith.constant 0 : i32
      %dma_wait3A_138 = tpu.memref_slice %arg4[%arg0, %add3A_124, %dma_wait3A] : memref<2x10000x64xbf16, #tpu.memory_space<hbm>> -> memref<1x128x64xbf16, #tpu.memory_space<hbm>>
      %dma_wait3A_139 = tpu.memref_squeeze %dma_wait3A_138 : memref<1x128x64xbf16, #tpu.memory_space<hbm>> -> memref<128x64xbf16, #tpu.memory_space<hbm>>
      %dma_wait3A_140 = arith.constant 0 : i32
      %dma_wait3A_141 = tpu.memref_slice %arg4[%arg0, %add3A_124, %dma_wait3A_140] : memref<2x10000x64xbf16, #tpu.memory_space<hbm>> -> memref<1x128x64xbf16, #tpu.memory_space<hbm>>
      %dma_wait3A_142 = tpu.memref_squeeze %dma_wait3A_141 : memref<1x128x64xbf16, #tpu.memory_space<hbm>> -> memref<128x64xbf16, #tpu.memory_space<hbm>>
      tpu.wait_dma2 semaphore(%run_scoped3A_131 : memref<!tpu.dma_semaphore, #tpu.memory_space<semaphore_mem>>) src(%arg7 : memref<128x64xbf16, #tpu.memory_space<vmem>>) dst(%dma_wait3A_142 : memref<128x64xbf16, #tpu.memory_space<hbm>>)
      tpu.yield
    }) : () -> ()
    %add3A_125 = arith.constant 256 : i32
    %add3A_126 = arith.addi %mul3A_2, %add3A_125 : i32
    "tpu.region"() ({
      %run_scoped3A_131 = tpu.sem_alloc : memref<!tpu.dma_semaphore, #tpu.memory_space<semaphore_mem>>
      %dma_start3A_132 = arith.constant 0 : i32
      %dma_start3A_133 = tpu.memref_slice %arg20[%add3A_126, %dma_start3A_132] : memref<10000x64xbf16, #tpu.memory_space<vmem_shared>> -> memref<128x64xbf16, #tpu.memory_space<vmem_shared>>
      %dma_start3A_134 = arith.constant 0 : i32
      %dma_start3A_135 = tpu.memref_slice %arg20[%add3A_126, %dma_start3A_134] : memref<10000x64xbf16, #tpu.memory_space<vmem_shared>> -> memref<128x64xbf16, #tpu.memory_space<vmem_shared>>
      tpu.enqueue_dma source(%dma_start3A_135 : memref<128x64xbf16, #tpu.memory_space<vmem_shared>>) target(%arg7 : memref<128x64xbf16, #tpu.memory_space<vmem>>) target_semaphore(%run_scoped3A_131 : memref<!tpu.dma_semaphore, #tpu.memory_space<semaphore_mem>>)
      %dma_wait3A = arith.constant 0 : i32
      %dma_wait3A_136 = tpu.memref_slice %arg20[%add3A_126, %dma_wait3A] : memref<10000x64xbf16, #tpu.memory_space<vmem_shared>> -> memref<128x64xbf16, #tpu.memory_space<vmem_shared>>
      %dma_wait3A_137 = arith.constant 0 : i32
      %dma_wait3A_138 = tpu.memref_slice %arg20[%add3A_126, %dma_wait3A_137] : memref<10000x64xbf16, #tpu.memory_space<vmem_shared>> -> memref<128x64xbf16, #tpu.memory_space<vmem_shared>>
      tpu.wait_dma2 semaphore(%run_scoped3A_131 : memref<!tpu.dma_semaphore, #tpu.memory_space<semaphore_mem>>) src(%dma_wait3A_138 : memref<128x64xbf16, #tpu.memory_space<vmem_shared>>) dst(%arg7 : memref<128x64xbf16, #tpu.memory_space<vmem>>)
      tpu.yield
    }) : () -> ()
    "tpu.region"() ({
      %run_scoped3A_131 = tpu.sem_alloc : memref<!tpu.dma_semaphore, #tpu.memory_space<semaphore_mem>>
      %dma_start3A_132 = arith.constant 0 : i32
      %dma_start3A_133 = tpu.memref_slice %arg4[%arg0, %add3A_126, %dma_start3A_132] : memref<2x10000x64xbf16, #tpu.memory_space<hbm>> -> memref<1x128x64xbf16, #tpu.memory_space<hbm>>
      %dma_start3A_134 = tpu.memref_squeeze %dma_start3A_133 : memref<1x128x64xbf16, #tpu.memory_space<hbm>> -> memref<128x64xbf16, #tpu.memory_space<hbm>>
      %dma_start3A_135 = arith.constant 0 : i32
      %dma_start3A_136 = tpu.memref_slice %arg4[%arg0, %add3A_126, %dma_start3A_135] : memref<2x10000x64xbf16, #tpu.memory_space<hbm>> -> memref<1x128x64xbf16, #tpu.memory_space<hbm>>
      %dma_start3A_137 = tpu.memref_squeeze %dma_start3A_136 : memref<1x128x64xbf16, #tpu.memory_space<hbm>> -> memref<128x64xbf16, #tpu.memory_space<hbm>>
      tpu.enqueue_dma source(%arg7 : memref<128x64xbf16, #tpu.memory_space<vmem>>) target(%dma_start3A_137 : memref<128x64xbf16, #tpu.memory_space<hbm>>) target_semaphore(%run_scoped3A_131 : memref<!tpu.dma_semaphore, #tpu.memory_space<semaphore_mem>>)
      %dma_wait3A = arith.constant 0 : i32
      %dma_wait3A_138 = tpu.memref_slice %arg4[%arg0, %add3A_126, %dma_wait3A] : memref<2x10000x64xbf16, #tpu.memory_space<hbm>> -> memref<1x128x64xbf16, #tpu.memory_space<hbm>>
      %dma_wait3A_139 = tpu.memref_squeeze %dma_wait3A_138 : memref<1x128x64xbf16, #tpu.memory_space<hbm>> -> memref<128x64xbf16, #tpu.memory_space<hbm>>
      %dma_wait3A_140 = arith.constant 0 : i32
      %dma_wait3A_141 = tpu.memref_slice %arg4[%arg0, %add3A_126, %dma_wait3A_140] : memref<2x10000x64xbf16, #tpu.memory_space<hbm>> -> memref<1x128x64xbf16, #tpu.memory_space<hbm>>
      %dma_wait3A_142 = tpu.memref_squeeze %dma_wait3A_141 : memref<1x128x64xbf16, #tpu.memory_space<hbm>> -> memref<128x64xbf16, #tpu.memory_space<hbm>>
      tpu.wait_dma2 semaphore(%run_scoped3A_131 : memref<!tpu.dma_semaphore, #tpu.memory_space<semaphore_mem>>) src(%arg7 : memref<128x64xbf16, #tpu.memory_space<vmem>>) dst(%dma_wait3A_142 : memref<128x64xbf16, #tpu.memory_space<hbm>>)
      tpu.yield
    }) : () -> ()
    %add3A_127 = arith.constant 384 : i32
    %add3A_128 = arith.addi %mul3A_2, %add3A_127 : i32
    "tpu.region"() ({
      %run_scoped3A_131 = tpu.sem_alloc : memref<!tpu.dma_semaphore, #tpu.memory_space<semaphore_mem>>
      %dma_start3A_132 = arith.constant 0 : i32
      %dma_start3A_133 = tpu.memref_slice %arg20[%add3A_128, %dma_start3A_132] : memref<10000x64xbf16, #tpu.memory_space<vmem_shared>> -> memref<128x64xbf16, #tpu.memory_space<vmem_shared>>
      %dma_start3A_134 = arith.constant 0 : i32
      %dma_start3A_135 = tpu.memref_slice %arg20[%add3A_128, %dma_start3A_134] : memref<10000x64xbf16, #tpu.memory_space<vmem_shared>> -> memref<128x64xbf16, #tpu.memory_space<vmem_shared>>
      tpu.enqueue_dma source(%dma_start3A_135 : memref<128x64xbf16, #tpu.memory_space<vmem_shared>>) target(%arg7 : memref<128x64xbf16, #tpu.memory_space<vmem>>) target_semaphore(%run_scoped3A_131 : memref<!tpu.dma_semaphore, #tpu.memory_space<semaphore_mem>>)
      %dma_wait3A = arith.constant 0 : i32
      %dma_wait3A_136 = tpu.memref_slice %arg20[%add3A_128, %dma_wait3A] : memref<10000x64xbf16, #tpu.memory_space<vmem_shared>> -> memref<128x64xbf16, #tpu.memory_space<vmem_shared>>
      %dma_wait3A_137 = arith.constant 0 : i32
      %dma_wait3A_138 = tpu.memref_slice %arg20[%add3A_128, %dma_wait3A_137] : memref<10000x64xbf16, #tpu.memory_space<vmem_shared>> -> memref<128x64xbf16, #tpu.memory_space<vmem_shared>>
      tpu.wait_dma2 semaphore(%run_scoped3A_131 : memref<!tpu.dma_semaphore, #tpu.memory_space<semaphore_mem>>) src(%dma_wait3A_138 : memref<128x64xbf16, #tpu.memory_space<vmem_shared>>) dst(%arg7 : memref<128x64xbf16, #tpu.memory_space<vmem>>)
      tpu.yield
    }) : () -> ()
    "tpu.region"() ({
      %run_scoped3A_131 = tpu.sem_alloc : memref<!tpu.dma_semaphore, #tpu.memory_space<semaphore_mem>>
      %dma_start3A_132 = arith.constant 0 : i32
      %dma_start3A_133 = tpu.memref_slice %arg4[%arg0, %add3A_128, %dma_start3A_132] : memref<2x10000x64xbf16, #tpu.memory_space<hbm>> -> memref<1x128x64xbf16, #tpu.memory_space<hbm>>
      %dma_start3A_134 = tpu.memref_squeeze %dma_start3A_133 : memref<1x128x64xbf16, #tpu.memory_space<hbm>> -> memref<128x64xbf16, #tpu.memory_space<hbm>>
      %dma_start3A_135 = arith.constant 0 : i32
      %dma_start3A_136 = tpu.memref_slice %arg4[%arg0, %add3A_128, %dma_start3A_135] : memref<2x10000x64xbf16, #tpu.memory_space<hbm>> -> memref<1x128x64xbf16, #tpu.memory_space<hbm>>
      %dma_start3A_137 = tpu.memref_squeeze %dma_start3A_136 : memref<1x128x64xbf16, #tpu.memory_space<hbm>> -> memref<128x64xbf16, #tpu.memory_space<hbm>>
      tpu.enqueue_dma source(%arg7 : memref<128x64xbf16, #tpu.memory_space<vmem>>) target(%dma_start3A_137 : memref<128x64xbf16, #tpu.memory_space<hbm>>) target_semaphore(%run_scoped3A_131 : memref<!tpu.dma_semaphore, #tpu.memory_space<semaphore_mem>>)
      %dma_wait3A = arith.constant 0 : i32
      %dma_wait3A_138 = tpu.memref_slice %arg4[%arg0, %add3A_128, %dma_wait3A] : memref<2x10000x64xbf16, #tpu.memory_space<hbm>> -> memref<1x128x64xbf16, #tpu.memory_space<hbm>>
      %dma_wait3A_139 = tpu.memref_squeeze %dma_wait3A_138 : memref<1x128x64xbf16, #tpu.memory_space<hbm>> -> memref<128x64xbf16, #tpu.memory_space<hbm>>
      %dma_wait3A_140 = arith.constant 0 : i32
      %dma_wait3A_141 = tpu.memref_slice %arg4[%arg0, %add3A_128, %dma_wait3A_140] : memref<2x10000x64xbf16, #tpu.memory_space<hbm>> -> memref<1x128x64xbf16, #tpu.memory_space<hbm>>
      %dma_wait3A_142 = tpu.memref_squeeze %dma_wait3A_141 : memref<1x128x64xbf16, #tpu.memory_space<hbm>> -> memref<128x64xbf16, #tpu.memory_space<hbm>>
      tpu.wait_dma2 semaphore(%run_scoped3A_131 : memref<!tpu.dma_semaphore, #tpu.memory_space<semaphore_mem>>) src(%arg7 : memref<128x64xbf16, #tpu.memory_space<vmem>>) dst(%dma_wait3A_142 : memref<128x64xbf16, #tpu.memory_space<hbm>>)
      tpu.yield
    }) : () -> ()
    %add3A_129 = arith.constant 512 : i32
    %add3A_130 = arith.addi %mul3A_2, %add3A_129 : i32
    "tpu.region"() ({
      %run_scoped3A_131 = tpu.sem_alloc : memref<!tpu.dma_semaphore, #tpu.memory_space<semaphore_mem>>
      %dma_start3A_132 = arith.constant 0 : i32
      %dma_start3A_133 = arith.constant 0 : i32
      %dma_start3A_134 = tpu.memref_slice %arg7[%dma_start3A_132, %dma_start3A_133] : memref<128x64xbf16, #tpu.memory_space<vmem>> -> memref<113x64xbf16, #tpu.memory_space<vmem>>
      %dma_start3A_135 = arith.constant 0 : i32
      %dma_start3A_136 = tpu.memref_slice %arg20[%add3A_130, %dma_start3A_135] : memref<10000x64xbf16, #tpu.memory_space<vmem_shared>> -> memref<113x64xbf16, #tpu.memory_space<vmem_shared>>
      %dma_start3A_137 = arith.constant 0 : i32
      %dma_start3A_138 = arith.constant 0 : i32
      %dma_start3A_139 = tpu.memref_slice %arg7[%dma_start3A_137, %dma_start3A_138] : memref<128x64xbf16, #tpu.memory_space<vmem>> -> memref<113x64xbf16, #tpu.memory_space<vmem>>
      %dma_start3A_140 = arith.constant 0 : i32
      %dma_start3A_141 = tpu.memref_slice %arg20[%add3A_130, %dma_start3A_140] : memref<10000x64xbf16, #tpu.memory_space<vmem_shared>> -> memref<113x64xbf16, #tpu.memory_space<vmem_shared>>
      tpu.enqueue_dma source(%dma_start3A_141 : memref<113x64xbf16, #tpu.memory_space<vmem_shared>>) target(%dma_start3A_139 : memref<113x64xbf16, #tpu.memory_space<vmem>>) target_semaphore(%run_scoped3A_131 : memref<!tpu.dma_semaphore, #tpu.memory_space<semaphore_mem>>)
      %dma_wait3A = arith.constant 0 : i32
      %dma_wait3A_142 = arith.constant 0 : i32
      %dma_wait3A_143 = tpu.memref_slice %arg7[%dma_wait3A, %dma_wait3A_142] : memref<128x64xbf16, #tpu.memory_space<vmem>> -> memref<113x64xbf16, #tpu.memory_space<vmem>>
      %dma_wait3A_144 = arith.constant 0 : i32
      %dma_wait3A_145 = tpu.memref_slice %arg20[%add3A_130, %dma_wait3A_144] : memref<10000x64xbf16, #tpu.memory_space<vmem_shared>> -> memref<113x64xbf16, #tpu.memory_space<vmem_shared>>
      %dma_wait3A_146 = arith.constant 0 : i32
      %dma_wait3A_147 = arith.constant 0 : i32
      %dma_wait3A_148 = tpu.memref_slice %arg7[%dma_wait3A_146, %dma_wait3A_147] : memref<128x64xbf16, #tpu.memory_space<vmem>> -> memref<113x64xbf16, #tpu.memory_space<vmem>>
      %dma_wait3A_149 = arith.constant 0 : i32
      %dma_wait3A_150 = tpu.memref_slice %arg20[%add3A_130, %dma_wait3A_149] : memref<10000x64xbf16, #tpu.memory_space<vmem_shared>> -> memref<113x64xbf16, #tpu.memory_space<vmem_shared>>
      tpu.wait_dma2 semaphore(%run_scoped3A_131 : memref<!tpu.dma_semaphore, #tpu.memory_space<semaphore_mem>>) src(%dma_wait3A_150 : memref<113x64xbf16, #tpu.memory_space<vmem_shared>>) dst(%dma_wait3A_148 : memref<113x64xbf16, #tpu.memory_space<vmem>>)
      tpu.yield
    }) : () -> ()
    "tpu.region"() ({
      %run_scoped3A_131 = tpu.sem_alloc : memref<!tpu.dma_semaphore, #tpu.memory_space<semaphore_mem>>
      %dma_start3A_132 = arith.constant 0 : i32
      %dma_start3A_133 = arith.constant 0 : i32
      %dma_start3A_134 = tpu.memref_slice %arg7[%dma_start3A_132, %dma_start3A_133] : memref<128x64xbf16, #tpu.memory_space<vmem>> -> memref<113x64xbf16, #tpu.memory_space<vmem>>
      %dma_start3A_135 = arith.constant 0 : i32
      %dma_start3A_136 = tpu.memref_slice %arg4[%arg0, %add3A_130, %dma_start3A_135] : memref<2x10000x64xbf16, #tpu.memory_space<hbm>> -> memref<1x113x64xbf16, #tpu.memory_space<hbm>>
      %dma_start3A_137 = tpu.memref_squeeze %dma_start3A_136 : memref<1x113x64xbf16, #tpu.memory_space<hbm>> -> memref<113x64xbf16, #tpu.memory_space<hbm>>
      %dma_start3A_138 = arith.constant 0 : i32
      %dma_start3A_139 = tpu.memref_slice %arg4[%arg0, %add3A_130, %dma_start3A_138] : memref<2x10000x64xbf16, #tpu.memory_space<hbm>> -> memref<1x113x64xbf16, #tpu.memory_space<hbm>>
      %dma_start3A_140 = tpu.memref_squeeze %dma_start3A_139 : memref<1x113x64xbf16, #tpu.memory_space<hbm>> -> memref<113x64xbf16, #tpu.memory_space<hbm>>
      %dma_start3A_141 = arith.constant 0 : i32
      %dma_start3A_142 = arith.constant 0 : i32
      %dma_start3A_143 = tpu.memref_slice %arg7[%dma_start3A_141, %dma_start3A_142] : memref<128x64xbf16, #tpu.memory_space<vmem>> -> memref<113x64xbf16, #tpu.memory_space<vmem>>
      tpu.enqueue_dma source(%dma_start3A_143 : memref<113x64xbf16, #tpu.memory_space<vmem>>) target(%dma_start3A_140 : memref<113x64xbf16, #tpu.memory_space<hbm>>) target_semaphore(%run_scoped3A_131 : memref<!tpu.dma_semaphore, #tpu.memory_space<semaphore_mem>>)
      %dma_wait3A = arith.constant 0 : i32
      %dma_wait3A_144 = arith.constant 0 : i32
      %dma_wait3A_145 = tpu.memref_slice %arg7[%dma_wait3A, %dma_wait3A_144] : memref<128x64xbf16, #tpu.memory_space<vmem>> -> memref<113x64xbf16, #tpu.memory_space<vmem>>
      %dma_wait3A_146 = arith.constant 0 : i32
      %dma_wait3A_147 = tpu.memref_slice %arg4[%arg0, %add3A_130, %dma_wait3A_146] : memref<2x10000x64xbf16, #tpu.memory_space<hbm>> -> memref<1x113x64xbf16, #tpu.memory_space<hbm>>
      %dma_wait3A_148 = tpu.memref_squeeze %dma_wait3A_147 : memref<1x113x64xbf16, #tpu.memory_space<hbm>> -> memref<113x64xbf16, #tpu.memory_space<hbm>>
      %dma_wait3A_149 = arith.constant 0 : i32
      %dma_wait3A_150 = tpu.memref_slice %arg4[%arg0, %add3A_130, %dma_wait3A_149] : memref<2x10000x64xbf16, #tpu.memory_space<hbm>> -> memref<1x113x64xbf16, #tpu.memory_space<hbm>>
      %dma_wait3A_151 = tpu.memref_squeeze %dma_wait3A_150 : memref<1x113x64xbf16, #tpu.memory_space<hbm>> -> memref<113x64xbf16, #tpu.memory_space<hbm>>
      %dma_wait3A_152 = arith.constant 0 : i32
      %dma_wait3A_153 = arith.constant 0 : i32
      %dma_wait3A_154 = tpu.memref_slice %arg7[%dma_wait3A_152, %dma_wait3A_153] : memref<128x64xbf16, #tpu.memory_space<vmem>> -> memref<113x64xbf16, #tpu.memory_space<vmem>>
      tpu.wait_dma2 semaphore(%run_scoped3A_131 : memref<!tpu.dma_semaphore, #tpu.memory_space<semaphore_mem>>) src(%dma_wait3A_154 : memref<113x64xbf16, #tpu.memory_space<vmem>>) dst(%dma_wait3A_151 : memref<113x64xbf16, #tpu.memory_space<hbm>>)
      tpu.yield
    }) : () -> ()
    return
  }
}

module attributes {stable_mosaic.version = 14 : i64} {
  func.func @_p1_body(%arg0: i32, %arg1: memref<2000x128xf32, #tpu.memory_space<vmem>>, %arg2: memref<128x128xf32, #tpu.memory_space<vmem>>, %arg3: memref<2000x1xf32, #tpu.memory_space<vmem>>, %arg4: memref<2000x128xf32, #tpu.memory_space<vmem>>, %arg5: memref<2000x128xbf16, #tpu.memory_space<vmem>>, %arg6: memref<2000x1xf32, #tpu.memory_space<vmem>>) attributes {dimension_semantics = [#tpu.dimension_semantics<arbitrary>], iteration_bounds = array<i64: 5>, scalar_prefetch = 0 : i64, scratch_operands = 0 : i64, tpu.core_type = #tpu.core_type<tc>, window_params = [{transform_indices = @transform_0, window_bounds = array<i64: 2000, 128>}, {pipeline_mode = #tpu.pipeline_mode<synchronous>, transform_indices = @transform_1, window_bounds = array<i64: 128, 128>}, {transform_indices = @transform_2, window_bounds = array<i64: 2000, 1>}, {transform_indices = @transform_3, window_bounds = array<i64: 2000, 128>}, {transform_indices = @transform_4, window_bounds = array<i64: 2000, 128>}, {transform_indices = @transform_5, window_bounds = array<i64: 2000, 1>}]} {
    %get3A = arith.constant 0 : index
    %get3A_0 = arith.constant 0 : index
    %get3A_1 = vector.load %arg3[%get3A, %get3A_0] : memref<2000x1xf32, #tpu.memory_space<vmem>>, vector<2000x1xf32>
    %rsqrt3A = math.rsqrt %get3A_1 : vector<2000x1xf32>
    %get3A_2 = arith.constant 0 : index
    %get3A_3 = arith.constant 0 : index
    %get3A_4 = vector.load %arg1[%get3A_2, %get3A_3] : memref<2000x128xf32, #tpu.memory_space<vmem>>, vector<2000x128xf32>
    %get3A_5 = arith.constant 0 : index
    %get3A_6 = arith.constant 0 : index
    %get3A_7 = vector.load %arg2[%get3A_5, %get3A_6] : memref<128x128xf32, #tpu.memory_space<vmem>>, vector<128x128xf32>
    %dot_general3A = arith.constant dense<0.000000e+00> : vector<2000x128xf32>
    %dot_general3A_8 = tpu.matmul %get3A_4, %get3A_7, %dot_general3A {dimension_numbers = #tpu.dot_dimension_numbers<[1], [0], [0], [1], [0, 0, 1, 1], [], []>, transpose_lhs_hint = false} : vector<2000x128xf32>, vector<128x128xf32>, vector<2000x128xf32> -> vector<2000x128xf32>
    %mul3A = vector.broadcast %rsqrt3A : vector<2000x1xf32> to vector<2000x128xf32>
    %mul3A_9 = arith.mulf %mul3A, %dot_general3A_8 : vector<2000x128xf32>
    %swap3A = arith.constant 0 : index
    %swap3A_10 = arith.constant 0 : index
    %swap3A_11 = vector.load %arg4[%swap3A, %swap3A_10] : memref<2000x128xf32, #tpu.memory_space<vmem>>, vector<2000x128xf32>
    tpu.vector_store %arg4[%swap3A, %swap3A_10], %mul3A_9 {strides = array<i32>} : memref<2000x128xf32, #tpu.memory_space<vmem>>, vector<2000x128xf32>,
    %convert_element_type3A = arith.truncf %mul3A_9 : vector<2000x128xf32> to vector<2000x128xbf16>
    %swap3A_12 = arith.constant 0 : index
    %swap3A_13 = arith.constant 0 : index
    %swap3A_14 = vector.load %arg5[%swap3A_12, %swap3A_13] : memref<2000x128xbf16, #tpu.memory_space<vmem>>, vector<2000x128xbf16>
    tpu.vector_store %arg5[%swap3A_12, %swap3A_13], %convert_element_type3A {strides = array<i32>} : memref<2000x128xbf16, #tpu.memory_space<vmem>>, vector<2000x128xbf16>,
    %swap3A_15 = arith.constant 0 : index
    %swap3A_16 = arith.constant 0 : index
    %swap3A_17 = vector.load %arg6[%swap3A_15, %swap3A_16] : memref<2000x1xf32, #tpu.memory_space<vmem>>, vector<2000x1xf32>
    tpu.vector_store %arg6[%swap3A_15, %swap3A_16], %rsqrt3A {strides = array<i32>} : memref<2000x1xf32, #tpu.memory_space<vmem>>, vector<2000x1xf32>,
    return
  }
  func.func @transform_0(%arg0: i32) -> (i32, i32) {
    %c0_i32 = arith.constant 0 : i32
    %c0_i32_0 = arith.constant 0 : i32
    return %arg0, %c0_i32 : i32, i32
  }
  func.func @transform_1(%arg0: i32) -> (i32, i32) {
    %c0_i32 = arith.constant 0 : i32
    %c0_i32_0 = arith.constant 0 : i32
    %c0_i32_1 = arith.constant 0 : i32
    return %c0_i32, %c0_i32_0 : i32, i32
  }
  func.func @transform_2(%arg0: i32) -> (i32, i32) {
    %c0_i32 = arith.constant 0 : i32
    %c0_i32_0 = arith.constant 0 : i32
    return %arg0, %c0_i32 : i32, i32
  }
  func.func @transform_3(%arg0: i32) -> (i32, i32) {
    %c0_i32 = arith.constant 0 : i32
    %c0_i32_0 = arith.constant 0 : i32
    return %arg0, %c0_i32 : i32, i32
  }
  func.func @transform_4(%arg0: i32) -> (i32, i32) {
    %c0_i32 = arith.constant 0 : i32
    %c0_i32_0 = arith.constant 0 : i32
    return %arg0, %c0_i32 : i32, i32
  }
  func.func @transform_5(%arg0: i32) -> (i32, i32) {
    %c0_i32 = arith.constant 0 : i32
    %c0_i32_0 = arith.constant 0 : i32
    return %arg0, %c0_i32 : i32, i32
  }
}

module attributes {stable_mosaic.version = 14 : i64} {
  func.func @_p2_body(%arg0: i32, %arg1: memref<2x2000x128xf32, #tpu.memory_space<vmem>>, %arg2: memref<2000x128xf32, #tpu.memory_space<vmem>>, %arg3: memref<2000x1xf32, #tpu.memory_space<vmem>>, %arg4: memref<1x128xf32, #tpu.memory_space<vmem>>, %arg5: memref<128x64xf32, #tpu.memory_space<vmem>>, %arg6: memref<2000x64xf32, #tpu.memory_space<vmem>>, %arg7: memref<2000x64xbf16, #tpu.memory_space<vmem>>) attributes {dimension_semantics = [#tpu.dimension_semantics<arbitrary>], iteration_bounds = array<i64: 5>, scalar_prefetch = 0 : i64, scratch_operands = 0 : i64, tpu.core_type = #tpu.core_type<tc>, window_params = [{transform_indices = @transform_0, window_bounds = array<i64: 2, 2000, 128>}, {transform_indices = @transform_1, window_bounds = array<i64: 2000, 128>}, {transform_indices = @transform_2, window_bounds = array<i64: 2000, 1>}, {pipeline_mode = #tpu.pipeline_mode<synchronous>, transform_indices = @transform_3, window_bounds = array<i64: 1, 128>}, {pipeline_mode = #tpu.pipeline_mode<synchronous>, transform_indices = @transform_4, window_bounds = array<i64: 128, 64>}, {transform_indices = @transform_5, window_bounds = array<i64: 2000, 64>}, {transform_indices = @transform_6, window_bounds = array<i64: 2000, 64>}]} {
    %get3A = arith.constant 0 : index
    %get3A_0 = arith.constant 0 : index
    %get3A_1 = vector.load %arg3[%get3A, %get3A_0] : memref<2000x1xf32, #tpu.memory_space<vmem>>, vector<2000x1xf32>
    %get3A_2 = arith.constant 0 : index
    %get3A_3 = arith.constant 0 : index
    %get3A_4 = arith.constant 0 : index
    %get3A_5 = vector.load %arg1[%get3A_2, %get3A_3, %get3A_4] : memref<2x2000x128xf32, #tpu.memory_space<vmem>>, vector<1x2000x128xf32>
    %get3A_6 = vector.shape_cast %get3A_5 : vector<1x2000x128xf32> to vector<2000x128xf32>
    %get3A_7 = arith.constant 1 : index
    %get3A_8 = arith.constant 0 : index
    %get3A_9 = arith.constant 0 : index
    %get3A_10 = vector.load %arg1[%get3A_7, %get3A_8, %get3A_9] : memref<2x2000x128xf32, #tpu.memory_space<vmem>>, vector<1x2000x128xf32>
    %get3A_11 = vector.shape_cast %get3A_10 : vector<1x2000x128xf32> to vector<2000x128xf32>
    %add3A = arith.addf %get3A_6, %get3A_11 : vector<2000x128xf32>
    %get3A_12 = arith.constant 0 : index
    %get3A_13 = arith.constant 0 : index
    %get3A_14 = vector.load %arg2[%get3A_12, %get3A_13] : memref<2000x128xf32, #tpu.memory_space<vmem>>, vector<2000x128xf32>
    %add3A_15 = arith.addf %add3A, %get3A_14 : vector<2000x128xf32>
    %mul3A = vector.broadcast %get3A_1 : vector<2000x1xf32> to vector<2000x128xf32>
    %mul3A_16 = arith.mulf %mul3A, %add3A_15 : vector<2000x128xf32>
    %get3A_17 = arith.constant 0 : index
    %get3A_18 = arith.constant 0 : index
    %get3A_19 = vector.load %arg4[%get3A_17, %get3A_18] : memref<1x128xf32, #tpu.memory_space<vmem>>, vector<1x128xf32>
    %add3A_20 = vector.broadcast %get3A_19 : vector<1x128xf32> to vector<2000x128xf32>
    %add3A_21 = arith.addf %mul3A_16, %add3A_20 : vector<2000x128xf32>
    %max3A = arith.constant 0.000000e+00 : f32
    %max3A_22 = vector.broadcast %max3A : f32 to vector<2000x128xf32>
    %max3A_23 = arith.maximumf %add3A_21, %max3A_22 : vector<2000x128xf32>
    %get3A_24 = arith.constant 0 : index
    %get3A_25 = arith.constant 0 : index
    %get3A_26 = vector.load %arg5[%get3A_24, %get3A_25] : memref<128x64xf32, #tpu.memory_space<vmem>>, vector<128x64xf32>
    %dot_general3A = arith.constant dense<0.000000e+00> : vector<2000x64xf32>
    %dot_general3A_27 = tpu.matmul %max3A_23, %get3A_26, %dot_general3A {dimension_numbers = #tpu.dot_dimension_numbers<[1], [0], [0], [1], [0, 0, 1, 1], [], []>, transpose_lhs_hint = false} : vector<2000x128xf32>, vector<128x64xf32>, vector<2000x64xf32> -> vector<2000x64xf32>
    %mul3A_28 = vector.broadcast %get3A_1 : vector<2000x1xf32> to vector<2000x64xf32>
    %mul3A_29 = arith.mulf %mul3A_28, %dot_general3A_27 : vector<2000x64xf32>
    %swap3A = arith.constant 0 : index
    %swap3A_30 = arith.constant 0 : index
    %swap3A_31 = vector.load %arg6[%swap3A, %swap3A_30] : memref<2000x64xf32, #tpu.memory_space<vmem>>, vector<2000x64xf32>
    tpu.vector_store %arg6[%swap3A, %swap3A_30], %mul3A_29 {strides = array<i32>} : memref<2000x64xf32, #tpu.memory_space<vmem>>, vector<2000x64xf32>,
    %convert_element_type3A = arith.truncf %mul3A_29 : vector<2000x64xf32> to vector<2000x64xbf16>
    %swap3A_32 = arith.constant 0 : index
    %swap3A_33 = arith.constant 0 : index
    %swap3A_34 = vector.load %arg7[%swap3A_32, %swap3A_33] : memref<2000x64xbf16, #tpu.memory_space<vmem>>, vector<2000x64xbf16>
    tpu.vector_store %arg7[%swap3A_32, %swap3A_33], %convert_element_type3A {strides = array<i32>} : memref<2000x64xbf16, #tpu.memory_space<vmem>>, vector<2000x64xbf16>,
    return
  }
  func.func @transform_0(%arg0: i32) -> (i32, i32, i32) {
    %c0_i32 = arith.constant 0 : i32
    %c0_i32_0 = arith.constant 0 : i32
    %c0_i32_1 = arith.constant 0 : i32
    return %c0_i32, %arg0, %c0_i32_0 : i32, i32, i32
  }
  func.func @transform_1(%arg0: i32) -> (i32, i32) {
    %c0_i32 = arith.constant 0 : i32
    %c0_i32_0 = arith.constant 0 : i32
    return %arg0, %c0_i32 : i32, i32
  }
  func.func @transform_2(%arg0: i32) -> (i32, i32) {
    %c0_i32 = arith.constant 0 : i32
    %c0_i32_0 = arith.constant 0 : i32
    return %arg0, %c0_i32 : i32, i32
  }
  func.func @transform_3(%arg0: i32) -> (i32, i32) {
    %c0_i32 = arith.constant 0 : i32
    %c0_i32_0 = arith.constant 0 : i32
    %c0_i32_1 = arith.constant 0 : i32
    return %c0_i32, %c0_i32_0 : i32, i32
  }
  func.func @transform_4(%arg0: i32) -> (i32, i32) {
    %c0_i32 = arith.constant 0 : i32
    %c0_i32_0 = arith.constant 0 : i32
    %c0_i32_1 = arith.constant 0 : i32
    return %c0_i32, %c0_i32_0 : i32, i32
  }
  func.func @transform_5(%arg0: i32) -> (i32, i32) {
    %c0_i32 = arith.constant 0 : i32
    %c0_i32_0 = arith.constant 0 : i32
    return %arg0, %c0_i32 : i32, i32
  }
  func.func @transform_6(%arg0: i32) -> (i32, i32) {
    %c0_i32 = arith.constant 0 : i32
    %c0_i32_0 = arith.constant 0 : i32
    return %arg0, %c0_i32 : i32, i32
  }
}

module attributes {stable_mosaic.version = 14 : i64} {
  func.func @_final_body(%arg0: i32, %arg1: memref<2x2000x64xf32, #tpu.memory_space<vmem>>, %arg2: memref<2000x64xf32, #tpu.memory_space<vmem>>, %arg3: memref<2000x1xf32, #tpu.memory_space<vmem>>, %arg4: memref<1x64xf32, #tpu.memory_space<vmem>>, %arg5: memref<2000x40xf32, #tpu.memory_space<vmem>>, %arg6: memref<2000x40xf32, #tpu.memory_space<vmem>>) attributes {dimension_semantics = [#tpu.dimension_semantics<arbitrary>], iteration_bounds = array<i64: 5>, scalar_prefetch = 0 : i64, scratch_operands = 0 : i64, tpu.core_type = #tpu.core_type<tc>, window_params = [{transform_indices = @transform_0, window_bounds = array<i64: 2, 2000, 64>}, {transform_indices = @transform_1, window_bounds = array<i64: 2000, 64>}, {transform_indices = @transform_2, window_bounds = array<i64: 2000, 1>}, {pipeline_mode = #tpu.pipeline_mode<synchronous>, transform_indices = @transform_3, window_bounds = array<i64: 1, 64>}, {transform_indices = @transform_4, window_bounds = array<i64: 2000, 40>}, {transform_indices = @transform_5, window_bounds = array<i64: 2000, 40>}]} {
    %get3A = arith.constant 0 : index
    %get3A_0 = arith.constant 0 : index
    %get3A_1 = vector.load %arg3[%get3A, %get3A_0] : memref<2000x1xf32, #tpu.memory_space<vmem>>, vector<2000x1xf32>
    %get3A_2 = arith.constant 0 : index
    %get3A_3 = arith.constant 0 : index
    %get3A_4 = arith.constant 0 : index
    %get3A_5 = vector.load %arg1[%get3A_2, %get3A_3, %get3A_4] : memref<2x2000x64xf32, #tpu.memory_space<vmem>>, vector<1x2000x64xf32>
    %get3A_6 = vector.shape_cast %get3A_5 : vector<1x2000x64xf32> to vector<2000x64xf32>
    %get3A_7 = arith.constant 1 : index
    %get3A_8 = arith.constant 0 : index
    %get3A_9 = arith.constant 0 : index
    %get3A_10 = vector.load %arg1[%get3A_7, %get3A_8, %get3A_9] : memref<2x2000x64xf32, #tpu.memory_space<vmem>>, vector<1x2000x64xf32>
    %get3A_11 = vector.shape_cast %get3A_10 : vector<1x2000x64xf32> to vector<2000x64xf32>
    %add3A = arith.addf %get3A_6, %get3A_11 : vector<2000x64xf32>
    %get3A_12 = arith.constant 0 : index
    %get3A_13 = arith.constant 0 : index
    %get3A_14 = vector.load %arg2[%get3A_12, %get3A_13] : memref<2000x64xf32, #tpu.memory_space<vmem>>, vector<2000x64xf32>
    %add3A_15 = arith.addf %add3A, %get3A_14 : vector<2000x64xf32>
    %mul3A = vector.broadcast %get3A_1 : vector<2000x1xf32> to vector<2000x64xf32>
    %mul3A_16 = arith.mulf %mul3A, %add3A_15 : vector<2000x64xf32>
    %get3A_17 = arith.constant 0 : index
    %get3A_18 = arith.constant 0 : index
    %get3A_19 = vector.load %arg4[%get3A_17, %get3A_18] : memref<1x64xf32, #tpu.memory_space<vmem>>, vector<1x64xf32>
    %add3A_20 = vector.broadcast %get3A_19 : vector<1x64xf32> to vector<2000x64xf32>
    %add3A_21 = arith.addf %mul3A_16, %add3A_20 : vector<2000x64xf32>
    %iota3A = tpu.iota {dimensions = array<i32: 1>} : vector<2000x64xi32>
    %lt3A = arith.constant 40 : i32
    %lt3A_22 = vector.broadcast %lt3A : i32 to vector<2000x64xi32>
    %lt3A_23 = arith.cmpi slt, %iota3A, %lt3A_22 : vector<2000x64xi32>
    %jit3A = arith.constant 0xFF800000 : f32
    %broadcast_in_dim3A = vector.broadcast %jit3A : f32 to vector<2000x64xf32>
    %select_n3A = arith.select %lt3A_23, %add3A_21, %broadcast_in_dim3A : vector<2000x64xi1>, vector<2000x64xf32>
    %reduce_max3A = arith.constant dense<0xFF800000> : vector<2000xf32>
    %reduce_max3A_24 = vector.multi_reduction <maximumf>, %select_n3A, %reduce_max3A [1] : vector<2000x64xf32> to vector<2000xf32>
    %broadcast_in_dim3A_25 = vector.shape_cast %reduce_max3A_24 : vector<2000xf32> to vector<2000x1xf32>
    %lt3A_26 = arith.constant 40 : i32
    %lt3A_27 = vector.broadcast %lt3A_26 : i32 to vector<2000x64xi32>
    %lt3A_28 = arith.cmpi slt, %iota3A, %lt3A_27 : vector<2000x64xi32>
    %sub3A = vector.broadcast %broadcast_in_dim3A_25 : vector<2000x1xf32> to vector<2000x64xf32>
    %sub3A_29 = arith.subf %select_n3A, %sub3A : vector<2000x64xf32>
    %exp3A = math.exp %sub3A_29 : vector<2000x64xf32>
    %jit3A_30 = arith.constant 0.000000e+00 : f32
    %broadcast_in_dim3A_31 = vector.broadcast %jit3A_30 : f32 to vector<2000x64xf32>
    %select_n3A_32 = arith.select %lt3A_28, %exp3A, %broadcast_in_dim3A_31 : vector<2000x64xi1>, vector<2000x64xf32>
    %reduce_sum3A = arith.constant dense<0.000000e+00> : vector<2000xf32>
    %reduce_sum3A_33 = vector.multi_reduction <add>, %select_n3A_32, %reduce_sum3A [1] : vector<2000x64xf32> to vector<2000xf32>
    %broadcast_in_dim3A_34 = vector.shape_cast %reduce_sum3A_33 : vector<2000xf32> to vector<2000x1xf32>
    %log3A = math.log %broadcast_in_dim3A_34 : vector<2000x1xf32>
    %add3A_35 = arith.addf %broadcast_in_dim3A_25, %log3A : vector<2000x1xf32>
    %sub3A_36 = vector.broadcast %add3A_35 : vector<2000x1xf32> to vector<2000x64xf32>
    %sub3A_37 = arith.subf %add3A_21, %sub3A_36 : vector<2000x64xf32>
    %slice3A = vector.extract_strided_slice %sub3A_37 {offsets = [0, 0], sizes = [2000, 40], strides = [1, 1]} : vector<2000x64xf32> to vector<2000x40xf32>
    %swap3A = arith.constant 0 : index
    %swap3A_38 = arith.constant 0 : index
    %swap3A_39 = vector.load %arg5[%swap3A, %swap3A_38] : memref<2000x40xf32, #tpu.memory_space<vmem>>, vector<2000x40xf32>
    tpu.vector_store %arg5[%swap3A, %swap3A_38], %slice3A {strides = array<i32>} : memref<2000x40xf32, #tpu.memory_space<vmem>>, vector<2000x40xf32>,
    %slice3A_40 = vector.extract_strided_slice %add3A_21 {offsets = [0, 0], sizes = [2000, 40], strides = [1, 1]} : vector<2000x64xf32> to vector<2000x40xf32>
    %swap3A_41 = arith.constant 0 : index
    %swap3A_42 = arith.constant 0 : index
    %swap3A_43 = vector.load %arg6[%swap3A_41, %swap3A_42] : memref<2000x40xf32, #tpu.memory_space<vmem>>, vector<2000x40xf32>
    tpu.vector_store %arg6[%swap3A_41, %swap3A_42], %slice3A_40 {strides = array<i32>} : memref<2000x40xf32, #tpu.memory_space<vmem>>, vector<2000x40xf32>,
    return
  }
  func.func @transform_0(%arg0: i32) -> (i32, i32, i32) {
    %c0_i32 = arith.constant 0 : i32
    %c0_i32_0 = arith.constant 0 : i32
    %c0_i32_1 = arith.constant 0 : i32
    return %c0_i32, %arg0, %c0_i32_0 : i32, i32, i32
  }
  func.func @transform_1(%arg0: i32) -> (i32, i32) {
    %c0_i32 = arith.constant 0 : i32
    %c0_i32_0 = arith.constant 0 : i32
    return %arg0, %c0_i32 : i32, i32
  }
  func.func @transform_2(%arg0: i32) -> (i32, i32) {
    %c0_i32 = arith.constant 0 : i32
    %c0_i32_0 = arith.constant 0 : i32
    return %arg0, %c0_i32 : i32, i32
  }
  func.func @transform_3(%arg0: i32) -> (i32, i32) {
    %c0_i32 = arith.constant 0 : i32
    %c0_i32_0 = arith.constant 0 : i32
    %c0_i32_1 = arith.constant 0 : i32
    return %c0_i32, %c0_i32_0 : i32, i32
  }
  func.func @transform_4(%arg0: i32) -> (i32, i32) {
    %c0_i32 = arith.constant 0 : i32
    %c0_i32_0 = arith.constant 0 : i32
    return %arg0, %c0_i32 : i32, i32
  }
  func.func @transform_5(%arg0: i32) -> (i32, i32) {
    %c0_i32 = arith.constant 0 : i32
    %c0_i32_0 = arith.constant 0 : i32
    return %arg0, %c0_i32 : i32, i32
  }
}

</mosaic_0001>

<sc_bundles>
// kernel: kernel.11.cloned.1.call-start
scs
__scs_entry_jumppad:
0x0: {  	(pc) =	sbr.rel $0x88, $3  }
0x1: {  	(tag) =	ssettag $0x0;
	lr =	simm.s32 $0x1  }
0x2: {  	[smem:$0x3F9B] =	sst lr;
	_ =	strace $0xD0000000  }
0x3: {  	_ = 	snop  }
0x4: {  	_ = 	snop  }
0x5: {  	_ = 	snop  }
0x6: {  	_ = 	snop  }
0x7: {  	_ = 	snop  }
__scs_overlays_trampoline_lowered:
0x8: {  	[smem:$0x3FAA] =	sst s0  }
0x9: {  	[smem:$0x3FAB] =	sst s1  }
0xa: {  	[smem:$0x3FAC] =	sst s2  }
0xb: {  	[smem:$0x3FAD] =	sst s3  }
0xc: {  	[smem:$0x3FAE] =	sst s4  }
0xd: {  	[smem:$0x3FAF] =	sst s5  }
0xe: {  	[smem:$0x3FB0] =	sst s6  }
0xf: {  	[smem:$0x3FB1] =	sst s7  }
0x10: {  	[smem:$0x3FB2] =	sst s8  }
0x11: {  	[smem:$0x3FB3] =	sst s9;
	s0 =	simm.s32 @!p0 $0x0  }
0x12: {  	s1 =	sld [smem:$0x3F99];
	s0 =	simm.s32 @p0 $0x1  }
0x13: {  	[smem:$0x3FB4] =	sst s0;
	s0 =	simm.s32 @!p1 $0x0  }
0x14: {  	s2 =	sld [smem:$0x3F98];
	s0 =	simm.s32 @p1 $0x1  }
0x15: {  	[smem:$0x3FB5] =	sst s0;
	s0 =	simm.s32 @!p2 $0x0  }
0x16: {  	s3 =	sld [smem:$0x3FDB];
	s0 =	simm.s32 @p2 $0x1  }
0x17: {  	s4 =	simm.s32 $0x1BF5;
	[smem:$0x3FB7] =	sst s0  }
0x18: {  	s0 =	sld [smem:$0x3F9A];
	_ =	swait.ge [sflag:s4], $0x0  }
0x19: {  	s7 =	sld [smem:$0x3F9B]  }
0x1a: {  	s8 =	sadd.s32 $0xFFFFE003, lr  }
0x1b: {  	s9 =	sadd.s32 $0xFFFFFEF7, lr;
	s5 =	simm.s32 $0xFFFFFFFF;
	p2 =	slt.u32 s8, $0xFFFFF086  }
0x1c: {  	p1 =	slt.u32 s9, $0xF7A;
	s5 =	simm.s32 @!p2 $0x0  }
0x1d: {  	s5 =	simm.s32 @p1 $0x1;
	p0 =	seq.s32 s7, s2  }
0x1e: {  	s7 =	smul.u32 @!p0 $0xF7A, s2;
	p2 =	seq.s32 @!p0 s5, $0x0  }
0x1f: {  	s9 =	smul.u32 $0xF7A, s1;
	s8 =	simm.s32 @!p0 $0x1BF5;
	p2 =	por !p2, p0  }
0x20: {  	[sflag:s8] =	ssyncset.s32 @!p0 $0xFFFFF086;
	s6 =	sadd.s32 @!p0 s3, s7;
	s7 =	simm.s32 @!p0 $0x108  }
0x21: {  	s3 =	sadd.s32 s3, s9;
	s6 =	sadd.s32 @!p0 $0x88, s6;
	s7 =	simm.s32 @p2 $0x1082  }
0x22: {  	[simem:s7], [sflag:s8] =	dma.local @!p0 [hbm:s6], $0xF7A  }
0x23: {  	s9 =	sor.u32 $0xD0000000, s2;
	s6 =	simm.s32 $0x108;
	_ =	swait.ge @!p0 [sflag:s8], $0x0  }
0x24: {  	s3 =	sadd.s32 $0x88, s3;
	s6 =	simm.s32 @!p1 $0x1082;
	[sflag:s4] =	ssyncset.s32 $0xFFFFF086  }
0x25: {  	[simem:s6], [sflag:s4] =	dma.local [hbm:s3], $0xF7A  }
0x26: {  	[smem:$0x3F9B] =	sst s1;
	(tag) =	ssettag s2;
	_ =	strace s9  }
0x27: {  	s1 =	sld [smem:$0x3FAB]  }
0x28: {  	s2 =	sld [smem:$0x3FAC]  }
0x29: {  	s4 =	sld [smem:$0x3FAE]  }
0x2a: {  	p0 =	seq.s32 s5, $0x0;
	s5 =	sld [smem:$0x3FAF]  }
0x2b: {  	s6 =	sld [smem:$0x3FB0]  }
0x2c: {  	s7 =	sld [smem:$0x3FB1]  }
0x2d: {  	s3 =	simm.s32 $0x108;
	s8 =	sld [smem:$0x3FB2]  }
0x2e: {  	s3 =	simm.s32 @!p0 $0x1082;
	s9 =	sld [smem:$0x3FB3]  }
0x2f: {  	lr =	sadd.s32 s0, s3;
	s0 =	sld [smem:$0x3FAA]  }
0x30: {  	s3 =	sld [smem:$0x3FAD]  }
0x31: {  	[smem:$0x3FB6] =	sst s10  }
0x32: {  	s10 =	sld [smem:$0x3FB4];
	_ =	sdelay $0x3  }
0x33: {  	p0 =	seq.s32 s10, $0x1;
	s10 =	sld [smem:$0x3FB6];
	_ =	sdelay $0x3  }
0x34: {  	[smem:$0x3FB6] =	sst s10  }
0x35: {  	s10 =	sld [smem:$0x3FB5];
	_ =	sdelay $0x3  }
0x36: {  	p1 =	seq.s32 s10, $0x1;
	s10 =	sld [smem:$0x3FB6];
	_ =	sdelay $0x3  }
0x37: {  	[smem:$0x3FB6] =	sst s10  }
0x38: {  	s10 =	sld [smem:$0x3FB7]  }
0x39: {  	_ = 	snop;
	(pc) =	sbr.ind lr, $3  }
0x3a: {  	_ = 	snop  }
0x3b: {  	_ = 	snop  }
0x3c: {  	p2 =	seq.s32 s10, $0x1;
	s10 =	sld [smem:$0x3FB6]  }
0x3d: {  	_ =	shalt  }
0x3e: {  	_ =	shalt  }
0x3f: {  	_ =	shalt  }
0x40: {  	_ =	shalt  }
0x41: {  	_ =	shalt  }
0x42: {  	_ =	shalt  }
0x43: {  	_ =	shalt  }
0x44: {  	_ =	shalt  }
0x45: {  	_ =	shalt  }
0x46: {  	_ =	shalt  }
0x47: {  	_ =	shalt  }
0x48: {  	_ =	shalt  }
0x49: {  	_ =	shalt  }
0x4a: {  	_ =	shalt  }
0x4b: {  	_ =	shalt  }
0x4c: {  	_ =	shalt  }
0x4d: {  	_ =	shalt  }
0x4e: {  	_ =	shalt  }
0x4f: {  	_ =	shalt  }
0x50: {  	_ =	shalt  }
0x51: {  	_ =	shalt  }
0x52: {  	_ =	shalt  }
0x53: {  	_ =	shalt  }
0x54: {  	_ =	shalt  }
0x55: {  	_ =	shalt  }
0x56: {  	_ =	shalt  }
0x57: {  	_ =	shalt  }
0x58: {  	_ =	shalt  }
0x59: {  	_ =	shalt  }
0x5a: {  	_ =	shalt  }
0x5b: {  	_ =	shalt  }
0x5c: {  	_ =	shalt  }
0x5d: {  	_ =	shalt  }
0x5e: {  	_ =	shalt  }
0x5f: {  	_ =	shalt  }
0x60: {  	_ =	shalt  }
0x61: {  	_ =	shalt  }
0x62: {  	_ =	shalt  }
0x63: {  	_ =	shalt  }
0x64: {  	_ =	shalt  }
0x65: {  	_ =	shalt  }
0x66: {  	_ =	shalt  }
0x67: {  	_ =	shalt  }
0x68: {  	_ =	shalt  }
0x69: {  	_ =	shalt  }
0x6a: {  	_ =	shalt  }
0x6b: {  	_ =	shalt  }
0x6c: {  	_ =	shalt  }
0x6d: {  	_ =	shalt  }
0x6e: {  	_ =	shalt  }
0x6f: {  	_ =	shalt  }
0x70: {  	_ =	shalt  }
0x71: {  	_ =	shalt  }
0x72: {  	_ =	shalt  }
0x73: {  	_ =	shalt  }
0x74: {  	_ =	shalt  }
0x75: {  	_ =	shalt  }
0x76: {  	_ =	shalt  }
0x77: {  	_ =	shalt  }
0x78: {  	_ =	shalt  }
0x79: {  	_ =	shalt  }
0x7a: {  	_ =	shalt  }
0x7b: {  	_ =	shalt  }
0x7c: {  	_ =	shalt  }
0x7d: {  	_ =	shalt  }
0x7e: {  	_ =	shalt  }
0x7f: {  	_ =	shalt  }
0x80: {  	_ =	shalt  }
0x81: {  	_ =	shalt  }
0x82: {  	_ =	shalt  }
0x83: {  	_ =	shalt  }
0x84: {  	_ =	shalt  }
0x85: {  	_ =	shalt  }
0x86: {  	_ =	shalt  }
0x87: {  	_ =	shalt  }
.Lfunc_end0:
.L_simem_size_0:
called_computation.1_lowered:
.L_overlay_start_0:
0x88: {  	s2 =	sld [smem:$0x3FD9]  }
0x89: {  	s3 =	sld [smem:$0x3FFE];
	_ =	sdelay $0x1  }
0x8a: {  	s1 =	srdreg.scid  }
0x8b: {  	s0 =	sand.u32 $0x1, s1  }
0x8c: {  	s16 =	sshll.u32 s0, $0xA;
	s2 =	sadd.s32 s3, s2  }
0x8d: {  	s2 =	sadd.s32 s2, s16  }
0x8e: {  	[smem:$0x3FC2] =	sst s2  }
0x8f: {  	_ = 	snop  }
0x90: {  	(tm) =	ssettm $0x1  }
0x91: {  	s17 =	sld [smem:$0x3FFB];
	_ =	sdelay $0x3  }
0x92: {  	_ =	strace s17  }
0x93: {  	s2 =	sld [smem:$0x3FFC];
	_ =	sdelay $0x3  }
0x94: {  	_ =	strace s2  }
0x95: {  	s2 =	sld [smem:$0x3FFD];
	_ =	sdelay $0x3  }
0x96: {  	_ =	strace s2  }
0x97: {  	_ =	strace $0x8FFFFFFF  }
0x98: {  	s18 =	sld [smem:$0x3FDB];
	_ =	sdelay $0x1  }
0x99: {  	s19 =	simm.s32 $_scs_section_size  }
0x9a: {  	s4 =	simm.s32 $_size__tile_overlayer_lowered;
	s5 =	simm.s32 $_tile_overlayer_lowered  }
0x9b: {  	s22 =	simm.s32 $0x1BFF;
	s21 =	sshll.u32 s5, $0x1;
	s2 =	sadd.s32 s19, s18  }
0x9c: {  	s6 =	simm.s32 $0x0;
	s20 =	sshll.u32 s4, $0x1;
	s4 =	sadd.s32 s21, s2  }
0x9d: {  	[timem:s6], [sflag:s22] =	dma.local [hbm:s4], s20  }
0x9e: {  	_ =	swait.ge [sflag:s22], s20  }
0x9f: {  	s3 =	ssub.s32 $0x0, s20;
	[sflag:s22] =	ssyncset.done $0x0  }
0xa0: {  	[sflag:s22] =	ssyncadd.s32 s3;
	_ =	sdelay $0x1  }
0xa1: {  	s23 =	simm.s32 $0x1B8B  }
0xa2: {  	_ =	swait.ge [sflag:s23], $0x1  }
0xa3: {  	[sflag:s23] =	ssyncset.done $0x0  }
0xa4: {  	s25 =	simm.s32 $0x1B8E;
	s24 =	sld [smem:$0x3FFE];
	[sflag:s23] =	ssyncadd.s32 $0xFFFFFFFF  }
0xa5: {  	s26 =	simm.s32 $execute0_lowered;
	[smem:$0x3FD2] =	sst s25  }
0xa6: {  	s4 =	sshll.u32 s26, $0x1;
	_ =	strace $0x80000049;
	[dreg:$0x1] =	wrdreg $0xFFFFFFFF  }
0xa7: {  	s28 =	simm.s32 $_size_execute0_lowered;
	s2 =	sadd.s32 s2, s4;
	[dreg:$0x0] =	wrdreg $0x0  }
0xa8: {  	s4 =	sshll.u32 s28, $0x1;
	[dreg:$0x2] =	wrdreg s2  }
0xa9: {  	[dreg:$0x3] =	wrdreg s4  }
0xaa: {  	[dreg:$0x4] =	wrdreg $0xC0  }
0xab: {  	_ =	task [dreg:s6], $0x5FFFF  }
0xac: {  	[dreg:$0x1] =	wrdreg $0xFFFFFFFF  }
0xad: {  	[dreg:$0x0] =	wrdreg $0x60  }
0xae: {  	[dreg:$0x2] =	wrdreg s24  }
0xaf: {  	[dreg:$0x3] =	wrdreg $0x10F000  }
0xb0: {  	[dreg:$0x4] =	wrdreg $0x9  }
0xb1: {  	_ =	task.clear_ibuf [dreg:s6], $0x5FFFF;
	_ =	strace $0x90000049  }
0xb2: {  	s29 =	simm.s32 $0x9;
	_ =	strace $0x8000004B  }
0xb3: {  	_ =	swait.ge [sflag:s29], $0x1  }
0xb4: {  	[sflag:s29] =	ssyncadd.s32 $0xFFFFFFFF  }
0xb5: {  	_ =	strace $0x9000004B  }
0xb6: {  	_ =	sfence  }
0xb7: {  	s30 =	sld [smem:$0x0];
	_ =	sdelay $0x2  }
0xb8: {  	s31 =	sshll.u32 s1, $0xD;
	s1 =	sshrl.u32 s1, $0x2  }
0xb9: {  	s3 =	sand.u32 $0x4000, s31;
	s1 =	sadd.s32 s1, s30  }
0xba: {  	s0 =	sor.u32 s3, s0;
	s1 =	sshll.u32 s1, $0x11  }
0xbb: {  	s0 =	sor.u32 s1, s0  }
0xbc: {  	s0 =	sadd.s32 $0x8F2B, s0  }
0xbd: {  	[sflag:s0] =	ssyncadd.remote.s32 $0x1  }
0xbe: {  	_ =	sfence.sel $0xFFFF  }
0xbf: {  	[dreg:$0x0] =	wrdreg $0xFFFFFFFF;
	(pc) =	sbr.abs _section_cstart, $3  }
0xc0: {  	[dreg:$0x1] =	wrdreg $0xFFFFFFFF  }
0xc1: {  	_ =	task.clear_ibuf [dreg:s6], $0x2FFFF;
	_ =	strace $0x9FFFFFFF  }
0xc2: {  	(tm) =	ssettm $0x7FFFFFFF  }
0xc3: {  	_ =	shalt  }
tec
execute0_lowered:
.L_overlay_start_1:
0x0: {  	(tag) =	ssettag $0x1  }
0x1: {  	s0 =	rddreg [dreg:$0x0]  }
0x2: {  	s1 =	rddreg [dreg:$0x1];
	s2 =	srdreg.scid;
	s3 =	simm.s32 $0x0  }
0x3: {  	s9 =	stileid.u32;
	s29 =	simm.s32 $0xAF00;
	s31 =	simm.s32 $0xCF00  }
0x4: {  	s28 =	simm.s32 $0x3;
	s30 =	simm.s32 $0x4;
	s2 =	sand.u32 $0x1, s2  }
0x5: {  	[smem:$0x7FF] =	sst s3;
	s12 =	sadd.s32 $0x2200, s0;
	s13 =	smul.u32 $0x13880, s9  }
0x6: {  	s19 =	sshll.u32 s9, $0x4;
	s4 =	sshll.u32 s2, $0x4;
	_ =	strace $0x8000004A  }
0x7: {  	s7 =	ssub.s32 $0x2, s2;
	s2 =	smul.u32 $0x138800, s2;
	s5 =	sor.u32 s9, s4  }
0x8: {  	s4 =	sadd.s32 $0x15C00, s0;
	s8 =	sshrl.u32 s7, $0x1;
	s0 =	sadd.s32 $0x29600, s0  }
0x9: {  	s25 =	sshrl.u32 s13, $0x1;
	s15 =	sadd.s32 $0x4000, s13;
	s16 =	sadd.s32 $0x8000, s13  }
0xa: {  	s17 =	sadd.s32 $0xC000, s13;
	s18 =	sadd.s32 $0x10000, s13;
	s9 =	sadd.s32 s19, s12  }
0xb: {  	s6 =	smul.u32 $0x2700, s5;
	s14 =	ssub.s32 s7, s8;
	s26 =	sshrl.u32 s15, $0x1  }
0xc: {  	s7 =	sshrl.u32 s16, $0x1;
	s8 =	sshrl.u32 s17, $0x1;
	s11 =	sshrl.u32 s18, $0x1  }
0xd: {  	s13 =	sadd.s32 s13, s2;
	s19 =	sadd.s32 s2, s15;
	s23 =	sadd.s32 s2, s16  }
0xe: {  	s24 =	sadd.s32 s2, s17;
	s2 =	sadd.s32 s2, s18;
	p0 =	sgt.u32 s5, $0x3  }
0xf: {  	s5 =	simm.s32 $0x7;
	s15 =	simm.s32 $0xB;
	s16 =	simm.s32 $0xC  }
0x10: {  	s17 =	simm.s32 $0x0;
	s10 =	sadd.s32 s8, s1;
	s21 =	sshrl.u32 s19, $0x4  }
0x11: {  	s11 =	sadd.s32 s11, s1;
	s6 =	sshrl.u32 s6, $0x3;
	s22 =	sadd.s32 s0, s21  }
0x12: {  	s20 =	sshrl.u32 s13, $0x4;
	s6 =	sadd.s32 s12, s6;
	[dreg:$0xb] =	wrdreg s22  }
0x13: {  	s2 =	sshrl.u32 s2, $0x4;
	s12 =	sadd.s32 $0x9C00, s9;
	[dreg:$0x3] =	wrdreg s6  }
0x14: {  	s13 =	simm.s32 $0x9;
	s6 =	sadd.s32 $0x9C40, s6;
	[dreg:$0x8] =	wrdreg s12  }
0x15: {  	s21 =	simm.s32 $0x1;
	[dreg:$0x4] =	wrdreg s6;
	s6 =	sadd.s32 s25, s1  }
0x16: {  	s22 =	simm.s32 $0x4F00;
	[dreg:$0x5] =	wrdreg s6;
	s6 =	sadd.s32 s26, s1  }
0x17: {  	s12 =	simm.s32 $0x8;
	s26 =	smax.u32 s14, $0x1;
	[dreg:$0x6] =	wrdreg s6  }
0x18: {  	s25 =	sshrl.u32 s24, $0x4;
	s6 =	sadd.s32 s7, s1;
	[dreg:$0xf] =	wrdreg s26  }
0x19: {  	s24 =	simm.s32 $0x6F00;
	[dreg:$0x7] =	wrdreg s6;
	s6 =	sadd.s32 $0x13840, s9  }
0x1a: {  	s14 =	simm.s32 $0xA;
	[dreg:$0x9] =	wrdreg s6;
	s6 =	sadd.s32 s0, s20  }
0x1b: {  	s26 =	simm.s32 $0x8F00;
	[dreg:$0xa] =	wrdreg s6;
	s6 =	sshrl.u32 s23, $0x4  }
0x1c: {  	s20 =	simm.s32 $0xD;
	s23 =	simm.s32 $0x80;
	s6 =	sadd.s32 s0, s6  }
0x1d: {  	[dreg:$0xc] =	wrdreg s6;
	s6 =	sadd.s32 s0, s25;
	s0 =	sadd.s32 s0, s2  }
0x1e: {  	s2 =	simm.s32 $0xEF00;
	s25 =	simm.s32 $0x2;
	[dreg:$0xd] =	wrdreg s6  }
0x1f: {  	v0 =	vimm.bf16 $0.0e+00;
	[dreg:$0xe] =	wrdreg s0;
	s0 =	simm.s32 $0x5;
	s6 =	simm.s32 $0x6  }
.LBB2_1:
0x20: {  	s7 =	rddreg [dreg:$0x3]  }
0x21: {  	[tilespmem:s3], [sflag:$0xD] =	stream.linear.gather [hbm4b:s7+s3], $0x2700, $0x38;
	[tilespmem:$0x1AB40] =	vst v63  }
0x22: {  	_ =	swait.ge [sflag:s20], $0x2700  }
0x23: {  	[sflag:s20] =	ssyncset.done $0x0  }
0x24: {  	s8 =	simm.s32 $0x2780;
	s19 =	rddreg [dreg:$0x4];
	[sflag:s20] =	ssyncadd.s32 $0xFFFFD900  }
0x25: {  	[tilespmem:s8], [sflag:$0xD] =	stream.linear.gather [hbm4b:s19+s3], $0x2700, $0x38;
	[tilespmem:$0x1AB40] =	vst v63  }
0x26: {  	s18 =	sand.u32 $0x7F00, s3;
	s19 =	sand.u32 $0x60, s3;
	_ =	swait.ge [sflag:s20], $0x2700  }
0x27: {  	s18 =	sshrl.u32 s18, $0x2;
	s19 =	sshrl.u32 s19, $0x1;
	[sflag:s20] =	ssyncset.done $0x0  }
0x28: {  	s19 =	sor.u32 s19, s18;
	[sflag:s20] =	ssyncadd.s32 $0xFFFFD900  }
0x29: {  	s18 =	simm.s32 $0x40;
	[tilespmem:s19+$0x4F00] =	vst v0;
	s19 =	simm.s32 $0x0  }
.LBB2_2:
0x2a: {  	p1 =	sne.s32 s18, $0x7FC0  }
.Ltmp0:
0x2b: {  	s7 =	sand.u32 $0x7F00, s18;
	s19 =	sadd.s32 $0x20, s19;
	(pc) =	sbr.rel @p1 .LBB2_2-.Ltmp0, $4  }
0x2c: {  	s18 =	sadd.s32 $0x40, s18;
	s8 =	sand.u32 $0x60, s19  }
0x2d: {  	s7 =	sshrl.u32 s7, $0x2;
	s8 =	sshrl.u32 s8, $0x1  }
0x2e: {  	s7 =	sor.u32 s8, s7  }
0x2f: {  	[tilespmem:s7+$0x4F00] =	vst v0  }
0x30: {  	s7 =	rddreg [dreg:$0x5]  }
0x31: {  	[spmem:s7] =	stream.linear.scatter [tilespmem:s22], [sflag:$0xD], $0x2000, $0x38;
	[tilespmem:$0x1AB40] =	vst v63  }
0x32: {  	_ =	swait.ge [sflag:s20], $0x2000  }
0x33: {  	[sflag:s20] =	ssyncset.done $0x0  }
0x34: {  	s18 =	rddreg [dreg:$0x6];
	[sflag:s20] =	ssyncadd.s32 $0xFFFFE000  }
0x35: {  	[spmem:s18] =	stream.linear.scatter [tilespmem:s22], [sflag:$0xD], $0x2000, $0x38;
	[tilespmem:$0x1AB40] =	vst v63  }
0x36: {  	_ =	swait.ge [sflag:s20], $0x2000  }
0x37: {  	[sflag:s20] =	ssyncset.done $0x0  }
0x38: {  	s19 =	rddreg [dreg:$0x7];
	[sflag:s20] =	ssyncadd.s32 $0xFFFFE000  }
0x39: {  	[spmem:s19] =	stream.linear.scatter [tilespmem:s22], [sflag:$0xD], $0x2000, $0x38;
	[tilespmem:$0x1AB40] =	vst v63  }
0x3a: {  	_ =	swait.ge [sflag:s20], $0x2000  }
0x3b: {  	[sflag:s20] =	ssyncset.done $0x0  }
0x3c: {  	[sflag:s20] =	ssyncadd.s32 $0xFFFFE000  }
0x3d: {  	[spmem:s10] =	stream.linear.scatter [tilespmem:s22], [sflag:$0xD], $0x2000, $0x38;
	[tilespmem:$0x1AB40] =	vst v63  }
0x3e: {  	_ =	swait.ge [sflag:s20], $0x2000  }
0x3f: {  	[sflag:s20] =	ssyncset.done $0x0  }
0x40: {  	[sflag:s20] =	ssyncadd.s32 $0xFFFFE000  }
0x41: {  	[spmem:s11] =	stream.linear.scatter [tilespmem:s22], [sflag:$0xD], $0x1C40, $0x38;
	[tilespmem:$0x1AB40] =	vst v63  }
0x42: {  	_ =	swait.ge [sflag:s20], $0x1C40  }
0x43: {  	[sflag:s20] =	ssyncset.done $0x0  }
0x44: {  	[sflag:s20] =	ssyncadd.s32 $0xFFFFE3C0  }
0x45: {  	s8 =	simm.s32 $0x0;
	[bflag:$0x0] =	sbarrier.arrive $0xFFFF  }
0x46: {  	[tilespmem:s22], [sflag:$0x1] =	stream.indirect.gather [hbm4b:s4+s23], $0x40, s8, s23, $0xb8;
	[tilespmem:$0x1AB40] =	vst v63  }
0x47: {  	_ = 	snop  }
0x48: {  	[tilespmem:s24], [sflag:$0x2] =	stream.indirect.gather [hbm4b:s4+s23], $0x40, s23, s23, $0xb8;
	[tilespmem:$0x1AB40] =	vst v63  }
0x49: {  	s9 =	simm.s32 $0x100  }
0x4a: {  	[tilespmem:s26], [sflag:$0x3] =	stream.indirect.gather [hbm4b:s4+s23], $0x40, s9, s23, $0xb8;
	[tilespmem:$0x1AB40] =	vst v63  }
0x4b: {  	s18 =	simm.s32 $0x180  }
0x4c: {  	[tilespmem:s29], [sflag:$0x4] =	stream.indirect.gather [hbm4b:s4+s23], $0x40, s18, s23, $0xb8;
	[tilespmem:$0x1AB40] =	vst v63  }
0x4d: {  	s19 =	simm.s32 $0x200  }
0x4e: {  	[tilespmem:s31], [sflag:$0x5] =	stream.indirect.gather [hbm4b:s4+s23], $0x40, s19, s23, $0xb8;
	[tilespmem:$0x1AB40] =	vst v63  }
0x4f: {  	s8 =	simm.s32 $0x280  }
0x50: {  	[tilespmem:s2], [sflag:$0x6] =	stream.indirect.gather [hbm4b:s4+s23], $0x40, s8, s23, $0xb8;
	[tilespmem:$0x1AB40] =	vst v63  }
0x51: {  	_ =	swait.ge [sflag:s21], $0x2000  }
0x52: {  	[sflag:s21] =	ssyncset.done $0x0  }
0x53: {  	s9 =	simm.s32 $0x2780;
	[sflag:s21] =	ssyncadd.s32 $0xFFFFE000  }
0x54: {  	[spmem:s1] =	stream.indirect.scatter.add.bf16 [tilespmem:s22], [sflag:$0x7], $0x40, s9, s23, $0xb8;
	[tilespmem:$0x1AB40] =	vst v63  }
0x55: {  	_ =	swait.ge [sflag:s25], $0x2000  }
0x56: {  	[sflag:s25] =	ssyncset.done $0x0  }
0x57: {  	s18 =	simm.s32 $0x2800;
	[sflag:s25] =	ssyncadd.s32 $0xFFFFE000  }
0x58: {  	[spmem:s1] =	stream.indirect.scatter.add.bf16 [tilespmem:s24], [sflag:$0x8], $0x40, s18, s23, $0xb8;
	[tilespmem:$0x1AB40] =	vst v63  }
0x59: {  	_ =	swait.ge [sflag:s28], $0x2000  }
0x5a: {  	[sflag:s28] =	ssyncset.done $0x0  }
0x5b: {  	s19 =	simm.s32 $0x2880;
	[sflag:s28] =	ssyncadd.s32 $0xFFFFE000  }
0x5c: {  	[spmem:s1] =	stream.indirect.scatter.add.bf16 [tilespmem:s26], [sflag:$0x9], $0x40, s19, s23, $0xb8;
	[tilespmem:$0x1AB40] =	vst v63  }
0x5d: {  	_ =	swait.ge [sflag:s30], $0x2000  }
0x5e: {  	[sflag:s30] =	ssyncset.done $0x0  }
0x5f: {  	s8 =	simm.s32 $0x2900;
	[sflag:s30] =	ssyncadd.s32 $0xFFFFE000  }
0x60: {  	[spmem:s1] =	stream.indirect.scatter.add.bf16 [tilespmem:s29], [sflag:$0xA], $0x40, s8, s23, $0xb8;
	[tilespmem:$0x1AB40] =	vst v63  }
0x61: {  	_ =	swait.ge [sflag:s0], $0x2000  }
0x62: {  	[sflag:s0] =	ssyncset.done $0x0  }
0x63: {  	s9 =	simm.s32 $0x2980;
	[sflag:s0] =	ssyncadd.s32 $0xFFFFE000  }
0x64: {  	[spmem:s1] =	stream.indirect.scatter.add.bf16 [tilespmem:s31], [sflag:$0xB], $0x40, s9, s23, $0xb8;
	[tilespmem:$0x1AB40] =	vst v63  }
0x65: {  	_ =	swait.ge [sflag:s6], $0x2000  }
0x66: {  	[sflag:s6] =	ssyncset.done $0x0  }
0x67: {  	s18 =	simm.s32 $0x2A00;
	[sflag:s6] =	ssyncadd.s32 $0xFFFFE000  }
0x68: {  	[spmem:s1] =	stream.indirect.scatter.add.bf16 [tilespmem:s2], [sflag:$0xC], $0x40, s18, s23, $0xb8;
	[tilespmem:$0x1AB40] =	vst v63  }
0x69: {  	_ =	swait.ge [sflag:s5], $0x2000  }
0x6a: {  	[sflag:s5] =	ssyncset.done $0x0  }
0x6b: {  	s19 =	simm.s32 $0x300;
	[sflag:s5] =	ssyncadd.s32 $0xFFFFE000  }
0x6c: {  	[tilespmem:s22], [sflag:$0x1] =	stream.indirect.gather [hbm4b:s4+s23], $0x40, s19, s23, $0xb8;
	[tilespmem:$0x1AB40] =	vst v63  }
0x6d: {  	_ =	swait.ge [sflag:s12], $0x2000  }
0x6e: {  	[sflag:s12] =	ssyncset.done $0x0  }
0x6f: {  	s8 =	simm.s32 $0x380;
	[sflag:s12] =	ssyncadd.s32 $0xFFFFE000  }
0x70: {  	[tilespmem:s24], [sflag:$0x2] =	stream.indirect.gather [hbm4b:s4+s23], $0x40, s8, s23, $0xb8;
	[tilespmem:$0x1AB40] =	vst v63  }
0x71: {  	_ =	swait.ge [sflag:s13], $0x2000  }
0x72: {  	[sflag:s13] =	ssyncset.done $0x0  }
0x73: {  	s9 =	simm.s32 $0x400;
	[sflag:s13] =	ssyncadd.s32 $0xFFFFE000  }
0x74: {  	[tilespmem:s26], [sflag:$0x3] =	stream.indirect.gather [hbm4b:s4+s23], $0x40, s9, s23, $0xb8;
	[tilespmem:$0x1AB40] =	vst v63  }
0x75: {  	_ =	swait.ge [sflag:s14], $0x2000  }
0x76: {  	[sflag:s14] =	ssyncset.done $0x0  }
0x77: {  	s18 =	simm.s32 $0x480;
	[sflag:s14] =	ssyncadd.s32 $0xFFFFE000  }
0x78: {  	[tilespmem:s29], [sflag:$0x4] =	stream.indirect.gather [hbm4b:s4+s23], $0x40, s18, s23, $0xb8;
	[tilespmem:$0x1AB40] =	vst v63  }
0x79: {  	_ =	swait.ge [sflag:s15], $0x2000  }
0x7a: {  	[sflag:s15] =	ssyncset.done $0x0  }
0x7b: {  	s19 =	simm.s32 $0x500;
	[sflag:s15] =	ssyncadd.s32 $0xFFFFE000  }
0x7c: {  	[tilespmem:s31], [sflag:$0x5] =	stream.indirect.gather [hbm4b:s4+s23], $0x40, s19, s23, $0xb8;
	[tilespmem:$0x1AB40] =	vst v63  }
0x7d: {  	_ =	swait.ge [sflag:s16], $0x2000  }
0x7e: {  	[sflag:s16] =	ssyncset.done $0x0  }
0x7f: {  	s18 =	simm.s32 $0xC00;
	s19 =	simm.s32 $0x580;
	[sflag:s16] =	ssyncadd.s32 $0xFFFFE000  }
.LBB2_4:
0x80: {  	[tilespmem:s2], [sflag:$0x6] =	stream.indirect.gather [hbm4b:s4+s23], $0x40, s19, s23, $0xb8;
	[tilespmem:$0x1AB40] =	vst v63  }
0x81: {  	s7 =	smov.u32 s18  }
0x82: {  	p1 =	sne.s32 s18, $0x8400;
	s18 =	sadd.s32 $0xC00, s18;
	_ =	swait.ge [sflag:s21], $0x2000  }
0x83: {  	s19 =	sshra.s32 s7, $0x2;
	[sflag:s21] =	ssyncset.done $0x0  }
0x84: {  	s7 =	sadd.s32 $0x2780, s19;
	[sflag:s21] =	ssyncadd.s32 $0xFFFFE000  }
0x85: {  	[spmem:s1] =	stream.indirect.scatter.add.bf16 [tilespmem:s22], [sflag:$0x7], $0x40, s7, s23, $0xb8;
	[tilespmem:$0x1AB40] =	vst v63  }
0x86: {  	_ =	swait.ge [sflag:s25], $0x2000  }
0x87: {  	[sflag:s25] =	ssyncset.done $0x0  }
0x88: {  	s7 =	sadd.s32 $0x2800, s19;
	[sflag:s25] =	ssyncadd.s32 $0xFFFFE000  }
0x89: {  	[spmem:s1] =	stream.indirect.scatter.add.bf16 [tilespmem:s24], [sflag:$0x8], $0x40, s7, s23, $0xb8;
	[tilespmem:$0x1AB40] =	vst v63  }
0x8a: {  	_ =	swait.ge [sflag:s28], $0x2000  }
0x8b: {  	[sflag:s28] =	ssyncset.done $0x0  }
0x8c: {  	s7 =	sadd.s32 $0x2880, s19;
	[sflag:s28] =	ssyncadd.s32 $0xFFFFE000  }
0x8d: {  	[spmem:s1] =	stream.indirect.scatter.add.bf16 [tilespmem:s26], [sflag:$0x9], $0x40, s7, s23, $0xb8;
	[tilespmem:$0x1AB40] =	vst v63  }
0x8e: {  	_ =	swait.ge [sflag:s30], $0x2000  }
0x8f: {  	[sflag:s30] =	ssyncset.done $0x0  }
0x90: {  	s7 =	sadd.s32 $0x2900, s19;
	[sflag:s30] =	ssyncadd.s32 $0xFFFFE000  }
0x91: {  	[spmem:s1] =	stream.indirect.scatter.add.bf16 [tilespmem:s29], [sflag:$0xA], $0x40, s7, s23, $0xb8;
	[tilespmem:$0x1AB40] =	vst v63  }
0x92: {  	_ =	swait.ge [sflag:s0], $0x2000  }
0x93: {  	[sflag:s0] =	ssyncset.done $0x0  }
0x94: {  	s7 =	sadd.s32 $0x2980, s19;
	[sflag:s0] =	ssyncadd.s32 $0xFFFFE000  }
0x95: {  	[spmem:s1] =	stream.indirect.scatter.add.bf16 [tilespmem:s31], [sflag:$0xB], $0x40, s7, s23, $0xb8;
	[tilespmem:$0x1AB40] =	vst v63  }
0x96: {  	_ =	swait.ge [sflag:s6], $0x2000  }
0x97: {  	[sflag:s6] =	ssyncset.done $0x0  }
0x98: {  	s7 =	sadd.s32 $0x2A00, s19;
	[sflag:s6] =	ssyncadd.s32 $0xFFFFE000  }
0x99: {  	[spmem:s1] =	stream.indirect.scatter.add.bf16 [tilespmem:s2], [sflag:$0xC], $0x40, s7, s23, $0xb8;
	[tilespmem:$0x1AB40] =	vst v63  }
0x9a: {  	_ =	swait.ge [sflag:s5], $0x2000  }
0x9b: {  	[sflag:s5] =	ssyncset.done $0x0  }
0x9c: {  	s7 =	sadd.s32 $0x300, s19;
	[sflag:s5] =	ssyncadd.s32 $0xFFFFE000  }
0x9d: {  	[tilespmem:s22], [sflag:$0x1] =	stream.indirect.gather [hbm4b:s4+s23], $0x40, s7, s23, $0xb8;
	[tilespmem:$0x1AB40] =	vst v63  }
0x9e: {  	_ =	swait.ge [sflag:s12], $0x2000  }
0x9f: {  	[sflag:s12] =	ssyncset.done $0x0  }
0xa0: {  	s7 =	sadd.s32 $0x380, s19;
	[sflag:s12] =	ssyncadd.s32 $0xFFFFE000  }
0xa1: {  	[tilespmem:s24], [sflag:$0x2] =	stream.indirect.gather [hbm4b:s4+s23], $0x40, s7, s23, $0xb8;
	[tilespmem:$0x1AB40] =	vst v63  }
0xa2: {  	_ =	swait.ge [sflag:s13], $0x2000  }
0xa3: {  	[sflag:s13] =	ssyncset.done $0x0  }
0xa4: {  	s7 =	sadd.s32 $0x400, s19;
	[sflag:s13] =	ssyncadd.s32 $0xFFFFE000  }
0xa5: {  	[tilespmem:s26], [sflag:$0x3] =	stream.indirect.gather [hbm4b:s4+s23], $0x40, s7, s23, $0xb8;
	[tilespmem:$0x1AB40] =	vst v63  }
0xa6: {  	_ =	swait.ge [sflag:s14], $0x2000  }
0xa7: {  	[sflag:s14] =	ssyncset.done $0x0  }
0xa8: {  	s7 =	sadd.s32 $0x480, s19;
	[sflag:s14] =	ssyncadd.s32 $0xFFFFE000  }
0xa9: {  	[tilespmem:s29], [sflag:$0x4] =	stream.indirect.gather [hbm4b:s4+s23], $0x40, s7, s23, $0xb8;
	[tilespmem:$0x1AB40] =	vst v63  }
0xaa: {  	_ =	swait.ge [sflag:s15], $0x2000  }
0xab: {  	[sflag:s15] =	ssyncset.done $0x0  }
.Ltmp1:
0xac: {  	s7 =	sadd.s32 $0x500, s19;
	[sflag:s15] =	ssyncadd.s32 $0xFFFFE000;
	(pc) =	sbr.rel @p1 .LBB2_4-.Ltmp1, $4  }
0xad: {  	[tilespmem:s31], [sflag:$0x5] =	stream.indirect.gather [hbm4b:s4+s23], $0x40, s7, s23, $0xb8;
	[tilespmem:$0x1AB40] =	vst v63  }
0xae: {  	_ =	swait.ge [sflag:s16], $0x2000  }
0xaf: {  	[sflag:s16] =	ssyncset.done $0x0  }
0xb0: {  	s19 =	sadd.s32 $0x580, s19;
	[sflag:s16] =	ssyncadd.s32 $0xFFFFE000  }
0xb1: {  	[tilespmem:s2], [sflag:$0x6] =	stream.indirect.gather [hbm4b:s4+s23], $0x40, s19, s23, $0xb8;
	[tilespmem:$0x1AB40] =	vst v63  }
0xb2: {  	_ =	swait.ge [sflag:s21], $0x2000  }
0xb3: {  	[sflag:s21] =	ssyncset.done $0x0  }
0xb4: {  	s7 =	simm.s32 $0x4B80;
	[sflag:s21] =	ssyncadd.s32 $0xFFFFE000  }
0xb5: {  	[spmem:s1] =	stream.indirect.scatter.add.bf16 [tilespmem:s22], [sflag:$0x7], $0x40, s7, s23, $0xb8;
	[tilespmem:$0x1AB40] =	vst v63  }
0xb6: {  	_ =	swait.ge [sflag:s25], $0x2000  }
0xb7: {  	[sflag:s25] =	ssyncset.done $0x0  }
0xb8: {  	s18 =	simm.s32 $0x4C00;
	[sflag:s25] =	ssyncadd.s32 $0xFFFFE000  }
0xb9: {  	[spmem:s1] =	stream.indirect.scatter.add.bf16 [tilespmem:s24], [sflag:$0x8], $0x40, s18, s23, $0xb8;
	[tilespmem:$0x1AB40] =	vst v63  }
0xba: {  	_ =	swait.ge [sflag:s28], $0x2000  }
0xbb: {  	[sflag:s28] =	ssyncset.done $0x0  }
0xbc: {  	s19 =	simm.s32 $0x4C80;
	[sflag:s28] =	ssyncadd.s32 $0xFFFFE000  }
0xbd: {  	[spmem:s1] =	stream.indirect.scatter.add.bf16 [tilespmem:s26], [sflag:$0x9], $0x40, s19, s23, $0xb8;
	[tilespmem:$0x1AB40] =	vst v63  }
0xbe: {  	_ =	swait.ge [sflag:s30], $0x2000  }
0xbf: {  	[sflag:s30] =	ssyncset.done $0x0  }
0xc0: {  	s8 =	simm.s32 $0x4D00;
	[sflag:s30] =	ssyncadd.s32 $0xFFFFE000  }
0xc1: {  	[spmem:s1] =	stream.indirect.scatter.add.bf16 [tilespmem:s29], [sflag:$0xA], $0x40, s8, s23, $0xb8;
	[tilespmem:$0x1AB40] =	vst v63  }
0xc2: {  	_ =	swait.ge [sflag:s0], $0x2000  }
0xc3: {  	[sflag:s0] =	ssyncset.done $0x0  }
0xc4: {  	s9 =	simm.s32 $0x4D80;
	[sflag:s0] =	ssyncadd.s32 $0xFFFFE000  }
0xc5: {  	[spmem:s1] =	stream.indirect.scatter.add.bf16 [tilespmem:s31], [sflag:$0xB], $0x40, s9, s23, $0xb8;
	[tilespmem:$0x1AB40] =	vst v63  }
0xc6: {  	_ =	swait.ge [sflag:s6], $0x2000  }
0xc7: {  	[sflag:s6] =	ssyncset.done $0x0  }
0xc8: {  	s18 =	simm.s32 $0x4E00;
	[sflag:s6] =	ssyncadd.s32 $0xFFFFE000  }
0xc9: {  	[spmem:s1] =	stream.indirect.scatter.add.bf16 [tilespmem:s2], [sflag:$0xC], $0x40, s18, s23, $0xb8;
	[tilespmem:$0x1AB40] =	vst v63  }
0xca: {  	_ =	swait.ge [sflag:s5], $0x2000  }
0xcb: {  	[sflag:s5] =	ssyncset.done $0x0  }
0xcc: {  	[sflag:s5] =	ssyncadd.s32 $0xFFFFE000  }
0xcd: {  	_ =	swait.ge [sflag:s12], $0x2000  }
0xce: {  	[sflag:s12] =	ssyncset.done $0x0  }
0xcf: {  	[sflag:s12] =	ssyncadd.s32 $0xFFFFE000  }
0xd0: {  	_ =	swait.ge [sflag:s13], $0x2000  }
0xd1: {  	[sflag:s13] =	ssyncset.done $0x0  }
0xd2: {  	[sflag:s13] =	ssyncadd.s32 $0xFFFFE000  }
0xd3: {  	_ =	swait.ge [sflag:s14], $0x2000  }
0xd4: {  	[sflag:s14] =	ssyncset.done $0x0  }
0xd5: {  	[sflag:s14] =	ssyncadd.s32 $0xFFFFE000  }
0xd6: {  	_ =	swait.ge [sflag:s15], $0x2000  }
0xd7: {  	[sflag:s15] =	ssyncset.done $0x0  }
0xd8: {  	[sflag:s15] =	ssyncadd.s32 $0xFFFFE000  }
0xd9: {  	_ =	swait.ge [sflag:s16], $0x2000  }
0xda: {  	s7 =	simm.s32 @!p0 $0x0;
	s8 =	simm.s32 @!p0 $0x2700;
	[sflag:s16] =	ssyncset.done $0x0  }
0xdb: {  	s18 =	simm.s32 @!p0 $0xD;
	s9 =	rddreg [dreg:$0x8];
	[sflag:s16] =	ssyncadd.s32 $0xFFFFE000  }
0xdc: {  	[tilespmem:s8], [sflag:$0xD] =	stream.linear.gather @!p0 [hbm4b:s9+s7], $0x80, $0x38;
	[tilespmem:$0x1AB40] =	vst v63  }
0xdd: {  	_ =	swait.ge @!p0 [sflag:s18], $0x80  }
0xde: {  	[sflag:s18] =	ssyncset.done @!p0 $0x0  }
0xdf: {  	s19 =	simm.s32 @!p0 $0x4E80;
	s9 =	rddreg [dreg:$0x9];
	[sflag:s18] =	ssyncadd.s32 @!p0 $0xFFFFFF80  }
0xe0: {  	[tilespmem:s19], [sflag:$0xD] =	stream.linear.gather @!p0 [hbm4b:s9+s7], $0x80, $0x38;
	[tilespmem:$0x1AB40] =	vst v63  }
0xe1: {  	_ =	swait.ge @!p0 [sflag:s18], $0x80  }
0xe2: {  	[sflag:s18] =	ssyncset.done @!p0 $0x0  }
0xe3: {  	s7 =	simm.s32 @!p0 $0x80;
	s9 =	simm.s32 @!p0 $0x4F00;
	[sflag:s18] =	ssyncadd.s32 @!p0 $0xFFFFFF80  }
0xe4: {  	[tilespmem:s9], [sflag:$0x1] =	stream.indirect.gather @!p0 [hbm4b:s4+s7], $0x40, s8, s7, $0xb8;
	[tilespmem:$0x1AB40] =	vst v63  }
0xe5: {  	s8 =	simm.s32 @!p0 $0x1  }
0xe6: {  	_ =	swait.ge @!p0 [sflag:s8], $0x2000  }
0xe7: {  	[sflag:s8] =	ssyncset.done @!p0 $0x0  }
0xe8: {  	[sflag:s8] =	ssyncadd.s32 @!p0 $0xFFFFE000  }
0xe9: {  	[spmem:s1] =	stream.indirect.scatter.add.bf16 @!p0 [tilespmem:s9], [sflag:$0xD], $0x40, s19, s7, $0xb8;
	[tilespmem:$0x1AB40] =	vst v63  }
0xea: {  	_ =	swait.ge @!p0 [sflag:s18], $0x2000  }
0xeb: {  	[sflag:s18] =	ssyncset.done @!p0 $0x0  }
0xec: {  	[sflag:s18] =	ssyncadd.s32 @!p0 $0xFFFFE000  }
0xed: {  	[bflag:$0x0] =	sbarrier.arrive $0xFFFF  }
0xee: {  	s19 =	rddreg [dreg:$0x5]  }
0xef: {  	[tilespmem:s22], [sflag:$0xD] =	stream.linear.gather [spmem:s19], $0x2000, $0x38;
	[tilespmem:$0x1AB40] =	vst v63  }
0xf0: {  	_ =	swait.ge [sflag:s20], $0x2000  }
0xf1: {  	[sflag:s20] =	ssyncset.done $0x0  }
0xf2: {  	s8 =	rddreg [dreg:$0xa];
	[sflag:s20] =	ssyncadd.s32 $0xFFFFE000  }
0xf3: {  	[hbm4b:s8+s3] =	stream.linear.scatter [tilespmem:s22], [sflag:$0xD], $0x2000, $0x38;
	[tilespmem:$0x1AB40] =	vst v63  }
0xf4: {  	_ =	swait.ge [sflag:s20], $0x2000  }
0xf5: {  	[sflag:s20] =	ssyncset.done $0x0  }
0xf6: {  	s9 =	rddreg [dreg:$0x6];
	[sflag:s20] =	ssyncadd.s32 $0xFFFFE000  }
0xf7: {  	[tilespmem:s22], [sflag:$0xD] =	stream.linear.gather [spmem:s9], $0x2000, $0x38;
	[tilespmem:$0x1AB40] =	vst v63  }
0xf8: {  	_ =	swait.ge [sflag:s20], $0x2000  }
0xf9: {  	[sflag:s20] =	ssyncset.done $0x0  }
0xfa: {  	s18 =	rddreg [dreg:$0xb];
	[sflag:s20] =	ssyncadd.s32 $0xFFFFE000  }
0xfb: {  	[hbm4b:s18+s3] =	stream.linear.scatter [tilespmem:s22], [sflag:$0xD], $0x2000, $0x38;
	[tilespmem:$0x1AB40] =	vst v63  }
0xfc: {  	_ =	swait.ge [sflag:s20], $0x2000  }
0xfd: {  	[sflag:s20] =	ssyncset.done $0x0  }
0xfe: {  	s19 =	rddreg [dreg:$0x7];
	[sflag:s20] =	ssyncadd.s32 $0xFFFFE000  }
0xff: {  	[tilespmem:s22], [sflag:$0xD] =	stream.linear.gather [spmem:s19], $0x2000, $0x38;
	[tilespmem:$0x1AB40] =	vst v63  }
0x100: {  	_ =	swait.ge [sflag:s20], $0x2000  }
0x101: {  	[sflag:s20] =	ssyncset.done $0x0  }
0x102: {  	s8 =	rddreg [dreg:$0xc];
	[sflag:s20] =	ssyncadd.s32 $0xFFFFE000  }
0x103: {  	[hbm4b:s8+s3] =	stream.linear.scatter [tilespmem:s22], [sflag:$0xD], $0x2000, $0x38;
	[tilespmem:$0x1AB40] =	vst v63  }
0x104: {  	_ =	swait.ge [sflag:s20], $0x2000  }
0x105: {  	[sflag:s20] =	ssyncset.done $0x0  }
0x106: {  	[sflag:s20] =	ssyncadd.s32 $0xFFFFE000  }
0x107: {  	[tilespmem:s22], [sflag:$0xD] =	stream.linear.gather [spmem:s10], $0x2000, $0x38;
	[tilespmem:$0x1AB40] =	vst v63  }
0x108: {  	_ =	swait.ge [sflag:s20], $0x2000  }
0x109: {  	[sflag:s20] =	ssyncset.done $0x0  }
0x10a: {  	s9 =	rddreg [dreg:$0xd];
	[sflag:s20] =	ssyncadd.s32 $0xFFFFE000  }
0x10b: {  	[hbm4b:s9+s3] =	stream.linear.scatter [tilespmem:s22], [sflag:$0xD], $0x2000, $0x38;
	[tilespmem:$0x1AB40] =	vst v63  }
0x10c: {  	_ =	swait.ge [sflag:s20], $0x2000  }
0x10d: {  	[sflag:s20] =	ssyncset.done $0x0  }
0x10e: {  	[sflag:s20] =	ssyncadd.s32 $0xFFFFE000  }
0x10f: {  	[tilespmem:s22], [sflag:$0xD] =	stream.linear.gather [spmem:s11], $0x1C40, $0x38;
	[tilespmem:$0x1AB40] =	vst v63  }
0x110: {  	_ =	swait.ge [sflag:s20], $0x1C40  }
0x111: {  	[sflag:s20] =	ssyncset.done $0x0  }
0x112: {  	s18 =	rddreg [dreg:$0xe];
	[sflag:s20] =	ssyncadd.s32 $0xFFFFE3C0  }
0x113: {  	[hbm4b:s18+s3] =	stream.linear.scatter [tilespmem:s22], [sflag:$0xD], $0x1C40, $0x38;
	[tilespmem:$0x1AB40] =	vst v63  }
0x114: {  	_ =	swait.ge [sflag:s20], $0x1C40  }
0x115: {  	s17 =	sadd.s32 $0x1, s17;
	s19 =	rddreg [dreg:$0xf]  }
0x116: {  	p1 =	sne.s32 s17, s19  }
.Ltmp2:
0x117: {  	_ = 	snop;
	(pc) =	sbr.rel @p1 .LBB2_1-.Ltmp2, $3  }
0x118: {  	_ =	sdelay $0x1  }
0x119: {  	[sflag:s20] =	ssyncset.done $0x0  }
0x11a: {  	[sflag:s20] =	ssyncadd.s32 $0xFFFFE3C0  }
0x11b: {  	_ =	sfence.sel $0x180000  }
0x11c: {  	[bflag:$0x0] =	sbarrier.arrive $0xFFFF  }
0x11d: {  	_ =	strace $0x9000004A  }
0x11e: {  	s0 =	stileid.u32;
	[bflag:$0x2] =	sbarrier.arrive $0xFFFF  }
0x11f: {  	p0 =	sne.s32 s0, $0x0;
	s0 =	rddreg [dreg:$0x2]  }
0x120: {  	s0 =	sadd.s32 @!p0 $0x100000, s0  }
0x121: {  	[sflag:s0] =	ssyncadd.tile.s32 @!p0 $0x1;
	_ =	shalt  }
.Lfunc_end2:
_tile_overlayer_lowered:
.L_overlay_start_2:
0x122: {  	(tag) =	ssettag $0x2  }
0x123: {  	s0 =	rddreg [dreg:$0x0];
	s2 =	stileid.u32  }
0x124: {  	s1 =	rddreg [dreg:$0x1];
	p0 =	sne.s32 s2, $0x0  }
0x125: {  	s3 =	rddreg [dreg:$0x2];
	[bflag:$0x3] =	sbarrier.arrive $0xFFFF;
	s2 =	simm.s32 @!p0 $0x1C0D  }
0x126: {  	[timem:s3], [sflag:s2] =	dma.local @!p0 [hbm:s0], s1  }
0x127: {  	s0 =	simm.s32 @!p0 $0xD  }
0x128: {  	_ =	swait.ge @!p0 [sflag:s0], s1  }
0x129: {  	s1 =	ssub.s32 @!p0 $0x0, s1;
	[sflag:s0] =	ssyncset.done @!p0 $0x0  }
0x12a: {  	[sflag:s0] =	ssyncadd.s32 @!p0 s1  }
0x12b: {  	[bflag:$0x3] =	sbarrier.arrive $0xFFFF  }
0x12c: {  	_ =	shalt  }

// kernel: kernel.14.cloned.1.call-start
scs
__scs_entry_jumppad:
0x0: {  	(pc) =	sbr.rel $0x88, $3  }
0x1: {  	(tag) =	ssettag $0x0;
	lr =	simm.s32 $0x1  }
0x2: {  	[smem:$0x3F9B] =	sst lr;
	_ =	strace $0xD0000000  }
0x3: {  	_ = 	snop  }
0x4: {  	_ = 	snop  }
0x5: {  	_ = 	snop  }
0x6: {  	_ = 	snop  }
0x7: {  	_ = 	snop  }
__scs_overlays_trampoline_lowered:
0x8: {  	[smem:$0x3FAA] =	sst s0  }
0x9: {  	[smem:$0x3FAB] =	sst s1  }
0xa: {  	[smem:$0x3FAC] =	sst s2  }
0xb: {  	[smem:$0x3FAD] =	sst s3  }
0xc: {  	[smem:$0x3FAE] =	sst s4  }
0xd: {  	[smem:$0x3FAF] =	sst s5  }
0xe: {  	[smem:$0x3FB0] =	sst s6  }
0xf: {  	[smem:$0x3FB1] =	sst s7  }
0x10: {  	[smem:$0x3FB2] =	sst s8  }
0x11: {  	[smem:$0x3FB3] =	sst s9;
	s0 =	simm.s32 @!p0 $0x0  }
0x12: {  	s1 =	sld [smem:$0x3F99];
	s0 =	simm.s32 @p0 $0x1  }
0x13: {  	[smem:$0x3FB4] =	sst s0;
	s0 =	simm.s32 @!p1 $0x0  }
0x14: {  	s2 =	sld [smem:$0x3F98];
	s0 =	simm.s32 @p1 $0x1  }
0x15: {  	[smem:$0x3FB5] =	sst s0;
	s0 =	simm.s32 @!p2 $0x0  }
0x16: {  	s3 =	sld [smem:$0x3FDB];
	s0 =	simm.s32 @p2 $0x1  }
0x17: {  	s4 =	simm.s32 $0x1BF5;
	[smem:$0x3FB7] =	sst s0  }
0x18: {  	s0 =	sld [smem:$0x3F9A];
	_ =	swait.ge [sflag:s4], $0x0  }
0x19: {  	s7 =	sld [smem:$0x3F9B]  }
0x1a: {  	s8 =	sadd.s32 $0xFFFFE003, lr  }
0x1b: {  	s9 =	sadd.s32 $0xFFFFFEF7, lr;
	s5 =	simm.s32 $0xFFFFFFFF;
	p2 =	slt.u32 s8, $0xFFFFF086  }
0x1c: {  	p1 =	slt.u32 s9, $0xF7A;
	s5 =	simm.s32 @!p2 $0x0  }
0x1d: {  	s5 =	simm.s32 @p1 $0x1;
	p0 =	seq.s32 s7, s2  }
0x1e: {  	s7 =	smul.u32 @!p0 $0xF7A, s2;
	p2 =	seq.s32 @!p0 s5, $0x0  }
0x1f: {  	s9 =	smul.u32 $0xF7A, s1;
	s8 =	simm.s32 @!p0 $0x1BF5;
	p2 =	por !p2, p0  }
0x20: {  	[sflag:s8] =	ssyncset.s32 @!p0 $0xFFFFF086;
	s6 =	sadd.s32 @!p0 s3, s7;
	s7 =	simm.s32 @!p0 $0x108  }
0x21: {  	s3 =	sadd.s32 s3, s9;
	s6 =	sadd.s32 @!p0 $0x88, s6;
	s7 =	simm.s32 @p2 $0x1082  }
0x22: {  	[simem:s7], [sflag:s8] =	dma.local @!p0 [hbm:s6], $0xF7A  }
0x23: {  	s9 =	sor.u32 $0xD0000000, s2;
	s6 =	simm.s32 $0x108;
	_ =	swait.ge @!p0 [sflag:s8], $0x0  }
0x24: {  	s3 =	sadd.s32 $0x88, s3;
	s6 =	simm.s32 @!p1 $0x1082;
	[sflag:s4] =	ssyncset.s32 $0xFFFFF086  }
0x25: {  	[simem:s6], [sflag:s4] =	dma.local [hbm:s3], $0xF7A  }
0x26: {  	[smem:$0x3F9B] =	sst s1;
	(tag) =	ssettag s2;
	_ =	strace s9  }
0x27: {  	s1 =	sld [smem:$0x3FAB]  }
0x28: {  	s2 =	sld [smem:$0x3FAC]  }
0x29: {  	s4 =	sld [smem:$0x3FAE]  }
0x2a: {  	p0 =	seq.s32 s5, $0x0;
	s5 =	sld [smem:$0x3FAF]  }
0x2b: {  	s6 =	sld [smem:$0x3FB0]  }
0x2c: {  	s7 =	sld [smem:$0x3FB1]  }
0x2d: {  	s3 =	simm.s32 $0x108;
	s8 =	sld [smem:$0x3FB2]  }
0x2e: {  	s3 =	simm.s32 @!p0 $0x1082;
	s9 =	sld [smem:$0x3FB3]  }
0x2f: {  	lr =	sadd.s32 s0, s3;
	s0 =	sld [smem:$0x3FAA]  }
0x30: {  	s3 =	sld [smem:$0x3FAD]  }
0x31: {  	[smem:$0x3FB6] =	sst s10  }
0x32: {  	s10 =	sld [smem:$0x3FB4];
	_ =	sdelay $0x3  }
0x33: {  	p0 =	seq.s32 s10, $0x1;
	s10 =	sld [smem:$0x3FB6];
	_ =	sdelay $0x3  }
0x34: {  	[smem:$0x3FB6] =	sst s10  }
0x35: {  	s10 =	sld [smem:$0x3FB5];
	_ =	sdelay $0x3  }
0x36: {  	p1 =	seq.s32 s10, $0x1;
	s10 =	sld [smem:$0x3FB6];
	_ =	sdelay $0x3  }
0x37: {  	[smem:$0x3FB6] =	sst s10  }
0x38: {  	s10 =	sld [smem:$0x3FB7]  }
0x39: {  	_ = 	snop;
	(pc) =	sbr.ind lr, $3  }
0x3a: {  	_ = 	snop  }
0x3b: {  	_ = 	snop  }
0x3c: {  	p2 =	seq.s32 s10, $0x1;
	s10 =	sld [smem:$0x3FB6]  }
0x3d: {  	_ =	shalt  }
0x3e: {  	_ =	shalt  }
0x3f: {  	_ =	shalt  }
0x40: {  	_ =	shalt  }
0x41: {  	_ =	shalt  }
0x42: {  	_ =	shalt  }
0x43: {  	_ =	shalt  }
0x44: {  	_ =	shalt  }
0x45: {  	_ =	shalt  }
0x46: {  	_ =	shalt  }
0x47: {  	_ =	shalt  }
0x48: {  	_ =	shalt  }
0x49: {  	_ =	shalt  }
0x4a: {  	_ =	shalt  }
0x4b: {  	_ =	shalt  }
0x4c: {  	_ =	shalt  }
0x4d: {  	_ =	shalt  }
0x4e: {  	_ =	shalt  }
0x4f: {  	_ =	shalt  }
0x50: {  	_ =	shalt  }
0x51: {  	_ =	shalt  }
0x52: {  	_ =	shalt  }
0x53: {  	_ =	shalt  }
0x54: {  	_ =	shalt  }
0x55: {  	_ =	shalt  }
0x56: {  	_ =	shalt  }
0x57: {  	_ =	shalt  }
0x58: {  	_ =	shalt  }
0x59: {  	_ =	shalt  }
0x5a: {  	_ =	shalt  }
0x5b: {  	_ =	shalt  }
0x5c: {  	_ =	shalt  }
0x5d: {  	_ =	shalt  }
0x5e: {  	_ =	shalt  }
0x5f: {  	_ =	shalt  }
0x60: {  	_ =	shalt  }
0x61: {  	_ =	shalt  }
0x62: {  	_ =	shalt  }
0x63: {  	_ =	shalt  }
0x64: {  	_ =	shalt  }
0x65: {  	_ =	shalt  }
0x66: {  	_ =	shalt  }
0x67: {  	_ =	shalt  }
0x68: {  	_ =	shalt  }
0x69: {  	_ =	shalt  }
0x6a: {  	_ =	shalt  }
0x6b: {  	_ =	shalt  }
0x6c: {  	_ =	shalt  }
0x6d: {  	_ =	shalt  }
0x6e: {  	_ =	shalt  }
0x6f: {  	_ =	shalt  }
0x70: {  	_ =	shalt  }
0x71: {  	_ =	shalt  }
0x72: {  	_ =	shalt  }
0x73: {  	_ =	shalt  }
0x74: {  	_ =	shalt  }
0x75: {  	_ =	shalt  }
0x76: {  	_ =	shalt  }
0x77: {  	_ =	shalt  }
0x78: {  	_ =	shalt  }
0x79: {  	_ =	shalt  }
0x7a: {  	_ =	shalt  }
0x7b: {  	_ =	shalt  }
0x7c: {  	_ =	shalt  }
0x7d: {  	_ =	shalt  }
0x7e: {  	_ =	shalt  }
0x7f: {  	_ =	shalt  }
0x80: {  	_ =	shalt  }
0x81: {  	_ =	shalt  }
0x82: {  	_ =	shalt  }
0x83: {  	_ =	shalt  }
0x84: {  	_ =	shalt  }
0x85: {  	_ =	shalt  }
0x86: {  	_ =	shalt  }
0x87: {  	_ =	shalt  }
.Lfunc_end0:
.L_simem_size_0:
called_computation.2_lowered:
.L_overlay_start_0:
0x88: {  	s2 =	sld [smem:$0x3FD9]  }
0x89: {  	s3 =	sld [smem:$0x3FFE];
	_ =	sdelay $0x1  }
0x8a: {  	s1 =	srdreg.scid  }
0x8b: {  	s0 =	sand.u32 $0x1, s1  }
0x8c: {  	s14 =	sshll.u32 s0, $0xA;
	s2 =	sadd.s32 s3, s2  }
0x8d: {  	s2 =	sadd.s32 s2, s14  }
0x8e: {  	[smem:$0x3FC2] =	sst s2  }
0x8f: {  	_ = 	snop  }
0x90: {  	s2 =	sld [smem:$0x3FD0];
	_ =	sdelay $0x2  }
0x91: {  	s15 =	simm.s32 $0xA;
	s4 =	simm.s32 $0x10  }
0x92: {  	[smem:s4], [sflag:s15] =	dma.local [hbm:s2], $0x1  }
0x93: {  	_ =	swait.eq [sflag:s15], $0x1  }
0x94: {  	[sflag:s15] =	ssyncset.done $0x0  }
0x95: {  	[sflag:s15] =	ssyncadd.s32 $0xFFFFFFFF  }
0x96: {  	s16 =	sld [smem:$0x11];
	(tm) =	ssettm $0x1  }
0x97: {  	s17 =	sld [smem:$0x3FFB];
	_ =	sdelay $0x3  }
0x98: {  	_ =	strace s17  }
0x99: {  	s3 =	sld [smem:$0x3FFC];
	_ =	sdelay $0x3  }
0x9a: {  	_ =	strace s3  }
0x9b: {  	s3 =	sld [smem:$0x3FFD];
	_ =	sdelay $0x3  }
0x9c: {  	_ =	strace s3  }
0x9d: {  	_ =	strace $0x8FFFFFFF  }
0x9e: {  	s18 =	sld [smem:$0x3FDB];
	_ =	sdelay $0x1  }
0x9f: {  	s19 =	simm.s32 $_scs_section_size  }
0xa0: {  	s5 =	simm.s32 $_size__tile_overlayer_lowered;
	s6 =	simm.s32 $_tile_overlayer_lowered  }
0xa1: {  	s22 =	simm.s32 $0x1BFF;
	s21 =	sshll.u32 s6, $0x1;
	s3 =	sadd.s32 s19, s18  }
0xa2: {  	s7 =	simm.s32 $0x0;
	s20 =	sshll.u32 s5, $0x1;
	s5 =	sadd.s32 s21, s3  }
0xa3: {  	[timem:s7], [sflag:s22] =	dma.local [hbm:s5], s20  }
0xa4: {  	_ =	swait.ge [sflag:s22], s20  }
0xa5: {  	s4 =	ssub.s32 $0x0, s20;
	[sflag:s22] =	ssyncset.done $0x0  }
0xa6: {  	[sflag:s22] =	ssyncadd.s32 s4;
	_ =	sdelay $0x1  }
0xa7: {  	s23 =	simm.s32 $0x1B8B  }
0xa8: {  	_ =	swait.ge [sflag:s23], $0x1  }
0xa9: {  	[sflag:s23] =	ssyncset.done $0x0  }
0xaa: {  	s25 =	simm.s32 $0x1B8E;
	s24 =	sld [smem:$0x3FFE];
	[sflag:s23] =	ssyncadd.s32 $0xFFFFFFFF  }
0xab: {  	s26 =	simm.s32 $execute0_lowered;
	[smem:$0x3FD2] =	sst s25  }
0xac: {  	s5 =	sshll.u32 s26, $0x1;
	_ =	strace $0x8000004C;
	[dreg:$0x1] =	wrdreg $0xFFFFFFFF  }
0xad: {  	s28 =	simm.s32 $_size_execute0_lowered;
	s3 =	sadd.s32 s3, s5;
	[dreg:$0x0] =	wrdreg $0x0  }
0xae: {  	s5 =	sshll.u32 s28, $0x1;
	[dreg:$0x2] =	wrdreg s3  }
0xaf: {  	[dreg:$0x3] =	wrdreg s5  }
0xb0: {  	[dreg:$0x4] =	wrdreg $0xC0  }
0xb1: {  	_ =	task [dreg:s7], $0x5FFFF  }
0xb2: {  	[dreg:$0x1] =	wrdreg $0xFFFFFFFF  }
0xb3: {  	[dreg:$0x0] =	wrdreg $0x60  }
0xb4: {  	[dreg:$0x2] =	wrdreg s16  }
0xb5: {  	[dreg:$0x3] =	wrdreg s24  }
0xb6: {  	[dreg:$0x4] =	wrdreg $0x11F000  }
0xb7: {  	[dreg:$0x5] =	wrdreg $0x9  }
0xb8: {  	_ =	task.clear_ibuf [dreg:s7], $0x6FFFF;
	_ =	strace $0x9000004C  }
0xb9: {  	s29 =	simm.s32 $0x9;
	_ =	strace $0x8000004E  }
0xba: {  	_ =	swait.ge [sflag:s29], $0x1  }
0xbb: {  	[sflag:s29] =	ssyncadd.s32 $0xFFFFFFFF  }
0xbc: {  	_ =	strace $0x9000004E  }
0xbd: {  	_ =	sfence  }
0xbe: {  	s30 =	sld [smem:$0x0];
	_ =	sdelay $0x2  }
0xbf: {  	s31 =	sshll.u32 s1, $0xD;
	s1 =	sshrl.u32 s1, $0x2  }
0xc0: {  	s3 =	sand.u32 $0x4000, s31;
	s1 =	sadd.s32 s1, s30  }
0xc1: {  	s0 =	sor.u32 s3, s0;
	s1 =	sshll.u32 s1, $0x11  }
0xc2: {  	s0 =	sor.u32 s1, s0  }
0xc3: {  	s0 =	sadd.s32 $0x8F2B, s0  }
0xc4: {  	[sflag:s0] =	ssyncadd.remote.s32 $0x1  }
0xc5: {  	_ =	sfence.sel $0xFFFF  }
0xc6: {  	[dreg:$0x0] =	wrdreg $0xFFFFFFFF;
	(pc) =	sbr.abs _section_cstart, $3  }
0xc7: {  	[dreg:$0x1] =	wrdreg $0xFFFFFFFF  }
0xc8: {  	_ =	task.clear_ibuf [dreg:s7], $0x2FFFF;
	_ =	strace $0x9FFFFFFF  }
0xc9: {  	(tm) =	ssettm $0x7FFFFFFF  }
tec
execute0_lowered:
.L_overlay_start_1:
0x0: {  	(tag) =	ssettag $0x1  }
0x1: {  	s0 =	rddreg [dreg:$0x0]  }
0x2: {  	s1 =	srdreg.scid;
	s2 =	rddreg [dreg:$0x1]  }
0x3: {  	s3 =	rddreg [dreg:$0x2];
	s13 =	stileid.u32;
	s14 =	simm.s32 $0x0  }
0x4: {  	s29 =	simm.s32 $0x12;
	s31 =	simm.s32 $0x13;
	s30 =	simm.s32 $0x16  }
0x5: {  	s28 =	simm.s32 $0x19;
	s1 =	sand.u32 $0x1, s1;
	[smem:$0x7FF] =	sst s14  }
0x6: {  	s6 =	sadd.s32 $0x2200, s2;
	s26 =	smul.u32 $0x9C40, s13;
	s2 =	sadd.s32 $0x15C00, s2  }
0x7: {  	s4 =	sshll.u32 s1, $0x4;
	_ =	strace $0x8000004D;
	s7 =	ssub.s32 $0x2, s1  }
0x8: {  	s1 =	smul.u32 $0x9C400, s1;
	s4 =	sor.u32 s13, s4;
	s8 =	sshrl.u32 s7, $0x1  }
0x9: {  	s12 =	sshrl.u32 s26, $0x1;
	s15 =	sadd.s32 $0x2000, s26;
	s10 =	sadd.s32 $0x4000, s26  }
0xa: {  	s18 =	sadd.s32 $0x6000, s26;
	s13 =	sshll.u32 s13, $0x4;
	s5 =	smul.u32 $0x2700, s4  }
0xb: {  	s7 =	ssub.s32 s7, s8;
	s8 =	sadd.s32 s12, s3;
	s16 =	sshrl.u32 s15, $0x1  }
0xc: {  	s19 =	sshrl.u32 s18, $0x1;
	s12 =	sadd.s32 $0x8000, s26;
	s23 =	sadd.s32 s1, s10  }
0xd: {  	s24 =	sadd.s32 s1, s18;
	p0 =	sgt.u32 s4, $0x3;
	s4 =	simm.s32 $0x0  }
0xe: {  	s18 =	simm.s32 $0x9F00;
	[dreg:$0x6] =	wrdreg s8;
	s8 =	sadd.s32 s16, s3  }
0xf: {  	s20 =	sshrl.u32 s12, $0x1;
	s16 =	simm.s32 $0x7F00;
	s5 =	sshrl.u32 s5, $0x3  }
0x10: {  	[dreg:$0x7] =	wrdreg s8;
	s9 =	sadd.s32 s6, s5;
	s6 =	sadd.s32 s13, s6  }
0x11: {  	s5 =	sadd.s32 s26, s1;
	s26 =	smax.u32 s7, $0x1;
	s13 =	simm.s32 $0x1B  }
0x12: {  	[dreg:$0x4] =	wrdreg s9;
	s11 =	sadd.s32 $0x9C40, s9;
	s21 =	sadd.s32 $0x9C00, s6  }
0x13: {  	s5 =	sshrl.u32 s5, $0x4;
	s9 =	sadd.s32 s1, s15;
	[dreg:$0x12] =	wrdreg s26  }
0x14: {  	s6 =	sadd.s32 $0x13840, s6;
	s1 =	sadd.s32 s1, s12;
	[dreg:$0x5] =	wrdreg s11  }
0x15: {  	s26 =	simm.s32 $0x11;
	s15 =	simm.s32 $0x6F00;
	[dreg:$0xb] =	wrdreg s21  }
0x16: {  	s11 =	sshrl.u32 s10, $0x1;
	[dreg:$0xc] =	wrdreg s6;
	s5 =	sadd.s32 s2, s5  }
0x17: {  	s22 =	sshrl.u32 s9, $0x4;
	s6 =	sshrl.u32 s24, $0x4;
	s1 =	sshrl.u32 s1, $0x4  }
0x18: {  	s24 =	simm.s32 $0x10;
	s21 =	simm.s32 $0x17;
	s9 =	simm.s32 $0xDF00  }
0x19: {  	s10 =	simm.s32 $0xEF00;
	s17 =	sadd.s32 s11, s3;
	[dreg:$0xd] =	wrdreg s5  }
0x1a: {  	s11 =	sadd.s32 s19, s3;
	s5 =	sadd.s32 s2, s22;
	[dreg:$0x8] =	wrdreg s17  }
0x1b: {  	s25 =	sadd.s32 s2, s6;
	s1 =	sadd.s32 s2, s1;
	[dreg:$0x9] =	wrdreg s11  }
0x1c: {  	s6 =	simm.s32 $0x1A;
	s19 =	simm.s32 $0xAF00;
	[dreg:$0xe] =	wrdreg s5  }
.Ltmp0:
0x1d: {  	s11 =	sadd.s32 s20, s3;
	[dreg:$0x10] =	wrdreg s25;
	(pc) =	sbr.rel .LBB2_1-.Ltmp0, $4  }
0x1e: {  	s5 =	sshrl.u32 s23, $0x4;
	[dreg:$0x11] =	wrdreg s1;
	s23 =	simm.s32 $0x80  }
0x1f: {  	s20 =	simm.s32 $0xF;
	s25 =	simm.s32 $0x15;
	s1 =	simm.s32 $0x18  }
0x20: {  	s17 =	simm.s32 $0x8F00;
	[dreg:$0xa] =	wrdreg s11;
	s5 =	sadd.s32 s2, s5  }
0x21: {  	v0 =	vimm.bf16 $0.0e+00;
	s2 =	simm.s32 $0x14;
	s11 =	simm.s32 $0xFF00;
	[dreg:$0xf] =	wrdreg s5  }
.LBB2_6:
0x22: {  	_ =	swait.ge [sflag:s20], $0x1000  }
0x23: {  	[sflag:s20] =	ssyncset.done $0x0  }
0x24: {  	[sflag:s20] =	ssyncadd.s32 $0xFFFFF000  }
0x25: {  	_ =	swait.ge [sflag:s24], $0x1000  }
0x26: {  	[sflag:s24] =	ssyncset.done $0x0  }
0x27: {  	[sflag:s24] =	ssyncadd.s32 $0xFFFFF000  }
0x28: {  	_ =	swait.ge [sflag:s26], $0x1000  }
0x29: {  	[sflag:s26] =	ssyncset.done $0x0  }
0x2a: {  	[sflag:s26] =	ssyncadd.s32 $0xFFFFF000  }
0x2b: {  	_ =	swait.ge [sflag:s29], $0x1000  }
0x2c: {  	[sflag:s29] =	ssyncset.done $0x0  }
0x2d: {  	[sflag:s29] =	ssyncadd.s32 $0xFFFFF000  }
0x2e: {  	_ =	swait.ge [sflag:s31], $0x1000  }
0x2f: {  	[sflag:s31] =	ssyncset.done $0x0  }
0x30: {  	[sflag:s31] =	ssyncadd.s32 $0xFFFFF000  }
0x31: {  	_ =	swait.ge [sflag:s2], $0x1000  }
0x32: {  	[sflag:s2] =	ssyncset.done $0x0  }
0x33: {  	[sflag:s2] =	ssyncadd.s32 $0xFFFFF000  }
0x34: {  	_ =	swait.ge [sflag:s25], $0x1000  }
0x35: {  	[sflag:s25] =	ssyncset.done $0x0  }
0x36: {  	[sflag:s25] =	ssyncadd.s32 $0xFFFFF000  }
0x37: {  	_ =	swait.ge [sflag:s30], $0x1000  }
0x38: {  	[sflag:s30] =	ssyncset.done $0x0  }
0x39: {  	[sflag:s30] =	ssyncadd.s32 $0xFFFFF000  }
0x3a: {  	_ =	swait.ge [sflag:s21], $0x1000  }
0x3b: {  	[sflag:s21] =	ssyncset.done $0x0  }
0x3c: {  	[sflag:s21] =	ssyncadd.s32 $0xFFFFF000  }
0x3d: {  	_ =	swait.ge [sflag:s1], $0x1000  }
0x3e: {  	[sflag:s1] =	ssyncset.done $0x0  }
0x3f: {  	[sflag:s1] =	ssyncadd.s32 $0xFFFFF000  }
0x40: {  	_ =	swait.ge [sflag:s28], $0x1000  }
0x41: {  	[sflag:s28] =	ssyncset.done $0x0  }
0x42: {  	[sflag:s28] =	ssyncadd.s32 $0xFFFFF000  }
0x43: {  	_ =	swait.ge [sflag:s6], $0x1000  }
0x44: {  	s5 =	simm.s32 @!p0 $0x0;
	s4 =	simm.s32 @!p0 $0x2700;
	[sflag:s6] =	ssyncset.done $0x0  }
0x45: {  	s13 =	simm.s32 @!p0 $0x1B;
	s12 =	rddreg [dreg:$0xb];
	[sflag:s6] =	ssyncadd.s32 $0xFFFFF000  }
0x46: {  	[tilespmem:s4], [sflag:$0x1B] =	stream.linear.gather @!p0 [hbm4b:s12+s5], $0x80, $0x38;
	[tilespmem:$0x16D20] =	vst v63  }
0x47: {  	_ =	swait.ge @!p0 [sflag:s13], $0x80  }
0x48: {  	[sflag:s13] =	ssyncset.done @!p0 $0x0  }
0x49: {  	s7 =	simm.s32 @!p0 $0x4E80;
	s12 =	rddreg [dreg:$0xc];
	[sflag:s13] =	ssyncadd.s32 @!p0 $0xFFFFFF80  }
0x4a: {  	[tilespmem:s7], [sflag:$0x1B] =	stream.linear.gather @!p0 [hbm4b:s12+s5], $0x80, $0x38;
	[tilespmem:$0x16D20] =	vst v63  }
0x4b: {  	_ =	swait.ge @!p0 [sflag:s13], $0x80  }
0x4c: {  	s8 =	simm.s32 @!p0 $0x80;
	[sflag:s13] =	ssyncset.done @!p0 $0x0  }
0x4d: {  	s12 =	simm.s32 @!p0 $0x4F00;
	s5 =	simm.s32 @!p0 $0x1;
	[sflag:s13] =	ssyncadd.s32 @!p0 $0xFFFFFF80  }
0x4e: {  	[tilespmem:s12], [sflag:$0x1] =	stream.indirect.gather @!p0 [hbm4b:s0+s8], $0x20, s4, s8, $0xb8;
	[tilespmem:$0x16D20] =	vst v63  }
0x4f: {  	_ =	swait.ge @!p0 [sflag:s5], $0x1000  }
0x50: {  	[sflag:s5] =	ssyncset.done @!p0 $0x0  }
0x51: {  	[sflag:s5] =	ssyncadd.s32 @!p0 $0xFFFFF000  }
0x52: {  	[spmem:s3] =	stream.indirect.scatter.add.bf16 @!p0 [tilespmem:s12], [sflag:$0x1B], $0x20, s7, s8, $0xb8;
	[tilespmem:$0x16D20] =	vst v63  }
0x53: {  	_ =	swait.ge @!p0 [sflag:s13], $0x1000  }
0x54: {  	[sflag:s13] =	ssyncset.done @!p0 $0x0  }
0x55: {  	[sflag:s13] =	ssyncadd.s32 @!p0 $0xFFFFF000  }
0x56: {  	[bflag:$0x0] =	sbarrier.arrive $0xFFFF  }
0x57: {  	s22 =	simm.s32 $0x4F00;
	s13 =	simm.s32 $0x1B;
	s7 =	rddreg [dreg:$0x6]  }
0x58: {  	[tilespmem:s22], [sflag:$0x1B] =	stream.linear.gather [spmem:s7], $0x1000, $0x38;
	[tilespmem:$0x16D20] =	vst v63  }
0x59: {  	_ =	swait.ge [sflag:s13], $0x1000  }
0x5a: {  	[sflag:s13] =	ssyncset.done $0x0  }
0x5b: {  	s14 =	simm.s32 $0x0;
	s8 =	rddreg [dreg:$0xd];
	[sflag:s13] =	ssyncadd.s32 $0xFFFFF000  }
0x5c: {  	[hbm4b:s8+s14] =	stream.linear.scatter [tilespmem:s22], [sflag:$0x1B], $0x1000, $0x38;
	[tilespmem:$0x16D20] =	vst v63  }
0x5d: {  	_ =	swait.ge [sflag:s13], $0x1000  }
0x5e: {  	[sflag:s13] =	ssyncset.done $0x0  }
0x5f: {  	s12 =	rddreg [dreg:$0x7];
	[sflag:s13] =	ssyncadd.s32 $0xFFFFF000  }
0x60: {  	[tilespmem:s22], [sflag:$0x1B] =	stream.linear.gather [spmem:s12], $0x1000, $0x38;
	[tilespmem:$0x16D20] =	vst v63  }
0x61: {  	_ =	swait.ge [sflag:s13], $0x1000  }
0x62: {  	[sflag:s13] =	ssyncset.done $0x0  }
0x63: {  	s4 =	rddreg [dreg:$0xe];
	[sflag:s13] =	ssyncadd.s32 $0xFFFFF000  }
0x64: {  	[hbm4b:s4+s14] =	stream.linear.scatter [tilespmem:s22], [sflag:$0x1B], $0x1000, $0x38;
	[tilespmem:$0x16D20] =	vst v63  }
0x65: {  	_ =	swait.ge [sflag:s13], $0x1000  }
0x66: {  	[sflag:s13] =	ssyncset.done $0x0  }
0x67: {  	s7 =	rddreg [dreg:$0x8];
	[sflag:s13] =	ssyncadd.s32 $0xFFFFF000  }
0x68: {  	[tilespmem:s22], [sflag:$0x1B] =	stream.linear.gather [spmem:s7], $0x1000, $0x38;
	[tilespmem:$0x16D20] =	vst v63  }
0x69: {  	_ =	swait.ge [sflag:s13], $0x1000  }
0x6a: {  	[sflag:s13] =	ssyncset.done $0x0  }
0x6b: {  	s8 =	rddreg [dreg:$0xf];
	[sflag:s13] =	ssyncadd.s32 $0xFFFFF000  }
0x6c: {  	[hbm4b:s8+s14] =	stream.linear.scatter [tilespmem:s22], [sflag:$0x1B], $0x1000, $0x38;
	[tilespmem:$0x16D20] =	vst v63  }
0x6d: {  	_ =	swait.ge [sflag:s13], $0x1000  }
0x6e: {  	[sflag:s13] =	ssyncset.done $0x0  }
0x6f: {  	s12 =	rddreg [dreg:$0x9];
	[sflag:s13] =	ssyncadd.s32 $0xFFFFF000  }
0x70: {  	[tilespmem:s22], [sflag:$0x1B] =	stream.linear.gather [spmem:s12], $0x1000, $0x38;
	[tilespmem:$0x16D20] =	vst v63  }
0x71: {  	_ =	swait.ge [sflag:s13], $0x1000  }
0x72: {  	[sflag:s13] =	ssyncset.done $0x0  }
0x73: {  	s4 =	rddreg [dreg:$0x10];
	[sflag:s13] =	ssyncadd.s32 $0xFFFFF000  }
0x74: {  	[hbm4b:s4+s14] =	stream.linear.scatter [tilespmem:s22], [sflag:$0x1B], $0x1000, $0x38;
	[tilespmem:$0x16D20] =	vst v63  }
0x75: {  	_ =	swait.ge [sflag:s13], $0x1000  }
0x76: {  	[sflag:s13] =	ssyncset.done $0x0  }
0x77: {  	s7 =	rddreg [dreg:$0xa];
	[sflag:s13] =	ssyncadd.s32 $0xFFFFF000  }
0x78: {  	[tilespmem:s22], [sflag:$0x1B] =	stream.linear.gather [spmem:s7], $0xE20, $0x38;
	[tilespmem:$0x16D20] =	vst v63  }
0x79: {  	_ =	swait.ge [sflag:s13], $0xE20  }
0x7a: {  	[sflag:s13] =	ssyncset.done $0x0  }
0x7b: {  	s8 =	rddreg [dreg:$0x11];
	[sflag:s13] =	ssyncadd.s32 $0xFFFFF1E0  }
0x7c: {  	[hbm4b:s8+s14] =	stream.linear.scatter [tilespmem:s22], [sflag:$0x1B], $0xE20, $0x38;
	[tilespmem:$0x16D20] =	vst v63  }
0x7d: {  	_ =	swait.ge [sflag:s13], $0xE20  }
0x7e: {  	s12 =	rddreg [dreg:$0x13]  }
0x7f: {  	s22 =	rddreg [dreg:$0x12];
	s4 =	sadd.s32 $0x1, s12  }
0x80: {  	p1 =	sne.s32 s4, s22  }
.Ltmp1:
0x81: {  	_ = 	snop;
	(pc) =	sbr.rel @!p1 .LBB2_7-.Ltmp1, $3  }
0x82: {  	_ =	sdelay $0x1  }
0x83: {  	[sflag:s13] =	ssyncset.done $0x0  }
0x84: {  	[sflag:s13] =	ssyncadd.s32 $0xFFFFF1E0  }
.LBB2_1:
0x85: {  	[dreg:$0x13] =	wrdreg s4  }
0x86: {  	s5 =	rddreg [dreg:$0x4]  }
0x87: {  	[tilespmem:s14], [sflag:$0x1B] =	stream.linear.gather [hbm4b:s5+s14], $0x2700, $0x38;
	[tilespmem:$0x16D20] =	vst v63  }
0x88: {  	_ =	swait.ge [sflag:s13], $0x2700  }
0x89: {  	s12 =	simm.s32 $0x2780;
	[sflag:s13] =	ssyncset.done $0x0  }
0x8a: {  	s22 =	simm.s32 $0x0;
	s8 =	rddreg [dreg:$0x5];
	[sflag:s13] =	ssyncadd.s32 $0xFFFFD900  }
0x8b: {  	[tilespmem:s12], [sflag:$0x1B] =	stream.linear.gather [hbm4b:s8+s14], $0x2700, $0x38;
	[tilespmem:$0x16D20] =	vst v63  }
0x8c: {  	s22 =	sand.u32 $0x20, s22;
	s14 =	sand.u32 $0x3F80, s14;
	_ =	swait.ge [sflag:s13], $0x2700  }
0x8d: {  	s22 =	sshrl.u32 s22, $0x1;
	s5 =	sshrl.u32 s14, $0x2;
	[sflag:s13] =	ssyncset.done $0x0  }
0x8e: {  	s22 =	sor.u32 s22, s5;
	[sflag:s13] =	ssyncadd.s32 $0xFFFFD900  }
0x8f: {  	s5 =	simm.s32 $0x40;
	[tilespmem:s22+$0x4F00] =	vst v0;
	s22 =	simm.s32 $0x0  }
.LBB2_2:
0x90: {  	p1 =	sne.s32 s5, $0x3FC0  }
.Ltmp2:
0x91: {  	s12 =	sand.u32 $0x3F80, s5;
	s22 =	sadd.s32 $0x20, s22;
	(pc) =	sbr.rel @p1 .LBB2_2-.Ltmp2, $4  }
0x92: {  	s5 =	sadd.s32 $0x40, s5;
	s13 =	sand.u32 $0x20, s22  }
0x93: {  	s12 =	sshrl.u32 s12, $0x2;
	s13 =	sshrl.u32 s13, $0x1  }
0x94: {  	s12 =	sor.u32 s13, s12  }
0x95: {  	[tilespmem:s12+$0x4F00] =	vst v0  }
0x96: {  	s5 =	rddreg [dreg:$0x6];
	s13 =	simm.s32 $0x4F00;
	s12 =	simm.s32 $0x1B  }
0x97: {  	[spmem:s5] =	stream.linear.scatter [tilespmem:s13], [sflag:$0x1B], $0x1000, $0x38;
	[tilespmem:$0x16D20] =	vst v63  }
0x98: {  	_ =	swait.ge [sflag:s12], $0x1000  }
0x99: {  	[sflag:s12] =	ssyncset.done $0x0  }
0x9a: {  	s8 =	rddreg [dreg:$0x7];
	[sflag:s12] =	ssyncadd.s32 $0xFFFFF000  }
0x9b: {  	[spmem:s8] =	stream.linear.scatter [tilespmem:s13], [sflag:$0x1B], $0x1000, $0x38;
	[tilespmem:$0x16D20] =	vst v63  }
0x9c: {  	_ =	swait.ge [sflag:s12], $0x1000  }
0x9d: {  	[sflag:s12] =	ssyncset.done $0x0  }
0x9e: {  	s14 =	rddreg [dreg:$0x8];
	[sflag:s12] =	ssyncadd.s32 $0xFFFFF000  }
0x9f: {  	[spmem:s14] =	stream.linear.scatter [tilespmem:s13], [sflag:$0x1B], $0x1000, $0x38;
	[tilespmem:$0x16D20] =	vst v63  }
0xa0: {  	_ =	swait.ge [sflag:s12], $0x1000  }
0xa1: {  	[sflag:s12] =	ssyncset.done $0x0  }
0xa2: {  	s22 =	rddreg [dreg:$0x9];
	[sflag:s12] =	ssyncadd.s32 $0xFFFFF000  }
0xa3: {  	[spmem:s22] =	stream.linear.scatter [tilespmem:s13], [sflag:$0x1B], $0x1000, $0x38;
	[tilespmem:$0x16D20] =	vst v63  }
0xa4: {  	_ =	swait.ge [sflag:s12], $0x1000  }
0xa5: {  	[sflag:s12] =	ssyncset.done $0x0  }
0xa6: {  	s4 =	rddreg [dreg:$0xa];
	[sflag:s12] =	ssyncadd.s32 $0xFFFFF000  }
0xa7: {  	[spmem:s4] =	stream.linear.scatter [tilespmem:s13], [sflag:$0x1B], $0xE20, $0x38;
	[tilespmem:$0x16D20] =	vst v63  }
0xa8: {  	_ =	swait.ge [sflag:s12], $0xE20  }
0xa9: {  	[sflag:s12] =	ssyncset.done $0x0  }
0xaa: {  	[sflag:s12] =	ssyncadd.s32 $0xFFFFF1E0  }
0xab: {  	s5 =	simm.s32 $0x0;
	[bflag:$0x0] =	sbarrier.arrive $0xFFFF  }
0xac: {  	[tilespmem:s13], [sflag:$0x1] =	stream.indirect.gather [hbm4b:s0+s23], $0x20, s5, s23, $0xb8;
	[tilespmem:$0x16D20] =	vst v63  }
0xad: {  	s14 =	simm.s32 $0x5F00  }
0xae: {  	[tilespmem:s14], [sflag:$0x2] =	stream.indirect.gather [hbm4b:s0+s23], $0x20, s23, s23, $0xb8;
	[tilespmem:$0x16D20] =	vst v63  }
0xaf: {  	s7 =	simm.s32 $0x100  }
0xb0: {  	[tilespmem:s15], [sflag:$0x3] =	stream.indirect.gather [hbm4b:s0+s23], $0x20, s7, s23, $0xb8;
	[tilespmem:$0x16D20] =	vst v63  }
0xb1: {  	s8 =	simm.s32 $0x180  }
0xb2: {  	[tilespmem:s16], [sflag:$0x4] =	stream.indirect.gather [hbm4b:s0+s23], $0x20, s8, s23, $0xb8;
	[tilespmem:$0x16D20] =	vst v63  }
0xb3: {  	s22 =	simm.s32 $0x200  }
0xb4: {  	[tilespmem:s17], [sflag:$0x5] =	stream.indirect.gather [hbm4b:s0+s23], $0x20, s22, s23, $0xb8;
	[tilespmem:$0x16D20] =	vst v63  }
0xb5: {  	s4 =	simm.s32 $0x280  }
0xb6: {  	[tilespmem:s18], [sflag:$0x6] =	stream.indirect.gather [hbm4b:s0+s23], $0x20, s4, s23, $0xb8;
	[tilespmem:$0x16D20] =	vst v63  }
0xb7: {  	s7 =	simm.s32 $0x300  }
0xb8: {  	[tilespmem:s19], [sflag:$0x7] =	stream.indirect.gather [hbm4b:s0+s23], $0x20, s7, s23, $0xb8;
	[tilespmem:$0x16D20] =	vst v63  }
0xb9: {  	s8 =	simm.s32 $0x380;
	s7 =	simm.s32 $0xBF00  }
0xba: {  	[tilespmem:s7], [sflag:$0x8] =	stream.indirect.gather [hbm4b:s0+s23], $0x20, s8, s23, $0xb8;
	[tilespmem:$0x16D20] =	vst v63  }
0xbb: {  	s22 =	simm.s32 $0x400;
	s8 =	simm.s32 $0xCF00  }
0xbc: {  	[tilespmem:s8], [sflag:$0x9] =	stream.indirect.gather [hbm4b:s0+s23], $0x20, s22, s23, $0xb8;
	[tilespmem:$0x16D20] =	vst v63  }
0xbd: {  	s4 =	simm.s32 $0x480  }
0xbe: {  	[tilespmem:s9], [sflag:$0xA] =	stream.indirect.gather [hbm4b:s0+s23], $0x20, s4, s23, $0xb8;
	[tilespmem:$0x16D20] =	vst v63  }
0xbf: {  	s22 =	simm.s32 $0x500  }
0xc0: {  	[tilespmem:s10], [sflag:$0xB] =	stream.indirect.gather [hbm4b:s0+s23], $0x20, s22, s23, $0xb8;
	[tilespmem:$0x16D20] =	vst v63  }
0xc1: {  	s4 =	simm.s32 $0x580  }
0xc2: {  	[tilespmem:s11], [sflag:$0xC] =	stream.indirect.gather [hbm4b:s0+s23], $0x20, s4, s23, $0xb8;
	[tilespmem:$0x16D20] =	vst v63  }
0xc3: {  	s22 =	simm.s32 $0x600;
	s4 =	simm.s32 $0x10F00  }
0xc4: {  	[tilespmem:s4], [sflag:$0xD] =	stream.indirect.gather [hbm4b:s0+s23], $0x20, s22, s23, $0xb8;
	[tilespmem:$0x16D20] =	vst v63  }
.LBB2_4:
0xc5: {  	s12 =	simm.s32 $0x1  }
0xc6: {  	_ =	swait.ge [sflag:s12], $0x1000  }
0xc7: {  	s22 =	sshra.s32 s5, $0x2;
	[sflag:s12] =	ssyncset.done $0x0  }
0xc8: {  	[sflag:s12] =	ssyncadd.s32 $0xFFFFF000;
	s12 =	sadd.s32 $0x2780, s22  }
0xc9: {  	[spmem:s3] =	stream.indirect.scatter.add.bf16 [tilespmem:s13], [sflag:$0xE], $0x20, s12, s23, $0xb8;
	[tilespmem:$0x16D20] =	vst v63  }
0xca: {  	s12 =	simm.s32 $0x2  }
0xcb: {  	_ =	swait.ge [sflag:s12], $0x1000  }
0xcc: {  	[sflag:s12] =	ssyncset.done $0x0  }
0xcd: {  	[sflag:s12] =	ssyncadd.s32 $0xFFFFF000;
	s12 =	sadd.s32 $0x2800, s22  }
0xce: {  	[spmem:s3] =	stream.indirect.scatter.add.bf16 [tilespmem:s14], [sflag:$0xF], $0x20, s12, s23, $0xb8;
	[tilespmem:$0x16D20] =	vst v63  }
0xcf: {  	s12 =	simm.s32 $0x3  }
0xd0: {  	_ =	swait.ge [sflag:s12], $0x1000  }
0xd1: {  	[sflag:s12] =	ssyncset.done $0x0  }
0xd2: {  	[sflag:s12] =	ssyncadd.s32 $0xFFFFF000;
	s12 =	sadd.s32 $0x2880, s22  }
0xd3: {  	[spmem:s3] =	stream.indirect.scatter.add.bf16 [tilespmem:s15], [sflag:$0x10], $0x20, s12, s23, $0xb8;
	[tilespmem:$0x16D20] =	vst v63  }
0xd4: {  	s12 =	simm.s32 $0x4  }
0xd5: {  	_ =	swait.ge [sflag:s12], $0x1000  }
0xd6: {  	[sflag:s12] =	ssyncset.done $0x0  }
0xd7: {  	[sflag:s12] =	ssyncadd.s32 $0xFFFFF000;
	s12 =	sadd.s32 $0x2900, s22  }
0xd8: {  	[spmem:s3] =	stream.indirect.scatter.add.bf16 [tilespmem:s16], [sflag:$0x11], $0x20, s12, s23, $0xb8;
	[tilespmem:$0x16D20] =	vst v63  }
0xd9: {  	s12 =	simm.s32 $0x5  }
0xda: {  	_ =	swait.ge [sflag:s12], $0x1000  }
0xdb: {  	[sflag:s12] =	ssyncset.done $0x0  }
0xdc: {  	[sflag:s12] =	ssyncadd.s32 $0xFFFFF000;
	s12 =	sadd.s32 $0x2980, s22  }
0xdd: {  	[spmem:s3] =	stream.indirect.scatter.add.bf16 [tilespmem:s17], [sflag:$0x12], $0x20, s12, s23, $0xb8;
	[tilespmem:$0x16D20] =	vst v63  }
0xde: {  	s12 =	simm.s32 $0x6  }
0xdf: {  	_ =	swait.ge [sflag:s12], $0x1000  }
0xe0: {  	[sflag:s12] =	ssyncset.done $0x0  }
0xe1: {  	[sflag:s12] =	ssyncadd.s32 $0xFFFFF000;
	s12 =	sadd.s32 $0x2A00, s22  }
0xe2: {  	[spmem:s3] =	stream.indirect.scatter.add.bf16 [tilespmem:s18], [sflag:$0x13], $0x20, s12, s23, $0xb8;
	[tilespmem:$0x16D20] =	vst v63  }
0xe3: {  	s12 =	simm.s32 $0x7  }
0xe4: {  	_ =	swait.ge [sflag:s12], $0x1000  }
0xe5: {  	[sflag:s12] =	ssyncset.done $0x0  }
0xe6: {  	[sflag:s12] =	ssyncadd.s32 $0xFFFFF000;
	s12 =	sadd.s32 $0x2A80, s22  }
0xe7: {  	[spmem:s3] =	stream.indirect.scatter.add.bf16 [tilespmem:s19], [sflag:$0x14], $0x20, s12, s23, $0xb8;
	[tilespmem:$0x16D20] =	vst v63  }
0xe8: {  	s12 =	simm.s32 $0x8  }
0xe9: {  	_ =	swait.ge [sflag:s12], $0x1000  }
0xea: {  	[sflag:s12] =	ssyncset.done $0x0  }
0xeb: {  	[sflag:s12] =	ssyncadd.s32 $0xFFFFF000;
	s12 =	sadd.s32 $0x2B00, s22  }
0xec: {  	[spmem:s3] =	stream.indirect.scatter.add.bf16 [tilespmem:s7], [sflag:$0x15], $0x20, s12, s23, $0xb8;
	[tilespmem:$0x16D20] =	vst v63  }
0xed: {  	s12 =	simm.s32 $0x9  }
0xee: {  	_ =	swait.ge [sflag:s12], $0x1000  }
0xef: {  	[sflag:s12] =	ssyncset.done $0x0  }
0xf0: {  	[sflag:s12] =	ssyncadd.s32 $0xFFFFF000;
	s12 =	sadd.s32 $0x2B80, s22  }
0xf1: {  	[spmem:s3] =	stream.indirect.scatter.add.bf16 [tilespmem:s8], [sflag:$0x16], $0x20, s12, s23, $0xb8;
	[tilespmem:$0x16D20] =	vst v63  }
0xf2: {  	s12 =	simm.s32 $0xA  }
0xf3: {  	_ =	swait.ge [sflag:s12], $0x1000  }
0xf4: {  	[sflag:s12] =	ssyncset.done $0x0  }
0xf5: {  	[sflag:s12] =	ssyncadd.s32 $0xFFFFF000;
	s12 =	sadd.s32 $0x2C00, s22  }
0xf6: {  	[spmem:s3] =	stream.indirect.scatter.add.bf16 [tilespmem:s9], [sflag:$0x17], $0x20, s12, s23, $0xb8;
	[tilespmem:$0x16D20] =	vst v63  }
0xf7: {  	s12 =	simm.s32 $0xB  }
0xf8: {  	_ =	swait.ge [sflag:s12], $0x1000  }
0xf9: {  	[sflag:s12] =	ssyncset.done $0x0  }
0xfa: {  	[sflag:s12] =	ssyncadd.s32 $0xFFFFF000;
	s12 =	sadd.s32 $0x2C80, s22  }
0xfb: {  	[spmem:s3] =	stream.indirect.scatter.add.bf16 [tilespmem:s10], [sflag:$0x18], $0x20, s12, s23, $0xb8;
	[tilespmem:$0x16D20] =	vst v63  }
0xfc: {  	s12 =	simm.s32 $0xC  }
0xfd: {  	_ =	swait.ge [sflag:s12], $0x1000  }
0xfe: {  	[sflag:s12] =	ssyncset.done $0x0  }
0xff: {  	[sflag:s12] =	ssyncadd.s32 $0xFFFFF000;
	s12 =	sadd.s32 $0x2D00, s22  }
0x100: {  	[spmem:s3] =	stream.indirect.scatter.add.bf16 [tilespmem:s11], [sflag:$0x19], $0x20, s12, s23, $0xb8;
	[tilespmem:$0x16D20] =	vst v63  }
0x101: {  	s12 =	simm.s32 $0xD  }
0x102: {  	_ =	swait.ge [sflag:s12], $0x1000  }
0x103: {  	[sflag:s12] =	ssyncset.done $0x0  }
0x104: {  	p1 =	seq.s32 s5, $0x8200;
	[sflag:s12] =	ssyncadd.s32 $0xFFFFF000;
	s12 =	sadd.s32 $0x2D80, s22  }
0x105: {  	[spmem:s3] =	stream.indirect.scatter.add.bf16 [tilespmem:s4], [sflag:$0x1A], $0x20, s12, s23, $0xb8;
	[tilespmem:$0x16D20] =	vst v63  }
.Ltmp3:
0x106: {  	_ = 	snop;
	(pc) =	sbr.rel @p1 .LBB2_6-.Ltmp3, $4  }
0x107: {  	s12 =	simm.s32 $0xE  }
0x108: {  	_ =	swait.ge [sflag:s12], $0x1000  }
0x109: {  	[sflag:s12] =	ssyncset.done $0x0  }
0x10a: {  	[sflag:s12] =	ssyncadd.s32 $0xFFFFF000  }
0x10b: {  	s12 =	sadd.s32 $0x680, s22  }
0x10c: {  	[tilespmem:s13], [sflag:$0x1] =	stream.indirect.gather [hbm4b:s0+s23], $0x20, s12, s23, $0xb8;
	[tilespmem:$0x16D20] =	vst v63  }
0x10d: {  	_ =	swait.ge [sflag:s20], $0x1000  }
0x10e: {  	[sflag:s20] =	ssyncset.done $0x0  }
0x10f: {  	s12 =	sadd.s32 $0x700, s22;
	[sflag:s20] =	ssyncadd.s32 $0xFFFFF000  }
0x110: {  	[tilespmem:s14], [sflag:$0x2] =	stream.indirect.gather [hbm4b:s0+s23], $0x20, s12, s23, $0xb8;
	[tilespmem:$0x16D20] =	vst v63  }
0x111: {  	_ =	swait.ge [sflag:s24], $0x1000  }
0x112: {  	[sflag:s24] =	ssyncset.done $0x0  }
0x113: {  	s12 =	sadd.s32 $0x780, s22;
	[sflag:s24] =	ssyncadd.s32 $0xFFFFF000  }
0x114: {  	[tilespmem:s15], [sflag:$0x3] =	stream.indirect.gather [hbm4b:s0+s23], $0x20, s12, s23, $0xb8;
	[tilespmem:$0x16D20] =	vst v63  }
0x115: {  	_ =	swait.ge [sflag:s26], $0x1000  }
0x116: {  	[sflag:s26] =	ssyncset.done $0x0  }
0x117: {  	s12 =	sadd.s32 $0x800, s22;
	[sflag:s26] =	ssyncadd.s32 $0xFFFFF000  }
0x118: {  	[tilespmem:s16], [sflag:$0x4] =	stream.indirect.gather [hbm4b:s0+s23], $0x20, s12, s23, $0xb8;
	[tilespmem:$0x16D20] =	vst v63  }
0x119: {  	_ =	swait.ge [sflag:s29], $0x1000  }
0x11a: {  	[sflag:s29] =	ssyncset.done $0x0  }
0x11b: {  	s12 =	sadd.s32 $0x880, s22;
	[sflag:s29] =	ssyncadd.s32 $0xFFFFF000  }
0x11c: {  	[tilespmem:s17], [sflag:$0x5] =	stream.indirect.gather [hbm4b:s0+s23], $0x20, s12, s23, $0xb8;
	[tilespmem:$0x16D20] =	vst v63  }
0x11d: {  	_ =	swait.ge [sflag:s31], $0x1000  }
0x11e: {  	[sflag:s31] =	ssyncset.done $0x0  }
0x11f: {  	s12 =	sadd.s32 $0x900, s22;
	[sflag:s31] =	ssyncadd.s32 $0xFFFFF000  }
0x120: {  	[tilespmem:s18], [sflag:$0x6] =	stream.indirect.gather [hbm4b:s0+s23], $0x20, s12, s23, $0xb8;
	[tilespmem:$0x16D20] =	vst v63  }
0x121: {  	_ =	swait.ge [sflag:s2], $0x1000  }
0x122: {  	[sflag:s2] =	ssyncset.done $0x0  }
0x123: {  	s12 =	sadd.s32 $0x980, s22;
	[sflag:s2] =	ssyncadd.s32 $0xFFFFF000  }
0x124: {  	[tilespmem:s19], [sflag:$0x7] =	stream.indirect.gather [hbm4b:s0+s23], $0x20, s12, s23, $0xb8;
	[tilespmem:$0x16D20] =	vst v63  }
0x125: {  	_ =	swait.ge [sflag:s25], $0x1000  }
0x126: {  	[sflag:s25] =	ssyncset.done $0x0  }
0x127: {  	s12 =	sadd.s32 $0xA00, s22;
	[sflag:s25] =	ssyncadd.s32 $0xFFFFF000  }
0x128: {  	[tilespmem:s7], [sflag:$0x8] =	stream.indirect.gather [hbm4b:s0+s23], $0x20, s12, s23, $0xb8;
	[tilespmem:$0x16D20] =	vst v63  }
0x129: {  	_ =	swait.ge [sflag:s30], $0x1000  }
0x12a: {  	[sflag:s30] =	ssyncset.done $0x0  }
0x12b: {  	s12 =	sadd.s32 $0xA80, s22;
	[sflag:s30] =	ssyncadd.s32 $0xFFFFF000  }
0x12c: {  	[tilespmem:s8], [sflag:$0x9] =	stream.indirect.gather [hbm4b:s0+s23], $0x20, s12, s23, $0xb8;
	[tilespmem:$0x16D20] =	vst v63  }
0x12d: {  	_ =	swait.ge [sflag:s21], $0x1000  }
0x12e: {  	[sflag:s21] =	ssyncset.done $0x0  }
0x12f: {  	s12 =	sadd.s32 $0xB00, s22;
	[sflag:s21] =	ssyncadd.s32 $0xFFFFF000  }
0x130: {  	[tilespmem:s9], [sflag:$0xA] =	stream.indirect.gather [hbm4b:s0+s23], $0x20, s12, s23, $0xb8;
	[tilespmem:$0x16D20] =	vst v63  }
0x131: {  	_ =	swait.ge [sflag:s1], $0x1000  }
0x132: {  	[sflag:s1] =	ssyncset.done $0x0  }
0x133: {  	s12 =	sadd.s32 $0xB80, s22;
	[sflag:s1] =	ssyncadd.s32 $0xFFFFF000  }
0x134: {  	[tilespmem:s10], [sflag:$0xB] =	stream.indirect.gather [hbm4b:s0+s23], $0x20, s12, s23, $0xb8;
	[tilespmem:$0x16D20] =	vst v63  }
0x135: {  	_ =	swait.ge [sflag:s28], $0x1000  }
0x136: {  	[sflag:s28] =	ssyncset.done $0x0  }
0x137: {  	s12 =	sadd.s32 $0xC00, s22;
	[sflag:s28] =	ssyncadd.s32 $0xFFFFF000  }
0x138: {  	[tilespmem:s11], [sflag:$0xC] =	stream.indirect.gather [hbm4b:s0+s23], $0x20, s12, s23, $0xb8;
	[tilespmem:$0x16D20] =	vst v63  }
.Ltmp4:
0x139: {  	_ = 	snop;
	(pc) =	sbr.rel .LBB2_4-.Ltmp4, $4  }
0x13a: {  	_ =	swait.ge [sflag:s6], $0x1000  }
0x13b: {  	[sflag:s6] =	ssyncset.done $0x0  }
0x13c: {  	s5 =	sadd.s32 $0x1A00, s5;
	s22 =	sadd.s32 $0xC80, s22;
	[sflag:s6] =	ssyncadd.s32 $0xFFFFF000  }
0x13d: {  	[tilespmem:s4], [sflag:$0xD] =	stream.indirect.gather [hbm4b:s0+s23], $0x20, s22, s23, $0xb8;
	[tilespmem:$0x16D20] =	vst v63  }
.LBB2_7:
0x13e: {  	_ =	sfence.sel $0x180000  }
0x13f: {  	[bflag:$0x0] =	sbarrier.arrive $0xFFFF  }
0x140: {  	_ =	strace $0x9000004D  }
0x141: {  	s0 =	stileid.u32;
	[bflag:$0x2] =	sbarrier.arrive $0xFFFF  }
0x142: {  	p0 =	sne.s32 s0, $0x0;
	s0 =	rddreg [dreg:$0x3]  }
0x143: {  	s0 =	sadd.s32 @!p0 $0x100000, s0  }
0x144: {  	[sflag:s0] =	ssyncadd.tile.s32 @!p0 $0x1;
	_ =	shalt  }
.Lfunc_end2:
_tile_overlayer_lowered:
.L_overlay_start_2:
0x145: {  	(tag) =	ssettag $0x2  }
0x146: {  	s0 =	rddreg [dreg:$0x0];
	s2 =	stileid.u32  }
0x147: {  	s1 =	rddreg [dreg:$0x1];
	p0 =	sne.s32 s2, $0x0  }
0x148: {  	s3 =	rddreg [dreg:$0x2];
	[bflag:$0x3] =	sbarrier.arrive $0xFFFF;
	s2 =	simm.s32 @!p0 $0x1C1B  }
0x149: {  	[timem:s3], [sflag:s2] =	dma.local @!p0 [hbm:s0], s1  }
0x14a: {  	s0 =	simm.s32 @!p0 $0x1B  }
0x14b: {  	_ =	swait.ge @!p0 [sflag:s0], s1  }
0x14c: {  	s1 =	ssub.s32 @!p0 $0x0, s1;
	[sflag:s0] =	ssyncset.done @!p0 $0x0  }
0x14d: {  	[sflag:s0] =	ssyncadd.s32 @!p0 s1  }
0x14e: {  	[bflag:$0x3] =	sbarrier.arrive $0xFFFF  }
0x14f: {  	_ =	shalt  }

// kernel: kernel.8.cloned.1.call-start
scs
__scs_entry_jumppad:
0x0: {  	(pc) =	sbr.rel $0x88, $3  }
0x1: {  	(tag) =	ssettag $0x0;
	lr =	simm.s32 $0x1  }
0x2: {  	[smem:$0x3F9B] =	sst lr;
	_ =	strace $0xD0000000  }
0x3: {  	_ = 	snop  }
0x4: {  	_ = 	snop  }
0x5: {  	_ = 	snop  }
0x6: {  	_ = 	snop  }
0x7: {  	_ = 	snop  }
__scs_overlays_trampoline_lowered:
0x8: {  	[smem:$0x3FAA] =	sst s0  }
0x9: {  	[smem:$0x3FAB] =	sst s1  }
0xa: {  	[smem:$0x3FAC] =	sst s2  }
0xb: {  	[smem:$0x3FAD] =	sst s3  }
0xc: {  	[smem:$0x3FAE] =	sst s4  }
0xd: {  	[smem:$0x3FAF] =	sst s5  }
0xe: {  	[smem:$0x3FB0] =	sst s6  }
0xf: {  	[smem:$0x3FB1] =	sst s7  }
0x10: {  	[smem:$0x3FB2] =	sst s8  }
0x11: {  	[smem:$0x3FB3] =	sst s9;
	s0 =	simm.s32 @!p0 $0x0  }
0x12: {  	s1 =	sld [smem:$0x3F99];
	s0 =	simm.s32 @p0 $0x1  }
0x13: {  	[smem:$0x3FB4] =	sst s0;
	s0 =	simm.s32 @!p1 $0x0  }
0x14: {  	s2 =	sld [smem:$0x3F98];
	s0 =	simm.s32 @p1 $0x1  }
0x15: {  	[smem:$0x3FB5] =	sst s0;
	s0 =	simm.s32 @!p2 $0x0  }
0x16: {  	s3 =	sld [smem:$0x3FDB];
	s0 =	simm.s32 @p2 $0x1  }
0x17: {  	s4 =	simm.s32 $0x1BF5;
	[smem:$0x3FB7] =	sst s0  }
0x18: {  	s0 =	sld [smem:$0x3F9A];
	_ =	swait.ge [sflag:s4], $0x0  }
0x19: {  	s7 =	sld [smem:$0x3F9B]  }
0x1a: {  	s8 =	sadd.s32 $0xFFFFE003, lr  }
0x1b: {  	s9 =	sadd.s32 $0xFFFFFEF7, lr;
	s5 =	simm.s32 $0xFFFFFFFF;
	p2 =	slt.u32 s8, $0xFFFFF086  }
0x1c: {  	p1 =	slt.u32 s9, $0xF7A;
	s5 =	simm.s32 @!p2 $0x0  }
0x1d: {  	s5 =	simm.s32 @p1 $0x1;
	p0 =	seq.s32 s7, s2  }
0x1e: {  	s7 =	smul.u32 @!p0 $0xF7A, s2;
	p2 =	seq.s32 @!p0 s5, $0x0  }
0x1f: {  	s9 =	smul.u32 $0xF7A, s1;
	s8 =	simm.s32 @!p0 $0x1BF5;
	p2 =	por !p2, p0  }
0x20: {  	[sflag:s8] =	ssyncset.s32 @!p0 $0xFFFFF086;
	s6 =	sadd.s32 @!p0 s3, s7;
	s7 =	simm.s32 @!p0 $0x108  }
0x21: {  	s3 =	sadd.s32 s3, s9;
	s6 =	sadd.s32 @!p0 $0x88, s6;
	s7 =	simm.s32 @p2 $0x1082  }
0x22: {  	[simem:s7], [sflag:s8] =	dma.local @!p0 [hbm:s6], $0xF7A  }
0x23: {  	s9 =	sor.u32 $0xD0000000, s2;
	s6 =	simm.s32 $0x108;
	_ =	swait.ge @!p0 [sflag:s8], $0x0  }
0x24: {  	s3 =	sadd.s32 $0x88, s3;
	s6 =	simm.s32 @!p1 $0x1082;
	[sflag:s4] =	ssyncset.s32 $0xFFFFF086  }
0x25: {  	[simem:s6], [sflag:s4] =	dma.local [hbm:s3], $0xF7A  }
0x26: {  	[smem:$0x3F9B] =	sst s1;
	(tag) =	ssettag s2;
	_ =	strace s9  }
0x27: {  	s1 =	sld [smem:$0x3FAB]  }
0x28: {  	s2 =	sld [smem:$0x3FAC]  }
0x29: {  	s4 =	sld [smem:$0x3FAE]  }
0x2a: {  	p0 =	seq.s32 s5, $0x0;
	s5 =	sld [smem:$0x3FAF]  }
0x2b: {  	s6 =	sld [smem:$0x3FB0]  }
0x2c: {  	s7 =	sld [smem:$0x3FB1]  }
0x2d: {  	s3 =	simm.s32 $0x108;
	s8 =	sld [smem:$0x3FB2]  }
0x2e: {  	s3 =	simm.s32 @!p0 $0x1082;
	s9 =	sld [smem:$0x3FB3]  }
0x2f: {  	lr =	sadd.s32 s0, s3;
	s0 =	sld [smem:$0x3FAA]  }
0x30: {  	s3 =	sld [smem:$0x3FAD]  }
0x31: {  	[smem:$0x3FB6] =	sst s10  }
0x32: {  	s10 =	sld [smem:$0x3FB4];
	_ =	sdelay $0x3  }
0x33: {  	p0 =	seq.s32 s10, $0x1;
	s10 =	sld [smem:$0x3FB6];
	_ =	sdelay $0x3  }
0x34: {  	[smem:$0x3FB6] =	sst s10  }
0x35: {  	s10 =	sld [smem:$0x3FB5];
	_ =	sdelay $0x3  }
0x36: {  	p1 =	seq.s32 s10, $0x1;
	s10 =	sld [smem:$0x3FB6];
	_ =	sdelay $0x3  }
0x37: {  	[smem:$0x3FB6] =	sst s10  }
0x38: {  	s10 =	sld [smem:$0x3FB7]  }
0x39: {  	_ = 	snop;
	(pc) =	sbr.ind lr, $3  }
0x3a: {  	_ = 	snop  }
0x3b: {  	_ = 	snop  }
0x3c: {  	p2 =	seq.s32 s10, $0x1;
	s10 =	sld [smem:$0x3FB6]  }
0x3d: {  	_ =	shalt  }
0x3e: {  	_ =	shalt  }
0x3f: {  	_ =	shalt  }
0x40: {  	_ =	shalt  }
0x41: {  	_ =	shalt  }
0x42: {  	_ =	shalt  }
0x43: {  	_ =	shalt  }
0x44: {  	_ =	shalt  }
0x45: {  	_ =	shalt  }
0x46: {  	_ =	shalt  }
0x47: {  	_ =	shalt  }
0x48: {  	_ =	shalt  }
0x49: {  	_ =	shalt  }
0x4a: {  	_ =	shalt  }
0x4b: {  	_ =	shalt  }
0x4c: {  	_ =	shalt  }
0x4d: {  	_ =	shalt  }
0x4e: {  	_ =	shalt  }
0x4f: {  	_ =	shalt  }
0x50: {  	_ =	shalt  }
0x51: {  	_ =	shalt  }
0x52: {  	_ =	shalt  }
0x53: {  	_ =	shalt  }
0x54: {  	_ =	shalt  }
0x55: {  	_ =	shalt  }
0x56: {  	_ =	shalt  }
0x57: {  	_ =	shalt  }
0x58: {  	_ =	shalt  }
0x59: {  	_ =	shalt  }
0x5a: {  	_ =	shalt  }
0x5b: {  	_ =	shalt  }
0x5c: {  	_ =	shalt  }
0x5d: {  	_ =	shalt  }
0x5e: {  	_ =	shalt  }
0x5f: {  	_ =	shalt  }
0x60: {  	_ =	shalt  }
0x61: {  	_ =	shalt  }
0x62: {  	_ =	shalt  }
0x63: {  	_ =	shalt  }
0x64: {  	_ =	shalt  }
0x65: {  	_ =	shalt  }
0x66: {  	_ =	shalt  }
0x67: {  	_ =	shalt  }
0x68: {  	_ =	shalt  }
0x69: {  	_ =	shalt  }
0x6a: {  	_ =	shalt  }
0x6b: {  	_ =	shalt  }
0x6c: {  	_ =	shalt  }
0x6d: {  	_ =	shalt  }
0x6e: {  	_ =	shalt  }
0x6f: {  	_ =	shalt  }
0x70: {  	_ =	shalt  }
0x71: {  	_ =	shalt  }
0x72: {  	_ =	shalt  }
0x73: {  	_ =	shalt  }
0x74: {  	_ =	shalt  }
0x75: {  	_ =	shalt  }
0x76: {  	_ =	shalt  }
0x77: {  	_ =	shalt  }
0x78: {  	_ =	shalt  }
0x79: {  	_ =	shalt  }
0x7a: {  	_ =	shalt  }
0x7b: {  	_ =	shalt  }
0x7c: {  	_ =	shalt  }
0x7d: {  	_ =	shalt  }
0x7e: {  	_ =	shalt  }
0x7f: {  	_ =	shalt  }
0x80: {  	_ =	shalt  }
0x81: {  	_ =	shalt  }
0x82: {  	_ =	shalt  }
0x83: {  	_ =	shalt  }
0x84: {  	_ =	shalt  }
0x85: {  	_ =	shalt  }
0x86: {  	_ =	shalt  }
0x87: {  	_ =	shalt  }
.Lfunc_end0:
.L_simem_size_0:
called_computation_lowered:
.L_overlay_start_0:
0x88: {  	s2 =	sld [smem:$0x3FD9]  }
0x89: {  	s3 =	sld [smem:$0x3FFE];
	_ =	sdelay $0x1  }
0x8a: {  	s1 =	srdreg.scid  }
0x8b: {  	s0 =	sand.u32 $0x1, s1  }
0x8c: {  	s14 =	sshll.u32 s0, $0xA;
	s2 =	sadd.s32 s3, s2  }
0x8d: {  	s2 =	sadd.s32 s2, s14  }
0x8e: {  	[smem:$0x3FC2] =	sst s2  }
0x8f: {  	_ = 	snop  }
0x90: {  	s2 =	sld [smem:$0x3FD0];
	_ =	sdelay $0x2  }
0x91: {  	s15 =	simm.s32 $0xA;
	s4 =	simm.s32 $0x10  }
0x92: {  	[smem:s4], [sflag:s15] =	dma.local [hbm:s2], $0x1  }
0x93: {  	_ =	swait.eq [sflag:s15], $0x1  }
0x94: {  	[sflag:s15] =	ssyncset.done $0x0  }
0x95: {  	[sflag:s15] =	ssyncadd.s32 $0xFFFFFFFF  }
0x96: {  	s16 =	sld [smem:$0x11];
	(tm) =	ssettm $0x1  }
0x97: {  	s17 =	sld [smem:$0x3FFB];
	_ =	sdelay $0x3  }
0x98: {  	_ =	strace s17  }
0x99: {  	s3 =	sld [smem:$0x3FFC];
	_ =	sdelay $0x3  }
0x9a: {  	_ =	strace s3  }
0x9b: {  	s3 =	sld [smem:$0x3FFD];
	_ =	sdelay $0x3  }
0x9c: {  	_ =	strace s3  }
0x9d: {  	_ =	strace $0x8FFFFFFF  }
0x9e: {  	s18 =	sld [smem:$0x3FDB];
	_ =	sdelay $0x1  }
0x9f: {  	s19 =	simm.s32 $_scs_section_size  }
0xa0: {  	s5 =	simm.s32 $_size__tile_overlayer_lowered;
	s6 =	simm.s32 $_tile_overlayer_lowered  }
0xa1: {  	s22 =	simm.s32 $0x1BFF;
	s21 =	sshll.u32 s6, $0x1;
	s3 =	sadd.s32 s19, s18  }
0xa2: {  	s7 =	simm.s32 $0x0;
	s20 =	sshll.u32 s5, $0x1;
	s5 =	sadd.s32 s21, s3  }
0xa3: {  	[timem:s7], [sflag:s22] =	dma.local [hbm:s5], s20  }
0xa4: {  	_ =	swait.ge [sflag:s22], s20  }
0xa5: {  	s4 =	ssub.s32 $0x0, s20;
	[sflag:s22] =	ssyncset.done $0x0  }
0xa6: {  	[sflag:s22] =	ssyncadd.s32 s4;
	_ =	sdelay $0x1  }
0xa7: {  	s23 =	simm.s32 $0x1B8B  }
0xa8: {  	_ =	swait.ge [sflag:s23], $0x1  }
0xa9: {  	[sflag:s23] =	ssyncset.done $0x0  }
0xaa: {  	s25 =	simm.s32 $0x1B8E;
	s24 =	sld [smem:$0x3FFE];
	[sflag:s23] =	ssyncadd.s32 $0xFFFFFFFF  }
0xab: {  	s26 =	simm.s32 $execute0_lowered;
	[smem:$0x3FD2] =	sst s25  }
0xac: {  	s5 =	sshll.u32 s26, $0x1;
	_ =	strace $0x80000046;
	[dreg:$0x1] =	wrdreg $0xFFFFFFFF  }
0xad: {  	s28 =	simm.s32 $_size_execute0_lowered;
	s3 =	sadd.s32 s3, s5;
	[dreg:$0x0] =	wrdreg $0x0  }
0xae: {  	s5 =	sshll.u32 s28, $0x1;
	[dreg:$0x2] =	wrdreg s3  }
0xaf: {  	[dreg:$0x3] =	wrdreg s5  }
0xb0: {  	[dreg:$0x4] =	wrdreg $0xC0  }
0xb1: {  	_ =	task [dreg:s7], $0x5FFFF  }
0xb2: {  	[dreg:$0x1] =	wrdreg $0xFFFFFFFF  }
0xb3: {  	[dreg:$0x0] =	wrdreg $0x60  }
0xb4: {  	[dreg:$0x2] =	wrdreg s24  }
0xb5: {  	[dreg:$0x3] =	wrdreg s16  }
0xb6: {  	[dreg:$0x4] =	wrdreg $0x2A800  }
0xb7: {  	[dreg:$0x5] =	wrdreg $0x9  }
0xb8: {  	_ =	task.clear_ibuf [dreg:s7], $0x6FFFF;
	_ =	strace $0x90000046  }
0xb9: {  	s29 =	simm.s32 $0x9;
	_ =	strace $0x80000048  }
0xba: {  	_ =	swait.ge [sflag:s29], $0x1  }
0xbb: {  	[sflag:s29] =	ssyncadd.s32 $0xFFFFFFFF  }
0xbc: {  	_ =	strace $0x90000048  }
0xbd: {  	_ =	sfence  }
0xbe: {  	s30 =	sld [smem:$0x0];
	_ =	sdelay $0x2  }
0xbf: {  	s31 =	sshll.u32 s1, $0xD;
	s1 =	sshrl.u32 s1, $0x2  }
0xc0: {  	s3 =	sand.u32 $0x4000, s31;
	s1 =	sadd.s32 s1, s30  }
0xc1: {  	s0 =	sor.u32 s3, s0;
	s1 =	sshll.u32 s1, $0x11  }
0xc2: {  	s0 =	sor.u32 s1, s0  }
0xc3: {  	s0 =	sadd.s32 $0x8F2B, s0  }
0xc4: {  	[sflag:s0] =	ssyncadd.remote.s32 $0x1  }
0xc5: {  	_ =	sfence.sel $0xFFFF  }
0xc6: {  	[dreg:$0x0] =	wrdreg $0xFFFFFFFF;
	(pc) =	sbr.abs _section_cstart, $3  }
0xc7: {  	[dreg:$0x1] =	wrdreg $0xFFFFFFFF  }
0xc8: {  	_ =	task.clear_ibuf [dreg:s7], $0x2FFFF;
	_ =	strace $0x9FFFFFFF  }
0xc9: {  	(tm) =	ssettm $0x7FFFFFFF  }
tec
execute0_lowered:
.L_overlay_start_1:
0x0: {  	(tag) =	ssettag $0x1  }
0x1: {  	s4 =	rddreg [dreg:$0x0]  }
0x2: {  	s7 =	rddreg [dreg:$0x1]  }
0x3: {  	s1 =	rddreg [dreg:$0x2];
	s2 =	srdreg.scid  }
0x4: {  	s0 =	rddreg [dreg:$0x3];
	s3 =	simm.s32 $0x0;
	s11 =	simm.s32 $0x80  }
0x5: {  	s12 =	simm.s32 $0x2780;
	s13 =	simm.s32 $0x1;
	s5 =	sand.u32 $0x1, s2  }
0x6: {  	s2 =	stileid.u32;
	[smem:$0x7FF] =	sst s3;
	s8 =	sadd.s32 $0x2200, s4  }
0x7: {  	s6 =	sshll.u32 s5, $0x4;
	_ =	strace $0x80000047;
	s9 =	smul.u32 $0x280, s2  }
0x8: {  	s28 =	ssub.s32 $0x2, s5;
	s5 =	smul.u32 $0x2800, s5;
	s14 =	sor.u32 s2, s6  }
0x9: {  	s30 =	sshll.u32 s2, $0x4;
	s10 =	sshrl.u32 s28, $0x1;
	s6 =	smul.u32 $0x2700, s14  }
0xa: {  	s10 =	ssub.s32 s28, s10;
	s31 =	sadd.s32 s9, s5;
	s5 =	sadd.s32 s9, s1  }
0xb: {  	s9 =	simm.s32 $0x2;
	p0 =	sgt.u32 s14, $0x3;
	s6 =	sshrl.u32 s6, $0x3  }
0xc: {  	s14 =	simm.s32 $0x0;
	s29 =	sadd.s32 s8, s6;
	s6 =	sadd.s32 s30, s8  }
0xd: {  	s8 =	sshrl.u32 s31, $0x3;
	s4 =	sadd.s32 $0x9C40, s29;
	s6 =	sadd.s32 $0x13840, s6  }
0xe: {  	v0 =	vimm.f32 $1.000000000e+00;
	v1 =	vimm.f32 $0.0e+00;
	s7 =	sadd.s32 s7, s8;
	s8 =	smax.u32 s10, $0x1;
	s10 =	simm.s32 $0x2800  }
.LBB2_1:
0xf: {  	[tilespmem:$0x2780] =	vst v0  }
0x10: {  	[tilespmem:$0x2790] =	vst v0  }
0x11: {  	[tilespmem:$0x27A0] =	vst v0  }
0x12: {  	[tilespmem:$0x27B0] =	vst v0  }
0x13: {  	[tilespmem:$0x27C0] =	vst v0  }
0x14: {  	[tilespmem:$0x27D0] =	vst v0  }
0x15: {  	[tilespmem:$0x27E0] =	vst v0  }
0x16: {  	[tilespmem:$0x27F0] =	vst v0  }
0x17: {  	[tilespmem:s3], [sflag:$0x2] =	stream.linear.gather [hbm4b:s4+s3], $0x2700, $0x38;
	[tilespmem:$0x2D00] =	vst v63  }
0x18: {  	_ =	swait.ge [sflag:s9], $0x2700  }
0x19: {  	[sflag:s9] =	ssyncset.done $0x0  }
0x1a: {  	[sflag:s9] =	ssyncadd.s32 $0xFFFFD900  }
0x1b: {  	[tilespmem:$0x2800] =	vst v1  }
0x1c: {  	[tilespmem:$0x2810] =	vst v1  }
0x1d: {  	[tilespmem:$0x2820] =	vst v1  }
0x1e: {  	[tilespmem:$0x2830] =	vst v1  }
0x1f: {  	[tilespmem:$0x2840] =	vst v1  }
0x20: {  	[tilespmem:$0x2850] =	vst v1  }
0x21: {  	[tilespmem:$0x2860] =	vst v1  }
0x22: {  	[tilespmem:$0x2870] =	vst v1  }
0x23: {  	[tilespmem:$0x2880] =	vst v1  }
0x24: {  	[tilespmem:$0x2890] =	vst v1  }
0x25: {  	[tilespmem:$0x28A0] =	vst v1  }
0x26: {  	[tilespmem:$0x28B0] =	vst v1  }
0x27: {  	[tilespmem:$0x28C0] =	vst v1  }
0x28: {  	[tilespmem:$0x28D0] =	vst v1  }
0x29: {  	[tilespmem:$0x28E0] =	vst v1  }
0x2a: {  	[tilespmem:$0x28F0] =	vst v1  }
0x2b: {  	[tilespmem:$0x2900] =	vst v1  }
0x2c: {  	[tilespmem:$0x2910] =	vst v1  }
0x2d: {  	[tilespmem:$0x2920] =	vst v1  }
0x2e: {  	[tilespmem:$0x2930] =	vst v1  }
0x2f: {  	[tilespmem:$0x2940] =	vst v1  }
0x30: {  	[tilespmem:$0x2950] =	vst v1  }
0x31: {  	[tilespmem:$0x2960] =	vst v1  }
0x32: {  	[tilespmem:$0x2970] =	vst v1  }
0x33: {  	[tilespmem:$0x2980] =	vst v1  }
0x34: {  	[tilespmem:$0x2990] =	vst v1  }
0x35: {  	[tilespmem:$0x29A0] =	vst v1  }
0x36: {  	[tilespmem:$0x29B0] =	vst v1  }
0x37: {  	[tilespmem:$0x29C0] =	vst v1  }
0x38: {  	[tilespmem:$0x29D0] =	vst v1  }
0x39: {  	[tilespmem:$0x29E0] =	vst v1  }
0x3a: {  	[tilespmem:$0x29F0] =	vst v1  }
0x3b: {  	[tilespmem:$0x2A00] =	vst v1  }
0x3c: {  	[tilespmem:$0x2A10] =	vst v1  }
0x3d: {  	[tilespmem:$0x2A20] =	vst v1  }
0x3e: {  	[tilespmem:$0x2A30] =	vst v1  }
0x3f: {  	[tilespmem:$0x2A40] =	vst v1  }
0x40: {  	[tilespmem:$0x2A50] =	vst v1  }
0x41: {  	[tilespmem:$0x2A60] =	vst v1  }
0x42: {  	[tilespmem:$0x2A70] =	vst v1  }
0x43: {  	[spmem:s5] =	stream.linear.scatter [tilespmem:s10], [sflag:$0x2], $0x280, $0x38;
	[tilespmem:$0x2D00] =	vst v63  }
0x44: {  	_ =	swait.ge [sflag:s9], $0x280  }
0x45: {  	[sflag:s9] =	ssyncset.done $0x0  }
0x46: {  	[sflag:s9] =	ssyncadd.s32 $0xFFFFFD80  }
0x47: {  	s15 =	simm.s32 $0x0;
	[bflag:$0x0] =	sbarrier.arrive $0xFFFF  }
0x48: {  	[spmem:s1] =	stream.indirect.scatter.add.f32 [tilespmem:s12], [sflag:$0x1], $0x1, s15, s11, $0xb8;
	[tilespmem:$0x2D00] =	vst v63  }
0x49: {  	s26 =	simm.s32 $0x80  }
0x4a: {  	[spmem:s1] =	stream.indirect.scatter.add.f32 [tilespmem:s12], [sflag:$0x1], $0x1, s26, s11, $0xb8;
	[tilespmem:$0x2D00] =	vst v63  }
0x4b: {  	s28 =	simm.s32 $0x100  }
0x4c: {  	[spmem:s1] =	stream.indirect.scatter.add.f32 [tilespmem:s12], [sflag:$0x1], $0x1, s28, s11, $0xb8;
	[tilespmem:$0x2D00] =	vst v63  }
0x4d: {  	s29 =	simm.s32 $0x180  }
0x4e: {  	[spmem:s1] =	stream.indirect.scatter.add.f32 [tilespmem:s12], [sflag:$0x1], $0x1, s29, s11, $0xb8;
	[tilespmem:$0x2D00] =	vst v63  }
0x4f: {  	s30 =	simm.s32 $0x200  }
0x50: {  	[spmem:s1] =	stream.indirect.scatter.add.f32 [tilespmem:s12], [sflag:$0x1], $0x1, s30, s11, $0xb8;
	[tilespmem:$0x2D00] =	vst v63  }
0x51: {  	s31 =	simm.s32 $0x280  }
0x52: {  	[spmem:s1] =	stream.indirect.scatter.add.f32 [tilespmem:s12], [sflag:$0x1], $0x1, s31, s11, $0xb8;
	[tilespmem:$0x2D00] =	vst v63  }
0x53: {  	_ =	swait.ge [sflag:s13], $0x80  }
0x54: {  	[sflag:s13] =	ssyncset.done $0x0  }
0x55: {  	[sflag:s13] =	ssyncadd.s32 $0xFFFFFF80  }
0x56: {  	_ =	swait.ge [sflag:s13], $0x80  }
0x57: {  	[sflag:s13] =	ssyncset.done $0x0  }
0x58: {  	[sflag:s13] =	ssyncadd.s32 $0xFFFFFF80  }
0x59: {  	_ =	swait.ge [sflag:s13], $0x80  }
0x5a: {  	[sflag:s13] =	ssyncset.done $0x0  }
0x5b: {  	[sflag:s13] =	ssyncadd.s32 $0xFFFFFF80  }
0x5c: {  	_ =	swait.ge [sflag:s13], $0x80  }
0x5d: {  	[sflag:s13] =	ssyncset.done $0x0  }
0x5e: {  	[sflag:s13] =	ssyncadd.s32 $0xFFFFFF80  }
0x5f: {  	_ =	swait.ge [sflag:s13], $0x80  }
0x60: {  	[sflag:s13] =	ssyncset.done $0x0  }
0x61: {  	[sflag:s13] =	ssyncadd.s32 $0xFFFFFF80  }
0x62: {  	_ =	swait.ge [sflag:s13], $0x80  }
0x63: {  	s16 =	simm.s32 $0x1800;
	s15 =	simm.s32 $0xC00;
	[sflag:s13] =	ssyncset.done $0x0  }
.LBB2_2:
0x64: {  	s17 =	sshra.s32 s15, $0x2  }
0x65: {  	[sflag:s13] =	ssyncadd.s32 $0xFFFFFF80;
	s15 =	smov.u32 s16;
	s18 =	sadd.s32 $0xC00, s16  }
0x66: {  	[spmem:s1] =	stream.indirect.scatter.add.f32 [tilespmem:s12], [sflag:$0x1], $0x1, s17, s11, $0xb8;
	[tilespmem:$0x2D00] =	vst v63  }
0x67: {  	p1 =	sne.s32 s16, $0x9000;
	s16 =	sadd.s32 $0x80, s17  }
0x68: {  	[spmem:s1] =	stream.indirect.scatter.add.f32 [tilespmem:s12], [sflag:$0x1], $0x1, s16, s11, $0xb8;
	[tilespmem:$0x2D00] =	vst v63  }
0x69: {  	s16 =	sadd.s32 $0x100, s17  }
0x6a: {  	[spmem:s1] =	stream.indirect.scatter.add.f32 [tilespmem:s12], [sflag:$0x1], $0x1, s16, s11, $0xb8;
	[tilespmem:$0x2D00] =	vst v63  }
0x6b: {  	s16 =	sadd.s32 $0x180, s17  }
0x6c: {  	[spmem:s1] =	stream.indirect.scatter.add.f32 [tilespmem:s12], [sflag:$0x1], $0x1, s16, s11, $0xb8;
	[tilespmem:$0x2D00] =	vst v63  }
0x6d: {  	s16 =	sadd.s32 $0x200, s17  }
0x6e: {  	[spmem:s1] =	stream.indirect.scatter.add.f32 [tilespmem:s12], [sflag:$0x1], $0x1, s16, s11, $0xb8;
	[tilespmem:$0x2D00] =	vst v63  }
0x6f: {  	s16 =	sadd.s32 $0x280, s17  }
0x70: {  	[spmem:s1] =	stream.indirect.scatter.add.f32 [tilespmem:s12], [sflag:$0x1], $0x1, s16, s11, $0xb8;
	[tilespmem:$0x2D00] =	vst v63  }
0x71: {  	_ =	swait.ge [sflag:s13], $0x80  }
0x72: {  	[sflag:s13] =	ssyncset.done $0x0  }
0x73: {  	[sflag:s13] =	ssyncadd.s32 $0xFFFFFF80  }
0x74: {  	_ =	swait.ge [sflag:s13], $0x80  }
0x75: {  	[sflag:s13] =	ssyncset.done $0x0  }
0x76: {  	[sflag:s13] =	ssyncadd.s32 $0xFFFFFF80  }
0x77: {  	_ =	swait.ge [sflag:s13], $0x80  }
0x78: {  	[sflag:s13] =	ssyncset.done $0x0  }
0x79: {  	[sflag:s13] =	ssyncadd.s32 $0xFFFFFF80  }
0x7a: {  	_ =	swait.ge [sflag:s13], $0x80  }
0x7b: {  	[sflag:s13] =	ssyncset.done $0x0  }
0x7c: {  	[sflag:s13] =	ssyncadd.s32 $0xFFFFFF80  }
.Ltmp0:
0x7d: {  	_ =	swait.ge [sflag:s13], $0x80;
	(pc) =	sbr.rel @p1 .LBB2_2-.Ltmp0, $4  }
0x7e: {  	[sflag:s13] =	ssyncset.done $0x0  }
0x7f: {  	[sflag:s13] =	ssyncadd.s32 $0xFFFFFF80  }
0x80: {  	_ =	swait.ge [sflag:s13], $0x80  }
0x81: {  	s16 =	smov.u32 s18;
	[sflag:s13] =	ssyncset.done $0x0  }
0x82: {  	s15 =	sshra.s32 s15, $0x2;
	[sflag:s13] =	ssyncadd.s32 $0xFFFFFF80  }
0x83: {  	[spmem:s1] =	stream.indirect.scatter.add.f32 [tilespmem:s12], [sflag:$0x1], $0x1, s15, s11, $0xb8;
	[tilespmem:$0x2D00] =	vst v63  }
0x84: {  	s16 =	sadd.s32 $0x80, s15  }
0x85: {  	[spmem:s1] =	stream.indirect.scatter.add.f32 [tilespmem:s12], [sflag:$0x1], $0x1, s16, s11, $0xb8;
	[tilespmem:$0x2D00] =	vst v63  }
0x86: {  	s29 =	sadd.s32 $0x100, s15  }
0x87: {  	[spmem:s1] =	stream.indirect.scatter.add.f32 [tilespmem:s12], [sflag:$0x1], $0x1, s29, s11, $0xb8;
	[tilespmem:$0x2D00] =	vst v63  }
0x88: {  	s30 =	sadd.s32 $0x180, s15  }
0x89: {  	[spmem:s1] =	stream.indirect.scatter.add.f32 [tilespmem:s12], [sflag:$0x1], $0x1, s30, s11, $0xb8;
	[tilespmem:$0x2D00] =	vst v63  }
0x8a: {  	s31 =	sadd.s32 $0x200, s15  }
0x8b: {  	[spmem:s1] =	stream.indirect.scatter.add.f32 [tilespmem:s12], [sflag:$0x1], $0x1, s31, s11, $0xb8;
	[tilespmem:$0x2D00] =	vst v63  }
0x8c: {  	s15 =	sadd.s32 $0x280, s15  }
0x8d: {  	[spmem:s1] =	stream.indirect.scatter.add.f32 [tilespmem:s12], [sflag:$0x1], $0x1, s15, s11, $0xb8;
	[tilespmem:$0x2D00] =	vst v63  }
0x8e: {  	_ =	swait.ge [sflag:s13], $0x80  }
0x8f: {  	[sflag:s13] =	ssyncset.done $0x0  }
0x90: {  	[sflag:s13] =	ssyncadd.s32 $0xFFFFFF80  }
0x91: {  	_ =	swait.ge [sflag:s13], $0x80  }
0x92: {  	[sflag:s13] =	ssyncset.done $0x0  }
0x93: {  	[sflag:s13] =	ssyncadd.s32 $0xFFFFFF80  }
0x94: {  	_ =	swait.ge [sflag:s13], $0x80  }
0x95: {  	[sflag:s13] =	ssyncset.done $0x0  }
0x96: {  	[sflag:s13] =	ssyncadd.s32 $0xFFFFFF80  }
0x97: {  	_ =	swait.ge [sflag:s13], $0x80  }
0x98: {  	[sflag:s13] =	ssyncset.done $0x0  }
0x99: {  	[sflag:s13] =	ssyncadd.s32 $0xFFFFFF80  }
0x9a: {  	_ =	swait.ge [sflag:s13], $0x80  }
0x9b: {  	[sflag:s13] =	ssyncset.done $0x0  }
0x9c: {  	[sflag:s13] =	ssyncadd.s32 $0xFFFFFF80  }
0x9d: {  	_ =	swait.ge [sflag:s13], $0x80  }
0x9e: {  	[sflag:s13] =	ssyncset.done $0x0  }
0x9f: {  	s16 =	simm.s32 @!p0 $0x2700;
	s15 =	simm.s32 @!p0 $0x0;
	[sflag:s13] =	ssyncadd.s32 $0xFFFFFF80  }
0xa0: {  	[tilespmem:s16], [sflag:$0x2] =	stream.linear.gather @!p0 [hbm4b:s6+s15], $0x80, $0x38;
	[tilespmem:$0x2D00] =	vst v63  }
0xa1: {  	s15 =	simm.s32 @!p0 $0x2  }
0xa2: {  	_ =	swait.ge @!p0 [sflag:s15], $0x80  }
0xa3: {  	[sflag:s15] =	ssyncset.done @!p0 $0x0  }
0xa4: {  	s17 =	simm.s32 @!p0 $0x80;
	s18 =	simm.s32 @!p0 $0x2780;
	[sflag:s15] =	ssyncadd.s32 @!p0 $0xFFFFFF80  }
0xa5: {  	[spmem:s1] =	stream.indirect.scatter.add.f32 @!p0 [tilespmem:s18], [sflag:$0x2], $0x1, s16, s17, $0xb8;
	[tilespmem:$0x2D00] =	vst v63  }
0xa6: {  	_ =	swait.ge @!p0 [sflag:s15], $0x80  }
0xa7: {  	[sflag:s15] =	ssyncset.done @!p0 $0x0  }
0xa8: {  	[sflag:s15] =	ssyncadd.s32 @!p0 $0xFFFFFF80  }
0xa9: {  	[bflag:$0x0] =	sbarrier.arrive $0xFFFF  }
0xaa: {  	[tilespmem:s10], [sflag:$0x2] =	stream.linear.gather [spmem:s5], $0x280, $0x38;
	[tilespmem:$0x2D00] =	vst v63  }
0xab: {  	s14 =	sadd.s32 $0x1, s14;
	_ =	swait.ge [sflag:s9], $0x280  }
0xac: {  	p1 =	sne.s32 s14, s8;
	[sflag:s9] =	ssyncset.done $0x0  }
.Ltmp1:
0xad: {  	[sflag:s9] =	ssyncadd.s32 $0xFFFFFD80;
	(pc) =	sbr.rel @p1 .LBB2_1-.Ltmp1, $4  }
0xae: {  	[hbm4b:s7+s3] =	stream.linear.scatter [tilespmem:s10], [sflag:$0x2], $0x280, $0x38;
	[tilespmem:$0x2D00] =	vst v63  }
0xaf: {  	_ =	swait.ge [sflag:s9], $0x280  }
0xb0: {  	[sflag:s9] =	ssyncset.done $0x0  }
0xb1: {  	[sflag:s9] =	ssyncadd.s32 $0xFFFFFD80  }
0xb2: {  	_ =	sfence.sel $0x180000  }
0xb3: {  	[bflag:$0x0] =	sbarrier.arrive $0xFFFF  }
0xb4: {  	p0 =	sne.s32 s2, $0x0;
	_ =	strace $0x90000047  }
0xb5: {  	s0 =	sadd.s32 @!p0 $0x100000, s0;
	[bflag:$0x2] =	sbarrier.arrive $0xFFFF  }
0xb6: {  	[sflag:s0] =	ssyncadd.tile.s32 @!p0 $0x1;
	_ =	shalt  }
.Lfunc_end2:
_tile_overlayer_lowered:
.L_overlay_start_2:
0xb7: {  	(tag) =	ssettag $0x2  }
0xb8: {  	s0 =	rddreg [dreg:$0x0];
	s2 =	stileid.u32  }
0xb9: {  	s1 =	rddreg [dreg:$0x1];
	p0 =	sne.s32 s2, $0x0  }
0xba: {  	s3 =	rddreg [dreg:$0x2];
	[bflag:$0x3] =	sbarrier.arrive $0xFFFF;
	s2 =	simm.s32 @!p0 $0x1C02  }
0xbb: {  	[timem:s3], [sflag:s2] =	dma.local @!p0 [hbm:s0], s1  }
0xbc: {  	s0 =	simm.s32 @!p0 $0x2  }
0xbd: {  	_ =	swait.ge @!p0 [sflag:s0], s1  }
0xbe: {  	s1 =	ssub.s32 @!p0 $0x0, s1;
	[sflag:s0] =	ssyncset.done @!p0 $0x0  }
0xbf: {  	[sflag:s0] =	ssyncadd.s32 @!p0 s1  }
0xc0: {  	[bflag:$0x3] =	sbarrier.arrive $0xFFFF  }
0xc1: {  	_ =	shalt  }

</sc_bundles>
